<compile_context>
chip_gen: v7x
topology: tpu7x:2x2x1
jax: 0.10.2.dev20260603
libtpu: 0.0.44.dev20260713+nightly
codegen_flags: <defaults>
</compile_context>

<pallas_src>
import functools

import jax
import jax.numpy as jnp
from jax import lax
from jax.experimental import pallas as pl
from jax.experimental.pallas import tpu as pltpu
from jax.experimental.pallas import tpu_sc as plsc

N = 10000
NPAD = 10112
RPT = 632
DIN = 128
H1, DH1 = 8, 8
F1 = H1 * DH1
NC_CLS = 40

E_RAW = 320000
E = E_RAW + N
BLK = 128
CPT = 10368
NBLK = CPT // BLK
NWORK = 32
EPAD = CPT * NWORK

RW1 = 80
TW1 = 48
RW2 = 48

_f32 = jnp.float32


def _lrelu(x):
  return jnp.maximum(x, 0.2 * x)


def _perm(v, idx):
  return lax.gather(
      v, idx[:, None],
      lax.GatherDimensionNumbers(
          offset_dims=(), collapsed_slice_dims=(0,), start_index_map=(0,)),
      slice_sizes=(1,), mode=lax.GatherScatterMode.PROMISE_IN_BOUNDS)


def _tc_stage1(xp, w1f, a_s, a_d):
  def body(x_ref, w_ref, as_ref, ad_ref, tsrc_ref, ted_ref):
    x = x_ref[...]
    wh = jnp.dot(x, w_ref[...], preferred_element_type=_f32)
    es = jnp.dot(wh, as_ref[...], preferred_element_type=_f32)
    ed = jnp.dot(wh, ad_ref[...], preferred_element_type=_f32)
    esm = jnp.max(es, axis=0, keepdims=True)
    b = _lrelu(esm + ed)
    whq = wh.astype(jnp.bfloat16).astype(_f32)
    whu = jax.lax.bitcast_convert_type(whq, jnp.uint32)
    groups = []
    for g in range(2):
      lo = whu[:, 32 * g:32 * g + 16]
      hi = whu[:, 32 * g + 16:32 * g + 32]
      groups.append(hi | (lo >> 16))
    packed = jax.lax.bitcast_convert_type(
        jnp.concatenate(groups, axis=1), _f32)
    tsrc_ref[...] = jnp.concatenate(
        [packed, es, jnp.zeros((NPAD, 8), _f32)], axis=1)
    ted_ref[...] = jnp.concatenate([ed, b], axis=1)

  return pl.pallas_call(
      body,
      out_shape=[
          jax.ShapeDtypeStruct((NPAD, TW1), _f32),
          jax.ShapeDtypeStruct((NPAD, 16), _f32),
      ],
  )(xp, w1f, a_s, a_d)


def _tc_stage2(acc1, w2f, a2s, a2d):
  def body(acc_ref, w_ref, as_ref, ad_ref, tsrc_ref, ted_ref):
    sa = acc_ref[0] + acc_ref[1]
    num = sa[:, :F1]
    den = sa[:, F1:F1 + H1]
    rep = (jnp.arange(H1, dtype=jnp.int32)[:, None]
           == (jnp.arange(F1, dtype=jnp.int32)[None, :] // DH1)).astype(_f32)
    denr = jnp.dot(den, rep, preferred_element_type=_f32)
    x2 = num / (denr + 1e-16)
    x2 = jnp.where(x2 > 0, x2, jnp.exp(jnp.minimum(x2, 0.0)) - 1.0)
    wh2 = jnp.dot(x2, w_ref[...], preferred_element_type=_f32)
    es2 = jnp.dot(wh2, as_ref[...], preferred_element_type=_f32)
    ed2 = jnp.dot(wh2, ad_ref[...], preferred_element_type=_f32)
    esm2 = jnp.max(es2)
    b2 = _lrelu(esm2 + ed2)
    tsrc_ref[...] = jnp.concatenate(
        [wh2, es2, jnp.zeros((NPAD, 7), _f32)], axis=1)
    ted_ref[...] = jnp.concatenate(
        [ed2, b2, jnp.zeros((NPAD, 14), _f32)], axis=1)

  return pl.pallas_call(
      body,
      out_shape=[
          jax.ShapeDtypeStruct((NPAD, RW2), _f32),
          jax.ShapeDtypeStruct((NPAD, 16), _f32),
      ],
  )(acc1, w2f, a2s, a2d)


def _tc_stage3(acc2):
  def body(acc_ref, out_ref):
    sb = acc_ref[0] + acc_ref[1]
    logits = sb[:, :NC_CLS] / (sb[:, NC_CLS:NC_CLS + 1] + 1e-16)
    mx = jnp.max(logits, axis=1, keepdims=True)
    lse = jnp.log(jnp.sum(jnp.exp(logits - mx), axis=1, keepdims=True)) + mx
    out_ref[...] = (logits - lse)[:N]

  return pl.pallas_call(
      body,
      out_shape=jax.ShapeDtypeStruct((N, NC_CLS), _f32),
  )(acc2)


def _acc_chunks():
  out, off = [], 0
  while off < RPT:
    n = min(BLK, RPT - off)
    out.append((off, n))
    off += n
  return out


def _make_edge_pass(tw, rw, nheads):
  mesh = plsc.VectorSubcoreMesh(core_axis_name="c", subcore_axis_name="s")
  NBUF = 3

  def body(tsrc, ted, sidx_h, didx_h, out,
           sidx, didx, bufs, tbufs, msgs, acc, *sems):
    sem_gs = sems[0:NBUF]
    sem_gt = sems[NBUF:2 * NBUF]
    sem_sc = sems[2 * NBUF:3 * NBUF]
    c = lax.axis_index("c")
    s = lax.axis_index("s")
    wid = s * 2 + c

    iota = lax.iota(jnp.int32, 16)

    base = wid * NBLK
    pltpu.sync_copy(sidx_h.at[pl.ds(base, NBLK)], sidx)
    pltpu.sync_copy(didx_h.at[pl.ds(base, NBLK)], didx)

    def zrow(i, _):
      for q in range(rw // 16):
        msgs[0, i, pl.ds(q * 16, 16)] = jnp.zeros((16,), _f32)
      return _
    lax.fori_loop(0, BLK, zrow, None)
    row0 = s * RPT
    for off, n in _acc_chunks():
      pltpu.sync_copy(msgs.at[0, pl.ds(0, n)], acc.at[pl.ds(row0 + off, n)])
    plsc.subcore_barrier()

    if nheads == 8:
      def edge_one(b, i):
        t = tbufs[b, i, pl.ds(0, 16)]
        u = bufs[b, i, pl.ds(32, 16)]
        z = u + t
        bb = _perm(t, 8 + (iota & 7))
        ex = jnp.exp(_lrelu(z) - bb)
        msgs[b, i, pl.ds(F1, 16)] = jnp.where(iota < 8, ex, 0.0)
        for g in range(2):
          w = bufs[b, i, pl.ds(g * 16, 16)]
          lo, hi = plsc.unpack(plsc.bitcast(w, jnp.bfloat16),
                               format=plsc.PackFormat.INTERLEAVED,
                               preferred_element_type=_f32)
          e0 = _perm(ex, 4 * g + (iota >> 3))
          e1 = _perm(ex, 4 * g + 2 + (iota >> 3))
          msgs[b, i, pl.ds(32 * g, 16)] = lo * e0
          msgs[b, i, pl.ds(32 * g + 16, 16)] = hi * e1
    else:
      def edge_one(b, i):
        t = tbufs[b, i, pl.ds(0, 16)]
        w2 = bufs[b, i, pl.ds(32, 16)]
        ed = _perm(t, iota * 0)
        bb = _perm(t, iota * 0 + 1)
        es = _perm(w2, iota * 0 + 8)
        ex = jnp.exp(_lrelu(es + ed) - bb)
        w2m = jnp.where(iota == 8, 1.0, w2)
        msgs[b, i, pl.ds(32, 16)] = w2m * ex
        w0 = bufs[b, i, pl.ds(0, 16)]
        msgs[b, i, pl.ds(0, 16)] = w0 * ex
        w1 = bufs[b, i, pl.ds(16, 16)]
        msgs[b, i, pl.ds(16, 16)] = w1 * ex

    def start_gather(j, b):
      pltpu.make_async_copy(
          tsrc.at[sidx.at[j]], bufs.at[b], sem_gs[b]).start()
      pltpu.make_async_copy(
          ted.at[didx.at[j]], tbufs.at[b], sem_gt[b]).start()

    def wait_gather(j, b):
      pltpu.make_async_copy(
          tsrc.at[sidx.at[j]], bufs.at[b], sem_gs[b]).wait()
      pltpu.make_async_copy(
          ted.at[didx.at[j]], tbufs.at[b], sem_gt[b]).wait()

    def start_scatter(j, b):
      pltpu.async_copy(msgs.at[b], acc.at[didx.at[j]], sem_sc[b], add=True)

    def wait_scatter(j, b):
      pltpu.make_async_copy(
          msgs.at[b], acc.at[didx.at[j]], sem_sc[b]).wait()

    start_gather(0, 0)
    start_gather(1, 1)

    def ring_body(g, _):
      j0 = g * NBUF
      for b in range(NBUF):
        j = j0 + b
        wait_gather(j, b)

        @plsc.parallel_loop(0, BLK, 1, unroll=8)
        def _compute(i, b=b):
          edge_one(b, i)
        start_scatter(j, b)
        bn = (b + 2) % NBUF
        jn = j + 2

        @pl.when(jn < NBLK)
        def _issue():
          @pl.when(j >= 1)
          def _drain():
            wait_scatter(j - 1, bn)
          start_gather(jn, bn)
      return _
    lax.fori_loop(0, NBLK // NBUF, ring_body, None)

    for j in range(NBLK - NBUF, NBLK):
      wait_scatter(j, j % NBUF)
    plsc.subcore_barrier()
    for off, n in _acc_chunks():
      pltpu.sync_copy(acc.at[pl.ds(row0 + off, n)],
                      out.at[c, pl.ds(row0 + off, n)])

  return functools.partial(
      pl.kernel,
      out_type=jax.ShapeDtypeStruct((2, NPAD, rw), _f32),
      mesh=mesh,
      compiler_params=pltpu.CompilerParams(use_tc_tiling_on_sc=False,
                                           needs_layout_passes=False),
      scratch_types=[
          pltpu.VMEM((NBLK, BLK), jnp.int32),
          pltpu.VMEM((NBLK, BLK), jnp.int32),
          pltpu.VMEM((NBUF, BLK, tw), _f32),
          pltpu.VMEM((NBUF, BLK, 16), _f32),
          pltpu.VMEM((NBUF, BLK, rw), _f32),
          pltpu.VMEM_SHARED((NPAD, rw), _f32),
      ] + [pltpu.SemaphoreType.DMA] * (3 * NBUF),
  )(body)


_edge_pass_l1 = _make_edge_pass(TW1, RW1, 8)
_edge_pass_l2 = _make_edge_pass(RW2, RW2, 1)


def kernel(input_matrix, adjacency_coo_matrix, W1, a_src1, a_dst1,
           W2, a_src2, a_dst2):
  xp = jnp.zeros((NPAD, DIN), _f32).at[:N].set(input_matrix)
  w1f = jnp.transpose(W1, (1, 0, 2)).reshape(DIN, F1)
  hh = jnp.repeat(jnp.arange(H1, dtype=jnp.int32), DH1)
  a_s = jnp.zeros((F1, H1), _f32).at[jnp.arange(F1), hh].set(a_src1.reshape(F1))
  a_d = jnp.zeros((F1, H1), _f32).at[jnp.arange(F1), hh].set(a_dst1.reshape(F1))
  w2f = W2.reshape(F1, NC_CLS)
  a2s = a_src2.reshape(NC_CLS, 1)
  a2d = a_dst2.reshape(NC_CLS, 1)

  adj = adjacency_coo_matrix.astype(jnp.int32)
  ar = jnp.arange(N, dtype=jnp.int32)
  fill = N + jnp.arange(EPAD - E, dtype=jnp.int32) % (NPAD - N)
  src = jnp.concatenate([adj[0], ar, fill]).reshape(EPAD // BLK, BLK)
  dst = jnp.concatenate([adj[1], ar, fill]).reshape(EPAD // BLK, BLK)

  tsrc1, ted1 = _tc_stage1(xp, w1f, a_s, a_d)
  acc1 = _edge_pass_l1(tsrc1, ted1, src, dst)
  tsrc2, ted2 = _tc_stage2(acc1, w2f, a2s, a2d)
  acc2 = _edge_pass_l2(tsrc2, ted2, src, dst)
  return _tc_stage3(acc2)

# --- scband reference (transcript-rebuilt; emitter-appended) ---
"""Pipeline reference for scband-gatnet-3470333575957 (READ-ONLY COPY).

The authoritative reference and input builder live on the scoring server;
editing this copy changes nothing except your own understanding.
"""

import jax, jax.numpy as jnp
import numpy as np

N_NODES = 10000
N_EDGES = 320000
D_IN = 128
H1, D_H1 = 8, 8
N_CLASSES = 40


def setup_inputs(seed: int = 0) -> dict:
    key = jax.random.key(seed)
    ks = jax.random.split(key, 8)
    input_matrix = jax.random.normal(ks[0], (N_NODES, D_IN), dtype=jnp.float32)
    adjacency_coo_matrix = jax.random.randint(ks[1], (2, N_EDGES), 0, N_NODES, dtype=jnp.int64)
    s1 = 1.0 / np.sqrt(D_IN)
    W1 = jax.random.normal(ks[2], (H1, D_IN, D_H1), dtype=jnp.float32) * s1
    a_src1 = jax.random.normal(ks[3], (H1, D_H1), dtype=jnp.float32) * s1
    a_dst1 = jax.random.normal(ks[4], (H1, D_H1), dtype=jnp.float32) * s1
    s2 = 1.0 / np.sqrt(H1 * D_H1)
    W2 = jax.random.normal(ks[5], (1, H1 * D_H1, N_CLASSES), dtype=jnp.float32) * s2
    a_src2 = jax.random.normal(ks[6], (1, N_CLASSES), dtype=jnp.float32) * s2
    a_dst2 = jax.random.normal(ks[7], (1, N_CLASSES), dtype=jnp.float32) * s2
    return {"input_matrix": input_matrix, "adjacency_coo_matrix": adjacency_coo_matrix,
            "W1": W1, "a_src1": a_src1, "a_dst1": a_dst1,
            "W2": W2, "a_src2": a_src2, "a_dst2": a_dst2}


def _gat_layer(x, src, dst, W, a_src, a_dst, n_nodes):
    # x: [N, Din]; W: [H, Din, Dout]; a_*: [H, Dout]
    Wh = jnp.einsum('nd,hdo->hno', x, W)                      # [H, N, O]
    e_src = jnp.einsum('hno,ho->hn', Wh, a_src)                # [H, N]
    e_dst = jnp.einsum('hno,ho->hn', Wh, a_dst)                # [H, N]
    e = jax.nn.leaky_relu(e_src[:, src] + e_dst[:, dst], 0.2)  # [H, E]
    # segment softmax over incoming edges of each dst node
    m = jax.ops.segment_max(e.T, dst, num_segments=n_nodes)    # [N, H]
    m = jax.lax.stop_gradient(m)
    ex = jnp.exp(e - m[dst].T)                                 # [H, E]
    denom = jax.ops.segment_sum(ex.T, dst, num_segments=n_nodes)  # [N, H]
    alpha = ex / (denom[dst].T + 1e-16)                        # [H, E]
    msg = Wh[:, src, :] * alpha[:, :, None]                    # [H, E, O]
    out = jax.vmap(lambda mm: jax.ops.segment_sum(mm, dst, num_segments=n_nodes))(msg)  # [H, N, O]
    return out


def reference(input_matrix, adjacency_coo_matrix, W1, a_src1, a_dst1, W2, a_src2, a_dst2):
    n = input_matrix.shape[0]
    ar = jnp.arange(n, dtype=adjacency_coo_matrix.dtype)
    adj = jnp.concatenate([adjacency_coo_matrix, jnp.stack([ar, ar])], axis=1)  # add self edges
    src, dst = adj[0], adj[1]
    # layer 1: 8 heads of dim 8, concat, ELU activation (dropout disabled in eval)
    h1 = _gat_layer(input_matrix, src, dst, W1, a_src1, a_dst1, n)  # [8, N, 8]
    x = jax.nn.elu(jnp.transpose(h1, (1, 0, 2)).reshape(n, -1))     # [N, 64]
    # layer 2: 1 head -> num_classes, LogSoftmax(dim=1)
    h2 = _gat_layer(x, src, dst, W2, a_src2, a_dst2, n)[0]          # [N, C]
    return jax.nn.log_softmax(h2, axis=1)

if __name__ == "__main__":
    import jax
    _d = setup_inputs()
    print(jax.jit(kernel)(*tuple(_d.values())))

</pallas_src>

<mosaic_0001>
#map = affine_map<(d0, d1) -> (0, 0)>
#map1 = affine_map<(d0, d1) -> (0, 0, 0)>
module attributes {stable_mosaic.version = 14 : i64} {
  func.func @body(%arg0: i32, %arg1: i32, %arg2: memref<10112x48xf32, #tpu.memory_space<hbm>>, %arg3: memref<10112x16xf32, #tpu.memory_space<hbm>>, %arg4: memref<2592x128xi32, #tpu.memory_space<hbm>>, %arg5: memref<2592x128xi32, #tpu.memory_space<hbm>>, %arg6: memref<2x10112x48xf32, #tpu.memory_space<hbm>>, %arg7: memref<81x128xi32, #tpu.memory_space<vmem>>, %arg8: memref<81x128xi32, #tpu.memory_space<vmem>>, %arg9: memref<3x128x48xf32, #tpu.memory_space<vmem>>, %arg10: memref<3x128x16xf32, #tpu.memory_space<vmem>>, %arg11: memref<3x128x48xf32, #tpu.memory_space<vmem>>, %arg12: memref<10112x48xf32, #tpu.memory_space<vmem_shared>>, %arg13: memref<!tpu.dma_semaphore, #tpu.memory_space<semaphore_mem>>, %arg14: memref<!tpu.dma_semaphore, #tpu.memory_space<semaphore_mem>>, %arg15: memref<!tpu.dma_semaphore, #tpu.memory_space<semaphore_mem>>, %arg16: memref<!tpu.dma_semaphore, #tpu.memory_space<semaphore_mem>>, %arg17: memref<!tpu.dma_semaphore, #tpu.memory_space<semaphore_mem>>, %arg18: memref<!tpu.dma_semaphore, #tpu.memory_space<semaphore_mem>>, %arg19: memref<!tpu.dma_semaphore, #tpu.memory_space<semaphore_mem>>, %arg20: memref<!tpu.dma_semaphore, #tpu.memory_space<semaphore_mem>>, %arg21: memref<!tpu.dma_semaphore, #tpu.memory_space<semaphore_mem>>) attributes {dimension_semantics = [#tpu.dimension_semantics<core_parallel>, #tpu.dimension_semantics<subcore_parallel>], iteration_bounds = array<i64: 2, 16>, scalar_prefetch = 0 : i64, scratch_operands = 15 : i64, tpu.core_type = #tpu.core_type<sc_vector_subcore>, window_params = [{transform_indices = #map}, {transform_indices = #map}, {transform_indices = #map}, {transform_indices = #map}, {transform_indices = #map1}]} {
    %mul3A = arith.constant 2 : i32
    %mul3A_0 = arith.muli %arg1, %mul3A : i32
    %add3A = arith.addi %mul3A_0, %arg0 : i32
    %iota3A = tpu.iota {dimensions = array<i32: 0>} : vector<16xi32>
    %mul3A_1 = arith.constant 81 : i32
    %mul3A_2 = arith.muli %add3A, %mul3A_1 : i32
    "tpu.region"() ({
      %run_scoped3A_131 = tpu.sem_alloc : memref<!tpu.dma_semaphore, #tpu.memory_space<semaphore_mem>>
      %dma_start3A_132 = arith.constant 0 : i32
      %dma_start3A_133 = tpu.memref_slice %arg4[%mul3A_2, %dma_start3A_132] : memref<2592x128xi32, #tpu.memory_space<hbm>> -> memref<81x128xi32, #tpu.memory_space<hbm>>
      %dma_start3A_134 = arith.constant 0 : i32
      %dma_start3A_135 = tpu.memref_slice %arg4[%mul3A_2, %dma_start3A_134] : memref<2592x128xi32, #tpu.memory_space<hbm>> -> memref<81x128xi32, #tpu.memory_space<hbm>>
      tpu.enqueue_dma source(%dma_start3A_135 : memref<81x128xi32, #tpu.memory_space<hbm>>) target(%arg7 : memref<81x128xi32, #tpu.memory_space<vmem>>) target_semaphore(%run_scoped3A_131 : memref<!tpu.dma_semaphore, #tpu.memory_space<semaphore_mem>>)
      %dma_wait3A_136 = arith.constant 0 : i32
      %dma_wait3A_137 = tpu.memref_slice %arg4[%mul3A_2, %dma_wait3A_136] : memref<2592x128xi32, #tpu.memory_space<hbm>> -> memref<81x128xi32, #tpu.memory_space<hbm>>
      %dma_wait3A_138 = arith.constant 0 : i32
      %dma_wait3A_139 = tpu.memref_slice %arg4[%mul3A_2, %dma_wait3A_138] : memref<2592x128xi32, #tpu.memory_space<hbm>> -> memref<81x128xi32, #tpu.memory_space<hbm>>
      tpu.wait_dma2 semaphore(%run_scoped3A_131 : memref<!tpu.dma_semaphore, #tpu.memory_space<semaphore_mem>>) src(%dma_wait3A_139 : memref<81x128xi32, #tpu.memory_space<hbm>>) dst(%arg7 : memref<81x128xi32, #tpu.memory_space<vmem>>)
      tpu.yield
    }) : () -> ()
    "tpu.region"() ({
      %run_scoped3A_131 = tpu.sem_alloc : memref<!tpu.dma_semaphore, #tpu.memory_space<semaphore_mem>>
      %dma_start3A_132 = arith.constant 0 : i32
      %dma_start3A_133 = tpu.memref_slice %arg5[%mul3A_2, %dma_start3A_132] : memref<2592x128xi32, #tpu.memory_space<hbm>> -> memref<81x128xi32, #tpu.memory_space<hbm>>
      %dma_start3A_134 = arith.constant 0 : i32
      %dma_start3A_135 = tpu.memref_slice %arg5[%mul3A_2, %dma_start3A_134] : memref<2592x128xi32, #tpu.memory_space<hbm>> -> memref<81x128xi32, #tpu.memory_space<hbm>>
      tpu.enqueue_dma source(%dma_start3A_135 : memref<81x128xi32, #tpu.memory_space<hbm>>) target(%arg8 : memref<81x128xi32, #tpu.memory_space<vmem>>) target_semaphore(%run_scoped3A_131 : memref<!tpu.dma_semaphore, #tpu.memory_space<semaphore_mem>>)
      %dma_wait3A_136 = arith.constant 0 : i32
      %dma_wait3A_137 = tpu.memref_slice %arg5[%mul3A_2, %dma_wait3A_136] : memref<2592x128xi32, #tpu.memory_space<hbm>> -> memref<81x128xi32, #tpu.memory_space<hbm>>
      %dma_wait3A_138 = arith.constant 0 : i32
      %dma_wait3A_139 = tpu.memref_slice %arg5[%mul3A_2, %dma_wait3A_138] : memref<2592x128xi32, #tpu.memory_space<hbm>> -> memref<81x128xi32, #tpu.memory_space<hbm>>
      tpu.wait_dma2 semaphore(%run_scoped3A_131 : memref<!tpu.dma_semaphore, #tpu.memory_space<semaphore_mem>>) src(%dma_wait3A_139 : memref<81x128xi32, #tpu.memory_space<hbm>>) dst(%arg8 : memref<81x128xi32, #tpu.memory_space<vmem>>)
      tpu.yield
    }) : () -> ()
    %scan3A = arith.constant 0 : i32
    %scan3A_3 = arith.constant 128 : i32
    %scan3A_4 = arith.addi %scan3A, %scan3A_3 : i32
    %scan3A_5 = arith.constant 1 : i32
    scf.for %scan3A_131 = %scan3A to %scan3A_4 step %scan3A_5  : i32 {
      %broadcast_in_dim3A = arith.constant 0.000000e+00 : f32
      %broadcast_in_dim3A_132 = vector.broadcast %broadcast_in_dim3A : f32 to vector<16xf32>
      %swap3A = arith.constant 0 : i32
      %swap3A_133 = arith.index_cast %swap3A : i32 to index
      %swap3A_134 = arith.index_cast %scan3A_131 : i32 to index
      %swap3A_135 = arith.constant 0 : index
      %swap3A_136 = tpu.vector_load %arg11[%swap3A_133, %swap3A_134, %swap3A_135] {strides = array<i32>} : memref<3x128x48xf32, #tpu.memory_space<vmem>>, vector<16xf32>,
      tpu.vector_store %arg11[%swap3A_133, %swap3A_134, %swap3A_135], %broadcast_in_dim3A_132 {strides = array<i32>} : memref<3x128x48xf32, #tpu.memory_space<vmem>>, vector<16xf32>,
      %broadcast_in_dim3A_137 = arith.constant 0.000000e+00 : f32
      %broadcast_in_dim3A_138 = vector.broadcast %broadcast_in_dim3A_137 : f32 to vector<16xf32>
      %swap3A_139 = arith.constant 0 : i32
      %swap3A_140 = arith.index_cast %swap3A_139 : i32 to index
      %swap3A_141 = arith.index_cast %scan3A_131 : i32 to index
      %swap3A_142 = arith.constant 16 : index
      %swap3A_143 = tpu.vector_load %arg11[%swap3A_140, %swap3A_141, %swap3A_142] {strides = array<i32>} : memref<3x128x48xf32, #tpu.memory_space<vmem>>, vector<16xf32>,
      tpu.vector_store %arg11[%swap3A_140, %swap3A_141, %swap3A_142], %broadcast_in_dim3A_138 {strides = array<i32>} : memref<3x128x48xf32, #tpu.memory_space<vmem>>, vector<16xf32>,
      %broadcast_in_dim3A_144 = arith.constant 0.000000e+00 : f32
      %broadcast_in_dim3A_145 = vector.broadcast %broadcast_in_dim3A_144 : f32 to vector<16xf32>
      %swap3A_146 = arith.constant 0 : i32
      %swap3A_147 = arith.index_cast %swap3A_146 : i32 to index
      %swap3A_148 = arith.index_cast %scan3A_131 : i32 to index
      %swap3A_149 = arith.constant 32 : index
      %swap3A_150 = tpu.vector_load %arg11[%swap3A_147, %swap3A_148, %swap3A_149] {strides = array<i32>} : memref<3x128x48xf32, #tpu.memory_space<vmem>>, vector<16xf32>,
      tpu.vector_store %arg11[%swap3A_147, %swap3A_148, %swap3A_149], %broadcast_in_dim3A_145 {strides = array<i32>} : memref<3x128x48xf32, #tpu.memory_space<vmem>>, vector<16xf32>,
    }
    %scan3A_6 = arith.constant 128 : i32
    %mul3A_7 = arith.constant 632 : i32
    %mul3A_8 = arith.muli %arg1, %mul3A_7 : i32
    %add3A_9 = arith.constant 0 : i32
    %add3A_10 = arith.addi %mul3A_8, %add3A_9 : i32
    %run_scoped3A = arith.constant 0 : i32
    "tpu.region"() ({
      %run_scoped3A_131 = tpu.sem_alloc : memref<!tpu.dma_semaphore, #tpu.memory_space<semaphore_mem>>
      %dma_start3A_132 = arith.constant 0 : i32
      %dma_start3A_133 = arith.constant 0 : i32
      %dma_start3A_134 = tpu.memref_slice %arg11[%run_scoped3A, %dma_start3A_132, %dma_start3A_133] : memref<3x128x48xf32, #tpu.memory_space<vmem>> -> memref<1x128x48xf32, #tpu.memory_space<vmem>>
      %dma_start3A_135 = tpu.memref_squeeze %dma_start3A_134 : memref<1x128x48xf32, #tpu.memory_space<vmem>> -> memref<128x48xf32, #tpu.memory_space<vmem>>
      %dma_start3A_136 = arith.constant 0 : i32
      %dma_start3A_137 = tpu.memref_slice %arg12[%add3A_10, %dma_start3A_136] : memref<10112x48xf32, #tpu.memory_space<vmem_shared>> -> memref<128x48xf32, #tpu.memory_space<vmem_shared>>
      %dma_start3A_138 = arith.constant 0 : i32
      %dma_start3A_139 = tpu.memref_slice %arg12[%add3A_10, %dma_start3A_138] : memref<10112x48xf32, #tpu.memory_space<vmem_shared>> -> memref<128x48xf32, #tpu.memory_space<vmem_shared>>
      %dma_start3A_140 = arith.constant 0 : i32
      %dma_start3A_141 = arith.constant 0 : i32
      %dma_start3A_142 = tpu.memref_slice %arg11[%run_scoped3A, %dma_start3A_140, %dma_start3A_141] : memref<3x128x48xf32, #tpu.memory_space<vmem>> -> memref<1x128x48xf32, #tpu.memory_space<vmem>>
      %dma_start3A_143 = tpu.memref_squeeze %dma_start3A_142 : memref<1x128x48xf32, #tpu.memory_space<vmem>> -> memref<128x48xf32, #tpu.memory_space<vmem>>
      tpu.enqueue_dma source(%dma_start3A_143 : memref<128x48xf32, #tpu.memory_space<vmem>>) target(%dma_start3A_139 : memref<128x48xf32, #tpu.memory_space<vmem_shared>>) target_semaphore(%run_scoped3A_131 : memref<!tpu.dma_semaphore, #tpu.memory_space<semaphore_mem>>)
      %dma_wait3A_144 = arith.constant 0 : i32
      %dma_wait3A_145 = arith.constant 0 : i32
      %dma_wait3A_146 = tpu.memref_slice %arg11[%run_scoped3A, %dma_wait3A_144, %dma_wait3A_145] : memref<3x128x48xf32, #tpu.memory_space<vmem>> -> memref<1x128x48xf32, #tpu.memory_space<vmem>>
      %dma_wait3A_147 = tpu.memref_squeeze %dma_wait3A_146 : memref<1x128x48xf32, #tpu.memory_space<vmem>> -> memref<128x48xf32, #tpu.memory_space<vmem>>
      %dma_wait3A_148 = arith.constant 0 : i32
      %dma_wait3A_149 = tpu.memref_slice %arg12[%add3A_10, %dma_wait3A_148] : memref<10112x48xf32, #tpu.memory_space<vmem_shared>> -> memref<128x48xf32, #tpu.memory_space<vmem_shared>>
      %dma_wait3A_150 = arith.constant 0 : i32
      %dma_wait3A_151 = tpu.memref_slice %arg12[%add3A_10, %dma_wait3A_150] : memref<10112x48xf32, #tpu.memory_space<vmem_shared>> -> memref<128x48xf32, #tpu.memory_space<vmem_shared>>
      %dma_wait3A_152 = arith.constant 0 : i32
      %dma_wait3A_153 = arith.constant 0 : i32
      %dma_wait3A_154 = tpu.memref_slice %arg11[%run_scoped3A, %dma_wait3A_152, %dma_wait3A_153] : memref<3x128x48xf32, #tpu.memory_space<vmem>> -> memref<1x128x48xf32, #tpu.memory_space<vmem>>
      %dma_wait3A_155 = tpu.memref_squeeze %dma_wait3A_154 : memref<1x128x48xf32, #tpu.memory_space<vmem>> -> memref<128x48xf32, #tpu.memory_space<vmem>>
      tpu.wait_dma2 semaphore(%run_scoped3A_131 : memref<!tpu.dma_semaphore, #tpu.memory_space<semaphore_mem>>) src(%dma_wait3A_155 : memref<128x48xf32, #tpu.memory_space<vmem>>) dst(%dma_wait3A_151 : memref<128x48xf32, #tpu.memory_space<vmem_shared>>)
      tpu.yield
    }) : () -> ()
    %add3A_11 = arith.constant 128 : i32
    %add3A_12 = arith.addi %mul3A_8, %add3A_11 : i32
    %run_scoped3A_13 = arith.constant 0 : i32
    "tpu.region"() ({
      %run_scoped3A_131 = tpu.sem_alloc : memref<!tpu.dma_semaphore, #tpu.memory_space<semaphore_mem>>
      %dma_start3A_132 = arith.constant 0 : i32
      %dma_start3A_133 = arith.constant 0 : i32
      %dma_start3A_134 = tpu.memref_slice %arg11[%run_scoped3A_13, %dma_start3A_132, %dma_start3A_133] : memref<3x128x48xf32, #tpu.memory_space<vmem>> -> memref<1x128x48xf32, #tpu.memory_space<vmem>>
      %dma_start3A_135 = tpu.memref_squeeze %dma_start3A_134 : memref<1x128x48xf32, #tpu.memory_space<vmem>> -> memref<128x48xf32, #tpu.memory_space<vmem>>
      %dma_start3A_136 = arith.constant 0 : i32
      %dma_start3A_137 = tpu.memref_slice %arg12[%add3A_12, %dma_start3A_136] : memref<10112x48xf32, #tpu.memory_space<vmem_shared>> -> memref<128x48xf32, #tpu.memory_space<vmem_shared>>
      %dma_start3A_138 = arith.constant 0 : i32
      %dma_start3A_139 = tpu.memref_slice %arg12[%add3A_12, %dma_start3A_138] : memref<10112x48xf32, #tpu.memory_space<vmem_shared>> -> memref<128x48xf32, #tpu.memory_space<vmem_shared>>
      %dma_start3A_140 = arith.constant 0 : i32
      %dma_start3A_141 = arith.constant 0 : i32
      %dma_start3A_142 = tpu.memref_slice %arg11[%run_scoped3A_13, %dma_start3A_140, %dma_start3A_141] : memref<3x128x48xf32, #tpu.memory_space<vmem>> -> memref<1x128x48xf32, #tpu.memory_space<vmem>>
      %dma_start3A_143 = tpu.memref_squeeze %dma_start3A_142 : memref<1x128x48xf32, #tpu.memory_space<vmem>> -> memref<128x48xf32, #tpu.memory_space<vmem>>
      tpu.enqueue_dma source(%dma_start3A_143 : memref<128x48xf32, #tpu.memory_space<vmem>>) target(%dma_start3A_139 : memref<128x48xf32, #tpu.memory_space<vmem_shared>>) target_semaphore(%run_scoped3A_131 : memref<!tpu.dma_semaphore, #tpu.memory_space<semaphore_mem>>)
      %dma_wait3A_144 = arith.constant 0 : i32
      %dma_wait3A_145 = arith.constant 0 : i32
      %dma_wait3A_146 = tpu.memref_slice %arg11[%run_scoped3A_13, %dma_wait3A_144, %dma_wait3A_145] : memref<3x128x48xf32, #tpu.memory_space<vmem>> -> memref<1x128x48xf32, #tpu.memory_space<vmem>>
      %dma_wait3A_147 = tpu.memref_squeeze %dma_wait3A_146 : memref<1x128x48xf32, #tpu.memory_space<vmem>> -> memref<128x48xf32, #tpu.memory_space<vmem>>
      %dma_wait3A_148 = arith.constant 0 : i32
      %dma_wait3A_149 = tpu.memref_slice %arg12[%add3A_12, %dma_wait3A_148] : memref<10112x48xf32, #tpu.memory_space<vmem_shared>> -> memref<128x48xf32, #tpu.memory_space<vmem_shared>>
      %dma_wait3A_150 = arith.constant 0 : i32
      %dma_wait3A_151 = tpu.memref_slice %arg12[%add3A_12, %dma_wait3A_150] : memref<10112x48xf32, #tpu.memory_space<vmem_shared>> -> memref<128x48xf32, #tpu.memory_space<vmem_shared>>
      %dma_wait3A_152 = arith.constant 0 : i32
      %dma_wait3A_153 = arith.constant 0 : i32
      %dma_wait3A_154 = tpu.memref_slice %arg11[%run_scoped3A_13, %dma_wait3A_152, %dma_wait3A_153] : memref<3x128x48xf32, #tpu.memory_space<vmem>> -> memref<1x128x48xf32, #tpu.memory_space<vmem>>
      %dma_wait3A_155 = tpu.memref_squeeze %dma_wait3A_154 : memref<1x128x48xf32, #tpu.memory_space<vmem>> -> memref<128x48xf32, #tpu.memory_space<vmem>>
      tpu.wait_dma2 semaphore(%run_scoped3A_131 : memref<!tpu.dma_semaphore, #tpu.memory_space<semaphore_mem>>) src(%dma_wait3A_155 : memref<128x48xf32, #tpu.memory_space<vmem>>) dst(%dma_wait3A_151 : memref<128x48xf32, #tpu.memory_space<vmem_shared>>)
      tpu.yield
    }) : () -> ()
    %add3A_14 = arith.constant 256 : i32
    %add3A_15 = arith.addi %mul3A_8, %add3A_14 : i32
    %run_scoped3A_16 = arith.constant 0 : i32
    "tpu.region"() ({
      %run_scoped3A_131 = tpu.sem_alloc : memref<!tpu.dma_semaphore, #tpu.memory_space<semaphore_mem>>
      %dma_start3A_132 = arith.constant 0 : i32
      %dma_start3A_133 = arith.constant 0 : i32
      %dma_start3A_134 = tpu.memref_slice %arg11[%run_scoped3A_16, %dma_start3A_132, %dma_start3A_133] : memref<3x128x48xf32, #tpu.memory_space<vmem>> -> memref<1x128x48xf32, #tpu.memory_space<vmem>>
      %dma_start3A_135 = tpu.memref_squeeze %dma_start3A_134 : memref<1x128x48xf32, #tpu.memory_space<vmem>> -> memref<128x48xf32, #tpu.memory_space<vmem>>
      %dma_start3A_136 = arith.constant 0 : i32
      %dma_start3A_137 = tpu.memref_slice %arg12[%add3A_15, %dma_start3A_136] : memref<10112x48xf32, #tpu.memory_space<vmem_shared>> -> memref<128x48xf32, #tpu.memory_space<vmem_shared>>
      %dma_start3A_138 = arith.constant 0 : i32
      %dma_start3A_139 = tpu.memref_slice %arg12[%add3A_15, %dma_start3A_138] : memref<10112x48xf32, #tpu.memory_space<vmem_shared>> -> memref<128x48xf32, #tpu.memory_space<vmem_shared>>
      %dma_start3A_140 = arith.constant 0 : i32
      %dma_start3A_141 = arith.constant 0 : i32
      %dma_start3A_142 = tpu.memref_slice %arg11[%run_scoped3A_16, %dma_start3A_140, %dma_start3A_141] : memref<3x128x48xf32, #tpu.memory_space<vmem>> -> memref<1x128x48xf32, #tpu.memory_space<vmem>>
      %dma_start3A_143 = tpu.memref_squeeze %dma_start3A_142 : memref<1x128x48xf32, #tpu.memory_space<vmem>> -> memref<128x48xf32, #tpu.memory_space<vmem>>
      tpu.enqueue_dma source(%dma_start3A_143 : memref<128x48xf32, #tpu.memory_space<vmem>>) target(%dma_start3A_139 : memref<128x48xf32, #tpu.memory_space<vmem_shared>>) target_semaphore(%run_scoped3A_131 : memref<!tpu.dma_semaphore, #tpu.memory_space<semaphore_mem>>)
      %dma_wait3A_144 = arith.constant 0 : i32
      %dma_wait3A_145 = arith.constant 0 : i32
      %dma_wait3A_146 = tpu.memref_slice %arg11[%run_scoped3A_16, %dma_wait3A_144, %dma_wait3A_145] : memref<3x128x48xf32, #tpu.memory_space<vmem>> -> memref<1x128x48xf32, #tpu.memory_space<vmem>>
      %dma_wait3A_147 = tpu.memref_squeeze %dma_wait3A_146 : memref<1x128x48xf32, #tpu.memory_space<vmem>> -> memref<128x48xf32, #tpu.memory_space<vmem>>
      %dma_wait3A_148 = arith.constant 0 : i32
      %dma_wait3A_149 = tpu.memref_slice %arg12[%add3A_15, %dma_wait3A_148] : memref<10112x48xf32, #tpu.memory_space<vmem_shared>> -> memref<128x48xf32, #tpu.memory_space<vmem_shared>>
      %dma_wait3A_150 = arith.constant 0 : i32
      %dma_wait3A_151 = tpu.memref_slice %arg12[%add3A_15, %dma_wait3A_150] : memref<10112x48xf32, #tpu.memory_space<vmem_shared>> -> memref<128x48xf32, #tpu.memory_space<vmem_shared>>
      %dma_wait3A_152 = arith.constant 0 : i32
      %dma_wait3A_153 = arith.constant 0 : i32
      %dma_wait3A_154 = tpu.memref_slice %arg11[%run_scoped3A_16, %dma_wait3A_152, %dma_wait3A_153] : memref<3x128x48xf32, #tpu.memory_space<vmem>> -> memref<1x128x48xf32, #tpu.memory_space<vmem>>
      %dma_wait3A_155 = tpu.memref_squeeze %dma_wait3A_154 : memref<1x128x48xf32, #tpu.memory_space<vmem>> -> memref<128x48xf32, #tpu.memory_space<vmem>>
      tpu.wait_dma2 semaphore(%run_scoped3A_131 : memref<!tpu.dma_semaphore, #tpu.memory_space<semaphore_mem>>) src(%dma_wait3A_155 : memref<128x48xf32, #tpu.memory_space<vmem>>) dst(%dma_wait3A_151 : memref<128x48xf32, #tpu.memory_space<vmem_shared>>)
      tpu.yield
    }) : () -> ()
    %add3A_17 = arith.constant 384 : i32
    %add3A_18 = arith.addi %mul3A_8, %add3A_17 : i32
    %run_scoped3A_19 = arith.constant 0 : i32
    "tpu.region"() ({
      %run_scoped3A_131 = tpu.sem_alloc : memref<!tpu.dma_semaphore, #tpu.memory_space<semaphore_mem>>
      %dma_start3A_132 = arith.constant 0 : i32
      %dma_start3A_133 = arith.constant 0 : i32
      %dma_start3A_134 = tpu.memref_slice %arg11[%run_scoped3A_19, %dma_start3A_132, %dma_start3A_133] : memref<3x128x48xf32, #tpu.memory_space<vmem>> -> memref<1x128x48xf32, #tpu.memory_space<vmem>>
      %dma_start3A_135 = tpu.memref_squeeze %dma_start3A_134 : memref<1x128x48xf32, #tpu.memory_space<vmem>> -> memref<128x48xf32, #tpu.memory_space<vmem>>
      %dma_start3A_136 = arith.constant 0 : i32
      %dma_start3A_137 = tpu.memref_slice %arg12[%add3A_18, %dma_start3A_136] : memref<10112x48xf32, #tpu.memory_space<vmem_shared>> -> memref<128x48xf32, #tpu.memory_space<vmem_shared>>
      %dma_start3A_138 = arith.constant 0 : i32
      %dma_start3A_139 = tpu.memref_slice %arg12[%add3A_18, %dma_start3A_138] : memref<10112x48xf32, #tpu.memory_space<vmem_shared>> -> memref<128x48xf32, #tpu.memory_space<vmem_shared>>
      %dma_start3A_140 = arith.constant 0 : i32
      %dma_start3A_141 = arith.constant 0 : i32
      %dma_start3A_142 = tpu.memref_slice %arg11[%run_scoped3A_19, %dma_start3A_140, %dma_start3A_141] : memref<3x128x48xf32, #tpu.memory_space<vmem>> -> memref<1x128x48xf32, #tpu.memory_space<vmem>>
      %dma_start3A_143 = tpu.memref_squeeze %dma_start3A_142 : memref<1x128x48xf32, #tpu.memory_space<vmem>> -> memref<128x48xf32, #tpu.memory_space<vmem>>
      tpu.enqueue_dma source(%dma_start3A_143 : memref<128x48xf32, #tpu.memory_space<vmem>>) target(%dma_start3A_139 : memref<128x48xf32, #tpu.memory_space<vmem_shared>>) target_semaphore(%run_scoped3A_131 : memref<!tpu.dma_semaphore, #tpu.memory_space<semaphore_mem>>)
      %dma_wait3A_144 = arith.constant 0 : i32
      %dma_wait3A_145 = arith.constant 0 : i32
      %dma_wait3A_146 = tpu.memref_slice %arg11[%run_scoped3A_19, %dma_wait3A_144, %dma_wait3A_145] : memref<3x128x48xf32, #tpu.memory_space<vmem>> -> memref<1x128x48xf32, #tpu.memory_space<vmem>>
      %dma_wait3A_147 = tpu.memref_squeeze %dma_wait3A_146 : memref<1x128x48xf32, #tpu.memory_space<vmem>> -> memref<128x48xf32, #tpu.memory_space<vmem>>
      %dma_wait3A_148 = arith.constant 0 : i32
      %dma_wait3A_149 = tpu.memref_slice %arg12[%add3A_18, %dma_wait3A_148] : memref<10112x48xf32, #tpu.memory_space<vmem_shared>> -> memref<128x48xf32, #tpu.memory_space<vmem_shared>>
      %dma_wait3A_150 = arith.constant 0 : i32
      %dma_wait3A_151 = tpu.memref_slice %arg12[%add3A_18, %dma_wait3A_150] : memref<10112x48xf32, #tpu.memory_space<vmem_shared>> -> memref<128x48xf32, #tpu.memory_space<vmem_shared>>
      %dma_wait3A_152 = arith.constant 0 : i32
      %dma_wait3A_153 = arith.constant 0 : i32
      %dma_wait3A_154 = tpu.memref_slice %arg11[%run_scoped3A_19, %dma_wait3A_152, %dma_wait3A_153] : memref<3x128x48xf32, #tpu.memory_space<vmem>> -> memref<1x128x48xf32, #tpu.memory_space<vmem>>
      %dma_wait3A_155 = tpu.memref_squeeze %dma_wait3A_154 : memref<1x128x48xf32, #tpu.memory_space<vmem>> -> memref<128x48xf32, #tpu.memory_space<vmem>>
      tpu.wait_dma2 semaphore(%run_scoped3A_131 : memref<!tpu.dma_semaphore, #tpu.memory_space<semaphore_mem>>) src(%dma_wait3A_155 : memref<128x48xf32, #tpu.memory_space<vmem>>) dst(%dma_wait3A_151 : memref<128x48xf32, #tpu.memory_space<vmem_shared>>)
      tpu.yield
    }) : () -> ()
    %add3A_20 = arith.constant 512 : i32
    %add3A_21 = arith.addi %mul3A_8, %add3A_20 : i32
    %run_scoped3A_22 = arith.constant 0 : i32
    "tpu.region"() ({
      %run_scoped3A_131 = tpu.sem_alloc : memref<!tpu.dma_semaphore, #tpu.memory_space<semaphore_mem>>
      %dma_start3A_132 = arith.constant 0 : i32
      %dma_start3A_133 = arith.constant 0 : i32
      %dma_start3A_134 = tpu.memref_slice %arg11[%run_scoped3A_22, %dma_start3A_132, %dma_start3A_133] : memref<3x128x48xf32, #tpu.memory_space<vmem>> -> memref<1x120x48xf32, #tpu.memory_space<vmem>>
      %dma_start3A_135 = tpu.memref_squeeze %dma_start3A_134 : memref<1x120x48xf32, #tpu.memory_space<vmem>> -> memref<120x48xf32, #tpu.memory_space<vmem>>
      %dma_start3A_136 = arith.constant 0 : i32
      %dma_start3A_137 = tpu.memref_slice %arg12[%add3A_21, %dma_start3A_136] : memref<10112x48xf32, #tpu.memory_space<vmem_shared>> -> memref<120x48xf32, #tpu.memory_space<vmem_shared>>
      %dma_start3A_138 = arith.constant 0 : i32
      %dma_start3A_139 = tpu.memref_slice %arg12[%add3A_21, %dma_start3A_138] : memref<10112x48xf32, #tpu.memory_space<vmem_shared>> -> memref<120x48xf32, #tpu.memory_space<vmem_shared>>
      %dma_start3A_140 = arith.constant 0 : i32
      %dma_start3A_141 = arith.constant 0 : i32
      %dma_start3A_142 = tpu.memref_slice %arg11[%run_scoped3A_22, %dma_start3A_140, %dma_start3A_141] : memref<3x128x48xf32, #tpu.memory_space<vmem>> -> memref<1x120x48xf32, #tpu.memory_space<vmem>>
      %dma_start3A_143 = tpu.memref_squeeze %dma_start3A_142 : memref<1x120x48xf32, #tpu.memory_space<vmem>> -> memref<120x48xf32, #tpu.memory_space<vmem>>
      tpu.enqueue_dma source(%dma_start3A_143 : memref<120x48xf32, #tpu.memory_space<vmem>>) target(%dma_start3A_139 : memref<120x48xf32, #tpu.memory_space<vmem_shared>>) target_semaphore(%run_scoped3A_131 : memref<!tpu.dma_semaphore, #tpu.memory_space<semaphore_mem>>)
      %dma_wait3A_144 = arith.constant 0 : i32
      %dma_wait3A_145 = arith.constant 0 : i32
      %dma_wait3A_146 = tpu.memref_slice %arg11[%run_scoped3A_22, %dma_wait3A_144, %dma_wait3A_145] : memref<3x128x48xf32, #tpu.memory_space<vmem>> -> memref<1x120x48xf32, #tpu.memory_space<vmem>>
      %dma_wait3A_147 = tpu.memref_squeeze %dma_wait3A_146 : memref<1x120x48xf32, #tpu.memory_space<vmem>> -> memref<120x48xf32, #tpu.memory_space<vmem>>
      %dma_wait3A_148 = arith.constant 0 : i32
      %dma_wait3A_149 = tpu.memref_slice %arg12[%add3A_21, %dma_wait3A_148] : memref<10112x48xf32, #tpu.memory_space<vmem_shared>> -> memref<120x48xf32, #tpu.memory_space<vmem_shared>>
      %dma_wait3A_150 = arith.constant 0 : i32
      %dma_wait3A_151 = tpu.memref_slice %arg12[%add3A_21, %dma_wait3A_150] : memref<10112x48xf32, #tpu.memory_space<vmem_shared>> -> memref<120x48xf32, #tpu.memory_space<vmem_shared>>
      %dma_wait3A_152 = arith.constant 0 : i32
      %dma_wait3A_153 = arith.constant 0 : i32
      %dma_wait3A_154 = tpu.memref_slice %arg11[%run_scoped3A_22, %dma_wait3A_152, %dma_wait3A_153] : memref<3x128x48xf32, #tpu.memory_space<vmem>> -> memref<1x120x48xf32, #tpu.memory_space<vmem>>
      %dma_wait3A_155 = tpu.memref_squeeze %dma_wait3A_154 : memref<1x120x48xf32, #tpu.memory_space<vmem>> -> memref<120x48xf32, #tpu.memory_space<vmem>>
      tpu.wait_dma2 semaphore(%run_scoped3A_131 : memref<!tpu.dma_semaphore, #tpu.memory_space<semaphore_mem>>) src(%dma_wait3A_155 : memref<120x48xf32, #tpu.memory_space<vmem>>) dst(%dma_wait3A_151 : memref<120x48xf32, #tpu.memory_space<vmem_shared>>)
      tpu.yield
    }) : () -> ()
    %barrier3A = arith.constant 0 : index
    tpu.barrier barrier_id(%barrier3A)
    %dma_start3A = arith.constant 0 : i32
    %dma_start3A_23 = arith.constant 0 : i32
    %dma_start3A_24 = arith.constant 0 : i32
    %dma_start3A_25 = arith.constant 0 : i32
    %dma_start3A_26 = tpu.memref_slice %arg9[%dma_start3A_23, %dma_start3A_24, %dma_start3A_25] : memref<3x128x48xf32, #tpu.memory_space<vmem>> -> memref<1x128x48xf32, #tpu.memory_space<vmem>>
    %dma_start3A_27 = tpu.memref_squeeze %dma_start3A_26 : memref<1x128x48xf32, #tpu.memory_space<vmem>> -> memref<128x48xf32, #tpu.memory_space<vmem>>
    %dma_start3A_28 = arith.constant 0 : i32
    %dma_start3A_29 = tpu.memref_slice %arg7[%dma_start3A, %dma_start3A_28] : memref<81x128xi32, #tpu.memory_space<vmem>> -> memref<1x128xi32, #tpu.memory_space<vmem>>
    %dma_start3A_30 = tpu.memref_squeeze %dma_start3A_29 : memref<1x128xi32, #tpu.memory_space<vmem>> -> memref<128xi32, #tpu.memory_space<vmem>>
    %dma_start3A_31 = arith.constant 0 : i32
    %dma_start3A_32 = arith.constant 0 : i32
    %dma_start3A_33 = tpu.memref_slice %arg2[%dma_start3A_31, %dma_start3A_32] : memref<10112x48xf32, #tpu.memory_space<hbm>> -> memref<10112x48xf32, #tpu.memory_space<hbm>>
    tpu.enqueue_indirect_dma source(%dma_start3A_33 : memref<10112x48xf32, #tpu.memory_space<hbm>>) target(%dma_start3A_27 : memref<128x48xf32, #tpu.memory_space<vmem>>) offsets(%dma_start3A_30 : memref<128xi32, #tpu.memory_space<vmem>>) semaphore(%arg13 : memref<!tpu.dma_semaphore, #tpu.memory_space<semaphore_mem>>)
    %dma_start3A_34 = arith.constant 0 : i32
    %dma_start3A_35 = arith.constant 0 : i32
    %dma_start3A_36 = arith.constant 0 : i32
    %dma_start3A_37 = arith.constant 0 : i32
    %dma_start3A_38 = tpu.memref_slice %arg10[%dma_start3A_35, %dma_start3A_36, %dma_start3A_37] : memref<3x128x16xf32, #tpu.memory_space<vmem>> -> memref<1x128x16xf32, #tpu.memory_space<vmem>>
    %dma_start3A_39 = tpu.memref_squeeze %dma_start3A_38 : memref<1x128x16xf32, #tpu.memory_space<vmem>> -> memref<128x16xf32, #tpu.memory_space<vmem>>
    %dma_start3A_40 = arith.constant 0 : i32
    %dma_start3A_41 = tpu.memref_slice %arg8[%dma_start3A_34, %dma_start3A_40] : memref<81x128xi32, #tpu.memory_space<vmem>> -> memref<1x128xi32, #tpu.memory_space<vmem>>
    %dma_start3A_42 = tpu.memref_squeeze %dma_start3A_41 : memref<1x128xi32, #tpu.memory_space<vmem>> -> memref<128xi32, #tpu.memory_space<vmem>>
    %dma_start3A_43 = arith.constant 0 : i32
    %dma_start3A_44 = arith.constant 0 : i32
    %dma_start3A_45 = tpu.memref_slice %arg3[%dma_start3A_43, %dma_start3A_44] : memref<10112x16xf32, #tpu.memory_space<hbm>> -> memref<10112x16xf32, #tpu.memory_space<hbm>>
    tpu.enqueue_indirect_dma source(%dma_start3A_45 : memref<10112x16xf32, #tpu.memory_space<hbm>>) target(%dma_start3A_39 : memref<128x16xf32, #tpu.memory_space<vmem>>) offsets(%dma_start3A_42 : memref<128xi32, #tpu.memory_space<vmem>>) semaphore(%arg16 : memref<!tpu.dma_semaphore, #tpu.memory_space<semaphore_mem>>)
    %dma_start3A_46 = arith.constant 1 : i32
    %dma_start3A_47 = arith.constant 1 : i32
    %dma_start3A_48 = arith.constant 0 : i32
    %dma_start3A_49 = arith.constant 0 : i32
    %dma_start3A_50 = tpu.memref_slice %arg9[%dma_start3A_47, %dma_start3A_48, %dma_start3A_49] : memref<3x128x48xf32, #tpu.memory_space<vmem>> -> memref<1x128x48xf32, #tpu.memory_space<vmem>>
    %dma_start3A_51 = tpu.memref_squeeze %dma_start3A_50 : memref<1x128x48xf32, #tpu.memory_space<vmem>> -> memref<128x48xf32, #tpu.memory_space<vmem>>
    %dma_start3A_52 = arith.constant 0 : i32
    %dma_start3A_53 = tpu.memref_slice %arg7[%dma_start3A_46, %dma_start3A_52] : memref<81x128xi32, #tpu.memory_space<vmem>> -> memref<1x128xi32, #tpu.memory_space<vmem>>
    %dma_start3A_54 = tpu.memref_squeeze %dma_start3A_53 : memref<1x128xi32, #tpu.memory_space<vmem>> -> memref<128xi32, #tpu.memory_space<vmem>>
    %dma_start3A_55 = arith.constant 0 : i32
    %dma_start3A_56 = arith.constant 0 : i32
    %dma_start3A_57 = tpu.memref_slice %arg2[%dma_start3A_55, %dma_start3A_56] : memref<10112x48xf32, #tpu.memory_space<hbm>> -> memref<10112x48xf32, #tpu.memory_space<hbm>>
    tpu.enqueue_indirect_dma source(%dma_start3A_57 : memref<10112x48xf32, #tpu.memory_space<hbm>>) target(%dma_start3A_51 : memref<128x48xf32, #tpu.memory_space<vmem>>) offsets(%dma_start3A_54 : memref<128xi32, #tpu.memory_space<vmem>>) semaphore(%arg14 : memref<!tpu.dma_semaphore, #tpu.memory_space<semaphore_mem>>)
    %dma_start3A_58 = arith.constant 1 : i32
    %dma_start3A_59 = arith.constant 1 : i32
    %dma_start3A_60 = arith.constant 0 : i32
    %dma_start3A_61 = arith.constant 0 : i32
    %dma_start3A_62 = tpu.memref_slice %arg10[%dma_start3A_59, %dma_start3A_60, %dma_start3A_61] : memref<3x128x16xf32, #tpu.memory_space<vmem>> -> memref<1x128x16xf32, #tpu.memory_space<vmem>>
    %dma_start3A_63 = tpu.memref_squeeze %dma_start3A_62 : memref<1x128x16xf32, #tpu.memory_space<vmem>> -> memref<128x16xf32, #tpu.memory_space<vmem>>
    %dma_start3A_64 = arith.constant 0 : i32
    %dma_start3A_65 = tpu.memref_slice %arg8[%dma_start3A_58, %dma_start3A_64] : memref<81x128xi32, #tpu.memory_space<vmem>> -> memref<1x128xi32, #tpu.memory_space<vmem>>
    %dma_start3A_66 = tpu.memref_squeeze %dma_start3A_65 : memref<1x128xi32, #tpu.memory_space<vmem>> -> memref<128xi32, #tpu.memory_space<vmem>>
    %dma_start3A_67 = arith.constant 0 : i32
    %dma_start3A_68 = arith.constant 0 : i32
    %dma_start3A_69 = tpu.memref_slice %arg3[%dma_start3A_67, %dma_start3A_68] : memref<10112x16xf32, #tpu.memory_space<hbm>> -> memref<10112x16xf32, #tpu.memory_space<hbm>>
    tpu.enqueue_indirect_dma source(%dma_start3A_69 : memref<10112x16xf32, #tpu.memory_space<hbm>>) target(%dma_start3A_63 : memref<128x16xf32, #tpu.memory_space<vmem>>) offsets(%dma_start3A_66 : memref<128xi32, #tpu.memory_space<vmem>>) semaphore(%arg17 : memref<!tpu.dma_semaphore, #tpu.memory_space<semaphore_mem>>)
    %scan3A_70 = arith.constant 0 : i32
    %scan3A_71 = arith.constant 27 : i32
    %scan3A_72 = arith.addi %scan3A_70, %scan3A_71 : i32
    %scan3A_73 = arith.constant 1 : i32
    scf.for %scan3A_131 = %scan3A_70 to %scan3A_72 step %scan3A_73  : i32 {
      %mul3A_132 = arith.constant 3 : i32
      %mul3A_133 = arith.muli %scan3A_131, %mul3A_132 : i32
      %add3A_134 = arith.constant 0 : i32
      %add3A_135 = arith.addi %mul3A_133, %add3A_134 : i32
      %dma_wait3A_136 = arith.constant 0 : i32
      %dma_wait3A_137 = arith.constant 0 : i32
      %dma_wait3A_138 = arith.constant 0 : i32
      %dma_wait3A_139 = tpu.memref_slice %arg9[%dma_wait3A_136, %dma_wait3A_137, %dma_wait3A_138] : memref<3x128x48xf32, #tpu.memory_space<vmem>> -> memref<1x128x48xf32, #tpu.memory_space<vmem>>
      %dma_wait3A_140 = tpu.memref_squeeze %dma_wait3A_139 : memref<1x128x48xf32, #tpu.memory_space<vmem>> -> memref<128x48xf32, #tpu.memory_space<vmem>>
      %dma_wait3A_141 = arith.constant 0 : i32
      %dma_wait3A_142 = tpu.memref_slice %arg7[%add3A_135, %dma_wait3A_141] : memref<81x128xi32, #tpu.memory_space<vmem>> -> memref<1x128xi32, #tpu.memory_space<vmem>>
      %dma_wait3A_143 = tpu.memref_squeeze %dma_wait3A_142 : memref<1x128xi32, #tpu.memory_space<vmem>> -> memref<128xi32, #tpu.memory_space<vmem>>
      %dma_wait3A_144 = arith.constant 0 : i32
      %dma_wait3A_145 = arith.constant 0 : i32
      %dma_wait3A_146 = tpu.memref_slice %arg2[%dma_wait3A_144, %dma_wait3A_145] : memref<10112x48xf32, #tpu.memory_space<hbm>> -> memref<10112x48xf32, #tpu.memory_space<hbm>>
      tpu.wait_indirect_dma semaphore(%arg13 : memref<!tpu.dma_semaphore, #tpu.memory_space<semaphore_mem>>) src(%dma_wait3A_146 : memref<10112x48xf32, #tpu.memory_space<hbm>>) dst(%dma_wait3A_140 : memref<128x48xf32, #tpu.memory_space<vmem>>)
      %dma_wait3A_147 = arith.constant 0 : i32
      %dma_wait3A_148 = arith.constant 0 : i32
      %dma_wait3A_149 = arith.constant 0 : i32
      %dma_wait3A_150 = tpu.memref_slice %arg10[%dma_wait3A_147, %dma_wait3A_148, %dma_wait3A_149] : memref<3x128x16xf32, #tpu.memory_space<vmem>> -> memref<1x128x16xf32, #tpu.memory_space<vmem>>
      %dma_wait3A_151 = tpu.memref_squeeze %dma_wait3A_150 : memref<1x128x16xf32, #tpu.memory_space<vmem>> -> memref<128x16xf32, #tpu.memory_space<vmem>>
      %dma_wait3A_152 = arith.constant 0 : i32
      %dma_wait3A_153 = tpu.memref_slice %arg8[%add3A_135, %dma_wait3A_152] : memref<81x128xi32, #tpu.memory_space<vmem>> -> memref<1x128xi32, #tpu.memory_space<vmem>>
      %dma_wait3A_154 = tpu.memref_squeeze %dma_wait3A_153 : memref<1x128xi32, #tpu.memory_space<vmem>> -> memref<128xi32, #tpu.memory_space<vmem>>
      %dma_wait3A_155 = arith.constant 0 : i32
      %dma_wait3A_156 = arith.constant 0 : i32
      %dma_wait3A_157 = tpu.memref_slice %arg3[%dma_wait3A_155, %dma_wait3A_156] : memref<10112x16xf32, #tpu.memory_space<hbm>> -> memref<10112x16xf32, #tpu.memory_space<hbm>>
      tpu.wait_indirect_dma semaphore(%arg16 : memref<!tpu.dma_semaphore, #tpu.memory_space<semaphore_mem>>) src(%dma_wait3A_157 : memref<10112x16xf32, #tpu.memory_space<hbm>>) dst(%dma_wait3A_151 : memref<128x16xf32, #tpu.memory_space<vmem>>)
      %parallel_loop3A = arith.constant 0 : i32
      %parallel_loop3A_158 = arith.constant 128 : i32
      %parallel_loop3A_159 = arith.constant 1 : i32
      scf.for %parallel_loop3A_265 = %parallel_loop3A to %parallel_loop3A_158 step %parallel_loop3A_159  : i32 {
        %parallel_loop3A_266 = arith.constant 0 : i32
        %parallel_loop3A_267 = arith.index_cast %parallel_loop3A_266 : i32 to index
        %parallel_loop3A_268 = arith.index_cast %parallel_loop3A_265 : i32 to index
        %parallel_loop3A_269 = arith.constant 0 : index
        %parallel_loop3A_270 = tpu.vector_load %arg10[%parallel_loop3A_267, %parallel_loop3A_268, %parallel_loop3A_269] {strides = array<i32>} : memref<3x128x16xf32, #tpu.memory_space<vmem>>, vector<16xf32>,
        %parallel_loop3A_271 = arith.constant 0 : i32
        %parallel_loop3A_272 = arith.index_cast %parallel_loop3A_271 : i32 to index
        %parallel_loop3A_273 = arith.index_cast %parallel_loop3A_265 : i32 to index
        %parallel_loop3A_274 = arith.constant 32 : index
        %parallel_loop3A_275 = tpu.vector_load %arg9[%parallel_loop3A_272, %parallel_loop3A_273, %parallel_loop3A_274] {strides = array<i32>} : memref<3x128x48xf32, #tpu.memory_space<vmem>>, vector<16xf32>,
        %parallel_loop3A_276 = arith.constant 0 : i32
        %parallel_loop3A_277 = vector.broadcast %parallel_loop3A_276 : i32 to vector<16xi32>
        %parallel_loop3A_278 = arith.muli %iota3A, %parallel_loop3A_277 : vector<16xi32>
        %parallel_loop3A_279 = vector.shape_cast %parallel_loop3A_278 : vector<16xi32> to vector<16x1xi32>
        %parallel_loop3A_280 = vector.shape_cast %parallel_loop3A_279 : vector<16x1xi32> to vector<16xi32>
        %parallel_loop3A_281 = tpu.dynamic_gather %parallel_loop3A_270[%parallel_loop3A_280] in [0] : vector<16xf32>, vector<16xi32> -> vector<16xf32>
        %parallel_loop3A_282 = arith.constant 0 : i32
        %parallel_loop3A_283 = vector.broadcast %parallel_loop3A_282 : i32 to vector<16xi32>
        %parallel_loop3A_284 = arith.muli %iota3A, %parallel_loop3A_283 : vector<16xi32>
        %parallel_loop3A_285 = arith.constant 1 : i32
        %parallel_loop3A_286 = vector.broadcast %parallel_loop3A_285 : i32 to vector<16xi32>
        %parallel_loop3A_287 = arith.addi %parallel_loop3A_284, %parallel_loop3A_286 : vector<16xi32>
        %parallel_loop3A_288 = vector.shape_cast %parallel_loop3A_287 : vector<16xi32> to vector<16x1xi32>
        %parallel_loop3A_289 = vector.shape_cast %parallel_loop3A_288 : vector<16x1xi32> to vector<16xi32>
        %parallel_loop3A_290 = tpu.dynamic_gather %parallel_loop3A_270[%parallel_loop3A_289] in [0] : vector<16xf32>, vector<16xi32> -> vector<16xf32>
        %parallel_loop3A_291 = arith.constant 0 : i32
        %parallel_loop3A_292 = vector.broadcast %parallel_loop3A_291 : i32 to vector<16xi32>
        %parallel_loop3A_293 = arith.muli %iota3A, %parallel_loop3A_292 : vector<16xi32>
        %parallel_loop3A_294 = arith.constant 8 : i32
        %parallel_loop3A_295 = vector.broadcast %parallel_loop3A_294 : i32 to vector<16xi32>
        %parallel_loop3A_296 = arith.addi %parallel_loop3A_293, %parallel_loop3A_295 : vector<16xi32>
        %parallel_loop3A_297 = vector.shape_cast %parallel_loop3A_296 : vector<16xi32> to vector<16x1xi32>
        %parallel_loop3A_298 = vector.shape_cast %parallel_loop3A_297 : vector<16x1xi32> to vector<16xi32>
        %parallel_loop3A_299 = tpu.dynamic_gather %parallel_loop3A_275[%parallel_loop3A_298] in [0] : vector<16xf32>, vector<16xi32> -> vector<16xf32>
        %parallel_loop3A_300 = arith.addf %parallel_loop3A_299, %parallel_loop3A_281 : vector<16xf32>
        %parallel_loop3A_301 = arith.constant 2.000000e-01 : f32
        %parallel_loop3A_302 = vector.broadcast %parallel_loop3A_301 : f32 to vector<16xf32>
        %parallel_loop3A_303 = arith.mulf %parallel_loop3A_302, %parallel_loop3A_300 : vector<16xf32>
        %parallel_loop3A_304 = arith.maximumf %parallel_loop3A_300, %parallel_loop3A_303 : vector<16xf32>
        %parallel_loop3A_305 = arith.subf %parallel_loop3A_304, %parallel_loop3A_290 : vector<16xf32>
        %parallel_loop3A_306 = math.exp %parallel_loop3A_305 : vector<16xf32>
        %parallel_loop3A_307 = arith.constant 8 : i32
        %parallel_loop3A_308 = vector.broadcast %parallel_loop3A_307 : i32 to vector<16xi32>
        %parallel_loop3A_309 = arith.cmpi eq, %iota3A, %parallel_loop3A_308 : vector<16xi32>
        %parallel_loop3A_310 = arith.constant 1.000000e+00 : f32
        %parallel_loop3A_311 = vector.broadcast %parallel_loop3A_310 : f32 to vector<16xf32>
        %parallel_loop3A_312 = arith.select %parallel_loop3A_309, %parallel_loop3A_311, %parallel_loop3A_275 : vector<16xi1>, vector<16xf32>
        %parallel_loop3A_313 = arith.mulf %parallel_loop3A_312, %parallel_loop3A_306 : vector<16xf32>
        %parallel_loop3A_314 = arith.constant 0 : i32
        %parallel_loop3A_315 = arith.index_cast %parallel_loop3A_314 : i32 to index
        %parallel_loop3A_316 = arith.index_cast %parallel_loop3A_265 : i32 to index
        %parallel_loop3A_317 = arith.constant 32 : index
        %parallel_loop3A_318 = tpu.vector_load %arg11[%parallel_loop3A_315, %parallel_loop3A_316, %parallel_loop3A_317] {strides = array<i32>} : memref<3x128x48xf32, #tpu.memory_space<vmem>>, vector<16xf32>,
        tpu.vector_store %arg11[%parallel_loop3A_315, %parallel_loop3A_316, %parallel_loop3A_317], %parallel_loop3A_313 {strides = array<i32>} : memref<3x128x48xf32, #tpu.memory_space<vmem>>, vector<16xf32>,
        %parallel_loop3A_319 = arith.constant 0 : i32
        %parallel_loop3A_320 = arith.index_cast %parallel_loop3A_319 : i32 to index
        %parallel_loop3A_321 = arith.index_cast %parallel_loop3A_265 : i32 to index
        %parallel_loop3A_322 = arith.constant 0 : index
        %parallel_loop3A_323 = tpu.vector_load %arg9[%parallel_loop3A_320, %parallel_loop3A_321, %parallel_loop3A_322] {strides = array<i32>} : memref<3x128x48xf32, #tpu.memory_space<vmem>>, vector<16xf32>,
        %parallel_loop3A_324 = arith.mulf %parallel_loop3A_323, %parallel_loop3A_306 : vector<16xf32>
        %parallel_loop3A_325 = arith.constant 0 : i32
        %parallel_loop3A_326 = arith.index_cast %parallel_loop3A_325 : i32 to index
        %parallel_loop3A_327 = arith.index_cast %parallel_loop3A_265 : i32 to index
        %parallel_loop3A_328 = arith.constant 0 : index
        %parallel_loop3A_329 = tpu.vector_load %arg11[%parallel_loop3A_326, %parallel_loop3A_327, %parallel_loop3A_328] {strides = array<i32>} : memref<3x128x48xf32, #tpu.memory_space<vmem>>, vector<16xf32>,
        tpu.vector_store %arg11[%parallel_loop3A_326, %parallel_loop3A_327, %parallel_loop3A_328], %parallel_loop3A_324 {strides = array<i32>} : memref<3x128x48xf32, #tpu.memory_space<vmem>>, vector<16xf32>,
        %parallel_loop3A_330 = arith.constant 0 : i32
        %parallel_loop3A_331 = arith.index_cast %parallel_loop3A_330 : i32 to index
        %parallel_loop3A_332 = arith.index_cast %parallel_loop3A_265 : i32 to index
        %parallel_loop3A_333 = arith.constant 16 : index
        %parallel_loop3A_334 = tpu.vector_load %arg9[%parallel_loop3A_331, %parallel_loop3A_332, %parallel_loop3A_333] {strides = array<i32>} : memref<3x128x48xf32, #tpu.memory_space<vmem>>, vector<16xf32>,
        %parallel_loop3A_335 = arith.mulf %parallel_loop3A_334, %parallel_loop3A_306 : vector<16xf32>
        %parallel_loop3A_336 = arith.constant 0 : i32
        %parallel_loop3A_337 = arith.index_cast %parallel_loop3A_336 : i32 to index
        %parallel_loop3A_338 = arith.index_cast %parallel_loop3A_265 : i32 to index
        %parallel_loop3A_339 = arith.constant 16 : index
        %parallel_loop3A_340 = tpu.vector_load %arg11[%parallel_loop3A_337, %parallel_loop3A_338, %parallel_loop3A_339] {strides = array<i32>} : memref<3x128x48xf32, #tpu.memory_space<vmem>>, vector<16xf32>,
        tpu.vector_store %arg11[%parallel_loop3A_337, %parallel_loop3A_338, %parallel_loop3A_339], %parallel_loop3A_335 {strides = array<i32>} : memref<3x128x48xf32, #tpu.memory_space<vmem>>, vector<16xf32>,
      } {sc.loop_unroll_factor = 8 : i64, sc.parallel_access}
      %dma_start3A_160 = arith.constant 0 : i32
      %dma_start3A_161 = arith.constant 0 : i32
      %dma_start3A_162 = arith.constant 0 : i32
      %dma_start3A_163 = tpu.memref_slice %arg11[%dma_start3A_160, %dma_start3A_161, %dma_start3A_162] : memref<3x128x48xf32, #tpu.memory_space<vmem>> -> memref<1x128x48xf32, #tpu.memory_space<vmem>>
      %dma_start3A_164 = tpu.memref_squeeze %dma_start3A_163 : memref<1x128x48xf32, #tpu.memory_space<vmem>> -> memref<128x48xf32, #tpu.memory_space<vmem>>
      %dma_start3A_165 = arith.constant 0 : i32
      %dma_start3A_166 = tpu.memref_slice %arg8[%add3A_135, %dma_start3A_165] : memref<81x128xi32, #tpu.memory_space<vmem>> -> memref<1x128xi32, #tpu.memory_space<vmem>>
      %dma_start3A_167 = tpu.memref_squeeze %dma_start3A_166 : memref<1x128xi32, #tpu.memory_space<vmem>> -> memref<128xi32, #tpu.memory_space<vmem>>
      %dma_start3A_168 = arith.constant 0 : i32
      %dma_start3A_169 = arith.constant 0 : i32
      %dma_start3A_170 = tpu.memref_slice %arg12[%dma_start3A_168, %dma_start3A_169] : memref<10112x48xf32, #tpu.memory_space<vmem_shared>> -> memref<10112x48xf32, #tpu.memory_space<vmem_shared>>
      tpu.enqueue_indirect_dma source(%dma_start3A_164 : memref<128x48xf32, #tpu.memory_space<vmem>>) target(%dma_start3A_170 : memref<10112x48xf32, #tpu.memory_space<vmem_shared>>) offsets(%dma_start3A_167 : memref<128xi32, #tpu.memory_space<vmem>>) semaphore(%arg19 : memref<!tpu.dma_semaphore, #tpu.memory_space<semaphore_mem>>) {add = true}
      %add3A_171 = arith.constant 2 : i32
      %add3A_172 = arith.addi %add3A_135, %add3A_171 : i32
      %lt3A = arith.constant 81 : i32
      %lt3A_173 = arith.cmpi slt, %add3A_172, %lt3A : i32
      %convert_element_type3A = arith.extui %lt3A_173 : i1 to i32
      %cond3A = arith.constant 0 : i32
      %cond3A_174 = arith.cmpi ne, %convert_element_type3A, %cond3A : i32
      scf.if %cond3A_174 {
        %ge3A = arith.constant 1 : i32
        %ge3A_265 = arith.cmpi sge, %add3A_135, %ge3A : i32
        %convert_element_type3A_266 = arith.extui %ge3A_265 : i1 to i32
        %cond3A_267 = arith.constant 0 : i32
        %cond3A_268 = arith.cmpi ne, %convert_element_type3A_266, %cond3A_267 : i32
        scf.if %cond3A_268 {
          %sub3A = arith.constant 1 : i32
          %sub3A_291 = arith.subi %add3A_135, %sub3A : i32
          %dma_wait3A_292 = arith.constant 2 : i32
          %dma_wait3A_293 = arith.constant 0 : i32
          %dma_wait3A_294 = arith.constant 0 : i32
          %dma_wait3A_295 = tpu.memref_slice %arg11[%dma_wait3A_292, %dma_wait3A_293, %dma_wait3A_294] : memref<3x128x48xf32, #tpu.memory_space<vmem>> -> memref<1x128x48xf32, #tpu.memory_space<vmem>>
          %dma_wait3A_296 = tpu.memref_squeeze %dma_wait3A_295 : memref<1x128x48xf32, #tpu.memory_space<vmem>> -> memref<128x48xf32, #tpu.memory_space<vmem>>
          %dma_wait3A_297 = arith.constant 0 : i32
          %dma_wait3A_298 = tpu.memref_slice %arg8[%sub3A_291, %dma_wait3A_297] : memref<81x128xi32, #tpu.memory_space<vmem>> -> memref<1x128xi32, #tpu.memory_space<vmem>>
          %dma_wait3A_299 = tpu.memref_squeeze %dma_wait3A_298 : memref<1x128xi32, #tpu.memory_space<vmem>> -> memref<128xi32, #tpu.memory_space<vmem>>
          %dma_wait3A_300 = arith.constant 0 : i32
          %dma_wait3A_301 = arith.constant 0 : i32
          %dma_wait3A_302 = tpu.memref_slice %arg12[%dma_wait3A_300, %dma_wait3A_301] : memref<10112x48xf32, #tpu.memory_space<vmem_shared>> -> memref<10112x48xf32, #tpu.memory_space<vmem_shared>>
          tpu.wait_indirect_dma semaphore(%arg21 : memref<!tpu.dma_semaphore, #tpu.memory_space<semaphore_mem>>) src(%dma_wait3A_296 : memref<128x48xf32, #tpu.memory_space<vmem>>) dst(%dma_wait3A_302 : memref<10112x48xf32, #tpu.memory_space<vmem_shared>>)
        } else {
        }
        %dma_start3A_269 = arith.constant 2 : i32
        %dma_start3A_270 = arith.constant 0 : i32
        %dma_start3A_271 = arith.constant 0 : i32
        %dma_start3A_272 = tpu.memref_slice %arg9[%dma_start3A_269, %dma_start3A_270, %dma_start3A_271] : memref<3x128x48xf32, #tpu.memory_space<vmem>> -> memref<1x128x48xf32, #tpu.memory_space<vmem>>
        %dma_start3A_273 = tpu.memref_squeeze %dma_start3A_272 : memref<1x128x48xf32, #tpu.memory_space<vmem>> -> memref<128x48xf32, #tpu.memory_space<vmem>>
        %dma_start3A_274 = arith.constant 0 : i32
        %dma_start3A_275 = tpu.memref_slice %arg7[%add3A_172, %dma_start3A_274] : memref<81x128xi32, #tpu.memory_space<vmem>> -> memref<1x128xi32, #tpu.memory_space<vmem>>
        %dma_start3A_276 = tpu.memref_squeeze %dma_start3A_275 : memref<1x128xi32, #tpu.memory_space<vmem>> -> memref<128xi32, #tpu.memory_space<vmem>>
        %dma_start3A_277 = arith.constant 0 : i32
        %dma_start3A_278 = arith.constant 0 : i32
        %dma_start3A_279 = tpu.memref_slice %arg2[%dma_start3A_277, %dma_start3A_278] : memref<10112x48xf32, #tpu.memory_space<hbm>> -> memref<10112x48xf32, #tpu.memory_space<hbm>>
        tpu.enqueue_indirect_dma source(%dma_start3A_279 : memref<10112x48xf32, #tpu.memory_space<hbm>>) target(%dma_start3A_273 : memref<128x48xf32, #tpu.memory_space<vmem>>) offsets(%dma_start3A_276 : memref<128xi32, #tpu.memory_space<vmem>>) semaphore(%arg15 : memref<!tpu.dma_semaphore, #tpu.memory_space<semaphore_mem>>)
        %dma_start3A_280 = arith.constant 2 : i32
        %dma_start3A_281 = arith.constant 0 : i32
        %dma_start3A_282 = arith.constant 0 : i32
        %dma_start3A_283 = tpu.memref_slice %arg10[%dma_start3A_280, %dma_start3A_281, %dma_start3A_282] : memref<3x128x16xf32, #tpu.memory_space<vmem>> -> memref<1x128x16xf32, #tpu.memory_space<vmem>>
        %dma_start3A_284 = tpu.memref_squeeze %dma_start3A_283 : memref<1x128x16xf32, #tpu.memory_space<vmem>> -> memref<128x16xf32, #tpu.memory_space<vmem>>
        %dma_start3A_285 = arith.constant 0 : i32
        %dma_start3A_286 = tpu.memref_slice %arg8[%add3A_172, %dma_start3A_285] : memref<81x128xi32, #tpu.memory_space<vmem>> -> memref<1x128xi32, #tpu.memory_space<vmem>>
        %dma_start3A_287 = tpu.memref_squeeze %dma_start3A_286 : memref<1x128xi32, #tpu.memory_space<vmem>> -> memref<128xi32, #tpu.memory_space<vmem>>
        %dma_start3A_288 = arith.constant 0 : i32
        %dma_start3A_289 = arith.constant 0 : i32
        %dma_start3A_290 = tpu.memref_slice %arg3[%dma_start3A_288, %dma_start3A_289] : memref<10112x16xf32, #tpu.memory_space<hbm>> -> memref<10112x16xf32, #tpu.memory_space<hbm>>
        tpu.enqueue_indirect_dma source(%dma_start3A_290 : memref<10112x16xf32, #tpu.memory_space<hbm>>) target(%dma_start3A_284 : memref<128x16xf32, #tpu.memory_space<vmem>>) offsets(%dma_start3A_287 : memref<128xi32, #tpu.memory_space<vmem>>) semaphore(%arg18 : memref<!tpu.dma_semaphore, #tpu.memory_space<semaphore_mem>>)
      } else {
      }
      %add3A_175 = arith.constant 1 : i32
      %add3A_176 = arith.addi %mul3A_133, %add3A_175 : i32
      %dma_wait3A_177 = arith.constant 1 : i32
      %dma_wait3A_178 = arith.constant 0 : i32
      %dma_wait3A_179 = arith.constant 0 : i32
      %dma_wait3A_180 = tpu.memref_slice %arg9[%dma_wait3A_177, %dma_wait3A_178, %dma_wait3A_179] : memref<3x128x48xf32, #tpu.memory_space<vmem>> -> memref<1x128x48xf32, #tpu.memory_space<vmem>>
      %dma_wait3A_181 = tpu.memref_squeeze %dma_wait3A_180 : memref<1x128x48xf32, #tpu.memory_space<vmem>> -> memref<128x48xf32, #tpu.memory_space<vmem>>
      %dma_wait3A_182 = arith.constant 0 : i32
      %dma_wait3A_183 = tpu.memref_slice %arg7[%add3A_176, %dma_wait3A_182] : memref<81x128xi32, #tpu.memory_space<vmem>> -> memref<1x128xi32, #tpu.memory_space<vmem>>
      %dma_wait3A_184 = tpu.memref_squeeze %dma_wait3A_183 : memref<1x128xi32, #tpu.memory_space<vmem>> -> memref<128xi32, #tpu.memory_space<vmem>>
      %dma_wait3A_185 = arith.constant 0 : i32
      %dma_wait3A_186 = arith.constant 0 : i32
      %dma_wait3A_187 = tpu.memref_slice %arg2[%dma_wait3A_185, %dma_wait3A_186] : memref<10112x48xf32, #tpu.memory_space<hbm>> -> memref<10112x48xf32, #tpu.memory_space<hbm>>
      tpu.wait_indirect_dma semaphore(%arg14 : memref<!tpu.dma_semaphore, #tpu.memory_space<semaphore_mem>>) src(%dma_wait3A_187 : memref<10112x48xf32, #tpu.memory_space<hbm>>) dst(%dma_wait3A_181 : memref<128x48xf32, #tpu.memory_space<vmem>>)
      %dma_wait3A_188 = arith.constant 1 : i32
      %dma_wait3A_189 = arith.constant 0 : i32
      %dma_wait3A_190 = arith.constant 0 : i32
      %dma_wait3A_191 = tpu.memref_slice %arg10[%dma_wait3A_188, %dma_wait3A_189, %dma_wait3A_190] : memref<3x128x16xf32, #tpu.memory_space<vmem>> -> memref<1x128x16xf32, #tpu.memory_space<vmem>>
      %dma_wait3A_192 = tpu.memref_squeeze %dma_wait3A_191 : memref<1x128x16xf32, #tpu.memory_space<vmem>> -> memref<128x16xf32, #tpu.memory_space<vmem>>
      %dma_wait3A_193 = arith.constant 0 : i32
      %dma_wait3A_194 = tpu.memref_slice %arg8[%add3A_176, %dma_wait3A_193] : memref<81x128xi32, #tpu.memory_space<vmem>> -> memref<1x128xi32, #tpu.memory_space<vmem>>
      %dma_wait3A_195 = tpu.memref_squeeze %dma_wait3A_194 : memref<1x128xi32, #tpu.memory_space<vmem>> -> memref<128xi32, #tpu.memory_space<vmem>>
      %dma_wait3A_196 = arith.constant 0 : i32
      %dma_wait3A_197 = arith.constant 0 : i32
      %dma_wait3A_198 = tpu.memref_slice %arg3[%dma_wait3A_196, %dma_wait3A_197] : memref<10112x16xf32, #tpu.memory_space<hbm>> -> memref<10112x16xf32, #tpu.memory_space<hbm>>
      tpu.wait_indirect_dma semaphore(%arg17 : memref<!tpu.dma_semaphore, #tpu.memory_space<semaphore_mem>>) src(%dma_wait3A_198 : memref<10112x16xf32, #tpu.memory_space<hbm>>) dst(%dma_wait3A_192 : memref<128x16xf32, #tpu.memory_space<vmem>>)
      %parallel_loop3A_199 = arith.constant 0 : i32
      %parallel_loop3A_200 = arith.constant 128 : i32
      %parallel_loop3A_201 = arith.constant 1 : i32
      scf.for %parallel_loop3A_265 = %parallel_loop3A_199 to %parallel_loop3A_200 step %parallel_loop3A_201  : i32 {
        %parallel_loop3A_266 = arith.constant 1 : i32
        %parallel_loop3A_267 = arith.index_cast %parallel_loop3A_266 : i32 to index
        %parallel_loop3A_268 = arith.index_cast %parallel_loop3A_265 : i32 to index
        %parallel_loop3A_269 = arith.constant 0 : index
        %parallel_loop3A_270 = tpu.vector_load %arg10[%parallel_loop3A_267, %parallel_loop3A_268, %parallel_loop3A_269] {strides = array<i32>} : memref<3x128x16xf32, #tpu.memory_space<vmem>>, vector<16xf32>,
        %parallel_loop3A_271 = arith.constant 1 : i32
        %parallel_loop3A_272 = arith.index_cast %parallel_loop3A_271 : i32 to index
        %parallel_loop3A_273 = arith.index_cast %parallel_loop3A_265 : i32 to index
        %parallel_loop3A_274 = arith.constant 32 : index
        %parallel_loop3A_275 = tpu.vector_load %arg9[%parallel_loop3A_272, %parallel_loop3A_273, %parallel_loop3A_274] {strides = array<i32>} : memref<3x128x48xf32, #tpu.memory_space<vmem>>, vector<16xf32>,
        %parallel_loop3A_276 = arith.constant 0 : i32
        %parallel_loop3A_277 = vector.broadcast %parallel_loop3A_276 : i32 to vector<16xi32>
        %parallel_loop3A_278 = arith.muli %iota3A, %parallel_loop3A_277 : vector<16xi32>
        %parallel_loop3A_279 = vector.shape_cast %parallel_loop3A_278 : vector<16xi32> to vector<16x1xi32>
        %parallel_loop3A_280 = vector.shape_cast %parallel_loop3A_279 : vector<16x1xi32> to vector<16xi32>
        %parallel_loop3A_281 = tpu.dynamic_gather %parallel_loop3A_270[%parallel_loop3A_280] in [0] : vector<16xf32>, vector<16xi32> -> vector<16xf32>
        %parallel_loop3A_282 = arith.constant 0 : i32
        %parallel_loop3A_283 = vector.broadcast %parallel_loop3A_282 : i32 to vector<16xi32>
        %parallel_loop3A_284 = arith.muli %iota3A, %parallel_loop3A_283 : vector<16xi32>
        %parallel_loop3A_285 = arith.constant 1 : i32
        %parallel_loop3A_286 = vector.broadcast %parallel_loop3A_285 : i32 to vector<16xi32>
        %parallel_loop3A_287 = arith.addi %parallel_loop3A_284, %parallel_loop3A_286 : vector<16xi32>
        %parallel_loop3A_288 = vector.shape_cast %parallel_loop3A_287 : vector<16xi32> to vector<16x1xi32>
        %parallel_loop3A_289 = vector.shape_cast %parallel_loop3A_288 : vector<16x1xi32> to vector<16xi32>
        %parallel_loop3A_290 = tpu.dynamic_gather %parallel_loop3A_270[%parallel_loop3A_289] in [0] : vector<16xf32>, vector<16xi32> -> vector<16xf32>
        %parallel_loop3A_291 = arith.constant 0 : i32
        %parallel_loop3A_292 = vector.broadcast %parallel_loop3A_291 : i32 to vector<16xi32>
        %parallel_loop3A_293 = arith.muli %iota3A, %parallel_loop3A_292 : vector<16xi32>
        %parallel_loop3A_294 = arith.constant 8 : i32
        %parallel_loop3A_295 = vector.broadcast %parallel_loop3A_294 : i32 to vector<16xi32>
        %parallel_loop3A_296 = arith.addi %parallel_loop3A_293, %parallel_loop3A_295 : vector<16xi32>
        %parallel_loop3A_297 = vector.shape_cast %parallel_loop3A_296 : vector<16xi32> to vector<16x1xi32>
        %parallel_loop3A_298 = vector.shape_cast %parallel_loop3A_297 : vector<16x1xi32> to vector<16xi32>
        %parallel_loop3A_299 = tpu.dynamic_gather %parallel_loop3A_275[%parallel_loop3A_298] in [0] : vector<16xf32>, vector<16xi32> -> vector<16xf32>
        %parallel_loop3A_300 = arith.addf %parallel_loop3A_299, %parallel_loop3A_281 : vector<16xf32>
        %parallel_loop3A_301 = arith.constant 2.000000e-01 : f32
        %parallel_loop3A_302 = vector.broadcast %parallel_loop3A_301 : f32 to vector<16xf32>
        %parallel_loop3A_303 = arith.mulf %parallel_loop3A_302, %parallel_loop3A_300 : vector<16xf32>
        %parallel_loop3A_304 = arith.maximumf %parallel_loop3A_300, %parallel_loop3A_303 : vector<16xf32>
        %parallel_loop3A_305 = arith.subf %parallel_loop3A_304, %parallel_loop3A_290 : vector<16xf32>
        %parallel_loop3A_306 = math.exp %parallel_loop3A_305 : vector<16xf32>
        %parallel_loop3A_307 = arith.constant 8 : i32
        %parallel_loop3A_308 = vector.broadcast %parallel_loop3A_307 : i32 to vector<16xi32>
        %parallel_loop3A_309 = arith.cmpi eq, %iota3A, %parallel_loop3A_308 : vector<16xi32>
        %parallel_loop3A_310 = arith.constant 1.000000e+00 : f32
        %parallel_loop3A_311 = vector.broadcast %parallel_loop3A_310 : f32 to vector<16xf32>
        %parallel_loop3A_312 = arith.select %parallel_loop3A_309, %parallel_loop3A_311, %parallel_loop3A_275 : vector<16xi1>, vector<16xf32>
        %parallel_loop3A_313 = arith.mulf %parallel_loop3A_312, %parallel_loop3A_306 : vector<16xf32>
        %parallel_loop3A_314 = arith.constant 1 : i32
        %parallel_loop3A_315 = arith.index_cast %parallel_loop3A_314 : i32 to index
        %parallel_loop3A_316 = arith.index_cast %parallel_loop3A_265 : i32 to index
        %parallel_loop3A_317 = arith.constant 32 : index
        %parallel_loop3A_318 = tpu.vector_load %arg11[%parallel_loop3A_315, %parallel_loop3A_316, %parallel_loop3A_317] {strides = array<i32>} : memref<3x128x48xf32, #tpu.memory_space<vmem>>, vector<16xf32>,
        tpu.vector_store %arg11[%parallel_loop3A_315, %parallel_loop3A_316, %parallel_loop3A_317], %parallel_loop3A_313 {strides = array<i32>} : memref<3x128x48xf32, #tpu.memory_space<vmem>>, vector<16xf32>,
        %parallel_loop3A_319 = arith.constant 1 : i32
        %parallel_loop3A_320 = arith.index_cast %parallel_loop3A_319 : i32 to index
        %parallel_loop3A_321 = arith.index_cast %parallel_loop3A_265 : i32 to index
        %parallel_loop3A_322 = arith.constant 0 : index
        %parallel_loop3A_323 = tpu.vector_load %arg9[%parallel_loop3A_320, %parallel_loop3A_321, %parallel_loop3A_322] {strides = array<i32>} : memref<3x128x48xf32, #tpu.memory_space<vmem>>, vector<16xf32>,
        %parallel_loop3A_324 = arith.mulf %parallel_loop3A_323, %parallel_loop3A_306 : vector<16xf32>
        %parallel_loop3A_325 = arith.constant 1 : i32
        %parallel_loop3A_326 = arith.index_cast %parallel_loop3A_325 : i32 to index
        %parallel_loop3A_327 = arith.index_cast %parallel_loop3A_265 : i32 to index
        %parallel_loop3A_328 = arith.constant 0 : index
        %parallel_loop3A_329 = tpu.vector_load %arg11[%parallel_loop3A_326, %parallel_loop3A_327, %parallel_loop3A_328] {strides = array<i32>} : memref<3x128x48xf32, #tpu.memory_space<vmem>>, vector<16xf32>,
        tpu.vector_store %arg11[%parallel_loop3A_326, %parallel_loop3A_327, %parallel_loop3A_328], %parallel_loop3A_324 {strides = array<i32>} : memref<3x128x48xf32, #tpu.memory_space<vmem>>, vector<16xf32>,
        %parallel_loop3A_330 = arith.constant 1 : i32
        %parallel_loop3A_331 = arith.index_cast %parallel_loop3A_330 : i32 to index
        %parallel_loop3A_332 = arith.index_cast %parallel_loop3A_265 : i32 to index
        %parallel_loop3A_333 = arith.constant 16 : index
        %parallel_loop3A_334 = tpu.vector_load %arg9[%parallel_loop3A_331, %parallel_loop3A_332, %parallel_loop3A_333] {strides = array<i32>} : memref<3x128x48xf32, #tpu.memory_space<vmem>>, vector<16xf32>,
        %parallel_loop3A_335 = arith.mulf %parallel_loop3A_334, %parallel_loop3A_306 : vector<16xf32>
        %parallel_loop3A_336 = arith.constant 1 : i32
        %parallel_loop3A_337 = arith.index_cast %parallel_loop3A_336 : i32 to index
        %parallel_loop3A_338 = arith.index_cast %parallel_loop3A_265 : i32 to index
        %parallel_loop3A_339 = arith.constant 16 : index
        %parallel_loop3A_340 = tpu.vector_load %arg11[%parallel_loop3A_337, %parallel_loop3A_338, %parallel_loop3A_339] {strides = array<i32>} : memref<3x128x48xf32, #tpu.memory_space<vmem>>, vector<16xf32>,
        tpu.vector_store %arg11[%parallel_loop3A_337, %parallel_loop3A_338, %parallel_loop3A_339], %parallel_loop3A_335 {strides = array<i32>} : memref<3x128x48xf32, #tpu.memory_space<vmem>>, vector<16xf32>,
      } {sc.loop_unroll_factor = 8 : i64, sc.parallel_access}
      %dma_start3A_202 = arith.constant 1 : i32
      %dma_start3A_203 = arith.constant 0 : i32
      %dma_start3A_204 = arith.constant 0 : i32
      %dma_start3A_205 = tpu.memref_slice %arg11[%dma_start3A_202, %dma_start3A_203, %dma_start3A_204] : memref<3x128x48xf32, #tpu.memory_space<vmem>> -> memref<1x128x48xf32, #tpu.memory_space<vmem>>
      %dma_start3A_206 = tpu.memref_squeeze %dma_start3A_205 : memref<1x128x48xf32, #tpu.memory_space<vmem>> -> memref<128x48xf32, #tpu.memory_space<vmem>>
      %dma_start3A_207 = arith.constant 0 : i32
      %dma_start3A_208 = tpu.memref_slice %arg8[%add3A_176, %dma_start3A_207] : memref<81x128xi32, #tpu.memory_space<vmem>> -> memref<1x128xi32, #tpu.memory_space<vmem>>
      %dma_start3A_209 = tpu.memref_squeeze %dma_start3A_208 : memref<1x128xi32, #tpu.memory_space<vmem>> -> memref<128xi32, #tpu.memory_space<vmem>>
      %dma_start3A_210 = arith.constant 0 : i32
      %dma_start3A_211 = arith.constant 0 : i32
      %dma_start3A_212 = tpu.memref_slice %arg12[%dma_start3A_210, %dma_start3A_211] : memref<10112x48xf32, #tpu.memory_space<vmem_shared>> -> memref<10112x48xf32, #tpu.memory_space<vmem_shared>>
      tpu.enqueue_indirect_dma source(%dma_start3A_206 : memref<128x48xf32, #tpu.memory_space<vmem>>) target(%dma_start3A_212 : memref<10112x48xf32, #tpu.memory_space<vmem_shared>>) offsets(%dma_start3A_209 : memref<128xi32, #tpu.memory_space<vmem>>) semaphore(%arg20 : memref<!tpu.dma_semaphore, #tpu.memory_space<semaphore_mem>>) {add = true}
      %add3A_213 = arith.constant 2 : i32
      %add3A_214 = arith.addi %add3A_176, %add3A_213 : i32
      %lt3A_215 = arith.constant 81 : i32
      %lt3A_216 = arith.cmpi slt, %add3A_214, %lt3A_215 : i32
      %convert_element_type3A_217 = arith.extui %lt3A_216 : i1 to i32
      %cond3A_218 = arith.constant 0 : i32
      %cond3A_219 = arith.cmpi ne, %convert_element_type3A_217, %cond3A_218 : i32
      scf.if %cond3A_219 {
        %ge3A = arith.constant 1 : i32
        %ge3A_265 = arith.cmpi sge, %add3A_176, %ge3A : i32
        %convert_element_type3A_266 = arith.extui %ge3A_265 : i1 to i32
        %cond3A_267 = arith.constant 0 : i32
        %cond3A_268 = arith.cmpi ne, %convert_element_type3A_266, %cond3A_267 : i32
        scf.if %cond3A_268 {
          %sub3A = arith.constant 1 : i32
          %sub3A_291 = arith.subi %add3A_176, %sub3A : i32
          %dma_wait3A_292 = arith.constant 0 : i32
          %dma_wait3A_293 = arith.constant 0 : i32
          %dma_wait3A_294 = arith.constant 0 : i32
          %dma_wait3A_295 = tpu.memref_slice %arg11[%dma_wait3A_292, %dma_wait3A_293, %dma_wait3A_294] : memref<3x128x48xf32, #tpu.memory_space<vmem>> -> memref<1x128x48xf32, #tpu.memory_space<vmem>>
          %dma_wait3A_296 = tpu.memref_squeeze %dma_wait3A_295 : memref<1x128x48xf32, #tpu.memory_space<vmem>> -> memref<128x48xf32, #tpu.memory_space<vmem>>
          %dma_wait3A_297 = arith.constant 0 : i32
          %dma_wait3A_298 = tpu.memref_slice %arg8[%sub3A_291, %dma_wait3A_297] : memref<81x128xi32, #tpu.memory_space<vmem>> -> memref<1x128xi32, #tpu.memory_space<vmem>>
          %dma_wait3A_299 = tpu.memref_squeeze %dma_wait3A_298 : memref<1x128xi32, #tpu.memory_space<vmem>> -> memref<128xi32, #tpu.memory_space<vmem>>
          %dma_wait3A_300 = arith.constant 0 : i32
          %dma_wait3A_301 = arith.constant 0 : i32
          %dma_wait3A_302 = tpu.memref_slice %arg12[%dma_wait3A_300, %dma_wait3A_301] : memref<10112x48xf32, #tpu.memory_space<vmem_shared>> -> memref<10112x48xf32, #tpu.memory_space<vmem_shared>>
          tpu.wait_indirect_dma semaphore(%arg19 : memref<!tpu.dma_semaphore, #tpu.memory_space<semaphore_mem>>) src(%dma_wait3A_296 : memref<128x48xf32, #tpu.memory_space<vmem>>) dst(%dma_wait3A_302 : memref<10112x48xf32, #tpu.memory_space<vmem_shared>>)
        } else {
        }
        %dma_start3A_269 = arith.constant 0 : i32
        %dma_start3A_270 = arith.constant 0 : i32
        %dma_start3A_271 = arith.constant 0 : i32
        %dma_start3A_272 = tpu.memref_slice %arg9[%dma_start3A_269, %dma_start3A_270, %dma_start3A_271] : memref<3x128x48xf32, #tpu.memory_space<vmem>> -> memref<1x128x48xf32, #tpu.memory_space<vmem>>
        %dma_start3A_273 = tpu.memref_squeeze %dma_start3A_272 : memref<1x128x48xf32, #tpu.memory_space<vmem>> -> memref<128x48xf32, #tpu.memory_space<vmem>>
        %dma_start3A_274 = arith.constant 0 : i32
        %dma_start3A_275 = tpu.memref_slice %arg7[%add3A_214, %dma_start3A_274] : memref<81x128xi32, #tpu.memory_space<vmem>> -> memref<1x128xi32, #tpu.memory_space<vmem>>
        %dma_start3A_276 = tpu.memref_squeeze %dma_start3A_275 : memref<1x128xi32, #tpu.memory_space<vmem>> -> memref<128xi32, #tpu.memory_space<vmem>>
        %dma_start3A_277 = arith.constant 0 : i32
        %dma_start3A_278 = arith.constant 0 : i32
        %dma_start3A_279 = tpu.memref_slice %arg2[%dma_start3A_277, %dma_start3A_278] : memref<10112x48xf32, #tpu.memory_space<hbm>> -> memref<10112x48xf32, #tpu.memory_space<hbm>>
        tpu.enqueue_indirect_dma source(%dma_start3A_279 : memref<10112x48xf32, #tpu.memory_space<hbm>>) target(%dma_start3A_273 : memref<128x48xf32, #tpu.memory_space<vmem>>) offsets(%dma_start3A_276 : memref<128xi32, #tpu.memory_space<vmem>>) semaphore(%arg13 : memref<!tpu.dma_semaphore, #tpu.memory_space<semaphore_mem>>)
        %dma_start3A_280 = arith.constant 0 : i32
        %dma_start3A_281 = arith.constant 0 : i32
        %dma_start3A_282 = arith.constant 0 : i32
        %dma_start3A_283 = tpu.memref_slice %arg10[%dma_start3A_280, %dma_start3A_281, %dma_start3A_282] : memref<3x128x16xf32, #tpu.memory_space<vmem>> -> memref<1x128x16xf32, #tpu.memory_space<vmem>>
        %dma_start3A_284 = tpu.memref_squeeze %dma_start3A_283 : memref<1x128x16xf32, #tpu.memory_space<vmem>> -> memref<128x16xf32, #tpu.memory_space<vmem>>
        %dma_start3A_285 = arith.constant 0 : i32
        %dma_start3A_286 = tpu.memref_slice %arg8[%add3A_214, %dma_start3A_285] : memref<81x128xi32, #tpu.memory_space<vmem>> -> memref<1x128xi32, #tpu.memory_space<vmem>>
        %dma_start3A_287 = tpu.memref_squeeze %dma_start3A_286 : memref<1x128xi32, #tpu.memory_space<vmem>> -> memref<128xi32, #tpu.memory_space<vmem>>
        %dma_start3A_288 = arith.constant 0 : i32
        %dma_start3A_289 = arith.constant 0 : i32
        %dma_start3A_290 = tpu.memref_slice %arg3[%dma_start3A_288, %dma_start3A_289] : memref<10112x16xf32, #tpu.memory_space<hbm>> -> memref<10112x16xf32, #tpu.memory_space<hbm>>
        tpu.enqueue_indirect_dma source(%dma_start3A_290 : memref<10112x16xf32, #tpu.memory_space<hbm>>) target(%dma_start3A_284 : memref<128x16xf32, #tpu.memory_space<vmem>>) offsets(%dma_start3A_287 : memref<128xi32, #tpu.memory_space<vmem>>) semaphore(%arg16 : memref<!tpu.dma_semaphore, #tpu.memory_space<semaphore_mem>>)
      } else {
      }
      %add3A_220 = arith.constant 2 : i32
      %add3A_221 = arith.addi %mul3A_133, %add3A_220 : i32
      %dma_wait3A_222 = arith.constant 2 : i32
      %dma_wait3A_223 = arith.constant 0 : i32
      %dma_wait3A_224 = arith.constant 0 : i32
      %dma_wait3A_225 = tpu.memref_slice %arg9[%dma_wait3A_222, %dma_wait3A_223, %dma_wait3A_224] : memref<3x128x48xf32, #tpu.memory_space<vmem>> -> memref<1x128x48xf32, #tpu.memory_space<vmem>>
      %dma_wait3A_226 = tpu.memref_squeeze %dma_wait3A_225 : memref<1x128x48xf32, #tpu.memory_space<vmem>> -> memref<128x48xf32, #tpu.memory_space<vmem>>
      %dma_wait3A_227 = arith.constant 0 : i32
      %dma_wait3A_228 = tpu.memref_slice %arg7[%add3A_221, %dma_wait3A_227] : memref<81x128xi32, #tpu.memory_space<vmem>> -> memref<1x128xi32, #tpu.memory_space<vmem>>
      %dma_wait3A_229 = tpu.memref_squeeze %dma_wait3A_228 : memref<1x128xi32, #tpu.memory_space<vmem>> -> memref<128xi32, #tpu.memory_space<vmem>>
      %dma_wait3A_230 = arith.constant 0 : i32
      %dma_wait3A_231 = arith.constant 0 : i32
      %dma_wait3A_232 = tpu.memref_slice %arg2[%dma_wait3A_230, %dma_wait3A_231] : memref<10112x48xf32, #tpu.memory_space<hbm>> -> memref<10112x48xf32, #tpu.memory_space<hbm>>
      tpu.wait_indirect_dma semaphore(%arg15 : memref<!tpu.dma_semaphore, #tpu.memory_space<semaphore_mem>>) src(%dma_wait3A_232 : memref<10112x48xf32, #tpu.memory_space<hbm>>) dst(%dma_wait3A_226 : memref<128x48xf32, #tpu.memory_space<vmem>>)
      %dma_wait3A_233 = arith.constant 2 : i32
      %dma_wait3A_234 = arith.constant 0 : i32
      %dma_wait3A_235 = arith.constant 0 : i32
      %dma_wait3A_236 = tpu.memref_slice %arg10[%dma_wait3A_233, %dma_wait3A_234, %dma_wait3A_235] : memref<3x128x16xf32, #tpu.memory_space<vmem>> -> memref<1x128x16xf32, #tpu.memory_space<vmem>>
      %dma_wait3A_237 = tpu.memref_squeeze %dma_wait3A_236 : memref<1x128x16xf32, #tpu.memory_space<vmem>> -> memref<128x16xf32, #tpu.memory_space<vmem>>
      %dma_wait3A_238 = arith.constant 0 : i32
      %dma_wait3A_239 = tpu.memref_slice %arg8[%add3A_221, %dma_wait3A_238] : memref<81x128xi32, #tpu.memory_space<vmem>> -> memref<1x128xi32, #tpu.memory_space<vmem>>
      %dma_wait3A_240 = tpu.memref_squeeze %dma_wait3A_239 : memref<1x128xi32, #tpu.memory_space<vmem>> -> memref<128xi32, #tpu.memory_space<vmem>>
      %dma_wait3A_241 = arith.constant 0 : i32
      %dma_wait3A_242 = arith.constant 0 : i32
      %dma_wait3A_243 = tpu.memref_slice %arg3[%dma_wait3A_241, %dma_wait3A_242] : memref<10112x16xf32, #tpu.memory_space<hbm>> -> memref<10112x16xf32, #tpu.memory_space<hbm>>
      tpu.wait_indirect_dma semaphore(%arg18 : memref<!tpu.dma_semaphore, #tpu.memory_space<semaphore_mem>>) src(%dma_wait3A_243 : memref<10112x16xf32, #tpu.memory_space<hbm>>) dst(%dma_wait3A_237 : memref<128x16xf32, #tpu.memory_space<vmem>>)
      %parallel_loop3A_244 = arith.constant 0 : i32
      %parallel_loop3A_245 = arith.constant 128 : i32
      %parallel_loop3A_246 = arith.constant 1 : i32
      scf.for %parallel_loop3A_265 = %parallel_loop3A_244 to %parallel_loop3A_245 step %parallel_loop3A_246  : i32 {
        %parallel_loop3A_266 = arith.constant 2 : i32
        %parallel_loop3A_267 = arith.index_cast %parallel_loop3A_266 : i32 to index
        %parallel_loop3A_268 = arith.index_cast %parallel_loop3A_265 : i32 to index
        %parallel_loop3A_269 = arith.constant 0 : index
        %parallel_loop3A_270 = tpu.vector_load %arg10[%parallel_loop3A_267, %parallel_loop3A_268, %parallel_loop3A_269] {strides = array<i32>} : memref<3x128x16xf32, #tpu.memory_space<vmem>>, vector<16xf32>,
        %parallel_loop3A_271 = arith.constant 2 : i32
        %parallel_loop3A_272 = arith.index_cast %parallel_loop3A_271 : i32 to index
        %parallel_loop3A_273 = arith.index_cast %parallel_loop3A_265 : i32 to index
        %parallel_loop3A_274 = arith.constant 32 : index
        %parallel_loop3A_275 = tpu.vector_load %arg9[%parallel_loop3A_272, %parallel_loop3A_273, %parallel_loop3A_274] {strides = array<i32>} : memref<3x128x48xf32, #tpu.memory_space<vmem>>, vector<16xf32>,
        %parallel_loop3A_276 = arith.constant 0 : i32
        %parallel_loop3A_277 = vector.broadcast %parallel_loop3A_276 : i32 to vector<16xi32>
        %parallel_loop3A_278 = arith.muli %iota3A, %parallel_loop3A_277 : vector<16xi32>
        %parallel_loop3A_279 = vector.shape_cast %parallel_loop3A_278 : vector<16xi32> to vector<16x1xi32>
        %parallel_loop3A_280 = vector.shape_cast %parallel_loop3A_279 : vector<16x1xi32> to vector<16xi32>
        %parallel_loop3A_281 = tpu.dynamic_gather %parallel_loop3A_270[%parallel_loop3A_280] in [0] : vector<16xf32>, vector<16xi32> -> vector<16xf32>
        %parallel_loop3A_282 = arith.constant 0 : i32
        %parallel_loop3A_283 = vector.broadcast %parallel_loop3A_282 : i32 to vector<16xi32>
        %parallel_loop3A_284 = arith.muli %iota3A, %parallel_loop3A_283 : vector<16xi32>
        %parallel_loop3A_285 = arith.constant 1 : i32
        %parallel_loop3A_286 = vector.broadcast %parallel_loop3A_285 : i32 to vector<16xi32>
        %parallel_loop3A_287 = arith.addi %parallel_loop3A_284, %parallel_loop3A_286 : vector<16xi32>
        %parallel_loop3A_288 = vector.shape_cast %parallel_loop3A_287 : vector<16xi32> to vector<16x1xi32>
        %parallel_loop3A_289 = vector.shape_cast %parallel_loop3A_288 : vector<16x1xi32> to vector<16xi32>
        %parallel_loop3A_290 = tpu.dynamic_gather %parallel_loop3A_270[%parallel_loop3A_289] in [0] : vector<16xf32>, vector<16xi32> -> vector<16xf32>
        %parallel_loop3A_291 = arith.constant 0 : i32
        %parallel_loop3A_292 = vector.broadcast %parallel_loop3A_291 : i32 to vector<16xi32>
        %parallel_loop3A_293 = arith.muli %iota3A, %parallel_loop3A_292 : vector<16xi32>
        %parallel_loop3A_294 = arith.constant 8 : i32
        %parallel_loop3A_295 = vector.broadcast %parallel_loop3A_294 : i32 to vector<16xi32>
        %parallel_loop3A_296 = arith.addi %parallel_loop3A_293, %parallel_loop3A_295 : vector<16xi32>
        %parallel_loop3A_297 = vector.shape_cast %parallel_loop3A_296 : vector<16xi32> to vector<16x1xi32>
        %parallel_loop3A_298 = vector.shape_cast %parallel_loop3A_297 : vector<16x1xi32> to vector<16xi32>
        %parallel_loop3A_299 = tpu.dynamic_gather %parallel_loop3A_275[%parallel_loop3A_298] in [0] : vector<16xf32>, vector<16xi32> -> vector<16xf32>
        %parallel_loop3A_300 = arith.addf %parallel_loop3A_299, %parallel_loop3A_281 : vector<16xf32>
        %parallel_loop3A_301 = arith.constant 2.000000e-01 : f32
        %parallel_loop3A_302 = vector.broadcast %parallel_loop3A_301 : f32 to vector<16xf32>
        %parallel_loop3A_303 = arith.mulf %parallel_loop3A_302, %parallel_loop3A_300 : vector<16xf32>
        %parallel_loop3A_304 = arith.maximumf %parallel_loop3A_300, %parallel_loop3A_303 : vector<16xf32>
        %parallel_loop3A_305 = arith.subf %parallel_loop3A_304, %parallel_loop3A_290 : vector<16xf32>
        %parallel_loop3A_306 = math.exp %parallel_loop3A_305 : vector<16xf32>
        %parallel_loop3A_307 = arith.constant 8 : i32
        %parallel_loop3A_308 = vector.broadcast %parallel_loop3A_307 : i32 to vector<16xi32>
        %parallel_loop3A_309 = arith.cmpi eq, %iota3A, %parallel_loop3A_308 : vector<16xi32>
        %parallel_loop3A_310 = arith.constant 1.000000e+00 : f32
        %parallel_loop3A_311 = vector.broadcast %parallel_loop3A_310 : f32 to vector<16xf32>
        %parallel_loop3A_312 = arith.select %parallel_loop3A_309, %parallel_loop3A_311, %parallel_loop3A_275 : vector<16xi1>, vector<16xf32>
        %parallel_loop3A_313 = arith.mulf %parallel_loop3A_312, %parallel_loop3A_306 : vector<16xf32>
        %parallel_loop3A_314 = arith.constant 2 : i32
        %parallel_loop3A_315 = arith.index_cast %parallel_loop3A_314 : i32 to index
        %parallel_loop3A_316 = arith.index_cast %parallel_loop3A_265 : i32 to index
        %parallel_loop3A_317 = arith.constant 32 : index
        %parallel_loop3A_318 = tpu.vector_load %arg11[%parallel_loop3A_315, %parallel_loop3A_316, %parallel_loop3A_317] {strides = array<i32>} : memref<3x128x48xf32, #tpu.memory_space<vmem>>, vector<16xf32>,
        tpu.vector_store %arg11[%parallel_loop3A_315, %parallel_loop3A_316, %parallel_loop3A_317], %parallel_loop3A_313 {strides = array<i32>} : memref<3x128x48xf32, #tpu.memory_space<vmem>>, vector<16xf32>,
        %parallel_loop3A_319 = arith.constant 2 : i32
        %parallel_loop3A_320 = arith.index_cast %parallel_loop3A_319 : i32 to index
        %parallel_loop3A_321 = arith.index_cast %parallel_loop3A_265 : i32 to index
        %parallel_loop3A_322 = arith.constant 0 : index
        %parallel_loop3A_323 = tpu.vector_load %arg9[%parallel_loop3A_320, %parallel_loop3A_321, %parallel_loop3A_322] {strides = array<i32>} : memref<3x128x48xf32, #tpu.memory_space<vmem>>, vector<16xf32>,
        %parallel_loop3A_324 = arith.mulf %parallel_loop3A_323, %parallel_loop3A_306 : vector<16xf32>
        %parallel_loop3A_325 = arith.constant 2 : i32
        %parallel_loop3A_326 = arith.index_cast %parallel_loop3A_325 : i32 to index
        %parallel_loop3A_327 = arith.index_cast %parallel_loop3A_265 : i32 to index
        %parallel_loop3A_328 = arith.constant 0 : index
        %parallel_loop3A_329 = tpu.vector_load %arg11[%parallel_loop3A_326, %parallel_loop3A_327, %parallel_loop3A_328] {strides = array<i32>} : memref<3x128x48xf32, #tpu.memory_space<vmem>>, vector<16xf32>,
        tpu.vector_store %arg11[%parallel_loop3A_326, %parallel_loop3A_327, %parallel_loop3A_328], %parallel_loop3A_324 {strides = array<i32>} : memref<3x128x48xf32, #tpu.memory_space<vmem>>, vector<16xf32>,
        %parallel_loop3A_330 = arith.constant 2 : i32
        %parallel_loop3A_331 = arith.index_cast %parallel_loop3A_330 : i32 to index
        %parallel_loop3A_332 = arith.index_cast %parallel_loop3A_265 : i32 to index
        %parallel_loop3A_333 = arith.constant 16 : index
        %parallel_loop3A_334 = tpu.vector_load %arg9[%parallel_loop3A_331, %parallel_loop3A_332, %parallel_loop3A_333] {strides = array<i32>} : memref<3x128x48xf32, #tpu.memory_space<vmem>>, vector<16xf32>,
        %parallel_loop3A_335 = arith.mulf %parallel_loop3A_334, %parallel_loop3A_306 : vector<16xf32>
        %parallel_loop3A_336 = arith.constant 2 : i32
        %parallel_loop3A_337 = arith.index_cast %parallel_loop3A_336 : i32 to index
        %parallel_loop3A_338 = arith.index_cast %parallel_loop3A_265 : i32 to index
        %parallel_loop3A_339 = arith.constant 16 : index
        %parallel_loop3A_340 = tpu.vector_load %arg11[%parallel_loop3A_337, %parallel_loop3A_338, %parallel_loop3A_339] {strides = array<i32>} : memref<3x128x48xf32, #tpu.memory_space<vmem>>, vector<16xf32>,
        tpu.vector_store %arg11[%parallel_loop3A_337, %parallel_loop3A_338, %parallel_loop3A_339], %parallel_loop3A_335 {strides = array<i32>} : memref<3x128x48xf32, #tpu.memory_space<vmem>>, vector<16xf32>,
      } {sc.loop_unroll_factor = 8 : i64, sc.parallel_access}
      %dma_start3A_247 = arith.constant 2 : i32
      %dma_start3A_248 = arith.constant 0 : i32
      %dma_start3A_249 = arith.constant 0 : i32
      %dma_start3A_250 = tpu.memref_slice %arg11[%dma_start3A_247, %dma_start3A_248, %dma_start3A_249] : memref<3x128x48xf32, #tpu.memory_space<vmem>> -> memref<1x128x48xf32, #tpu.memory_space<vmem>>
      %dma_start3A_251 = tpu.memref_squeeze %dma_start3A_250 : memref<1x128x48xf32, #tpu.memory_space<vmem>> -> memref<128x48xf32, #tpu.memory_space<vmem>>
      %dma_start3A_252 = arith.constant 0 : i32
      %dma_start3A_253 = tpu.memref_slice %arg8[%add3A_221, %dma_start3A_252] : memref<81x128xi32, #tpu.memory_space<vmem>> -> memref<1x128xi32, #tpu.memory_space<vmem>>
      %dma_start3A_254 = tpu.memref_squeeze %dma_start3A_253 : memref<1x128xi32, #tpu.memory_space<vmem>> -> memref<128xi32, #tpu.memory_space<vmem>>
      %dma_start3A_255 = arith.constant 0 : i32
      %dma_start3A_256 = arith.constant 0 : i32
      %dma_start3A_257 = tpu.memref_slice %arg12[%dma_start3A_255, %dma_start3A_256] : memref<10112x48xf32, #tpu.memory_space<vmem_shared>> -> memref<10112x48xf32, #tpu.memory_space<vmem_shared>>
      tpu.enqueue_indirect_dma source(%dma_start3A_251 : memref<128x48xf32, #tpu.memory_space<vmem>>) target(%dma_start3A_257 : memref<10112x48xf32, #tpu.memory_space<vmem_shared>>) offsets(%dma_start3A_254 : memref<128xi32, #tpu.memory_space<vmem>>) semaphore(%arg21 : memref<!tpu.dma_semaphore, #tpu.memory_space<semaphore_mem>>) {add = true}
      %add3A_258 = arith.constant 2 : i32
      %add3A_259 = arith.addi %add3A_221, %add3A_258 : i32
      %lt3A_260 = arith.constant 81 : i32
      %lt3A_261 = arith.cmpi slt, %add3A_259, %lt3A_260 : i32
      %convert_element_type3A_262 = arith.extui %lt3A_261 : i1 to i32
      %cond3A_263 = arith.constant 0 : i32
      %cond3A_264 = arith.cmpi ne, %convert_element_type3A_262, %cond3A_263 : i32
      scf.if %cond3A_264 {
        %ge3A = arith.constant 1 : i32
        %ge3A_265 = arith.cmpi sge, %add3A_221, %ge3A : i32
        %convert_element_type3A_266 = arith.extui %ge3A_265 : i1 to i32
        %cond3A_267 = arith.constant 0 : i32
        %cond3A_268 = arith.cmpi ne, %convert_element_type3A_266, %cond3A_267 : i32
        scf.if %cond3A_268 {
          %sub3A = arith.constant 1 : i32
          %sub3A_291 = arith.subi %add3A_221, %sub3A : i32
          %dma_wait3A_292 = arith.constant 1 : i32
          %dma_wait3A_293 = arith.constant 0 : i32
          %dma_wait3A_294 = arith.constant 0 : i32
          %dma_wait3A_295 = tpu.memref_slice %arg11[%dma_wait3A_292, %dma_wait3A_293, %dma_wait3A_294] : memref<3x128x48xf32, #tpu.memory_space<vmem>> -> memref<1x128x48xf32, #tpu.memory_space<vmem>>
          %dma_wait3A_296 = tpu.memref_squeeze %dma_wait3A_295 : memref<1x128x48xf32, #tpu.memory_space<vmem>> -> memref<128x48xf32, #tpu.memory_space<vmem>>
          %dma_wait3A_297 = arith.constant 0 : i32
          %dma_wait3A_298 = tpu.memref_slice %arg8[%sub3A_291, %dma_wait3A_297] : memref<81x128xi32, #tpu.memory_space<vmem>> -> memref<1x128xi32, #tpu.memory_space<vmem>>
          %dma_wait3A_299 = tpu.memref_squeeze %dma_wait3A_298 : memref<1x128xi32, #tpu.memory_space<vmem>> -> memref<128xi32, #tpu.memory_space<vmem>>
          %dma_wait3A_300 = arith.constant 0 : i32
          %dma_wait3A_301 = arith.constant 0 : i32
          %dma_wait3A_302 = tpu.memref_slice %arg12[%dma_wait3A_300, %dma_wait3A_301] : memref<10112x48xf32, #tpu.memory_space<vmem_shared>> -> memref<10112x48xf32, #tpu.memory_space<vmem_shared>>
          tpu.wait_indirect_dma semaphore(%arg20 : memref<!tpu.dma_semaphore, #tpu.memory_space<semaphore_mem>>) src(%dma_wait3A_296 : memref<128x48xf32, #tpu.memory_space<vmem>>) dst(%dma_wait3A_302 : memref<10112x48xf32, #tpu.memory_space<vmem_shared>>)
        } else {
        }
        %dma_start3A_269 = arith.constant 1 : i32
        %dma_start3A_270 = arith.constant 0 : i32
        %dma_start3A_271 = arith.constant 0 : i32
        %dma_start3A_272 = tpu.memref_slice %arg9[%dma_start3A_269, %dma_start3A_270, %dma_start3A_271] : memref<3x128x48xf32, #tpu.memory_space<vmem>> -> memref<1x128x48xf32, #tpu.memory_space<vmem>>
        %dma_start3A_273 = tpu.memref_squeeze %dma_start3A_272 : memref<1x128x48xf32, #tpu.memory_space<vmem>> -> memref<128x48xf32, #tpu.memory_space<vmem>>
        %dma_start3A_274 = arith.constant 0 : i32
        %dma_start3A_275 = tpu.memref_slice %arg7[%add3A_259, %dma_start3A_274] : memref<81x128xi32, #tpu.memory_space<vmem>> -> memref<1x128xi32, #tpu.memory_space<vmem>>
        %dma_start3A_276 = tpu.memref_squeeze %dma_start3A_275 : memref<1x128xi32, #tpu.memory_space<vmem>> -> memref<128xi32, #tpu.memory_space<vmem>>
        %dma_start3A_277 = arith.constant 0 : i32
        %dma_start3A_278 = arith.constant 0 : i32
        %dma_start3A_279 = tpu.memref_slice %arg2[%dma_start3A_277, %dma_start3A_278] : memref<10112x48xf32, #tpu.memory_space<hbm>> -> memref<10112x48xf32, #tpu.memory_space<hbm>>
        tpu.enqueue_indirect_dma source(%dma_start3A_279 : memref<10112x48xf32, #tpu.memory_space<hbm>>) target(%dma_start3A_273 : memref<128x48xf32, #tpu.memory_space<vmem>>) offsets(%dma_start3A_276 : memref<128xi32, #tpu.memory_space<vmem>>) semaphore(%arg14 : memref<!tpu.dma_semaphore, #tpu.memory_space<semaphore_mem>>)
        %dma_start3A_280 = arith.constant 1 : i32
        %dma_start3A_281 = arith.constant 0 : i32
        %dma_start3A_282 = arith.constant 0 : i32
        %dma_start3A_283 = tpu.memref_slice %arg10[%dma_start3A_280, %dma_start3A_281, %dma_start3A_282] : memref<3x128x16xf32, #tpu.memory_space<vmem>> -> memref<1x128x16xf32, #tpu.memory_space<vmem>>
        %dma_start3A_284 = tpu.memref_squeeze %dma_start3A_283 : memref<1x128x16xf32, #tpu.memory_space<vmem>> -> memref<128x16xf32, #tpu.memory_space<vmem>>
        %dma_start3A_285 = arith.constant 0 : i32
        %dma_start3A_286 = tpu.memref_slice %arg8[%add3A_259, %dma_start3A_285] : memref<81x128xi32, #tpu.memory_space<vmem>> -> memref<1x128xi32, #tpu.memory_space<vmem>>
        %dma_start3A_287 = tpu.memref_squeeze %dma_start3A_286 : memref<1x128xi32, #tpu.memory_space<vmem>> -> memref<128xi32, #tpu.memory_space<vmem>>
        %dma_start3A_288 = arith.constant 0 : i32
        %dma_start3A_289 = arith.constant 0 : i32
        %dma_start3A_290 = tpu.memref_slice %arg3[%dma_start3A_288, %dma_start3A_289] : memref<10112x16xf32, #tpu.memory_space<hbm>> -> memref<10112x16xf32, #tpu.memory_space<hbm>>
        tpu.enqueue_indirect_dma source(%dma_start3A_290 : memref<10112x16xf32, #tpu.memory_space<hbm>>) target(%dma_start3A_284 : memref<128x16xf32, #tpu.memory_space<vmem>>) offsets(%dma_start3A_287 : memref<128xi32, #tpu.memory_space<vmem>>) semaphore(%arg17 : memref<!tpu.dma_semaphore, #tpu.memory_space<semaphore_mem>>)
      } else {
      }
    }
    %scan3A_74 = arith.constant 27 : i32
    %dma_wait3A = arith.constant 0 : i32
    %dma_wait3A_75 = arith.constant 78 : i32
    %dma_wait3A_76 = arith.constant 0 : i32
    %dma_wait3A_77 = arith.constant 0 : i32
    %dma_wait3A_78 = tpu.memref_slice %arg11[%dma_wait3A, %dma_wait3A_76, %dma_wait3A_77] : memref<3x128x48xf32, #tpu.memory_space<vmem>> -> memref<1x128x48xf32, #tpu.memory_space<vmem>>
    %dma_wait3A_79 = tpu.memref_squeeze %dma_wait3A_78 : memref<1x128x48xf32, #tpu.memory_space<vmem>> -> memref<128x48xf32, #tpu.memory_space<vmem>>
    %dma_wait3A_80 = arith.constant 0 : i32
    %dma_wait3A_81 = tpu.memref_slice %arg8[%dma_wait3A_75, %dma_wait3A_80] : memref<81x128xi32, #tpu.memory_space<vmem>> -> memref<1x128xi32, #tpu.memory_space<vmem>>
    %dma_wait3A_82 = tpu.memref_squeeze %dma_wait3A_81 : memref<1x128xi32, #tpu.memory_space<vmem>> -> memref<128xi32, #tpu.memory_space<vmem>>
    %dma_wait3A_83 = arith.constant 0 : i32
    %dma_wait3A_84 = arith.constant 0 : i32
    %dma_wait3A_85 = tpu.memref_slice %arg12[%dma_wait3A_83, %dma_wait3A_84] : memref<10112x48xf32, #tpu.memory_space<vmem_shared>> -> memref<10112x48xf32, #tpu.memory_space<vmem_shared>>
    tpu.wait_indirect_dma semaphore(%arg19 : memref<!tpu.dma_semaphore, #tpu.memory_space<semaphore_mem>>) src(%dma_wait3A_79 : memref<128x48xf32, #tpu.memory_space<vmem>>) dst(%dma_wait3A_85 : memref<10112x48xf32, #tpu.memory_space<vmem_shared>>)
    %dma_wait3A_86 = arith.constant 1 : i32
    %dma_wait3A_87 = arith.constant 79 : i32
    %dma_wait3A_88 = arith.constant 0 : i32
    %dma_wait3A_89 = arith.constant 0 : i32
    %dma_wait3A_90 = tpu.memref_slice %arg11[%dma_wait3A_86, %dma_wait3A_88, %dma_wait3A_89] : memref<3x128x48xf32, #tpu.memory_space<vmem>> -> memref<1x128x48xf32, #tpu.memory_space<vmem>>
    %dma_wait3A_91 = tpu.memref_squeeze %dma_wait3A_90 : memref<1x128x48xf32, #tpu.memory_space<vmem>> -> memref<128x48xf32, #tpu.memory_space<vmem>>
    %dma_wait3A_92 = arith.constant 0 : i32
    %dma_wait3A_93 = tpu.memref_slice %arg8[%dma_wait3A_87, %dma_wait3A_92] : memref<81x128xi32, #tpu.memory_space<vmem>> -> memref<1x128xi32, #tpu.memory_space<vmem>>
    %dma_wait3A_94 = tpu.memref_squeeze %dma_wait3A_93 : memref<1x128xi32, #tpu.memory_space<vmem>> -> memref<128xi32, #tpu.memory_space<vmem>>
    %dma_wait3A_95 = arith.constant 0 : i32
    %dma_wait3A_96 = arith.constant 0 : i32
    %dma_wait3A_97 = tpu.memref_slice %arg12[%dma_wait3A_95, %dma_wait3A_96] : memref<10112x48xf32, #tpu.memory_space<vmem_shared>> -> memref<10112x48xf32, #tpu.memory_space<vmem_shared>>
    tpu.wait_indirect_dma semaphore(%arg20 : memref<!tpu.dma_semaphore, #tpu.memory_space<semaphore_mem>>) src(%dma_wait3A_91 : memref<128x48xf32, #tpu.memory_space<vmem>>) dst(%dma_wait3A_97 : memref<10112x48xf32, #tpu.memory_space<vmem_shared>>)
    %dma_wait3A_98 = arith.constant 2 : i32
    %dma_wait3A_99 = arith.constant 80 : i32
    %dma_wait3A_100 = arith.constant 0 : i32
    %dma_wait3A_101 = arith.constant 0 : i32
    %dma_wait3A_102 = tpu.memref_slice %arg11[%dma_wait3A_98, %dma_wait3A_100, %dma_wait3A_101] : memref<3x128x48xf32, #tpu.memory_space<vmem>> -> memref<1x128x48xf32, #tpu.memory_space<vmem>>
    %dma_wait3A_103 = tpu.memref_squeeze %dma_wait3A_102 : memref<1x128x48xf32, #tpu.memory_space<vmem>> -> memref<128x48xf32, #tpu.memory_space<vmem>>
    %dma_wait3A_104 = arith.constant 0 : i32
    %dma_wait3A_105 = tpu.memref_slice %arg8[%dma_wait3A_99, %dma_wait3A_104] : memref<81x128xi32, #tpu.memory_space<vmem>> -> memref<1x128xi32, #tpu.memory_space<vmem>>
    %dma_wait3A_106 = tpu.memref_squeeze %dma_wait3A_105 : memref<1x128xi32, #tpu.memory_space<vmem>> -> memref<128xi32, #tpu.memory_space<vmem>>
    %dma_wait3A_107 = arith.constant 0 : i32
    %dma_wait3A_108 = arith.constant 0 : i32
    %dma_wait3A_109 = tpu.memref_slice %arg12[%dma_wait3A_107, %dma_wait3A_108] : memref<10112x48xf32, #tpu.memory_space<vmem_shared>> -> memref<10112x48xf32, #tpu.memory_space<vmem_shared>>
    tpu.wait_indirect_dma semaphore(%arg21 : memref<!tpu.dma_semaphore, #tpu.memory_space<semaphore_mem>>) src(%dma_wait3A_103 : memref<128x48xf32, #tpu.memory_space<vmem>>) dst(%dma_wait3A_109 : memref<10112x48xf32, #tpu.memory_space<vmem_shared>>)
    %barrier3A_110 = arith.constant 0 : index
    tpu.barrier barrier_id(%barrier3A_110)
    %add3A_111 = arith.constant 0 : i32
    %add3A_112 = arith.addi %mul3A_8, %add3A_111 : i32
    %add3A_113 = arith.constant 0 : i32
    %add3A_114 = arith.addi %mul3A_8, %add3A_113 : i32
    "tpu.region"() ({
      %run_scoped3A_131 = tpu.sem_alloc : memref<!tpu.dma_semaphore, #tpu.memory_space<semaphore_mem>>
      %dma_start3A_132 = arith.constant 0 : i32
      %dma_start3A_133 = tpu.memref_slice %arg6[%arg0, %add3A_114, %dma_start3A_132] : memref<2x10112x48xf32, #tpu.memory_space<hbm>> -> memref<1x128x48xf32, #tpu.memory_space<hbm>>
      %dma_start3A_134 = tpu.memref_squeeze %dma_start3A_133 : memref<1x128x48xf32, #tpu.memory_space<hbm>> -> memref<128x48xf32, #tpu.memory_space<hbm>>
      %dma_start3A_135 = arith.constant 0 : i32
      %dma_start3A_136 = tpu.memref_slice %arg12[%add3A_112, %dma_start3A_135] : memref<10112x48xf32, #tpu.memory_space<vmem_shared>> -> memref<128x48xf32, #tpu.memory_space<vmem_shared>>
      tpu.enqueue_dma source(%dma_start3A_136 : memref<128x48xf32, #tpu.memory_space<vmem_shared>>) target(%dma_start3A_134 : memref<128x48xf32, #tpu.memory_space<hbm>>) target_semaphore(%run_scoped3A_131 : memref<!tpu.dma_semaphore, #tpu.memory_space<semaphore_mem>>)
      %dma_wait3A_137 = arith.constant 0 : i32
      %dma_wait3A_138 = tpu.memref_slice %arg6[%arg0, %add3A_114, %dma_wait3A_137] : memref<2x10112x48xf32, #tpu.memory_space<hbm>> -> memref<1x128x48xf32, #tpu.memory_space<hbm>>
      %dma_wait3A_139 = tpu.memref_squeeze %dma_wait3A_138 : memref<1x128x48xf32, #tpu.memory_space<hbm>> -> memref<128x48xf32, #tpu.memory_space<hbm>>
      %dma_wait3A_140 = arith.constant 0 : i32
      %dma_wait3A_141 = tpu.memref_slice %arg12[%add3A_112, %dma_wait3A_140] : memref<10112x48xf32, #tpu.memory_space<vmem_shared>> -> memref<128x48xf32, #tpu.memory_space<vmem_shared>>
      tpu.wait_dma2 semaphore(%run_scoped3A_131 : memref<!tpu.dma_semaphore, #tpu.memory_space<semaphore_mem>>) src(%dma_wait3A_141 : memref<128x48xf32, #tpu.memory_space<vmem_shared>>) dst(%dma_wait3A_139 : memref<128x48xf32, #tpu.memory_space<hbm>>)
      tpu.yield
    }) : () -> ()
    %add3A_115 = arith.constant 128 : i32
    %add3A_116 = arith.addi %mul3A_8, %add3A_115 : i32
    %add3A_117 = arith.constant 128 : i32
    %add3A_118 = arith.addi %mul3A_8, %add3A_117 : i32
    "tpu.region"() ({
      %run_scoped3A_131 = tpu.sem_alloc : memref<!tpu.dma_semaphore, #tpu.memory_space<semaphore_mem>>
      %dma_start3A_132 = arith.constant 0 : i32
      %dma_start3A_133 = tpu.memref_slice %arg6[%arg0, %add3A_118, %dma_start3A_132] : memref<2x10112x48xf32, #tpu.memory_space<hbm>> -> memref<1x128x48xf32, #tpu.memory_space<hbm>>
      %dma_start3A_134 = tpu.memref_squeeze %dma_start3A_133 : memref<1x128x48xf32, #tpu.memory_space<hbm>> -> memref<128x48xf32, #tpu.memory_space<hbm>>
      %dma_start3A_135 = arith.constant 0 : i32
      %dma_start3A_136 = tpu.memref_slice %arg12[%add3A_116, %dma_start3A_135] : memref<10112x48xf32, #tpu.memory_space<vmem_shared>> -> memref<128x48xf32, #tpu.memory_space<vmem_shared>>
      tpu.enqueue_dma source(%dma_start3A_136 : memref<128x48xf32, #tpu.memory_space<vmem_shared>>) target(%dma_start3A_134 : memref<128x48xf32, #tpu.memory_space<hbm>>) target_semaphore(%run_scoped3A_131 : memref<!tpu.dma_semaphore, #tpu.memory_space<semaphore_mem>>)
      %dma_wait3A_137 = arith.constant 0 : i32
      %dma_wait3A_138 = tpu.memref_slice %arg6[%arg0, %add3A_118, %dma_wait3A_137] : memref<2x10112x48xf32, #tpu.memory_space<hbm>> -> memref<1x128x48xf32, #tpu.memory_space<hbm>>
      %dma_wait3A_139 = tpu.memref_squeeze %dma_wait3A_138 : memref<1x128x48xf32, #tpu.memory_space<hbm>> -> memref<128x48xf32, #tpu.memory_space<hbm>>
      %dma_wait3A_140 = arith.constant 0 : i32
      %dma_wait3A_141 = tpu.memref_slice %arg12[%add3A_116, %dma_wait3A_140] : memref<10112x48xf32, #tpu.memory_space<vmem_shared>> -> memref<128x48xf32, #tpu.memory_space<vmem_shared>>
      tpu.wait_dma2 semaphore(%run_scoped3A_131 : memref<!tpu.dma_semaphore, #tpu.memory_space<semaphore_mem>>) src(%dma_wait3A_141 : memref<128x48xf32, #tpu.memory_space<vmem_shared>>) dst(%dma_wait3A_139 : memref<128x48xf32, #tpu.memory_space<hbm>>)
      tpu.yield
    }) : () -> ()
    %add3A_119 = arith.constant 256 : i32
    %add3A_120 = arith.addi %mul3A_8, %add3A_119 : i32
    %add3A_121 = arith.constant 256 : i32
    %add3A_122 = arith.addi %mul3A_8, %add3A_121 : i32
    "tpu.region"() ({
      %run_scoped3A_131 = tpu.sem_alloc : memref<!tpu.dma_semaphore, #tpu.memory_space<semaphore_mem>>
      %dma_start3A_132 = arith.constant 0 : i32
      %dma_start3A_133 = tpu.memref_slice %arg6[%arg0, %add3A_122, %dma_start3A_132] : memref<2x10112x48xf32, #tpu.memory_space<hbm>> -> memref<1x128x48xf32, #tpu.memory_space<hbm>>
      %dma_start3A_134 = tpu.memref_squeeze %dma_start3A_133 : memref<1x128x48xf32, #tpu.memory_space<hbm>> -> memref<128x48xf32, #tpu.memory_space<hbm>>
      %dma_start3A_135 = arith.constant 0 : i32
      %dma_start3A_136 = tpu.memref_slice %arg12[%add3A_120, %dma_start3A_135] : memref<10112x48xf32, #tpu.memory_space<vmem_shared>> -> memref<128x48xf32, #tpu.memory_space<vmem_shared>>
      tpu.enqueue_dma source(%dma_start3A_136 : memref<128x48xf32, #tpu.memory_space<vmem_shared>>) target(%dma_start3A_134 : memref<128x48xf32, #tpu.memory_space<hbm>>) target_semaphore(%run_scoped3A_131 : memref<!tpu.dma_semaphore, #tpu.memory_space<semaphore_mem>>)
      %dma_wait3A_137 = arith.constant 0 : i32
      %dma_wait3A_138 = tpu.memref_slice %arg6[%arg0, %add3A_122, %dma_wait3A_137] : memref<2x10112x48xf32, #tpu.memory_space<hbm>> -> memref<1x128x48xf32, #tpu.memory_space<hbm>>
      %dma_wait3A_139 = tpu.memref_squeeze %dma_wait3A_138 : memref<1x128x48xf32, #tpu.memory_space<hbm>> -> memref<128x48xf32, #tpu.memory_space<hbm>>
      %dma_wait3A_140 = arith.constant 0 : i32
      %dma_wait3A_141 = tpu.memref_slice %arg12[%add3A_120, %dma_wait3A_140] : memref<10112x48xf32, #tpu.memory_space<vmem_shared>> -> memref<128x48xf32, #tpu.memory_space<vmem_shared>>
      tpu.wait_dma2 semaphore(%run_scoped3A_131 : memref<!tpu.dma_semaphore, #tpu.memory_space<semaphore_mem>>) src(%dma_wait3A_141 : memref<128x48xf32, #tpu.memory_space<vmem_shared>>) dst(%dma_wait3A_139 : memref<128x48xf32, #tpu.memory_space<hbm>>)
      tpu.yield
    }) : () -> ()
    %add3A_123 = arith.constant 384 : i32
    %add3A_124 = arith.addi %mul3A_8, %add3A_123 : i32
    %add3A_125 = arith.constant 384 : i32
    %add3A_126 = arith.addi %mul3A_8, %add3A_125 : i32
    "tpu.region"() ({
      %run_scoped3A_131 = tpu.sem_alloc : memref<!tpu.dma_semaphore, #tpu.memory_space<semaphore_mem>>
      %dma_start3A_132 = arith.constant 0 : i32
      %dma_start3A_133 = tpu.memref_slice %arg6[%arg0, %add3A_126, %dma_start3A_132] : memref<2x10112x48xf32, #tpu.memory_space<hbm>> -> memref<1x128x48xf32, #tpu.memory_space<hbm>>
      %dma_start3A_134 = tpu.memref_squeeze %dma_start3A_133 : memref<1x128x48xf32, #tpu.memory_space<hbm>> -> memref<128x48xf32, #tpu.memory_space<hbm>>
      %dma_start3A_135 = arith.constant 0 : i32
      %dma_start3A_136 = tpu.memref_slice %arg12[%add3A_124, %dma_start3A_135] : memref<10112x48xf32, #tpu.memory_space<vmem_shared>> -> memref<128x48xf32, #tpu.memory_space<vmem_shared>>
      tpu.enqueue_dma source(%dma_start3A_136 : memref<128x48xf32, #tpu.memory_space<vmem_shared>>) target(%dma_start3A_134 : memref<128x48xf32, #tpu.memory_space<hbm>>) target_semaphore(%run_scoped3A_131 : memref<!tpu.dma_semaphore, #tpu.memory_space<semaphore_mem>>)
      %dma_wait3A_137 = arith.constant 0 : i32
      %dma_wait3A_138 = tpu.memref_slice %arg6[%arg0, %add3A_126, %dma_wait3A_137] : memref<2x10112x48xf32, #tpu.memory_space<hbm>> -> memref<1x128x48xf32, #tpu.memory_space<hbm>>
      %dma_wait3A_139 = tpu.memref_squeeze %dma_wait3A_138 : memref<1x128x48xf32, #tpu.memory_space<hbm>> -> memref<128x48xf32, #tpu.memory_space<hbm>>
      %dma_wait3A_140 = arith.constant 0 : i32
      %dma_wait3A_141 = tpu.memref_slice %arg12[%add3A_124, %dma_wait3A_140] : memref<10112x48xf32, #tpu.memory_space<vmem_shared>> -> memref<128x48xf32, #tpu.memory_space<vmem_shared>>
      tpu.wait_dma2 semaphore(%run_scoped3A_131 : memref<!tpu.dma_semaphore, #tpu.memory_space<semaphore_mem>>) src(%dma_wait3A_141 : memref<128x48xf32, #tpu.memory_space<vmem_shared>>) dst(%dma_wait3A_139 : memref<128x48xf32, #tpu.memory_space<hbm>>)
      tpu.yield
    }) : () -> ()
    %add3A_127 = arith.constant 512 : i32
    %add3A_128 = arith.addi %mul3A_8, %add3A_127 : i32
    %add3A_129 = arith.constant 512 : i32
    %add3A_130 = arith.addi %mul3A_8, %add3A_129 : i32
    "tpu.region"() ({
      %run_scoped3A_131 = tpu.sem_alloc : memref<!tpu.dma_semaphore, #tpu.memory_space<semaphore_mem>>
      %dma_start3A_132 = arith.constant 0 : i32
      %dma_start3A_133 = tpu.memref_slice %arg6[%arg0, %add3A_130, %dma_start3A_132] : memref<2x10112x48xf32, #tpu.memory_space<hbm>> -> memref<1x120x48xf32, #tpu.memory_space<hbm>>
      %dma_start3A_134 = tpu.memref_squeeze %dma_start3A_133 : memref<1x120x48xf32, #tpu.memory_space<hbm>> -> memref<120x48xf32, #tpu.memory_space<hbm>>
      %dma_start3A_135 = arith.constant 0 : i32
      %dma_start3A_136 = tpu.memref_slice %arg12[%add3A_128, %dma_start3A_135] : memref<10112x48xf32, #tpu.memory_space<vmem_shared>> -> memref<120x48xf32, #tpu.memory_space<vmem_shared>>
      tpu.enqueue_dma source(%dma_start3A_136 : memref<120x48xf32, #tpu.memory_space<vmem_shared>>) target(%dma_start3A_134 : memref<120x48xf32, #tpu.memory_space<hbm>>) target_semaphore(%run_scoped3A_131 : memref<!tpu.dma_semaphore, #tpu.memory_space<semaphore_mem>>)
      %dma_wait3A_137 = arith.constant 0 : i32
      %dma_wait3A_138 = tpu.memref_slice %arg6[%arg0, %add3A_130, %dma_wait3A_137] : memref<2x10112x48xf32, #tpu.memory_space<hbm>> -> memref<1x120x48xf32, #tpu.memory_space<hbm>>
      %dma_wait3A_139 = tpu.memref_squeeze %dma_wait3A_138 : memref<1x120x48xf32, #tpu.memory_space<hbm>> -> memref<120x48xf32, #tpu.memory_space<hbm>>
      %dma_wait3A_140 = arith.constant 0 : i32
      %dma_wait3A_141 = tpu.memref_slice %arg12[%add3A_128, %dma_wait3A_140] : memref<10112x48xf32, #tpu.memory_space<vmem_shared>> -> memref<120x48xf32, #tpu.memory_space<vmem_shared>>
      tpu.wait_dma2 semaphore(%run_scoped3A_131 : memref<!tpu.dma_semaphore, #tpu.memory_space<semaphore_mem>>) src(%dma_wait3A_141 : memref<120x48xf32, #tpu.memory_space<vmem_shared>>) dst(%dma_wait3A_139 : memref<120x48xf32, #tpu.memory_space<hbm>>)
      tpu.yield
    }) : () -> ()
    return
  }
}

#map = affine_map<(d0, d1) -> (0, 0)>
#map1 = affine_map<(d0, d1) -> (0, 0, 0)>
module attributes {stable_mosaic.version = 14 : i64} {
  func.func @body(%arg0: i32, %arg1: i32, %arg2: memref<10112x48xf32, #tpu.memory_space<hbm>>, %arg3: memref<10112x16xf32, #tpu.memory_space<hbm>>, %arg4: memref<2592x128xi32, #tpu.memory_space<hbm>>, %arg5: memref<2592x128xi32, #tpu.memory_space<hbm>>, %arg6: memref<2x10112x80xf32, #tpu.memory_space<hbm>>, %arg7: memref<81x128xi32, #tpu.memory_space<vmem>>, %arg8: memref<81x128xi32, #tpu.memory_space<vmem>>, %arg9: memref<3x128x48xf32, #tpu.memory_space<vmem>>, %arg10: memref<3x128x16xf32, #tpu.memory_space<vmem>>, %arg11: memref<3x128x80xf32, #tpu.memory_space<vmem>>, %arg12: memref<10112x80xf32, #tpu.memory_space<vmem_shared>>, %arg13: memref<!tpu.dma_semaphore, #tpu.memory_space<semaphore_mem>>, %arg14: memref<!tpu.dma_semaphore, #tpu.memory_space<semaphore_mem>>, %arg15: memref<!tpu.dma_semaphore, #tpu.memory_space<semaphore_mem>>, %arg16: memref<!tpu.dma_semaphore, #tpu.memory_space<semaphore_mem>>, %arg17: memref<!tpu.dma_semaphore, #tpu.memory_space<semaphore_mem>>, %arg18: memref<!tpu.dma_semaphore, #tpu.memory_space<semaphore_mem>>, %arg19: memref<!tpu.dma_semaphore, #tpu.memory_space<semaphore_mem>>, %arg20: memref<!tpu.dma_semaphore, #tpu.memory_space<semaphore_mem>>, %arg21: memref<!tpu.dma_semaphore, #tpu.memory_space<semaphore_mem>>) attributes {dimension_semantics = [#tpu.dimension_semantics<core_parallel>, #tpu.dimension_semantics<subcore_parallel>], iteration_bounds = array<i64: 2, 16>, scalar_prefetch = 0 : i64, scratch_operands = 15 : i64, tpu.core_type = #tpu.core_type<sc_vector_subcore>, window_params = [{transform_indices = #map}, {transform_indices = #map}, {transform_indices = #map}, {transform_indices = #map}, {transform_indices = #map1}]} {
    %mul3A = arith.constant 2 : i32
    %mul3A_0 = arith.muli %arg1, %mul3A : i32
    %add3A = arith.addi %mul3A_0, %arg0 : i32
    %iota3A = tpu.iota {dimensions = array<i32: 0>} : vector<16xi32>
    %mul3A_1 = arith.constant 81 : i32
    %mul3A_2 = arith.muli %add3A, %mul3A_1 : i32
    "tpu.region"() ({
      %run_scoped3A_131 = tpu.sem_alloc : memref<!tpu.dma_semaphore, #tpu.memory_space<semaphore_mem>>
      %dma_start3A_132 = arith.constant 0 : i32
      %dma_start3A_133 = tpu.memref_slice %arg4[%mul3A_2, %dma_start3A_132] : memref<2592x128xi32, #tpu.memory_space<hbm>> -> memref<81x128xi32, #tpu.memory_space<hbm>>
      %dma_start3A_134 = arith.constant 0 : i32
      %dma_start3A_135 = tpu.memref_slice %arg4[%mul3A_2, %dma_start3A_134] : memref<2592x128xi32, #tpu.memory_space<hbm>> -> memref<81x128xi32, #tpu.memory_space<hbm>>
      tpu.enqueue_dma source(%dma_start3A_135 : memref<81x128xi32, #tpu.memory_space<hbm>>) target(%arg7 : memref<81x128xi32, #tpu.memory_space<vmem>>) target_semaphore(%run_scoped3A_131 : memref<!tpu.dma_semaphore, #tpu.memory_space<semaphore_mem>>)
      %dma_wait3A_136 = arith.constant 0 : i32
      %dma_wait3A_137 = tpu.memref_slice %arg4[%mul3A_2, %dma_wait3A_136] : memref<2592x128xi32, #tpu.memory_space<hbm>> -> memref<81x128xi32, #tpu.memory_space<hbm>>
      %dma_wait3A_138 = arith.constant 0 : i32
      %dma_wait3A_139 = tpu.memref_slice %arg4[%mul3A_2, %dma_wait3A_138] : memref<2592x128xi32, #tpu.memory_space<hbm>> -> memref<81x128xi32, #tpu.memory_space<hbm>>
      tpu.wait_dma2 semaphore(%run_scoped3A_131 : memref<!tpu.dma_semaphore, #tpu.memory_space<semaphore_mem>>) src(%dma_wait3A_139 : memref<81x128xi32, #tpu.memory_space<hbm>>) dst(%arg7 : memref<81x128xi32, #tpu.memory_space<vmem>>)
      tpu.yield
    }) : () -> ()
    "tpu.region"() ({
      %run_scoped3A_131 = tpu.sem_alloc : memref<!tpu.dma_semaphore, #tpu.memory_space<semaphore_mem>>
      %dma_start3A_132 = arith.constant 0 : i32
      %dma_start3A_133 = tpu.memref_slice %arg5[%mul3A_2, %dma_start3A_132] : memref<2592x128xi32, #tpu.memory_space<hbm>> -> memref<81x128xi32, #tpu.memory_space<hbm>>
      %dma_start3A_134 = arith.constant 0 : i32
      %dma_start3A_135 = tpu.memref_slice %arg5[%mul3A_2, %dma_start3A_134] : memref<2592x128xi32, #tpu.memory_space<hbm>> -> memref<81x128xi32, #tpu.memory_space<hbm>>
      tpu.enqueue_dma source(%dma_start3A_135 : memref<81x128xi32, #tpu.memory_space<hbm>>) target(%arg8 : memref<81x128xi32, #tpu.memory_space<vmem>>) target_semaphore(%run_scoped3A_131 : memref<!tpu.dma_semaphore, #tpu.memory_space<semaphore_mem>>)
      %dma_wait3A_136 = arith.constant 0 : i32
      %dma_wait3A_137 = tpu.memref_slice %arg5[%mul3A_2, %dma_wait3A_136] : memref<2592x128xi32, #tpu.memory_space<hbm>> -> memref<81x128xi32, #tpu.memory_space<hbm>>
      %dma_wait3A_138 = arith.constant 0 : i32
      %dma_wait3A_139 = tpu.memref_slice %arg5[%mul3A_2, %dma_wait3A_138] : memref<2592x128xi32, #tpu.memory_space<hbm>> -> memref<81x128xi32, #tpu.memory_space<hbm>>
      tpu.wait_dma2 semaphore(%run_scoped3A_131 : memref<!tpu.dma_semaphore, #tpu.memory_space<semaphore_mem>>) src(%dma_wait3A_139 : memref<81x128xi32, #tpu.memory_space<hbm>>) dst(%arg8 : memref<81x128xi32, #tpu.memory_space<vmem>>)
      tpu.yield
    }) : () -> ()
    %scan3A = arith.constant 0 : i32
    %scan3A_3 = arith.constant 128 : i32
    %scan3A_4 = arith.addi %scan3A, %scan3A_3 : i32
    %scan3A_5 = arith.constant 1 : i32
    scf.for %scan3A_131 = %scan3A to %scan3A_4 step %scan3A_5  : i32 {
      %broadcast_in_dim3A = arith.constant 0.000000e+00 : f32
      %broadcast_in_dim3A_132 = vector.broadcast %broadcast_in_dim3A : f32 to vector<16xf32>
      %swap3A = arith.constant 0 : i32
      %swap3A_133 = arith.index_cast %swap3A : i32 to index
      %swap3A_134 = arith.index_cast %scan3A_131 : i32 to index
      %swap3A_135 = arith.constant 0 : index
      %swap3A_136 = tpu.vector_load %arg11[%swap3A_133, %swap3A_134, %swap3A_135] {strides = array<i32>} : memref<3x128x80xf32, #tpu.memory_space<vmem>>, vector<16xf32>,
      tpu.vector_store %arg11[%swap3A_133, %swap3A_134, %swap3A_135], %broadcast_in_dim3A_132 {strides = array<i32>} : memref<3x128x80xf32, #tpu.memory_space<vmem>>, vector<16xf32>,
      %broadcast_in_dim3A_137 = arith.constant 0.000000e+00 : f32
      %broadcast_in_dim3A_138 = vector.broadcast %broadcast_in_dim3A_137 : f32 to vector<16xf32>
      %swap3A_139 = arith.constant 0 : i32
      %swap3A_140 = arith.index_cast %swap3A_139 : i32 to index
      %swap3A_141 = arith.index_cast %scan3A_131 : i32 to index
      %swap3A_142 = arith.constant 16 : index
      %swap3A_143 = tpu.vector_load %arg11[%swap3A_140, %swap3A_141, %swap3A_142] {strides = array<i32>} : memref<3x128x80xf32, #tpu.memory_space<vmem>>, vector<16xf32>,
      tpu.vector_store %arg11[%swap3A_140, %swap3A_141, %swap3A_142], %broadcast_in_dim3A_138 {strides = array<i32>} : memref<3x128x80xf32, #tpu.memory_space<vmem>>, vector<16xf32>,
      %broadcast_in_dim3A_144 = arith.constant 0.000000e+00 : f32
      %broadcast_in_dim3A_145 = vector.broadcast %broadcast_in_dim3A_144 : f32 to vector<16xf32>
      %swap3A_146 = arith.constant 0 : i32
      %swap3A_147 = arith.index_cast %swap3A_146 : i32 to index
      %swap3A_148 = arith.index_cast %scan3A_131 : i32 to index
      %swap3A_149 = arith.constant 32 : index
      %swap3A_150 = tpu.vector_load %arg11[%swap3A_147, %swap3A_148, %swap3A_149] {strides = array<i32>} : memref<3x128x80xf32, #tpu.memory_space<vmem>>, vector<16xf32>,
      tpu.vector_store %arg11[%swap3A_147, %swap3A_148, %swap3A_149], %broadcast_in_dim3A_145 {strides = array<i32>} : memref<3x128x80xf32, #tpu.memory_space<vmem>>, vector<16xf32>,
      %broadcast_in_dim3A_151 = arith.constant 0.000000e+00 : f32
      %broadcast_in_dim3A_152 = vector.broadcast %broadcast_in_dim3A_151 : f32 to vector<16xf32>
      %swap3A_153 = arith.constant 0 : i32
      %swap3A_154 = arith.index_cast %swap3A_153 : i32 to index
      %swap3A_155 = arith.index_cast %scan3A_131 : i32 to index
      %swap3A_156 = arith.constant 48 : index
      %swap3A_157 = tpu.vector_load %arg11[%swap3A_154, %swap3A_155, %swap3A_156] {strides = array<i32>} : memref<3x128x80xf32, #tpu.memory_space<vmem>>, vector<16xf32>,
      tpu.vector_store %arg11[%swap3A_154, %swap3A_155, %swap3A_156], %broadcast_in_dim3A_152 {strides = array<i32>} : memref<3x128x80xf32, #tpu.memory_space<vmem>>, vector<16xf32>,
      %broadcast_in_dim3A_158 = arith.constant 0.000000e+00 : f32
      %broadcast_in_dim3A_159 = vector.broadcast %broadcast_in_dim3A_158 : f32 to vector<16xf32>
      %swap3A_160 = arith.constant 0 : i32
      %swap3A_161 = arith.index_cast %swap3A_160 : i32 to index
      %swap3A_162 = arith.index_cast %scan3A_131 : i32 to index
      %swap3A_163 = arith.constant 64 : index
      %swap3A_164 = tpu.vector_load %arg11[%swap3A_161, %swap3A_162, %swap3A_163] {strides = array<i32>} : memref<3x128x80xf32, #tpu.memory_space<vmem>>, vector<16xf32>,
      tpu.vector_store %arg11[%swap3A_161, %swap3A_162, %swap3A_163], %broadcast_in_dim3A_159 {strides = array<i32>} : memref<3x128x80xf32, #tpu.memory_space<vmem>>, vector<16xf32>,
    }
    %scan3A_6 = arith.constant 128 : i32
    %mul3A_7 = arith.constant 632 : i32
    %mul3A_8 = arith.muli %arg1, %mul3A_7 : i32
    %add3A_9 = arith.constant 0 : i32
    %add3A_10 = arith.addi %mul3A_8, %add3A_9 : i32
    %run_scoped3A = arith.constant 0 : i32
    "tpu.region"() ({
      %run_scoped3A_131 = tpu.sem_alloc : memref<!tpu.dma_semaphore, #tpu.memory_space<semaphore_mem>>
      %dma_start3A_132 = arith.constant 0 : i32
      %dma_start3A_133 = arith.constant 0 : i32
      %dma_start3A_134 = tpu.memref_slice %arg11[%run_scoped3A, %dma_start3A_132, %dma_start3A_133] : memref<3x128x80xf32, #tpu.memory_space<vmem>> -> memref<1x128x80xf32, #tpu.memory_space<vmem>>
      %dma_start3A_135 = tpu.memref_squeeze %dma_start3A_134 : memref<1x128x80xf32, #tpu.memory_space<vmem>> -> memref<128x80xf32, #tpu.memory_space<vmem>>
      %dma_start3A_136 = arith.constant 0 : i32
      %dma_start3A_137 = tpu.memref_slice %arg12[%add3A_10, %dma_start3A_136] : memref<10112x80xf32, #tpu.memory_space<vmem_shared>> -> memref<128x80xf32, #tpu.memory_space<vmem_shared>>
      %dma_start3A_138 = arith.constant 0 : i32
      %dma_start3A_139 = tpu.memref_slice %arg12[%add3A_10, %dma_start3A_138] : memref<10112x80xf32, #tpu.memory_space<vmem_shared>> -> memref<128x80xf32, #tpu.memory_space<vmem_shared>>
      %dma_start3A_140 = arith.constant 0 : i32
      %dma_start3A_141 = arith.constant 0 : i32
      %dma_start3A_142 = tpu.memref_slice %arg11[%run_scoped3A, %dma_start3A_140, %dma_start3A_141] : memref<3x128x80xf32, #tpu.memory_space<vmem>> -> memref<1x128x80xf32, #tpu.memory_space<vmem>>
      %dma_start3A_143 = tpu.memref_squeeze %dma_start3A_142 : memref<1x128x80xf32, #tpu.memory_space<vmem>> -> memref<128x80xf32, #tpu.memory_space<vmem>>
      tpu.enqueue_dma source(%dma_start3A_143 : memref<128x80xf32, #tpu.memory_space<vmem>>) target(%dma_start3A_139 : memref<128x80xf32, #tpu.memory_space<vmem_shared>>) target_semaphore(%run_scoped3A_131 : memref<!tpu.dma_semaphore, #tpu.memory_space<semaphore_mem>>)
      %dma_wait3A_144 = arith.constant 0 : i32
      %dma_wait3A_145 = arith.constant 0 : i32
      %dma_wait3A_146 = tpu.memref_slice %arg11[%run_scoped3A, %dma_wait3A_144, %dma_wait3A_145] : memref<3x128x80xf32, #tpu.memory_space<vmem>> -> memref<1x128x80xf32, #tpu.memory_space<vmem>>
      %dma_wait3A_147 = tpu.memref_squeeze %dma_wait3A_146 : memref<1x128x80xf32, #tpu.memory_space<vmem>> -> memref<128x80xf32, #tpu.memory_space<vmem>>
      %dma_wait3A_148 = arith.constant 0 : i32
      %dma_wait3A_149 = tpu.memref_slice %arg12[%add3A_10, %dma_wait3A_148] : memref<10112x80xf32, #tpu.memory_space<vmem_shared>> -> memref<128x80xf32, #tpu.memory_space<vmem_shared>>
      %dma_wait3A_150 = arith.constant 0 : i32
      %dma_wait3A_151 = tpu.memref_slice %arg12[%add3A_10, %dma_wait3A_150] : memref<10112x80xf32, #tpu.memory_space<vmem_shared>> -> memref<128x80xf32, #tpu.memory_space<vmem_shared>>
      %dma_wait3A_152 = arith.constant 0 : i32
      %dma_wait3A_153 = arith.constant 0 : i32
      %dma_wait3A_154 = tpu.memref_slice %arg11[%run_scoped3A, %dma_wait3A_152, %dma_wait3A_153] : memref<3x128x80xf32, #tpu.memory_space<vmem>> -> memref<1x128x80xf32, #tpu.memory_space<vmem>>
      %dma_wait3A_155 = tpu.memref_squeeze %dma_wait3A_154 : memref<1x128x80xf32, #tpu.memory_space<vmem>> -> memref<128x80xf32, #tpu.memory_space<vmem>>
      tpu.wait_dma2 semaphore(%run_scoped3A_131 : memref<!tpu.dma_semaphore, #tpu.memory_space<semaphore_mem>>) src(%dma_wait3A_155 : memref<128x80xf32, #tpu.memory_space<vmem>>) dst(%dma_wait3A_151 : memref<128x80xf32, #tpu.memory_space<vmem_shared>>)
      tpu.yield
    }) : () -> ()
    %add3A_11 = arith.constant 128 : i32
    %add3A_12 = arith.addi %mul3A_8, %add3A_11 : i32
    %run_scoped3A_13 = arith.constant 0 : i32
    "tpu.region"() ({
      %run_scoped3A_131 = tpu.sem_alloc : memref<!tpu.dma_semaphore, #tpu.memory_space<semaphore_mem>>
      %dma_start3A_132 = arith.constant 0 : i32
      %dma_start3A_133 = arith.constant 0 : i32
      %dma_start3A_134 = tpu.memref_slice %arg11[%run_scoped3A_13, %dma_start3A_132, %dma_start3A_133] : memref<3x128x80xf32, #tpu.memory_space<vmem>> -> memref<1x128x80xf32, #tpu.memory_space<vmem>>
      %dma_start3A_135 = tpu.memref_squeeze %dma_start3A_134 : memref<1x128x80xf32, #tpu.memory_space<vmem>> -> memref<128x80xf32, #tpu.memory_space<vmem>>
      %dma_start3A_136 = arith.constant 0 : i32
      %dma_start3A_137 = tpu.memref_slice %arg12[%add3A_12, %dma_start3A_136] : memref<10112x80xf32, #tpu.memory_space<vmem_shared>> -> memref<128x80xf32, #tpu.memory_space<vmem_shared>>
      %dma_start3A_138 = arith.constant 0 : i32
      %dma_start3A_139 = tpu.memref_slice %arg12[%add3A_12, %dma_start3A_138] : memref<10112x80xf32, #tpu.memory_space<vmem_shared>> -> memref<128x80xf32, #tpu.memory_space<vmem_shared>>
      %dma_start3A_140 = arith.constant 0 : i32
      %dma_start3A_141 = arith.constant 0 : i32
      %dma_start3A_142 = tpu.memref_slice %arg11[%run_scoped3A_13, %dma_start3A_140, %dma_start3A_141] : memref<3x128x80xf32, #tpu.memory_space<vmem>> -> memref<1x128x80xf32, #tpu.memory_space<vmem>>
      %dma_start3A_143 = tpu.memref_squeeze %dma_start3A_142 : memref<1x128x80xf32, #tpu.memory_space<vmem>> -> memref<128x80xf32, #tpu.memory_space<vmem>>
      tpu.enqueue_dma source(%dma_start3A_143 : memref<128x80xf32, #tpu.memory_space<vmem>>) target(%dma_start3A_139 : memref<128x80xf32, #tpu.memory_space<vmem_shared>>) target_semaphore(%run_scoped3A_131 : memref<!tpu.dma_semaphore, #tpu.memory_space<semaphore_mem>>)
      %dma_wait3A_144 = arith.constant 0 : i32
      %dma_wait3A_145 = arith.constant 0 : i32
      %dma_wait3A_146 = tpu.memref_slice %arg11[%run_scoped3A_13, %dma_wait3A_144, %dma_wait3A_145] : memref<3x128x80xf32, #tpu.memory_space<vmem>> -> memref<1x128x80xf32, #tpu.memory_space<vmem>>
      %dma_wait3A_147 = tpu.memref_squeeze %dma_wait3A_146 : memref<1x128x80xf32, #tpu.memory_space<vmem>> -> memref<128x80xf32, #tpu.memory_space<vmem>>
      %dma_wait3A_148 = arith.constant 0 : i32
      %dma_wait3A_149 = tpu.memref_slice %arg12[%add3A_12, %dma_wait3A_148] : memref<10112x80xf32, #tpu.memory_space<vmem_shared>> -> memref<128x80xf32, #tpu.memory_space<vmem_shared>>
      %dma_wait3A_150 = arith.constant 0 : i32
      %dma_wait3A_151 = tpu.memref_slice %arg12[%add3A_12, %dma_wait3A_150] : memref<10112x80xf32, #tpu.memory_space<vmem_shared>> -> memref<128x80xf32, #tpu.memory_space<vmem_shared>>
      %dma_wait3A_152 = arith.constant 0 : i32
      %dma_wait3A_153 = arith.constant 0 : i32
      %dma_wait3A_154 = tpu.memref_slice %arg11[%run_scoped3A_13, %dma_wait3A_152, %dma_wait3A_153] : memref<3x128x80xf32, #tpu.memory_space<vmem>> -> memref<1x128x80xf32, #tpu.memory_space<vmem>>
      %dma_wait3A_155 = tpu.memref_squeeze %dma_wait3A_154 : memref<1x128x80xf32, #tpu.memory_space<vmem>> -> memref<128x80xf32, #tpu.memory_space<vmem>>
      tpu.wait_dma2 semaphore(%run_scoped3A_131 : memref<!tpu.dma_semaphore, #tpu.memory_space<semaphore_mem>>) src(%dma_wait3A_155 : memref<128x80xf32, #tpu.memory_space<vmem>>) dst(%dma_wait3A_151 : memref<128x80xf32, #tpu.memory_space<vmem_shared>>)
      tpu.yield
    }) : () -> ()
    %add3A_14 = arith.constant 256 : i32
    %add3A_15 = arith.addi %mul3A_8, %add3A_14 : i32
    %run_scoped3A_16 = arith.constant 0 : i32
    "tpu.region"() ({
      %run_scoped3A_131 = tpu.sem_alloc : memref<!tpu.dma_semaphore, #tpu.memory_space<semaphore_mem>>
      %dma_start3A_132 = arith.constant 0 : i32
      %dma_start3A_133 = arith.constant 0 : i32
      %dma_start3A_134 = tpu.memref_slice %arg11[%run_scoped3A_16, %dma_start3A_132, %dma_start3A_133] : memref<3x128x80xf32, #tpu.memory_space<vmem>> -> memref<1x128x80xf32, #tpu.memory_space<vmem>>
      %dma_start3A_135 = tpu.memref_squeeze %dma_start3A_134 : memref<1x128x80xf32, #tpu.memory_space<vmem>> -> memref<128x80xf32, #tpu.memory_space<vmem>>
      %dma_start3A_136 = arith.constant 0 : i32
      %dma_start3A_137 = tpu.memref_slice %arg12[%add3A_15, %dma_start3A_136] : memref<10112x80xf32, #tpu.memory_space<vmem_shared>> -> memref<128x80xf32, #tpu.memory_space<vmem_shared>>
      %dma_start3A_138 = arith.constant 0 : i32
      %dma_start3A_139 = tpu.memref_slice %arg12[%add3A_15, %dma_start3A_138] : memref<10112x80xf32, #tpu.memory_space<vmem_shared>> -> memref<128x80xf32, #tpu.memory_space<vmem_shared>>
      %dma_start3A_140 = arith.constant 0 : i32
      %dma_start3A_141 = arith.constant 0 : i32
      %dma_start3A_142 = tpu.memref_slice %arg11[%run_scoped3A_16, %dma_start3A_140, %dma_start3A_141] : memref<3x128x80xf32, #tpu.memory_space<vmem>> -> memref<1x128x80xf32, #tpu.memory_space<vmem>>
      %dma_start3A_143 = tpu.memref_squeeze %dma_start3A_142 : memref<1x128x80xf32, #tpu.memory_space<vmem>> -> memref<128x80xf32, #tpu.memory_space<vmem>>
      tpu.enqueue_dma source(%dma_start3A_143 : memref<128x80xf32, #tpu.memory_space<vmem>>) target(%dma_start3A_139 : memref<128x80xf32, #tpu.memory_space<vmem_shared>>) target_semaphore(%run_scoped3A_131 : memref<!tpu.dma_semaphore, #tpu.memory_space<semaphore_mem>>)
      %dma_wait3A_144 = arith.constant 0 : i32
      %dma_wait3A_145 = arith.constant 0 : i32
      %dma_wait3A_146 = tpu.memref_slice %arg11[%run_scoped3A_16, %dma_wait3A_144, %dma_wait3A_145] : memref<3x128x80xf32, #tpu.memory_space<vmem>> -> memref<1x128x80xf32, #tpu.memory_space<vmem>>
      %dma_wait3A_147 = tpu.memref_squeeze %dma_wait3A_146 : memref<1x128x80xf32, #tpu.memory_space<vmem>> -> memref<128x80xf32, #tpu.memory_space<vmem>>
      %dma_wait3A_148 = arith.constant 0 : i32
      %dma_wait3A_149 = tpu.memref_slice %arg12[%add3A_15, %dma_wait3A_148] : memref<10112x80xf32, #tpu.memory_space<vmem_shared>> -> memref<128x80xf32, #tpu.memory_space<vmem_shared>>
      %dma_wait3A_150 = arith.constant 0 : i32
      %dma_wait3A_151 = tpu.memref_slice %arg12[%add3A_15, %dma_wait3A_150] : memref<10112x80xf32, #tpu.memory_space<vmem_shared>> -> memref<128x80xf32, #tpu.memory_space<vmem_shared>>
      %dma_wait3A_152 = arith.constant 0 : i32
      %dma_wait3A_153 = arith.constant 0 : i32
      %dma_wait3A_154 = tpu.memref_slice %arg11[%run_scoped3A_16, %dma_wait3A_152, %dma_wait3A_153] : memref<3x128x80xf32, #tpu.memory_space<vmem>> -> memref<1x128x80xf32, #tpu.memory_space<vmem>>
      %dma_wait3A_155 = tpu.memref_squeeze %dma_wait3A_154 : memref<1x128x80xf32, #tpu.memory_space<vmem>> -> memref<128x80xf32, #tpu.memory_space<vmem>>
      tpu.wait_dma2 semaphore(%run_scoped3A_131 : memref<!tpu.dma_semaphore, #tpu.memory_space<semaphore_mem>>) src(%dma_wait3A_155 : memref<128x80xf32, #tpu.memory_space<vmem>>) dst(%dma_wait3A_151 : memref<128x80xf32, #tpu.memory_space<vmem_shared>>)
      tpu.yield
    }) : () -> ()
    %add3A_17 = arith.constant 384 : i32
    %add3A_18 = arith.addi %mul3A_8, %add3A_17 : i32
    %run_scoped3A_19 = arith.constant 0 : i32
    "tpu.region"() ({
      %run_scoped3A_131 = tpu.sem_alloc : memref<!tpu.dma_semaphore, #tpu.memory_space<semaphore_mem>>
      %dma_start3A_132 = arith.constant 0 : i32
      %dma_start3A_133 = arith.constant 0 : i32
      %dma_start3A_134 = tpu.memref_slice %arg11[%run_scoped3A_19, %dma_start3A_132, %dma_start3A_133] : memref<3x128x80xf32, #tpu.memory_space<vmem>> -> memref<1x128x80xf32, #tpu.memory_space<vmem>>
      %dma_start3A_135 = tpu.memref_squeeze %dma_start3A_134 : memref<1x128x80xf32, #tpu.memory_space<vmem>> -> memref<128x80xf32, #tpu.memory_space<vmem>>
      %dma_start3A_136 = arith.constant 0 : i32
      %dma_start3A_137 = tpu.memref_slice %arg12[%add3A_18, %dma_start3A_136] : memref<10112x80xf32, #tpu.memory_space<vmem_shared>> -> memref<128x80xf32, #tpu.memory_space<vmem_shared>>
      %dma_start3A_138 = arith.constant 0 : i32
      %dma_start3A_139 = tpu.memref_slice %arg12[%add3A_18, %dma_start3A_138] : memref<10112x80xf32, #tpu.memory_space<vmem_shared>> -> memref<128x80xf32, #tpu.memory_space<vmem_shared>>
      %dma_start3A_140 = arith.constant 0 : i32
      %dma_start3A_141 = arith.constant 0 : i32
      %dma_start3A_142 = tpu.memref_slice %arg11[%run_scoped3A_19, %dma_start3A_140, %dma_start3A_141] : memref<3x128x80xf32, #tpu.memory_space<vmem>> -> memref<1x128x80xf32, #tpu.memory_space<vmem>>
      %dma_start3A_143 = tpu.memref_squeeze %dma_start3A_142 : memref<1x128x80xf32, #tpu.memory_space<vmem>> -> memref<128x80xf32, #tpu.memory_space<vmem>>
      tpu.enqueue_dma source(%dma_start3A_143 : memref<128x80xf32, #tpu.memory_space<vmem>>) target(%dma_start3A_139 : memref<128x80xf32, #tpu.memory_space<vmem_shared>>) target_semaphore(%run_scoped3A_131 : memref<!tpu.dma_semaphore, #tpu.memory_space<semaphore_mem>>)
      %dma_wait3A_144 = arith.constant 0 : i32
      %dma_wait3A_145 = arith.constant 0 : i32
      %dma_wait3A_146 = tpu.memref_slice %arg11[%run_scoped3A_19, %dma_wait3A_144, %dma_wait3A_145] : memref<3x128x80xf32, #tpu.memory_space<vmem>> -> memref<1x128x80xf32, #tpu.memory_space<vmem>>
      %dma_wait3A_147 = tpu.memref_squeeze %dma_wait3A_146 : memref<1x128x80xf32, #tpu.memory_space<vmem>> -> memref<128x80xf32, #tpu.memory_space<vmem>>
      %dma_wait3A_148 = arith.constant 0 : i32
      %dma_wait3A_149 = tpu.memref_slice %arg12[%add3A_18, %dma_wait3A_148] : memref<10112x80xf32, #tpu.memory_space<vmem_shared>> -> memref<128x80xf32, #tpu.memory_space<vmem_shared>>
      %dma_wait3A_150 = arith.constant 0 : i32
      %dma_wait3A_151 = tpu.memref_slice %arg12[%add3A_18, %dma_wait3A_150] : memref<10112x80xf32, #tpu.memory_space<vmem_shared>> -> memref<128x80xf32, #tpu.memory_space<vmem_shared>>
      %dma_wait3A_152 = arith.constant 0 : i32
      %dma_wait3A_153 = arith.constant 0 : i32
      %dma_wait3A_154 = tpu.memref_slice %arg11[%run_scoped3A_19, %dma_wait3A_152, %dma_wait3A_153] : memref<3x128x80xf32, #tpu.memory_space<vmem>> -> memref<1x128x80xf32, #tpu.memory_space<vmem>>
      %dma_wait3A_155 = tpu.memref_squeeze %dma_wait3A_154 : memref<1x128x80xf32, #tpu.memory_space<vmem>> -> memref<128x80xf32, #tpu.memory_space<vmem>>
      tpu.wait_dma2 semaphore(%run_scoped3A_131 : memref<!tpu.dma_semaphore, #tpu.memory_space<semaphore_mem>>) src(%dma_wait3A_155 : memref<128x80xf32, #tpu.memory_space<vmem>>) dst(%dma_wait3A_151 : memref<128x80xf32, #tpu.memory_space<vmem_shared>>)
      tpu.yield
    }) : () -> ()
    %add3A_20 = arith.constant 512 : i32
    %add3A_21 = arith.addi %mul3A_8, %add3A_20 : i32
    %run_scoped3A_22 = arith.constant 0 : i32
    "tpu.region"() ({
      %run_scoped3A_131 = tpu.sem_alloc : memref<!tpu.dma_semaphore, #tpu.memory_space<semaphore_mem>>
      %dma_start3A_132 = arith.constant 0 : i32
      %dma_start3A_133 = arith.constant 0 : i32
      %dma_start3A_134 = tpu.memref_slice %arg11[%run_scoped3A_22, %dma_start3A_132, %dma_start3A_133] : memref<3x128x80xf32, #tpu.memory_space<vmem>> -> memref<1x120x80xf32, #tpu.memory_space<vmem>>
      %dma_start3A_135 = tpu.memref_squeeze %dma_start3A_134 : memref<1x120x80xf32, #tpu.memory_space<vmem>> -> memref<120x80xf32, #tpu.memory_space<vmem>>
      %dma_start3A_136 = arith.constant 0 : i32
      %dma_start3A_137 = tpu.memref_slice %arg12[%add3A_21, %dma_start3A_136] : memref<10112x80xf32, #tpu.memory_space<vmem_shared>> -> memref<120x80xf32, #tpu.memory_space<vmem_shared>>
      %dma_start3A_138 = arith.constant 0 : i32
      %dma_start3A_139 = tpu.memref_slice %arg12[%add3A_21, %dma_start3A_138] : memref<10112x80xf32, #tpu.memory_space<vmem_shared>> -> memref<120x80xf32, #tpu.memory_space<vmem_shared>>
      %dma_start3A_140 = arith.constant 0 : i32
      %dma_start3A_141 = arith.constant 0 : i32
      %dma_start3A_142 = tpu.memref_slice %arg11[%run_scoped3A_22, %dma_start3A_140, %dma_start3A_141] : memref<3x128x80xf32, #tpu.memory_space<vmem>> -> memref<1x120x80xf32, #tpu.memory_space<vmem>>
      %dma_start3A_143 = tpu.memref_squeeze %dma_start3A_142 : memref<1x120x80xf32, #tpu.memory_space<vmem>> -> memref<120x80xf32, #tpu.memory_space<vmem>>
      tpu.enqueue_dma source(%dma_start3A_143 : memref<120x80xf32, #tpu.memory_space<vmem>>) target(%dma_start3A_139 : memref<120x80xf32, #tpu.memory_space<vmem_shared>>) target_semaphore(%run_scoped3A_131 : memref<!tpu.dma_semaphore, #tpu.memory_space<semaphore_mem>>)
      %dma_wait3A_144 = arith.constant 0 : i32
      %dma_wait3A_145 = arith.constant 0 : i32
      %dma_wait3A_146 = tpu.memref_slice %arg11[%run_scoped3A_22, %dma_wait3A_144, %dma_wait3A_145] : memref<3x128x80xf32, #tpu.memory_space<vmem>> -> memref<1x120x80xf32, #tpu.memory_space<vmem>>
      %dma_wait3A_147 = tpu.memref_squeeze %dma_wait3A_146 : memref<1x120x80xf32, #tpu.memory_space<vmem>> -> memref<120x80xf32, #tpu.memory_space<vmem>>
      %dma_wait3A_148 = arith.constant 0 : i32
      %dma_wait3A_149 = tpu.memref_slice %arg12[%add3A_21, %dma_wait3A_148] : memref<10112x80xf32, #tpu.memory_space<vmem_shared>> -> memref<120x80xf32, #tpu.memory_space<vmem_shared>>
      %dma_wait3A_150 = arith.constant 0 : i32
      %dma_wait3A_151 = tpu.memref_slice %arg12[%add3A_21, %dma_wait3A_150] : memref<10112x80xf32, #tpu.memory_space<vmem_shared>> -> memref<120x80xf32, #tpu.memory_space<vmem_shared>>
      %dma_wait3A_152 = arith.constant 0 : i32
      %dma_wait3A_153 = arith.constant 0 : i32
      %dma_wait3A_154 = tpu.memref_slice %arg11[%run_scoped3A_22, %dma_wait3A_152, %dma_wait3A_153] : memref<3x128x80xf32, #tpu.memory_space<vmem>> -> memref<1x120x80xf32, #tpu.memory_space<vmem>>
      %dma_wait3A_155 = tpu.memref_squeeze %dma_wait3A_154 : memref<1x120x80xf32, #tpu.memory_space<vmem>> -> memref<120x80xf32, #tpu.memory_space<vmem>>
      tpu.wait_dma2 semaphore(%run_scoped3A_131 : memref<!tpu.dma_semaphore, #tpu.memory_space<semaphore_mem>>) src(%dma_wait3A_155 : memref<120x80xf32, #tpu.memory_space<vmem>>) dst(%dma_wait3A_151 : memref<120x80xf32, #tpu.memory_space<vmem_shared>>)
      tpu.yield
    }) : () -> ()
    %barrier3A = arith.constant 0 : index
    tpu.barrier barrier_id(%barrier3A)
    %dma_start3A = arith.constant 0 : i32
    %dma_start3A_23 = arith.constant 0 : i32
    %dma_start3A_24 = arith.constant 0 : i32
    %dma_start3A_25 = arith.constant 0 : i32
    %dma_start3A_26 = tpu.memref_slice %arg9[%dma_start3A_23, %dma_start3A_24, %dma_start3A_25] : memref<3x128x48xf32, #tpu.memory_space<vmem>> -> memref<1x128x48xf32, #tpu.memory_space<vmem>>
    %dma_start3A_27 = tpu.memref_squeeze %dma_start3A_26 : memref<1x128x48xf32, #tpu.memory_space<vmem>> -> memref<128x48xf32, #tpu.memory_space<vmem>>
    %dma_start3A_28 = arith.constant 0 : i32
    %dma_start3A_29 = tpu.memref_slice %arg7[%dma_start3A, %dma_start3A_28] : memref<81x128xi32, #tpu.memory_space<vmem>> -> memref<1x128xi32, #tpu.memory_space<vmem>>
    %dma_start3A_30 = tpu.memref_squeeze %dma_start3A_29 : memref<1x128xi32, #tpu.memory_space<vmem>> -> memref<128xi32, #tpu.memory_space<vmem>>
    %dma_start3A_31 = arith.constant 0 : i32
    %dma_start3A_32 = arith.constant 0 : i32
    %dma_start3A_33 = tpu.memref_slice %arg2[%dma_start3A_31, %dma_start3A_32] : memref<10112x48xf32, #tpu.memory_space<hbm>> -> memref<10112x48xf32, #tpu.memory_space<hbm>>
    tpu.enqueue_indirect_dma source(%dma_start3A_33 : memref<10112x48xf32, #tpu.memory_space<hbm>>) target(%dma_start3A_27 : memref<128x48xf32, #tpu.memory_space<vmem>>) offsets(%dma_start3A_30 : memref<128xi32, #tpu.memory_space<vmem>>) semaphore(%arg13 : memref<!tpu.dma_semaphore, #tpu.memory_space<semaphore_mem>>)
    %dma_start3A_34 = arith.constant 0 : i32
    %dma_start3A_35 = arith.constant 0 : i32
    %dma_start3A_36 = arith.constant 0 : i32
    %dma_start3A_37 = arith.constant 0 : i32
    %dma_start3A_38 = tpu.memref_slice %arg10[%dma_start3A_35, %dma_start3A_36, %dma_start3A_37] : memref<3x128x16xf32, #tpu.memory_space<vmem>> -> memref<1x128x16xf32, #tpu.memory_space<vmem>>
    %dma_start3A_39 = tpu.memref_squeeze %dma_start3A_38 : memref<1x128x16xf32, #tpu.memory_space<vmem>> -> memref<128x16xf32, #tpu.memory_space<vmem>>
    %dma_start3A_40 = arith.constant 0 : i32
    %dma_start3A_41 = tpu.memref_slice %arg8[%dma_start3A_34, %dma_start3A_40] : memref<81x128xi32, #tpu.memory_space<vmem>> -> memref<1x128xi32, #tpu.memory_space<vmem>>
    %dma_start3A_42 = tpu.memref_squeeze %dma_start3A_41 : memref<1x128xi32, #tpu.memory_space<vmem>> -> memref<128xi32, #tpu.memory_space<vmem>>
    %dma_start3A_43 = arith.constant 0 : i32
    %dma_start3A_44 = arith.constant 0 : i32
    %dma_start3A_45 = tpu.memref_slice %arg3[%dma_start3A_43, %dma_start3A_44] : memref<10112x16xf32, #tpu.memory_space<hbm>> -> memref<10112x16xf32, #tpu.memory_space<hbm>>
    tpu.enqueue_indirect_dma source(%dma_start3A_45 : memref<10112x16xf32, #tpu.memory_space<hbm>>) target(%dma_start3A_39 : memref<128x16xf32, #tpu.memory_space<vmem>>) offsets(%dma_start3A_42 : memref<128xi32, #tpu.memory_space<vmem>>) semaphore(%arg16 : memref<!tpu.dma_semaphore, #tpu.memory_space<semaphore_mem>>)
    %dma_start3A_46 = arith.constant 1 : i32
    %dma_start3A_47 = arith.constant 1 : i32
    %dma_start3A_48 = arith.constant 0 : i32
    %dma_start3A_49 = arith.constant 0 : i32
    %dma_start3A_50 = tpu.memref_slice %arg9[%dma_start3A_47, %dma_start3A_48, %dma_start3A_49] : memref<3x128x48xf32, #tpu.memory_space<vmem>> -> memref<1x128x48xf32, #tpu.memory_space<vmem>>
    %dma_start3A_51 = tpu.memref_squeeze %dma_start3A_50 : memref<1x128x48xf32, #tpu.memory_space<vmem>> -> memref<128x48xf32, #tpu.memory_space<vmem>>
    %dma_start3A_52 = arith.constant 0 : i32
    %dma_start3A_53 = tpu.memref_slice %arg7[%dma_start3A_46, %dma_start3A_52] : memref<81x128xi32, #tpu.memory_space<vmem>> -> memref<1x128xi32, #tpu.memory_space<vmem>>
    %dma_start3A_54 = tpu.memref_squeeze %dma_start3A_53 : memref<1x128xi32, #tpu.memory_space<vmem>> -> memref<128xi32, #tpu.memory_space<vmem>>
    %dma_start3A_55 = arith.constant 0 : i32
    %dma_start3A_56 = arith.constant 0 : i32
    %dma_start3A_57 = tpu.memref_slice %arg2[%dma_start3A_55, %dma_start3A_56] : memref<10112x48xf32, #tpu.memory_space<hbm>> -> memref<10112x48xf32, #tpu.memory_space<hbm>>
    tpu.enqueue_indirect_dma source(%dma_start3A_57 : memref<10112x48xf32, #tpu.memory_space<hbm>>) target(%dma_start3A_51 : memref<128x48xf32, #tpu.memory_space<vmem>>) offsets(%dma_start3A_54 : memref<128xi32, #tpu.memory_space<vmem>>) semaphore(%arg14 : memref<!tpu.dma_semaphore, #tpu.memory_space<semaphore_mem>>)
    %dma_start3A_58 = arith.constant 1 : i32
    %dma_start3A_59 = arith.constant 1 : i32
    %dma_start3A_60 = arith.constant 0 : i32
    %dma_start3A_61 = arith.constant 0 : i32
    %dma_start3A_62 = tpu.memref_slice %arg10[%dma_start3A_59, %dma_start3A_60, %dma_start3A_61] : memref<3x128x16xf32, #tpu.memory_space<vmem>> -> memref<1x128x16xf32, #tpu.memory_space<vmem>>
    %dma_start3A_63 = tpu.memref_squeeze %dma_start3A_62 : memref<1x128x16xf32, #tpu.memory_space<vmem>> -> memref<128x16xf32, #tpu.memory_space<vmem>>
    %dma_start3A_64 = arith.constant 0 : i32
    %dma_start3A_65 = tpu.memref_slice %arg8[%dma_start3A_58, %dma_start3A_64] : memref<81x128xi32, #tpu.memory_space<vmem>> -> memref<1x128xi32, #tpu.memory_space<vmem>>
    %dma_start3A_66 = tpu.memref_squeeze %dma_start3A_65 : memref<1x128xi32, #tpu.memory_space<vmem>> -> memref<128xi32, #tpu.memory_space<vmem>>
    %dma_start3A_67 = arith.constant 0 : i32
    %dma_start3A_68 = arith.constant 0 : i32
    %dma_start3A_69 = tpu.memref_slice %arg3[%dma_start3A_67, %dma_start3A_68] : memref<10112x16xf32, #tpu.memory_space<hbm>> -> memref<10112x16xf32, #tpu.memory_space<hbm>>
    tpu.enqueue_indirect_dma source(%dma_start3A_69 : memref<10112x16xf32, #tpu.memory_space<hbm>>) target(%dma_start3A_63 : memref<128x16xf32, #tpu.memory_space<vmem>>) offsets(%dma_start3A_66 : memref<128xi32, #tpu.memory_space<vmem>>) semaphore(%arg17 : memref<!tpu.dma_semaphore, #tpu.memory_space<semaphore_mem>>)
    %scan3A_70 = arith.constant 0 : i32
    %scan3A_71 = arith.constant 27 : i32
    %scan3A_72 = arith.addi %scan3A_70, %scan3A_71 : i32
    %scan3A_73 = arith.constant 1 : i32
    scf.for %scan3A_131 = %scan3A_70 to %scan3A_72 step %scan3A_73  : i32 {
      %mul3A_132 = arith.constant 3 : i32
      %mul3A_133 = arith.muli %scan3A_131, %mul3A_132 : i32
      %add3A_134 = arith.constant 0 : i32
      %add3A_135 = arith.addi %mul3A_133, %add3A_134 : i32
      %dma_wait3A_136 = arith.constant 0 : i32
      %dma_wait3A_137 = arith.constant 0 : i32
      %dma_wait3A_138 = arith.constant 0 : i32
      %dma_wait3A_139 = tpu.memref_slice %arg9[%dma_wait3A_136, %dma_wait3A_137, %dma_wait3A_138] : memref<3x128x48xf32, #tpu.memory_space<vmem>> -> memref<1x128x48xf32, #tpu.memory_space<vmem>>
      %dma_wait3A_140 = tpu.memref_squeeze %dma_wait3A_139 : memref<1x128x48xf32, #tpu.memory_space<vmem>> -> memref<128x48xf32, #tpu.memory_space<vmem>>
      %dma_wait3A_141 = arith.constant 0 : i32
      %dma_wait3A_142 = tpu.memref_slice %arg7[%add3A_135, %dma_wait3A_141] : memref<81x128xi32, #tpu.memory_space<vmem>> -> memref<1x128xi32, #tpu.memory_space<vmem>>
      %dma_wait3A_143 = tpu.memref_squeeze %dma_wait3A_142 : memref<1x128xi32, #tpu.memory_space<vmem>> -> memref<128xi32, #tpu.memory_space<vmem>>
      %dma_wait3A_144 = arith.constant 0 : i32
      %dma_wait3A_145 = arith.constant 0 : i32
      %dma_wait3A_146 = tpu.memref_slice %arg2[%dma_wait3A_144, %dma_wait3A_145] : memref<10112x48xf32, #tpu.memory_space<hbm>> -> memref<10112x48xf32, #tpu.memory_space<hbm>>
      tpu.wait_indirect_dma semaphore(%arg13 : memref<!tpu.dma_semaphore, #tpu.memory_space<semaphore_mem>>) src(%dma_wait3A_146 : memref<10112x48xf32, #tpu.memory_space<hbm>>) dst(%dma_wait3A_140 : memref<128x48xf32, #tpu.memory_space<vmem>>)
      %dma_wait3A_147 = arith.constant 0 : i32
      %dma_wait3A_148 = arith.constant 0 : i32
      %dma_wait3A_149 = arith.constant 0 : i32
      %dma_wait3A_150 = tpu.memref_slice %arg10[%dma_wait3A_147, %dma_wait3A_148, %dma_wait3A_149] : memref<3x128x16xf32, #tpu.memory_space<vmem>> -> memref<1x128x16xf32, #tpu.memory_space<vmem>>
      %dma_wait3A_151 = tpu.memref_squeeze %dma_wait3A_150 : memref<1x128x16xf32, #tpu.memory_space<vmem>> -> memref<128x16xf32, #tpu.memory_space<vmem>>
      %dma_wait3A_152 = arith.constant 0 : i32
      %dma_wait3A_153 = tpu.memref_slice %arg8[%add3A_135, %dma_wait3A_152] : memref<81x128xi32, #tpu.memory_space<vmem>> -> memref<1x128xi32, #tpu.memory_space<vmem>>
      %dma_wait3A_154 = tpu.memref_squeeze %dma_wait3A_153 : memref<1x128xi32, #tpu.memory_space<vmem>> -> memref<128xi32, #tpu.memory_space<vmem>>
      %dma_wait3A_155 = arith.constant 0 : i32
      %dma_wait3A_156 = arith.constant 0 : i32
      %dma_wait3A_157 = tpu.memref_slice %arg3[%dma_wait3A_155, %dma_wait3A_156] : memref<10112x16xf32, #tpu.memory_space<hbm>> -> memref<10112x16xf32, #tpu.memory_space<hbm>>
      tpu.wait_indirect_dma semaphore(%arg16 : memref<!tpu.dma_semaphore, #tpu.memory_space<semaphore_mem>>) src(%dma_wait3A_157 : memref<10112x16xf32, #tpu.memory_space<hbm>>) dst(%dma_wait3A_151 : memref<128x16xf32, #tpu.memory_space<vmem>>)
      %parallel_loop3A = arith.constant 0 : i32
      %parallel_loop3A_158 = arith.constant 128 : i32
      %parallel_loop3A_159 = arith.constant 1 : i32
      scf.for %parallel_loop3A_265 = %parallel_loop3A to %parallel_loop3A_158 step %parallel_loop3A_159  : i32 {
        %parallel_loop3A_266 = arith.constant 0 : i32
        %parallel_loop3A_267 = arith.index_cast %parallel_loop3A_266 : i32 to index
        %parallel_loop3A_268 = arith.index_cast %parallel_loop3A_265 : i32 to index
        %parallel_loop3A_269 = arith.constant 0 : index
        %parallel_loop3A_270 = tpu.vector_load %arg10[%parallel_loop3A_267, %parallel_loop3A_268, %parallel_loop3A_269] {strides = array<i32>} : memref<3x128x16xf32, #tpu.memory_space<vmem>>, vector<16xf32>,
        %parallel_loop3A_271 = arith.constant 0 : i32
        %parallel_loop3A_272 = arith.index_cast %parallel_loop3A_271 : i32 to index
        %parallel_loop3A_273 = arith.index_cast %parallel_loop3A_265 : i32 to index
        %parallel_loop3A_274 = arith.constant 32 : index
        %parallel_loop3A_275 = tpu.vector_load %arg9[%parallel_loop3A_272, %parallel_loop3A_273, %parallel_loop3A_274] {strides = array<i32>} : memref<3x128x48xf32, #tpu.memory_space<vmem>>, vector<16xf32>,
        %parallel_loop3A_276 = arith.addf %parallel_loop3A_275, %parallel_loop3A_270 : vector<16xf32>
        %parallel_loop3A_277 = arith.constant 7 : i32
        %parallel_loop3A_278 = vector.broadcast %parallel_loop3A_277 : i32 to vector<16xi32>
        %parallel_loop3A_279 = arith.andi %iota3A, %parallel_loop3A_278 : vector<16xi32>
        %parallel_loop3A_280 = arith.constant 8 : i32
        %parallel_loop3A_281 = vector.broadcast %parallel_loop3A_280 : i32 to vector<16xi32>
        %parallel_loop3A_282 = arith.addi %parallel_loop3A_281, %parallel_loop3A_279 : vector<16xi32>
        %parallel_loop3A_283 = vector.shape_cast %parallel_loop3A_282 : vector<16xi32> to vector<16x1xi32>
        %parallel_loop3A_284 = vector.shape_cast %parallel_loop3A_283 : vector<16x1xi32> to vector<16xi32>
        %parallel_loop3A_285 = tpu.dynamic_gather %parallel_loop3A_270[%parallel_loop3A_284] in [0] : vector<16xf32>, vector<16xi32> -> vector<16xf32>
        %parallel_loop3A_286 = arith.constant 2.000000e-01 : f32
        %parallel_loop3A_287 = vector.broadcast %parallel_loop3A_286 : f32 to vector<16xf32>
        %parallel_loop3A_288 = arith.mulf %parallel_loop3A_287, %parallel_loop3A_276 : vector<16xf32>
        %parallel_loop3A_289 = arith.maximumf %parallel_loop3A_276, %parallel_loop3A_288 : vector<16xf32>
        %parallel_loop3A_290 = arith.subf %parallel_loop3A_289, %parallel_loop3A_285 : vector<16xf32>
        %parallel_loop3A_291 = math.exp %parallel_loop3A_290 : vector<16xf32>
        %parallel_loop3A_292 = arith.constant 8 : i32
        %parallel_loop3A_293 = vector.broadcast %parallel_loop3A_292 : i32 to vector<16xi32>
        %parallel_loop3A_294 = arith.cmpi slt, %iota3A, %parallel_loop3A_293 : vector<16xi32>
        %parallel_loop3A_295 = arith.constant 0.000000e+00 : f32
        %parallel_loop3A_296 = vector.broadcast %parallel_loop3A_295 : f32 to vector<16xf32>
        %parallel_loop3A_297 = arith.select %parallel_loop3A_294, %parallel_loop3A_291, %parallel_loop3A_296 : vector<16xi1>, vector<16xf32>
        %parallel_loop3A_298 = arith.constant 0 : i32
        %parallel_loop3A_299 = arith.index_cast %parallel_loop3A_298 : i32 to index
        %parallel_loop3A_300 = arith.index_cast %parallel_loop3A_265 : i32 to index
        %parallel_loop3A_301 = arith.constant 64 : index
        %parallel_loop3A_302 = tpu.vector_load %arg11[%parallel_loop3A_299, %parallel_loop3A_300, %parallel_loop3A_301] {strides = array<i32>} : memref<3x128x80xf32, #tpu.memory_space<vmem>>, vector<16xf32>,
        tpu.vector_store %arg11[%parallel_loop3A_299, %parallel_loop3A_300, %parallel_loop3A_301], %parallel_loop3A_297 {strides = array<i32>} : memref<3x128x80xf32, #tpu.memory_space<vmem>>, vector<16xf32>,
        %parallel_loop3A_303 = arith.constant 0 : i32
        %parallel_loop3A_304 = arith.index_cast %parallel_loop3A_303 : i32 to index
        %parallel_loop3A_305 = arith.index_cast %parallel_loop3A_265 : i32 to index
        %parallel_loop3A_306 = arith.constant 0 : index
        %parallel_loop3A_307 = tpu.vector_load %arg9[%parallel_loop3A_304, %parallel_loop3A_305, %parallel_loop3A_306] {strides = array<i32>} : memref<3x128x48xf32, #tpu.memory_space<vmem>>, vector<16xf32>,
        %parallel_loop3A_308 = vector.bitcast %parallel_loop3A_307 : vector<16xf32> to vector<32xbf16>
        %parallel_loop3A_309 = tpu.unpack_subelements %parallel_loop3A_308, 0 {pack_format = #tpu.pack_format<interleaved>} : vector<32xbf16> -> vector<16xf32>
        %parallel_loop3A_310 = tpu.unpack_subelements %parallel_loop3A_308, 1 {pack_format = #tpu.pack_format<interleaved>} : vector<32xbf16> -> vector<16xf32>
        %parallel_loop3A_311 = arith.constant 3 : i32
        %parallel_loop3A_312 = vector.broadcast %parallel_loop3A_311 : i32 to vector<16xi32>
        %parallel_loop3A_313 = arith.shrsi %iota3A, %parallel_loop3A_312 : vector<16xi32>
        %parallel_loop3A_314 = arith.constant 0 : i32
        %parallel_loop3A_315 = vector.broadcast %parallel_loop3A_314 : i32 to vector<16xi32>
        %parallel_loop3A_316 = arith.addi %parallel_loop3A_315, %parallel_loop3A_313 : vector<16xi32>
        %parallel_loop3A_317 = vector.shape_cast %parallel_loop3A_316 : vector<16xi32> to vector<16x1xi32>
        %parallel_loop3A_318 = vector.shape_cast %parallel_loop3A_317 : vector<16x1xi32> to vector<16xi32>
        %parallel_loop3A_319 = tpu.dynamic_gather %parallel_loop3A_291[%parallel_loop3A_318] in [0] : vector<16xf32>, vector<16xi32> -> vector<16xf32>
        %parallel_loop3A_320 = arith.constant 3 : i32
        %parallel_loop3A_321 = vector.broadcast %parallel_loop3A_320 : i32 to vector<16xi32>
        %parallel_loop3A_322 = arith.shrsi %iota3A, %parallel_loop3A_321 : vector<16xi32>
        %parallel_loop3A_323 = arith.constant 2 : i32
        %parallel_loop3A_324 = vector.broadcast %parallel_loop3A_323 : i32 to vector<16xi32>
        %parallel_loop3A_325 = arith.addi %parallel_loop3A_324, %parallel_loop3A_322 : vector<16xi32>
        %parallel_loop3A_326 = vector.shape_cast %parallel_loop3A_325 : vector<16xi32> to vector<16x1xi32>
        %parallel_loop3A_327 = vector.shape_cast %parallel_loop3A_326 : vector<16x1xi32> to vector<16xi32>
        %parallel_loop3A_328 = tpu.dynamic_gather %parallel_loop3A_291[%parallel_loop3A_327] in [0] : vector<16xf32>, vector<16xi32> -> vector<16xf32>
        %parallel_loop3A_329 = arith.mulf %parallel_loop3A_309, %parallel_loop3A_319 : vector<16xf32>
        %parallel_loop3A_330 = arith.constant 0 : i32
        %parallel_loop3A_331 = arith.index_cast %parallel_loop3A_330 : i32 to index
        %parallel_loop3A_332 = arith.index_cast %parallel_loop3A_265 : i32 to index
        %parallel_loop3A_333 = arith.constant 0 : index
        %parallel_loop3A_334 = tpu.vector_load %arg11[%parallel_loop3A_331, %parallel_loop3A_332, %parallel_loop3A_333] {strides = array<i32>} : memref<3x128x80xf32, #tpu.memory_space<vmem>>, vector<16xf32>,
        tpu.vector_store %arg11[%parallel_loop3A_331, %parallel_loop3A_332, %parallel_loop3A_333], %parallel_loop3A_329 {strides = array<i32>} : memref<3x128x80xf32, #tpu.memory_space<vmem>>, vector<16xf32>,
        %parallel_loop3A_335 = arith.mulf %parallel_loop3A_310, %parallel_loop3A_328 : vector<16xf32>
        %parallel_loop3A_336 = arith.constant 0 : i32
        %parallel_loop3A_337 = arith.index_cast %parallel_loop3A_336 : i32 to index
        %parallel_loop3A_338 = arith.index_cast %parallel_loop3A_265 : i32 to index
        %parallel_loop3A_339 = arith.constant 16 : index
        %parallel_loop3A_340 = tpu.vector_load %arg11[%parallel_loop3A_337, %parallel_loop3A_338, %parallel_loop3A_339] {strides = array<i32>} : memref<3x128x80xf32, #tpu.memory_space<vmem>>, vector<16xf32>,
        tpu.vector_store %arg11[%parallel_loop3A_337, %parallel_loop3A_338, %parallel_loop3A_339], %parallel_loop3A_335 {strides = array<i32>} : memref<3x128x80xf32, #tpu.memory_space<vmem>>, vector<16xf32>,
        %parallel_loop3A_341 = arith.constant 0 : i32
        %parallel_loop3A_342 = arith.index_cast %parallel_loop3A_341 : i32 to index
        %parallel_loop3A_343 = arith.index_cast %parallel_loop3A_265 : i32 to index
        %parallel_loop3A_344 = arith.constant 16 : index
        %parallel_loop3A_345 = tpu.vector_load %arg9[%parallel_loop3A_342, %parallel_loop3A_343, %parallel_loop3A_344] {strides = array<i32>} : memref<3x128x48xf32, #tpu.memory_space<vmem>>, vector<16xf32>,
        %parallel_loop3A_346 = vector.bitcast %parallel_loop3A_345 : vector<16xf32> to vector<32xbf16>
        %parallel_loop3A_347 = tpu.unpack_subelements %parallel_loop3A_346, 0 {pack_format = #tpu.pack_format<interleaved>} : vector<32xbf16> -> vector<16xf32>
        %parallel_loop3A_348 = tpu.unpack_subelements %parallel_loop3A_346, 1 {pack_format = #tpu.pack_format<interleaved>} : vector<32xbf16> -> vector<16xf32>
        %parallel_loop3A_349 = arith.constant 3 : i32
        %parallel_loop3A_350 = vector.broadcast %parallel_loop3A_349 : i32 to vector<16xi32>
        %parallel_loop3A_351 = arith.shrsi %iota3A, %parallel_loop3A_350 : vector<16xi32>
        %parallel_loop3A_352 = arith.constant 4 : i32
        %parallel_loop3A_353 = vector.broadcast %parallel_loop3A_352 : i32 to vector<16xi32>
        %parallel_loop3A_354 = arith.addi %parallel_loop3A_353, %parallel_loop3A_351 : vector<16xi32>
        %parallel_loop3A_355 = vector.shape_cast %parallel_loop3A_354 : vector<16xi32> to vector<16x1xi32>
        %parallel_loop3A_356 = vector.shape_cast %parallel_loop3A_355 : vector<16x1xi32> to vector<16xi32>
        %parallel_loop3A_357 = tpu.dynamic_gather %parallel_loop3A_291[%parallel_loop3A_356] in [0] : vector<16xf32>, vector<16xi32> -> vector<16xf32>
        %parallel_loop3A_358 = arith.constant 3 : i32
        %parallel_loop3A_359 = vector.broadcast %parallel_loop3A_358 : i32 to vector<16xi32>
        %parallel_loop3A_360 = arith.shrsi %iota3A, %parallel_loop3A_359 : vector<16xi32>
        %parallel_loop3A_361 = arith.constant 6 : i32
        %parallel_loop3A_362 = vector.broadcast %parallel_loop3A_361 : i32 to vector<16xi32>
        %parallel_loop3A_363 = arith.addi %parallel_loop3A_362, %parallel_loop3A_360 : vector<16xi32>
        %parallel_loop3A_364 = vector.shape_cast %parallel_loop3A_363 : vector<16xi32> to vector<16x1xi32>
        %parallel_loop3A_365 = vector.shape_cast %parallel_loop3A_364 : vector<16x1xi32> to vector<16xi32>
        %parallel_loop3A_366 = tpu.dynamic_gather %parallel_loop3A_291[%parallel_loop3A_365] in [0] : vector<16xf32>, vector<16xi32> -> vector<16xf32>
        %parallel_loop3A_367 = arith.mulf %parallel_loop3A_347, %parallel_loop3A_357 : vector<16xf32>
        %parallel_loop3A_368 = arith.constant 0 : i32
        %parallel_loop3A_369 = arith.index_cast %parallel_loop3A_368 : i32 to index
        %parallel_loop3A_370 = arith.index_cast %parallel_loop3A_265 : i32 to index
        %parallel_loop3A_371 = arith.constant 32 : index
        %parallel_loop3A_372 = tpu.vector_load %arg11[%parallel_loop3A_369, %parallel_loop3A_370, %parallel_loop3A_371] {strides = array<i32>} : memref<3x128x80xf32, #tpu.memory_space<vmem>>, vector<16xf32>,
        tpu.vector_store %arg11[%parallel_loop3A_369, %parallel_loop3A_370, %parallel_loop3A_371], %parallel_loop3A_367 {strides = array<i32>} : memref<3x128x80xf32, #tpu.memory_space<vmem>>, vector<16xf32>,
        %parallel_loop3A_373 = arith.mulf %parallel_loop3A_348, %parallel_loop3A_366 : vector<16xf32>
        %parallel_loop3A_374 = arith.constant 0 : i32
        %parallel_loop3A_375 = arith.index_cast %parallel_loop3A_374 : i32 to index
        %parallel_loop3A_376 = arith.index_cast %parallel_loop3A_265 : i32 to index
        %parallel_loop3A_377 = arith.constant 48 : index
        %parallel_loop3A_378 = tpu.vector_load %arg11[%parallel_loop3A_375, %parallel_loop3A_376, %parallel_loop3A_377] {strides = array<i32>} : memref<3x128x80xf32, #tpu.memory_space<vmem>>, vector<16xf32>,
        tpu.vector_store %arg11[%parallel_loop3A_375, %parallel_loop3A_376, %parallel_loop3A_377], %parallel_loop3A_373 {strides = array<i32>} : memref<3x128x80xf32, #tpu.memory_space<vmem>>, vector<16xf32>,
      } {sc.loop_unroll_factor = 8 : i64, sc.parallel_access}
      %dma_start3A_160 = arith.constant 0 : i32
      %dma_start3A_161 = arith.constant 0 : i32
      %dma_start3A_162 = arith.constant 0 : i32
      %dma_start3A_163 = tpu.memref_slice %arg11[%dma_start3A_160, %dma_start3A_161, %dma_start3A_162] : memref<3x128x80xf32, #tpu.memory_space<vmem>> -> memref<1x128x80xf32, #tpu.memory_space<vmem>>
      %dma_start3A_164 = tpu.memref_squeeze %dma_start3A_163 : memref<1x128x80xf32, #tpu.memory_space<vmem>> -> memref<128x80xf32, #tpu.memory_space<vmem>>
      %dma_start3A_165 = arith.constant 0 : i32
      %dma_start3A_166 = tpu.memref_slice %arg8[%add3A_135, %dma_start3A_165] : memref<81x128xi32, #tpu.memory_space<vmem>> -> memref<1x128xi32, #tpu.memory_space<vmem>>
      %dma_start3A_167 = tpu.memref_squeeze %dma_start3A_166 : memref<1x128xi32, #tpu.memory_space<vmem>> -> memref<128xi32, #tpu.memory_space<vmem>>
      %dma_start3A_168 = arith.constant 0 : i32
      %dma_start3A_169 = arith.constant 0 : i32
      %dma_start3A_170 = tpu.memref_slice %arg12[%dma_start3A_168, %dma_start3A_169] : memref<10112x80xf32, #tpu.memory_space<vmem_shared>> -> memref<10112x80xf32, #tpu.memory_space<vmem_shared>>
      tpu.enqueue_indirect_dma source(%dma_start3A_164 : memref<128x80xf32, #tpu.memory_space<vmem>>) target(%dma_start3A_170 : memref<10112x80xf32, #tpu.memory_space<vmem_shared>>) offsets(%dma_start3A_167 : memref<128xi32, #tpu.memory_space<vmem>>) semaphore(%arg19 : memref<!tpu.dma_semaphore, #tpu.memory_space<semaphore_mem>>) {add = true}
      %add3A_171 = arith.constant 2 : i32
      %add3A_172 = arith.addi %add3A_135, %add3A_171 : i32
      %lt3A = arith.constant 81 : i32
      %lt3A_173 = arith.cmpi slt, %add3A_172, %lt3A : i32
      %convert_element_type3A = arith.extui %lt3A_173 : i1 to i32
      %cond3A = arith.constant 0 : i32
      %cond3A_174 = arith.cmpi ne, %convert_element_type3A, %cond3A : i32
      scf.if %cond3A_174 {
        %ge3A = arith.constant 1 : i32
        %ge3A_265 = arith.cmpi sge, %add3A_135, %ge3A : i32
        %convert_element_type3A_266 = arith.extui %ge3A_265 : i1 to i32
        %cond3A_267 = arith.constant 0 : i32
        %cond3A_268 = arith.cmpi ne, %convert_element_type3A_266, %cond3A_267 : i32
        scf.if %cond3A_268 {
          %sub3A = arith.constant 1 : i32
          %sub3A_291 = arith.subi %add3A_135, %sub3A : i32
          %dma_wait3A_292 = arith.constant 2 : i32
          %dma_wait3A_293 = arith.constant 0 : i32
          %dma_wait3A_294 = arith.constant 0 : i32
          %dma_wait3A_295 = tpu.memref_slice %arg11[%dma_wait3A_292, %dma_wait3A_293, %dma_wait3A_294] : memref<3x128x80xf32, #tpu.memory_space<vmem>> -> memref<1x128x80xf32, #tpu.memory_space<vmem>>
          %dma_wait3A_296 = tpu.memref_squeeze %dma_wait3A_295 : memref<1x128x80xf32, #tpu.memory_space<vmem>> -> memref<128x80xf32, #tpu.memory_space<vmem>>
          %dma_wait3A_297 = arith.constant 0 : i32
          %dma_wait3A_298 = tpu.memref_slice %arg8[%sub3A_291, %dma_wait3A_297] : memref<81x128xi32, #tpu.memory_space<vmem>> -> memref<1x128xi32, #tpu.memory_space<vmem>>
          %dma_wait3A_299 = tpu.memref_squeeze %dma_wait3A_298 : memref<1x128xi32, #tpu.memory_space<vmem>> -> memref<128xi32, #tpu.memory_space<vmem>>
          %dma_wait3A_300 = arith.constant 0 : i32
          %dma_wait3A_301 = arith.constant 0 : i32
          %dma_wait3A_302 = tpu.memref_slice %arg12[%dma_wait3A_300, %dma_wait3A_301] : memref<10112x80xf32, #tpu.memory_space<vmem_shared>> -> memref<10112x80xf32, #tpu.memory_space<vmem_shared>>
          tpu.wait_indirect_dma semaphore(%arg21 : memref<!tpu.dma_semaphore, #tpu.memory_space<semaphore_mem>>) src(%dma_wait3A_296 : memref<128x80xf32, #tpu.memory_space<vmem>>) dst(%dma_wait3A_302 : memref<10112x80xf32, #tpu.memory_space<vmem_shared>>)
        } else {
        }
        %dma_start3A_269 = arith.constant 2 : i32
        %dma_start3A_270 = arith.constant 0 : i32
        %dma_start3A_271 = arith.constant 0 : i32
        %dma_start3A_272 = tpu.memref_slice %arg9[%dma_start3A_269, %dma_start3A_270, %dma_start3A_271] : memref<3x128x48xf32, #tpu.memory_space<vmem>> -> memref<1x128x48xf32, #tpu.memory_space<vmem>>
        %dma_start3A_273 = tpu.memref_squeeze %dma_start3A_272 : memref<1x128x48xf32, #tpu.memory_space<vmem>> -> memref<128x48xf32, #tpu.memory_space<vmem>>
        %dma_start3A_274 = arith.constant 0 : i32
        %dma_start3A_275 = tpu.memref_slice %arg7[%add3A_172, %dma_start3A_274] : memref<81x128xi32, #tpu.memory_space<vmem>> -> memref<1x128xi32, #tpu.memory_space<vmem>>
        %dma_start3A_276 = tpu.memref_squeeze %dma_start3A_275 : memref<1x128xi32, #tpu.memory_space<vmem>> -> memref<128xi32, #tpu.memory_space<vmem>>
        %dma_start3A_277 = arith.constant 0 : i32
        %dma_start3A_278 = arith.constant 0 : i32
        %dma_start3A_279 = tpu.memref_slice %arg2[%dma_start3A_277, %dma_start3A_278] : memref<10112x48xf32, #tpu.memory_space<hbm>> -> memref<10112x48xf32, #tpu.memory_space<hbm>>
        tpu.enqueue_indirect_dma source(%dma_start3A_279 : memref<10112x48xf32, #tpu.memory_space<hbm>>) target(%dma_start3A_273 : memref<128x48xf32, #tpu.memory_space<vmem>>) offsets(%dma_start3A_276 : memref<128xi32, #tpu.memory_space<vmem>>) semaphore(%arg15 : memref<!tpu.dma_semaphore, #tpu.memory_space<semaphore_mem>>)
        %dma_start3A_280 = arith.constant 2 : i32
        %dma_start3A_281 = arith.constant 0 : i32
        %dma_start3A_282 = arith.constant 0 : i32
        %dma_start3A_283 = tpu.memref_slice %arg10[%dma_start3A_280, %dma_start3A_281, %dma_start3A_282] : memref<3x128x16xf32, #tpu.memory_space<vmem>> -> memref<1x128x16xf32, #tpu.memory_space<vmem>>
        %dma_start3A_284 = tpu.memref_squeeze %dma_start3A_283 : memref<1x128x16xf32, #tpu.memory_space<vmem>> -> memref<128x16xf32, #tpu.memory_space<vmem>>
        %dma_start3A_285 = arith.constant 0 : i32
        %dma_start3A_286 = tpu.memref_slice %arg8[%add3A_172, %dma_start3A_285] : memref<81x128xi32, #tpu.memory_space<vmem>> -> memref<1x128xi32, #tpu.memory_space<vmem>>
        %dma_start3A_287 = tpu.memref_squeeze %dma_start3A_286 : memref<1x128xi32, #tpu.memory_space<vmem>> -> memref<128xi32, #tpu.memory_space<vmem>>
        %dma_start3A_288 = arith.constant 0 : i32
        %dma_start3A_289 = arith.constant 0 : i32
        %dma_start3A_290 = tpu.memref_slice %arg3[%dma_start3A_288, %dma_start3A_289] : memref<10112x16xf32, #tpu.memory_space<hbm>> -> memref<10112x16xf32, #tpu.memory_space<hbm>>
        tpu.enqueue_indirect_dma source(%dma_start3A_290 : memref<10112x16xf32, #tpu.memory_space<hbm>>) target(%dma_start3A_284 : memref<128x16xf32, #tpu.memory_space<vmem>>) offsets(%dma_start3A_287 : memref<128xi32, #tpu.memory_space<vmem>>) semaphore(%arg18 : memref<!tpu.dma_semaphore, #tpu.memory_space<semaphore_mem>>)
      } else {
      }
      %add3A_175 = arith.constant 1 : i32
      %add3A_176 = arith.addi %mul3A_133, %add3A_175 : i32
      %dma_wait3A_177 = arith.constant 1 : i32
      %dma_wait3A_178 = arith.constant 0 : i32
      %dma_wait3A_179 = arith.constant 0 : i32
      %dma_wait3A_180 = tpu.memref_slice %arg9[%dma_wait3A_177, %dma_wait3A_178, %dma_wait3A_179] : memref<3x128x48xf32, #tpu.memory_space<vmem>> -> memref<1x128x48xf32, #tpu.memory_space<vmem>>
      %dma_wait3A_181 = tpu.memref_squeeze %dma_wait3A_180 : memref<1x128x48xf32, #tpu.memory_space<vmem>> -> memref<128x48xf32, #tpu.memory_space<vmem>>
      %dma_wait3A_182 = arith.constant 0 : i32
      %dma_wait3A_183 = tpu.memref_slice %arg7[%add3A_176, %dma_wait3A_182] : memref<81x128xi32, #tpu.memory_space<vmem>> -> memref<1x128xi32, #tpu.memory_space<vmem>>
      %dma_wait3A_184 = tpu.memref_squeeze %dma_wait3A_183 : memref<1x128xi32, #tpu.memory_space<vmem>> -> memref<128xi32, #tpu.memory_space<vmem>>
      %dma_wait3A_185 = arith.constant 0 : i32
      %dma_wait3A_186 = arith.constant 0 : i32
      %dma_wait3A_187 = tpu.memref_slice %arg2[%dma_wait3A_185, %dma_wait3A_186] : memref<10112x48xf32, #tpu.memory_space<hbm>> -> memref<10112x48xf32, #tpu.memory_space<hbm>>
      tpu.wait_indirect_dma semaphore(%arg14 : memref<!tpu.dma_semaphore, #tpu.memory_space<semaphore_mem>>) src(%dma_wait3A_187 : memref<10112x48xf32, #tpu.memory_space<hbm>>) dst(%dma_wait3A_181 : memref<128x48xf32, #tpu.memory_space<vmem>>)
      %dma_wait3A_188 = arith.constant 1 : i32
      %dma_wait3A_189 = arith.constant 0 : i32
      %dma_wait3A_190 = arith.constant 0 : i32
      %dma_wait3A_191 = tpu.memref_slice %arg10[%dma_wait3A_188, %dma_wait3A_189, %dma_wait3A_190] : memref<3x128x16xf32, #tpu.memory_space<vmem>> -> memref<1x128x16xf32, #tpu.memory_space<vmem>>
      %dma_wait3A_192 = tpu.memref_squeeze %dma_wait3A_191 : memref<1x128x16xf32, #tpu.memory_space<vmem>> -> memref<128x16xf32, #tpu.memory_space<vmem>>
      %dma_wait3A_193 = arith.constant 0 : i32
      %dma_wait3A_194 = tpu.memref_slice %arg8[%add3A_176, %dma_wait3A_193] : memref<81x128xi32, #tpu.memory_space<vmem>> -> memref<1x128xi32, #tpu.memory_space<vmem>>
      %dma_wait3A_195 = tpu.memref_squeeze %dma_wait3A_194 : memref<1x128xi32, #tpu.memory_space<vmem>> -> memref<128xi32, #tpu.memory_space<vmem>>
      %dma_wait3A_196 = arith.constant 0 : i32
      %dma_wait3A_197 = arith.constant 0 : i32
      %dma_wait3A_198 = tpu.memref_slice %arg3[%dma_wait3A_196, %dma_wait3A_197] : memref<10112x16xf32, #tpu.memory_space<hbm>> -> memref<10112x16xf32, #tpu.memory_space<hbm>>
      tpu.wait_indirect_dma semaphore(%arg17 : memref<!tpu.dma_semaphore, #tpu.memory_space<semaphore_mem>>) src(%dma_wait3A_198 : memref<10112x16xf32, #tpu.memory_space<hbm>>) dst(%dma_wait3A_192 : memref<128x16xf32, #tpu.memory_space<vmem>>)
      %parallel_loop3A_199 = arith.constant 0 : i32
      %parallel_loop3A_200 = arith.constant 128 : i32
      %parallel_loop3A_201 = arith.constant 1 : i32
      scf.for %parallel_loop3A_265 = %parallel_loop3A_199 to %parallel_loop3A_200 step %parallel_loop3A_201  : i32 {
        %parallel_loop3A_266 = arith.constant 1 : i32
        %parallel_loop3A_267 = arith.index_cast %parallel_loop3A_266 : i32 to index
        %parallel_loop3A_268 = arith.index_cast %parallel_loop3A_265 : i32 to index
        %parallel_loop3A_269 = arith.constant 0 : index
        %parallel_loop3A_270 = tpu.vector_load %arg10[%parallel_loop3A_267, %parallel_loop3A_268, %parallel_loop3A_269] {strides = array<i32>} : memref<3x128x16xf32, #tpu.memory_space<vmem>>, vector<16xf32>,
        %parallel_loop3A_271 = arith.constant 1 : i32
        %parallel_loop3A_272 = arith.index_cast %parallel_loop3A_271 : i32 to index
        %parallel_loop3A_273 = arith.index_cast %parallel_loop3A_265 : i32 to index
        %parallel_loop3A_274 = arith.constant 32 : index
        %parallel_loop3A_275 = tpu.vector_load %arg9[%parallel_loop3A_272, %parallel_loop3A_273, %parallel_loop3A_274] {strides = array<i32>} : memref<3x128x48xf32, #tpu.memory_space<vmem>>, vector<16xf32>,
        %parallel_loop3A_276 = arith.addf %parallel_loop3A_275, %parallel_loop3A_270 : vector<16xf32>
        %parallel_loop3A_277 = arith.constant 7 : i32
        %parallel_loop3A_278 = vector.broadcast %parallel_loop3A_277 : i32 to vector<16xi32>
        %parallel_loop3A_279 = arith.andi %iota3A, %parallel_loop3A_278 : vector<16xi32>
        %parallel_loop3A_280 = arith.constant 8 : i32
        %parallel_loop3A_281 = vector.broadcast %parallel_loop3A_280 : i32 to vector<16xi32>
        %parallel_loop3A_282 = arith.addi %parallel_loop3A_281, %parallel_loop3A_279 : vector<16xi32>
        %parallel_loop3A_283 = vector.shape_cast %parallel_loop3A_282 : vector<16xi32> to vector<16x1xi32>
        %parallel_loop3A_284 = vector.shape_cast %parallel_loop3A_283 : vector<16x1xi32> to vector<16xi32>
        %parallel_loop3A_285 = tpu.dynamic_gather %parallel_loop3A_270[%parallel_loop3A_284] in [0] : vector<16xf32>, vector<16xi32> -> vector<16xf32>
        %parallel_loop3A_286 = arith.constant 2.000000e-01 : f32
        %parallel_loop3A_287 = vector.broadcast %parallel_loop3A_286 : f32 to vector<16xf32>
        %parallel_loop3A_288 = arith.mulf %parallel_loop3A_287, %parallel_loop3A_276 : vector<16xf32>
        %parallel_loop3A_289 = arith.maximumf %parallel_loop3A_276, %parallel_loop3A_288 : vector<16xf32>
        %parallel_loop3A_290 = arith.subf %parallel_loop3A_289, %parallel_loop3A_285 : vector<16xf32>
        %parallel_loop3A_291 = math.exp %parallel_loop3A_290 : vector<16xf32>
        %parallel_loop3A_292 = arith.constant 8 : i32
        %parallel_loop3A_293 = vector.broadcast %parallel_loop3A_292 : i32 to vector<16xi32>
        %parallel_loop3A_294 = arith.cmpi slt, %iota3A, %parallel_loop3A_293 : vector<16xi32>
        %parallel_loop3A_295 = arith.constant 0.000000e+00 : f32
        %parallel_loop3A_296 = vector.broadcast %parallel_loop3A_295 : f32 to vector<16xf32>
        %parallel_loop3A_297 = arith.select %parallel_loop3A_294, %parallel_loop3A_291, %parallel_loop3A_296 : vector<16xi1>, vector<16xf32>
        %parallel_loop3A_298 = arith.constant 1 : i32
        %parallel_loop3A_299 = arith.index_cast %parallel_loop3A_298 : i32 to index
        %parallel_loop3A_300 = arith.index_cast %parallel_loop3A_265 : i32 to index
        %parallel_loop3A_301 = arith.constant 64 : index
        %parallel_loop3A_302 = tpu.vector_load %arg11[%parallel_loop3A_299, %parallel_loop3A_300, %parallel_loop3A_301] {strides = array<i32>} : memref<3x128x80xf32, #tpu.memory_space<vmem>>, vector<16xf32>,
        tpu.vector_store %arg11[%parallel_loop3A_299, %parallel_loop3A_300, %parallel_loop3A_301], %parallel_loop3A_297 {strides = array<i32>} : memref<3x128x80xf32, #tpu.memory_space<vmem>>, vector<16xf32>,
        %parallel_loop3A_303 = arith.constant 1 : i32
        %parallel_loop3A_304 = arith.index_cast %parallel_loop3A_303 : i32 to index
        %parallel_loop3A_305 = arith.index_cast %parallel_loop3A_265 : i32 to index
        %parallel_loop3A_306 = arith.constant 0 : index
        %parallel_loop3A_307 = tpu.vector_load %arg9[%parallel_loop3A_304, %parallel_loop3A_305, %parallel_loop3A_306] {strides = array<i32>} : memref<3x128x48xf32, #tpu.memory_space<vmem>>, vector<16xf32>,
        %parallel_loop3A_308 = vector.bitcast %parallel_loop3A_307 : vector<16xf32> to vector<32xbf16>
        %parallel_loop3A_309 = tpu.unpack_subelements %parallel_loop3A_308, 0 {pack_format = #tpu.pack_format<interleaved>} : vector<32xbf16> -> vector<16xf32>
        %parallel_loop3A_310 = tpu.unpack_subelements %parallel_loop3A_308, 1 {pack_format = #tpu.pack_format<interleaved>} : vector<32xbf16> -> vector<16xf32>
        %parallel_loop3A_311 = arith.constant 3 : i32
        %parallel_loop3A_312 = vector.broadcast %parallel_loop3A_311 : i32 to vector<16xi32>
        %parallel_loop3A_313 = arith.shrsi %iota3A, %parallel_loop3A_312 : vector<16xi32>
        %parallel_loop3A_314 = arith.constant 0 : i32
        %parallel_loop3A_315 = vector.broadcast %parallel_loop3A_314 : i32 to vector<16xi32>
        %parallel_loop3A_316 = arith.addi %parallel_loop3A_315, %parallel_loop3A_313 : vector<16xi32>
        %parallel_loop3A_317 = vector.shape_cast %parallel_loop3A_316 : vector<16xi32> to vector<16x1xi32>
        %parallel_loop3A_318 = vector.shape_cast %parallel_loop3A_317 : vector<16x1xi32> to vector<16xi32>
        %parallel_loop3A_319 = tpu.dynamic_gather %parallel_loop3A_291[%parallel_loop3A_318] in [0] : vector<16xf32>, vector<16xi32> -> vector<16xf32>
        %parallel_loop3A_320 = arith.constant 3 : i32
        %parallel_loop3A_321 = vector.broadcast %parallel_loop3A_320 : i32 to vector<16xi32>
        %parallel_loop3A_322 = arith.shrsi %iota3A, %parallel_loop3A_321 : vector<16xi32>
        %parallel_loop3A_323 = arith.constant 2 : i32
        %parallel_loop3A_324 = vector.broadcast %parallel_loop3A_323 : i32 to vector<16xi32>
        %parallel_loop3A_325 = arith.addi %parallel_loop3A_324, %parallel_loop3A_322 : vector<16xi32>
        %parallel_loop3A_326 = vector.shape_cast %parallel_loop3A_325 : vector<16xi32> to vector<16x1xi32>
        %parallel_loop3A_327 = vector.shape_cast %parallel_loop3A_326 : vector<16x1xi32> to vector<16xi32>
        %parallel_loop3A_328 = tpu.dynamic_gather %parallel_loop3A_291[%parallel_loop3A_327] in [0] : vector<16xf32>, vector<16xi32> -> vector<16xf32>
        %parallel_loop3A_329 = arith.mulf %parallel_loop3A_309, %parallel_loop3A_319 : vector<16xf32>
        %parallel_loop3A_330 = arith.constant 1 : i32
        %parallel_loop3A_331 = arith.index_cast %parallel_loop3A_330 : i32 to index
        %parallel_loop3A_332 = arith.index_cast %parallel_loop3A_265 : i32 to index
        %parallel_loop3A_333 = arith.constant 0 : index
        %parallel_loop3A_334 = tpu.vector_load %arg11[%parallel_loop3A_331, %parallel_loop3A_332, %parallel_loop3A_333] {strides = array<i32>} : memref<3x128x80xf32, #tpu.memory_space<vmem>>, vector<16xf32>,
        tpu.vector_store %arg11[%parallel_loop3A_331, %parallel_loop3A_332, %parallel_loop3A_333], %parallel_loop3A_329 {strides = array<i32>} : memref<3x128x80xf32, #tpu.memory_space<vmem>>, vector<16xf32>,
        %parallel_loop3A_335 = arith.mulf %parallel_loop3A_310, %parallel_loop3A_328 : vector<16xf32>
        %parallel_loop3A_336 = arith.constant 1 : i32
        %parallel_loop3A_337 = arith.index_cast %parallel_loop3A_336 : i32 to index
        %parallel_loop3A_338 = arith.index_cast %parallel_loop3A_265 : i32 to index
        %parallel_loop3A_339 = arith.constant 16 : index
        %parallel_loop3A_340 = tpu.vector_load %arg11[%parallel_loop3A_337, %parallel_loop3A_338, %parallel_loop3A_339] {strides = array<i32>} : memref<3x128x80xf32, #tpu.memory_space<vmem>>, vector<16xf32>,
        tpu.vector_store %arg11[%parallel_loop3A_337, %parallel_loop3A_338, %parallel_loop3A_339], %parallel_loop3A_335 {strides = array<i32>} : memref<3x128x80xf32, #tpu.memory_space<vmem>>, vector<16xf32>,
        %parallel_loop3A_341 = arith.constant 1 : i32
        %parallel_loop3A_342 = arith.index_cast %parallel_loop3A_341 : i32 to index
        %parallel_loop3A_343 = arith.index_cast %parallel_loop3A_265 : i32 to index
        %parallel_loop3A_344 = arith.constant 16 : index
        %parallel_loop3A_345 = tpu.vector_load %arg9[%parallel_loop3A_342, %parallel_loop3A_343, %parallel_loop3A_344] {strides = array<i32>} : memref<3x128x48xf32, #tpu.memory_space<vmem>>, vector<16xf32>,
        %parallel_loop3A_346 = vector.bitcast %parallel_loop3A_345 : vector<16xf32> to vector<32xbf16>
        %parallel_loop3A_347 = tpu.unpack_subelements %parallel_loop3A_346, 0 {pack_format = #tpu.pack_format<interleaved>} : vector<32xbf16> -> vector<16xf32>
        %parallel_loop3A_348 = tpu.unpack_subelements %parallel_loop3A_346, 1 {pack_format = #tpu.pack_format<interleaved>} : vector<32xbf16> -> vector<16xf32>
        %parallel_loop3A_349 = arith.constant 3 : i32
        %parallel_loop3A_350 = vector.broadcast %parallel_loop3A_349 : i32 to vector<16xi32>
        %parallel_loop3A_351 = arith.shrsi %iota3A, %parallel_loop3A_350 : vector<16xi32>
        %parallel_loop3A_352 = arith.constant 4 : i32
        %parallel_loop3A_353 = vector.broadcast %parallel_loop3A_352 : i32 to vector<16xi32>
        %parallel_loop3A_354 = arith.addi %parallel_loop3A_353, %parallel_loop3A_351 : vector<16xi32>
        %parallel_loop3A_355 = vector.shape_cast %parallel_loop3A_354 : vector<16xi32> to vector<16x1xi32>
        %parallel_loop3A_356 = vector.shape_cast %parallel_loop3A_355 : vector<16x1xi32> to vector<16xi32>
        %parallel_loop3A_357 = tpu.dynamic_gather %parallel_loop3A_291[%parallel_loop3A_356] in [0] : vector<16xf32>, vector<16xi32> -> vector<16xf32>
        %parallel_loop3A_358 = arith.constant 3 : i32
        %parallel_loop3A_359 = vector.broadcast %parallel_loop3A_358 : i32 to vector<16xi32>
        %parallel_loop3A_360 = arith.shrsi %iota3A, %parallel_loop3A_359 : vector<16xi32>
        %parallel_loop3A_361 = arith.constant 6 : i32
        %parallel_loop3A_362 = vector.broadcast %parallel_loop3A_361 : i32 to vector<16xi32>
        %parallel_loop3A_363 = arith.addi %parallel_loop3A_362, %parallel_loop3A_360 : vector<16xi32>
        %parallel_loop3A_364 = vector.shape_cast %parallel_loop3A_363 : vector<16xi32> to vector<16x1xi32>
        %parallel_loop3A_365 = vector.shape_cast %parallel_loop3A_364 : vector<16x1xi32> to vector<16xi32>
        %parallel_loop3A_366 = tpu.dynamic_gather %parallel_loop3A_291[%parallel_loop3A_365] in [0] : vector<16xf32>, vector<16xi32> -> vector<16xf32>
        %parallel_loop3A_367 = arith.mulf %parallel_loop3A_347, %parallel_loop3A_357 : vector<16xf32>
        %parallel_loop3A_368 = arith.constant 1 : i32
        %parallel_loop3A_369 = arith.index_cast %parallel_loop3A_368 : i32 to index
        %parallel_loop3A_370 = arith.index_cast %parallel_loop3A_265 : i32 to index
        %parallel_loop3A_371 = arith.constant 32 : index
        %parallel_loop3A_372 = tpu.vector_load %arg11[%parallel_loop3A_369, %parallel_loop3A_370, %parallel_loop3A_371] {strides = array<i32>} : memref<3x128x80xf32, #tpu.memory_space<vmem>>, vector<16xf32>,
        tpu.vector_store %arg11[%parallel_loop3A_369, %parallel_loop3A_370, %parallel_loop3A_371], %parallel_loop3A_367 {strides = array<i32>} : memref<3x128x80xf32, #tpu.memory_space<vmem>>, vector<16xf32>,
        %parallel_loop3A_373 = arith.mulf %parallel_loop3A_348, %parallel_loop3A_366 : vector<16xf32>
        %parallel_loop3A_374 = arith.constant 1 : i32
        %parallel_loop3A_375 = arith.index_cast %parallel_loop3A_374 : i32 to index
        %parallel_loop3A_376 = arith.index_cast %parallel_loop3A_265 : i32 to index
        %parallel_loop3A_377 = arith.constant 48 : index
        %parallel_loop3A_378 = tpu.vector_load %arg11[%parallel_loop3A_375, %parallel_loop3A_376, %parallel_loop3A_377] {strides = array<i32>} : memref<3x128x80xf32, #tpu.memory_space<vmem>>, vector<16xf32>,
        tpu.vector_store %arg11[%parallel_loop3A_375, %parallel_loop3A_376, %parallel_loop3A_377], %parallel_loop3A_373 {strides = array<i32>} : memref<3x128x80xf32, #tpu.memory_space<vmem>>, vector<16xf32>,
      } {sc.loop_unroll_factor = 8 : i64, sc.parallel_access}
      %dma_start3A_202 = arith.constant 1 : i32
      %dma_start3A_203 = arith.constant 0 : i32
      %dma_start3A_204 = arith.constant 0 : i32
      %dma_start3A_205 = tpu.memref_slice %arg11[%dma_start3A_202, %dma_start3A_203, %dma_start3A_204] : memref<3x128x80xf32, #tpu.memory_space<vmem>> -> memref<1x128x80xf32, #tpu.memory_space<vmem>>
      %dma_start3A_206 = tpu.memref_squeeze %dma_start3A_205 : memref<1x128x80xf32, #tpu.memory_space<vmem>> -> memref<128x80xf32, #tpu.memory_space<vmem>>
      %dma_start3A_207 = arith.constant 0 : i32
      %dma_start3A_208 = tpu.memref_slice %arg8[%add3A_176, %dma_start3A_207] : memref<81x128xi32, #tpu.memory_space<vmem>> -> memref<1x128xi32, #tpu.memory_space<vmem>>
      %dma_start3A_209 = tpu.memref_squeeze %dma_start3A_208 : memref<1x128xi32, #tpu.memory_space<vmem>> -> memref<128xi32, #tpu.memory_space<vmem>>
      %dma_start3A_210 = arith.constant 0 : i32
      %dma_start3A_211 = arith.constant 0 : i32
      %dma_start3A_212 = tpu.memref_slice %arg12[%dma_start3A_210, %dma_start3A_211] : memref<10112x80xf32, #tpu.memory_space<vmem_shared>> -> memref<10112x80xf32, #tpu.memory_space<vmem_shared>>
      tpu.enqueue_indirect_dma source(%dma_start3A_206 : memref<128x80xf32, #tpu.memory_space<vmem>>) target(%dma_start3A_212 : memref<10112x80xf32, #tpu.memory_space<vmem_shared>>) offsets(%dma_start3A_209 : memref<128xi32, #tpu.memory_space<vmem>>) semaphore(%arg20 : memref<!tpu.dma_semaphore, #tpu.memory_space<semaphore_mem>>) {add = true}
      %add3A_213 = arith.constant 2 : i32
      %add3A_214 = arith.addi %add3A_176, %add3A_213 : i32
      %lt3A_215 = arith.constant 81 : i32
      %lt3A_216 = arith.cmpi slt, %add3A_214, %lt3A_215 : i32
      %convert_element_type3A_217 = arith.extui %lt3A_216 : i1 to i32
      %cond3A_218 = arith.constant 0 : i32
      %cond3A_219 = arith.cmpi ne, %convert_element_type3A_217, %cond3A_218 : i32
      scf.if %cond3A_219 {
        %ge3A = arith.constant 1 : i32
        %ge3A_265 = arith.cmpi sge, %add3A_176, %ge3A : i32
        %convert_element_type3A_266 = arith.extui %ge3A_265 : i1 to i32
        %cond3A_267 = arith.constant 0 : i32
        %cond3A_268 = arith.cmpi ne, %convert_element_type3A_266, %cond3A_267 : i32
        scf.if %cond3A_268 {
          %sub3A = arith.constant 1 : i32
          %sub3A_291 = arith.subi %add3A_176, %sub3A : i32
          %dma_wait3A_292 = arith.constant 0 : i32
          %dma_wait3A_293 = arith.constant 0 : i32
          %dma_wait3A_294 = arith.constant 0 : i32
          %dma_wait3A_295 = tpu.memref_slice %arg11[%dma_wait3A_292, %dma_wait3A_293, %dma_wait3A_294] : memref<3x128x80xf32, #tpu.memory_space<vmem>> -> memref<1x128x80xf32, #tpu.memory_space<vmem>>
          %dma_wait3A_296 = tpu.memref_squeeze %dma_wait3A_295 : memref<1x128x80xf32, #tpu.memory_space<vmem>> -> memref<128x80xf32, #tpu.memory_space<vmem>>
          %dma_wait3A_297 = arith.constant 0 : i32
          %dma_wait3A_298 = tpu.memref_slice %arg8[%sub3A_291, %dma_wait3A_297] : memref<81x128xi32, #tpu.memory_space<vmem>> -> memref<1x128xi32, #tpu.memory_space<vmem>>
          %dma_wait3A_299 = tpu.memref_squeeze %dma_wait3A_298 : memref<1x128xi32, #tpu.memory_space<vmem>> -> memref<128xi32, #tpu.memory_space<vmem>>
          %dma_wait3A_300 = arith.constant 0 : i32
          %dma_wait3A_301 = arith.constant 0 : i32
          %dma_wait3A_302 = tpu.memref_slice %arg12[%dma_wait3A_300, %dma_wait3A_301] : memref<10112x80xf32, #tpu.memory_space<vmem_shared>> -> memref<10112x80xf32, #tpu.memory_space<vmem_shared>>
          tpu.wait_indirect_dma semaphore(%arg19 : memref<!tpu.dma_semaphore, #tpu.memory_space<semaphore_mem>>) src(%dma_wait3A_296 : memref<128x80xf32, #tpu.memory_space<vmem>>) dst(%dma_wait3A_302 : memref<10112x80xf32, #tpu.memory_space<vmem_shared>>)
        } else {
        }
        %dma_start3A_269 = arith.constant 0 : i32
        %dma_start3A_270 = arith.constant 0 : i32
        %dma_start3A_271 = arith.constant 0 : i32
        %dma_start3A_272 = tpu.memref_slice %arg9[%dma_start3A_269, %dma_start3A_270, %dma_start3A_271] : memref<3x128x48xf32, #tpu.memory_space<vmem>> -> memref<1x128x48xf32, #tpu.memory_space<vmem>>
        %dma_start3A_273 = tpu.memref_squeeze %dma_start3A_272 : memref<1x128x48xf32, #tpu.memory_space<vmem>> -> memref<128x48xf32, #tpu.memory_space<vmem>>
        %dma_start3A_274 = arith.constant 0 : i32
        %dma_start3A_275 = tpu.memref_slice %arg7[%add3A_214, %dma_start3A_274] : memref<81x128xi32, #tpu.memory_space<vmem>> -> memref<1x128xi32, #tpu.memory_space<vmem>>
        %dma_start3A_276 = tpu.memref_squeeze %dma_start3A_275 : memref<1x128xi32, #tpu.memory_space<vmem>> -> memref<128xi32, #tpu.memory_space<vmem>>
        %dma_start3A_277 = arith.constant 0 : i32
        %dma_start3A_278 = arith.constant 0 : i32
        %dma_start3A_279 = tpu.memref_slice %arg2[%dma_start3A_277, %dma_start3A_278] : memref<10112x48xf32, #tpu.memory_space<hbm>> -> memref<10112x48xf32, #tpu.memory_space<hbm>>
        tpu.enqueue_indirect_dma source(%dma_start3A_279 : memref<10112x48xf32, #tpu.memory_space<hbm>>) target(%dma_start3A_273 : memref<128x48xf32, #tpu.memory_space<vmem>>) offsets(%dma_start3A_276 : memref<128xi32, #tpu.memory_space<vmem>>) semaphore(%arg13 : memref<!tpu.dma_semaphore, #tpu.memory_space<semaphore_mem>>)
        %dma_start3A_280 = arith.constant 0 : i32
        %dma_start3A_281 = arith.constant 0 : i32
        %dma_start3A_282 = arith.constant 0 : i32
        %dma_start3A_283 = tpu.memref_slice %arg10[%dma_start3A_280, %dma_start3A_281, %dma_start3A_282] : memref<3x128x16xf32, #tpu.memory_space<vmem>> -> memref<1x128x16xf32, #tpu.memory_space<vmem>>
        %dma_start3A_284 = tpu.memref_squeeze %dma_start3A_283 : memref<1x128x16xf32, #tpu.memory_space<vmem>> -> memref<128x16xf32, #tpu.memory_space<vmem>>
        %dma_start3A_285 = arith.constant 0 : i32
        %dma_start3A_286 = tpu.memref_slice %arg8[%add3A_214, %dma_start3A_285] : memref<81x128xi32, #tpu.memory_space<vmem>> -> memref<1x128xi32, #tpu.memory_space<vmem>>
        %dma_start3A_287 = tpu.memref_squeeze %dma_start3A_286 : memref<1x128xi32, #tpu.memory_space<vmem>> -> memref<128xi32, #tpu.memory_space<vmem>>
        %dma_start3A_288 = arith.constant 0 : i32
        %dma_start3A_289 = arith.constant 0 : i32
        %dma_start3A_290 = tpu.memref_slice %arg3[%dma_start3A_288, %dma_start3A_289] : memref<10112x16xf32, #tpu.memory_space<hbm>> -> memref<10112x16xf32, #tpu.memory_space<hbm>>
        tpu.enqueue_indirect_dma source(%dma_start3A_290 : memref<10112x16xf32, #tpu.memory_space<hbm>>) target(%dma_start3A_284 : memref<128x16xf32, #tpu.memory_space<vmem>>) offsets(%dma_start3A_287 : memref<128xi32, #tpu.memory_space<vmem>>) semaphore(%arg16 : memref<!tpu.dma_semaphore, #tpu.memory_space<semaphore_mem>>)
      } else {
      }
      %add3A_220 = arith.constant 2 : i32
      %add3A_221 = arith.addi %mul3A_133, %add3A_220 : i32
      %dma_wait3A_222 = arith.constant 2 : i32
      %dma_wait3A_223 = arith.constant 0 : i32
      %dma_wait3A_224 = arith.constant 0 : i32
      %dma_wait3A_225 = tpu.memref_slice %arg9[%dma_wait3A_222, %dma_wait3A_223, %dma_wait3A_224] : memref<3x128x48xf32, #tpu.memory_space<vmem>> -> memref<1x128x48xf32, #tpu.memory_space<vmem>>
      %dma_wait3A_226 = tpu.memref_squeeze %dma_wait3A_225 : memref<1x128x48xf32, #tpu.memory_space<vmem>> -> memref<128x48xf32, #tpu.memory_space<vmem>>
      %dma_wait3A_227 = arith.constant 0 : i32
      %dma_wait3A_228 = tpu.memref_slice %arg7[%add3A_221, %dma_wait3A_227] : memref<81x128xi32, #tpu.memory_space<vmem>> -> memref<1x128xi32, #tpu.memory_space<vmem>>
      %dma_wait3A_229 = tpu.memref_squeeze %dma_wait3A_228 : memref<1x128xi32, #tpu.memory_space<vmem>> -> memref<128xi32, #tpu.memory_space<vmem>>
      %dma_wait3A_230 = arith.constant 0 : i32
      %dma_wait3A_231 = arith.constant 0 : i32
      %dma_wait3A_232 = tpu.memref_slice %arg2[%dma_wait3A_230, %dma_wait3A_231] : memref<10112x48xf32, #tpu.memory_space<hbm>> -> memref<10112x48xf32, #tpu.memory_space<hbm>>
      tpu.wait_indirect_dma semaphore(%arg15 : memref<!tpu.dma_semaphore, #tpu.memory_space<semaphore_mem>>) src(%dma_wait3A_232 : memref<10112x48xf32, #tpu.memory_space<hbm>>) dst(%dma_wait3A_226 : memref<128x48xf32, #tpu.memory_space<vmem>>)
      %dma_wait3A_233 = arith.constant 2 : i32
      %dma_wait3A_234 = arith.constant 0 : i32
      %dma_wait3A_235 = arith.constant 0 : i32
      %dma_wait3A_236 = tpu.memref_slice %arg10[%dma_wait3A_233, %dma_wait3A_234, %dma_wait3A_235] : memref<3x128x16xf32, #tpu.memory_space<vmem>> -> memref<1x128x16xf32, #tpu.memory_space<vmem>>
      %dma_wait3A_237 = tpu.memref_squeeze %dma_wait3A_236 : memref<1x128x16xf32, #tpu.memory_space<vmem>> -> memref<128x16xf32, #tpu.memory_space<vmem>>
      %dma_wait3A_238 = arith.constant 0 : i32
      %dma_wait3A_239 = tpu.memref_slice %arg8[%add3A_221, %dma_wait3A_238] : memref<81x128xi32, #tpu.memory_space<vmem>> -> memref<1x128xi32, #tpu.memory_space<vmem>>
      %dma_wait3A_240 = tpu.memref_squeeze %dma_wait3A_239 : memref<1x128xi32, #tpu.memory_space<vmem>> -> memref<128xi32, #tpu.memory_space<vmem>>
      %dma_wait3A_241 = arith.constant 0 : i32
      %dma_wait3A_242 = arith.constant 0 : i32
      %dma_wait3A_243 = tpu.memref_slice %arg3[%dma_wait3A_241, %dma_wait3A_242] : memref<10112x16xf32, #tpu.memory_space<hbm>> -> memref<10112x16xf32, #tpu.memory_space<hbm>>
      tpu.wait_indirect_dma semaphore(%arg18 : memref<!tpu.dma_semaphore, #tpu.memory_space<semaphore_mem>>) src(%dma_wait3A_243 : memref<10112x16xf32, #tpu.memory_space<hbm>>) dst(%dma_wait3A_237 : memref<128x16xf32, #tpu.memory_space<vmem>>)
      %parallel_loop3A_244 = arith.constant 0 : i32
      %parallel_loop3A_245 = arith.constant 128 : i32
      %parallel_loop3A_246 = arith.constant 1 : i32
      scf.for %parallel_loop3A_265 = %parallel_loop3A_244 to %parallel_loop3A_245 step %parallel_loop3A_246  : i32 {
        %parallel_loop3A_266 = arith.constant 2 : i32
        %parallel_loop3A_267 = arith.index_cast %parallel_loop3A_266 : i32 to index
        %parallel_loop3A_268 = arith.index_cast %parallel_loop3A_265 : i32 to index
        %parallel_loop3A_269 = arith.constant 0 : index
        %parallel_loop3A_270 = tpu.vector_load %arg10[%parallel_loop3A_267, %parallel_loop3A_268, %parallel_loop3A_269] {strides = array<i32>} : memref<3x128x16xf32, #tpu.memory_space<vmem>>, vector<16xf32>,
        %parallel_loop3A_271 = arith.constant 2 : i32
        %parallel_loop3A_272 = arith.index_cast %parallel_loop3A_271 : i32 to index
        %parallel_loop3A_273 = arith.index_cast %parallel_loop3A_265 : i32 to index
        %parallel_loop3A_274 = arith.constant 32 : index
        %parallel_loop3A_275 = tpu.vector_load %arg9[%parallel_loop3A_272, %parallel_loop3A_273, %parallel_loop3A_274] {strides = array<i32>} : memref<3x128x48xf32, #tpu.memory_space<vmem>>, vector<16xf32>,
        %parallel_loop3A_276 = arith.addf %parallel_loop3A_275, %parallel_loop3A_270 : vector<16xf32>
        %parallel_loop3A_277 = arith.constant 7 : i32
        %parallel_loop3A_278 = vector.broadcast %parallel_loop3A_277 : i32 to vector<16xi32>
        %parallel_loop3A_279 = arith.andi %iota3A, %parallel_loop3A_278 : vector<16xi32>
        %parallel_loop3A_280 = arith.constant 8 : i32
        %parallel_loop3A_281 = vector.broadcast %parallel_loop3A_280 : i32 to vector<16xi32>
        %parallel_loop3A_282 = arith.addi %parallel_loop3A_281, %parallel_loop3A_279 : vector<16xi32>
        %parallel_loop3A_283 = vector.shape_cast %parallel_loop3A_282 : vector<16xi32> to vector<16x1xi32>
        %parallel_loop3A_284 = vector.shape_cast %parallel_loop3A_283 : vector<16x1xi32> to vector<16xi32>
        %parallel_loop3A_285 = tpu.dynamic_gather %parallel_loop3A_270[%parallel_loop3A_284] in [0] : vector<16xf32>, vector<16xi32> -> vector<16xf32>
        %parallel_loop3A_286 = arith.constant 2.000000e-01 : f32
        %parallel_loop3A_287 = vector.broadcast %parallel_loop3A_286 : f32 to vector<16xf32>
        %parallel_loop3A_288 = arith.mulf %parallel_loop3A_287, %parallel_loop3A_276 : vector<16xf32>
        %parallel_loop3A_289 = arith.maximumf %parallel_loop3A_276, %parallel_loop3A_288 : vector<16xf32>
        %parallel_loop3A_290 = arith.subf %parallel_loop3A_289, %parallel_loop3A_285 : vector<16xf32>
        %parallel_loop3A_291 = math.exp %parallel_loop3A_290 : vector<16xf32>
        %parallel_loop3A_292 = arith.constant 8 : i32
        %parallel_loop3A_293 = vector.broadcast %parallel_loop3A_292 : i32 to vector<16xi32>
        %parallel_loop3A_294 = arith.cmpi slt, %iota3A, %parallel_loop3A_293 : vector<16xi32>
        %parallel_loop3A_295 = arith.constant 0.000000e+00 : f32
        %parallel_loop3A_296 = vector.broadcast %parallel_loop3A_295 : f32 to vector<16xf32>
        %parallel_loop3A_297 = arith.select %parallel_loop3A_294, %parallel_loop3A_291, %parallel_loop3A_296 : vector<16xi1>, vector<16xf32>
        %parallel_loop3A_298 = arith.constant 2 : i32
        %parallel_loop3A_299 = arith.index_cast %parallel_loop3A_298 : i32 to index
        %parallel_loop3A_300 = arith.index_cast %parallel_loop3A_265 : i32 to index
        %parallel_loop3A_301 = arith.constant 64 : index
        %parallel_loop3A_302 = tpu.vector_load %arg11[%parallel_loop3A_299, %parallel_loop3A_300, %parallel_loop3A_301] {strides = array<i32>} : memref<3x128x80xf32, #tpu.memory_space<vmem>>, vector<16xf32>,
        tpu.vector_store %arg11[%parallel_loop3A_299, %parallel_loop3A_300, %parallel_loop3A_301], %parallel_loop3A_297 {strides = array<i32>} : memref<3x128x80xf32, #tpu.memory_space<vmem>>, vector<16xf32>,
        %parallel_loop3A_303 = arith.constant 2 : i32
        %parallel_loop3A_304 = arith.index_cast %parallel_loop3A_303 : i32 to index
        %parallel_loop3A_305 = arith.index_cast %parallel_loop3A_265 : i32 to index
        %parallel_loop3A_306 = arith.constant 0 : index
        %parallel_loop3A_307 = tpu.vector_load %arg9[%parallel_loop3A_304, %parallel_loop3A_305, %parallel_loop3A_306] {strides = array<i32>} : memref<3x128x48xf32, #tpu.memory_space<vmem>>, vector<16xf32>,
        %parallel_loop3A_308 = vector.bitcast %parallel_loop3A_307 : vector<16xf32> to vector<32xbf16>
        %parallel_loop3A_309 = tpu.unpack_subelements %parallel_loop3A_308, 0 {pack_format = #tpu.pack_format<interleaved>} : vector<32xbf16> -> vector<16xf32>
        %parallel_loop3A_310 = tpu.unpack_subelements %parallel_loop3A_308, 1 {pack_format = #tpu.pack_format<interleaved>} : vector<32xbf16> -> vector<16xf32>
        %parallel_loop3A_311 = arith.constant 3 : i32
        %parallel_loop3A_312 = vector.broadcast %parallel_loop3A_311 : i32 to vector<16xi32>
        %parallel_loop3A_313 = arith.shrsi %iota3A, %parallel_loop3A_312 : vector<16xi32>
        %parallel_loop3A_314 = arith.constant 0 : i32
        %parallel_loop3A_315 = vector.broadcast %parallel_loop3A_314 : i32 to vector<16xi32>
        %parallel_loop3A_316 = arith.addi %parallel_loop3A_315, %parallel_loop3A_313 : vector<16xi32>
        %parallel_loop3A_317 = vector.shape_cast %parallel_loop3A_316 : vector<16xi32> to vector<16x1xi32>
        %parallel_loop3A_318 = vector.shape_cast %parallel_loop3A_317 : vector<16x1xi32> to vector<16xi32>
        %parallel_loop3A_319 = tpu.dynamic_gather %parallel_loop3A_291[%parallel_loop3A_318] in [0] : vector<16xf32>, vector<16xi32> -> vector<16xf32>
        %parallel_loop3A_320 = arith.constant 3 : i32
        %parallel_loop3A_321 = vector.broadcast %parallel_loop3A_320 : i32 to vector<16xi32>
        %parallel_loop3A_322 = arith.shrsi %iota3A, %parallel_loop3A_321 : vector<16xi32>
        %parallel_loop3A_323 = arith.constant 2 : i32
        %parallel_loop3A_324 = vector.broadcast %parallel_loop3A_323 : i32 to vector<16xi32>
        %parallel_loop3A_325 = arith.addi %parallel_loop3A_324, %parallel_loop3A_322 : vector<16xi32>
        %parallel_loop3A_326 = vector.shape_cast %parallel_loop3A_325 : vector<16xi32> to vector<16x1xi32>
        %parallel_loop3A_327 = vector.shape_cast %parallel_loop3A_326 : vector<16x1xi32> to vector<16xi32>
        %parallel_loop3A_328 = tpu.dynamic_gather %parallel_loop3A_291[%parallel_loop3A_327] in [0] : vector<16xf32>, vector<16xi32> -> vector<16xf32>
        %parallel_loop3A_329 = arith.mulf %parallel_loop3A_309, %parallel_loop3A_319 : vector<16xf32>
        %parallel_loop3A_330 = arith.constant 2 : i32
        %parallel_loop3A_331 = arith.index_cast %parallel_loop3A_330 : i32 to index
        %parallel_loop3A_332 = arith.index_cast %parallel_loop3A_265 : i32 to index
        %parallel_loop3A_333 = arith.constant 0 : index
        %parallel_loop3A_334 = tpu.vector_load %arg11[%parallel_loop3A_331, %parallel_loop3A_332, %parallel_loop3A_333] {strides = array<i32>} : memref<3x128x80xf32, #tpu.memory_space<vmem>>, vector<16xf32>,
        tpu.vector_store %arg11[%parallel_loop3A_331, %parallel_loop3A_332, %parallel_loop3A_333], %parallel_loop3A_329 {strides = array<i32>} : memref<3x128x80xf32, #tpu.memory_space<vmem>>, vector<16xf32>,
        %parallel_loop3A_335 = arith.mulf %parallel_loop3A_310, %parallel_loop3A_328 : vector<16xf32>
        %parallel_loop3A_336 = arith.constant 2 : i32
        %parallel_loop3A_337 = arith.index_cast %parallel_loop3A_336 : i32 to index
        %parallel_loop3A_338 = arith.index_cast %parallel_loop3A_265 : i32 to index
        %parallel_loop3A_339 = arith.constant 16 : index
        %parallel_loop3A_340 = tpu.vector_load %arg11[%parallel_loop3A_337, %parallel_loop3A_338, %parallel_loop3A_339] {strides = array<i32>} : memref<3x128x80xf32, #tpu.memory_space<vmem>>, vector<16xf32>,
        tpu.vector_store %arg11[%parallel_loop3A_337, %parallel_loop3A_338, %parallel_loop3A_339], %parallel_loop3A_335 {strides = array<i32>} : memref<3x128x80xf32, #tpu.memory_space<vmem>>, vector<16xf32>,
        %parallel_loop3A_341 = arith.constant 2 : i32
        %parallel_loop3A_342 = arith.index_cast %parallel_loop3A_341 : i32 to index
        %parallel_loop3A_343 = arith.index_cast %parallel_loop3A_265 : i32 to index
        %parallel_loop3A_344 = arith.constant 16 : index
        %parallel_loop3A_345 = tpu.vector_load %arg9[%parallel_loop3A_342, %parallel_loop3A_343, %parallel_loop3A_344] {strides = array<i32>} : memref<3x128x48xf32, #tpu.memory_space<vmem>>, vector<16xf32>,
        %parallel_loop3A_346 = vector.bitcast %parallel_loop3A_345 : vector<16xf32> to vector<32xbf16>
        %parallel_loop3A_347 = tpu.unpack_subelements %parallel_loop3A_346, 0 {pack_format = #tpu.pack_format<interleaved>} : vector<32xbf16> -> vector<16xf32>
        %parallel_loop3A_348 = tpu.unpack_subelements %parallel_loop3A_346, 1 {pack_format = #tpu.pack_format<interleaved>} : vector<32xbf16> -> vector<16xf32>
        %parallel_loop3A_349 = arith.constant 3 : i32
        %parallel_loop3A_350 = vector.broadcast %parallel_loop3A_349 : i32 to vector<16xi32>
        %parallel_loop3A_351 = arith.shrsi %iota3A, %parallel_loop3A_350 : vector<16xi32>
        %parallel_loop3A_352 = arith.constant 4 : i32
        %parallel_loop3A_353 = vector.broadcast %parallel_loop3A_352 : i32 to vector<16xi32>
        %parallel_loop3A_354 = arith.addi %parallel_loop3A_353, %parallel_loop3A_351 : vector<16xi32>
        %parallel_loop3A_355 = vector.shape_cast %parallel_loop3A_354 : vector<16xi32> to vector<16x1xi32>
        %parallel_loop3A_356 = vector.shape_cast %parallel_loop3A_355 : vector<16x1xi32> to vector<16xi32>
        %parallel_loop3A_357 = tpu.dynamic_gather %parallel_loop3A_291[%parallel_loop3A_356] in [0] : vector<16xf32>, vector<16xi32> -> vector<16xf32>
        %parallel_loop3A_358 = arith.constant 3 : i32
        %parallel_loop3A_359 = vector.broadcast %parallel_loop3A_358 : i32 to vector<16xi32>
        %parallel_loop3A_360 = arith.shrsi %iota3A, %parallel_loop3A_359 : vector<16xi32>
        %parallel_loop3A_361 = arith.constant 6 : i32
        %parallel_loop3A_362 = vector.broadcast %parallel_loop3A_361 : i32 to vector<16xi32>
        %parallel_loop3A_363 = arith.addi %parallel_loop3A_362, %parallel_loop3A_360 : vector<16xi32>
        %parallel_loop3A_364 = vector.shape_cast %parallel_loop3A_363 : vector<16xi32> to vector<16x1xi32>
        %parallel_loop3A_365 = vector.shape_cast %parallel_loop3A_364 : vector<16x1xi32> to vector<16xi32>
        %parallel_loop3A_366 = tpu.dynamic_gather %parallel_loop3A_291[%parallel_loop3A_365] in [0] : vector<16xf32>, vector<16xi32> -> vector<16xf32>
        %parallel_loop3A_367 = arith.mulf %parallel_loop3A_347, %parallel_loop3A_357 : vector<16xf32>
        %parallel_loop3A_368 = arith.constant 2 : i32
        %parallel_loop3A_369 = arith.index_cast %parallel_loop3A_368 : i32 to index
        %parallel_loop3A_370 = arith.index_cast %parallel_loop3A_265 : i32 to index
        %parallel_loop3A_371 = arith.constant 32 : index
        %parallel_loop3A_372 = tpu.vector_load %arg11[%parallel_loop3A_369, %parallel_loop3A_370, %parallel_loop3A_371] {strides = array<i32>} : memref<3x128x80xf32, #tpu.memory_space<vmem>>, vector<16xf32>,
        tpu.vector_store %arg11[%parallel_loop3A_369, %parallel_loop3A_370, %parallel_loop3A_371], %parallel_loop3A_367 {strides = array<i32>} : memref<3x128x80xf32, #tpu.memory_space<vmem>>, vector<16xf32>,
        %parallel_loop3A_373 = arith.mulf %parallel_loop3A_348, %parallel_loop3A_366 : vector<16xf32>
        %parallel_loop3A_374 = arith.constant 2 : i32
        %parallel_loop3A_375 = arith.index_cast %parallel_loop3A_374 : i32 to index
        %parallel_loop3A_376 = arith.index_cast %parallel_loop3A_265 : i32 to index
        %parallel_loop3A_377 = arith.constant 48 : index
        %parallel_loop3A_378 = tpu.vector_load %arg11[%parallel_loop3A_375, %parallel_loop3A_376, %parallel_loop3A_377] {strides = array<i32>} : memref<3x128x80xf32, #tpu.memory_space<vmem>>, vector<16xf32>,
        tpu.vector_store %arg11[%parallel_loop3A_375, %parallel_loop3A_376, %parallel_loop3A_377], %parallel_loop3A_373 {strides = array<i32>} : memref<3x128x80xf32, #tpu.memory_space<vmem>>, vector<16xf32>,
      } {sc.loop_unroll_factor = 8 : i64, sc.parallel_access}
      %dma_start3A_247 = arith.constant 2 : i32
      %dma_start3A_248 = arith.constant 0 : i32
      %dma_start3A_249 = arith.constant 0 : i32
      %dma_start3A_250 = tpu.memref_slice %arg11[%dma_start3A_247, %dma_start3A_248, %dma_start3A_249] : memref<3x128x80xf32, #tpu.memory_space<vmem>> -> memref<1x128x80xf32, #tpu.memory_space<vmem>>
      %dma_start3A_251 = tpu.memref_squeeze %dma_start3A_250 : memref<1x128x80xf32, #tpu.memory_space<vmem>> -> memref<128x80xf32, #tpu.memory_space<vmem>>
      %dma_start3A_252 = arith.constant 0 : i32
      %dma_start3A_253 = tpu.memref_slice %arg8[%add3A_221, %dma_start3A_252] : memref<81x128xi32, #tpu.memory_space<vmem>> -> memref<1x128xi32, #tpu.memory_space<vmem>>
      %dma_start3A_254 = tpu.memref_squeeze %dma_start3A_253 : memref<1x128xi32, #tpu.memory_space<vmem>> -> memref<128xi32, #tpu.memory_space<vmem>>
      %dma_start3A_255 = arith.constant 0 : i32
      %dma_start3A_256 = arith.constant 0 : i32
      %dma_start3A_257 = tpu.memref_slice %arg12[%dma_start3A_255, %dma_start3A_256] : memref<10112x80xf32, #tpu.memory_space<vmem_shared>> -> memref<10112x80xf32, #tpu.memory_space<vmem_shared>>
      tpu.enqueue_indirect_dma source(%dma_start3A_251 : memref<128x80xf32, #tpu.memory_space<vmem>>) target(%dma_start3A_257 : memref<10112x80xf32, #tpu.memory_space<vmem_shared>>) offsets(%dma_start3A_254 : memref<128xi32, #tpu.memory_space<vmem>>) semaphore(%arg21 : memref<!tpu.dma_semaphore, #tpu.memory_space<semaphore_mem>>) {add = true}
      %add3A_258 = arith.constant 2 : i32
      %add3A_259 = arith.addi %add3A_221, %add3A_258 : i32
      %lt3A_260 = arith.constant 81 : i32
      %lt3A_261 = arith.cmpi slt, %add3A_259, %lt3A_260 : i32
      %convert_element_type3A_262 = arith.extui %lt3A_261 : i1 to i32
      %cond3A_263 = arith.constant 0 : i32
      %cond3A_264 = arith.cmpi ne, %convert_element_type3A_262, %cond3A_263 : i32
      scf.if %cond3A_264 {
        %ge3A = arith.constant 1 : i32
        %ge3A_265 = arith.cmpi sge, %add3A_221, %ge3A : i32
        %convert_element_type3A_266 = arith.extui %ge3A_265 : i1 to i32
        %cond3A_267 = arith.constant 0 : i32
        %cond3A_268 = arith.cmpi ne, %convert_element_type3A_266, %cond3A_267 : i32
        scf.if %cond3A_268 {
          %sub3A = arith.constant 1 : i32
          %sub3A_291 = arith.subi %add3A_221, %sub3A : i32
          %dma_wait3A_292 = arith.constant 1 : i32
          %dma_wait3A_293 = arith.constant 0 : i32
          %dma_wait3A_294 = arith.constant 0 : i32
          %dma_wait3A_295 = tpu.memref_slice %arg11[%dma_wait3A_292, %dma_wait3A_293, %dma_wait3A_294] : memref<3x128x80xf32, #tpu.memory_space<vmem>> -> memref<1x128x80xf32, #tpu.memory_space<vmem>>
          %dma_wait3A_296 = tpu.memref_squeeze %dma_wait3A_295 : memref<1x128x80xf32, #tpu.memory_space<vmem>> -> memref<128x80xf32, #tpu.memory_space<vmem>>
          %dma_wait3A_297 = arith.constant 0 : i32
          %dma_wait3A_298 = tpu.memref_slice %arg8[%sub3A_291, %dma_wait3A_297] : memref<81x128xi32, #tpu.memory_space<vmem>> -> memref<1x128xi32, #tpu.memory_space<vmem>>
          %dma_wait3A_299 = tpu.memref_squeeze %dma_wait3A_298 : memref<1x128xi32, #tpu.memory_space<vmem>> -> memref<128xi32, #tpu.memory_space<vmem>>
          %dma_wait3A_300 = arith.constant 0 : i32
          %dma_wait3A_301 = arith.constant 0 : i32
          %dma_wait3A_302 = tpu.memref_slice %arg12[%dma_wait3A_300, %dma_wait3A_301] : memref<10112x80xf32, #tpu.memory_space<vmem_shared>> -> memref<10112x80xf32, #tpu.memory_space<vmem_shared>>
          tpu.wait_indirect_dma semaphore(%arg20 : memref<!tpu.dma_semaphore, #tpu.memory_space<semaphore_mem>>) src(%dma_wait3A_296 : memref<128x80xf32, #tpu.memory_space<vmem>>) dst(%dma_wait3A_302 : memref<10112x80xf32, #tpu.memory_space<vmem_shared>>)
        } else {
        }
        %dma_start3A_269 = arith.constant 1 : i32
        %dma_start3A_270 = arith.constant 0 : i32
        %dma_start3A_271 = arith.constant 0 : i32
        %dma_start3A_272 = tpu.memref_slice %arg9[%dma_start3A_269, %dma_start3A_270, %dma_start3A_271] : memref<3x128x48xf32, #tpu.memory_space<vmem>> -> memref<1x128x48xf32, #tpu.memory_space<vmem>>
        %dma_start3A_273 = tpu.memref_squeeze %dma_start3A_272 : memref<1x128x48xf32, #tpu.memory_space<vmem>> -> memref<128x48xf32, #tpu.memory_space<vmem>>
        %dma_start3A_274 = arith.constant 0 : i32
        %dma_start3A_275 = tpu.memref_slice %arg7[%add3A_259, %dma_start3A_274] : memref<81x128xi32, #tpu.memory_space<vmem>> -> memref<1x128xi32, #tpu.memory_space<vmem>>
        %dma_start3A_276 = tpu.memref_squeeze %dma_start3A_275 : memref<1x128xi32, #tpu.memory_space<vmem>> -> memref<128xi32, #tpu.memory_space<vmem>>
        %dma_start3A_277 = arith.constant 0 : i32
        %dma_start3A_278 = arith.constant 0 : i32
        %dma_start3A_279 = tpu.memref_slice %arg2[%dma_start3A_277, %dma_start3A_278] : memref<10112x48xf32, #tpu.memory_space<hbm>> -> memref<10112x48xf32, #tpu.memory_space<hbm>>
        tpu.enqueue_indirect_dma source(%dma_start3A_279 : memref<10112x48xf32, #tpu.memory_space<hbm>>) target(%dma_start3A_273 : memref<128x48xf32, #tpu.memory_space<vmem>>) offsets(%dma_start3A_276 : memref<128xi32, #tpu.memory_space<vmem>>) semaphore(%arg14 : memref<!tpu.dma_semaphore, #tpu.memory_space<semaphore_mem>>)
        %dma_start3A_280 = arith.constant 1 : i32
        %dma_start3A_281 = arith.constant 0 : i32
        %dma_start3A_282 = arith.constant 0 : i32
        %dma_start3A_283 = tpu.memref_slice %arg10[%dma_start3A_280, %dma_start3A_281, %dma_start3A_282] : memref<3x128x16xf32, #tpu.memory_space<vmem>> -> memref<1x128x16xf32, #tpu.memory_space<vmem>>
        %dma_start3A_284 = tpu.memref_squeeze %dma_start3A_283 : memref<1x128x16xf32, #tpu.memory_space<vmem>> -> memref<128x16xf32, #tpu.memory_space<vmem>>
        %dma_start3A_285 = arith.constant 0 : i32
        %dma_start3A_286 = tpu.memref_slice %arg8[%add3A_259, %dma_start3A_285] : memref<81x128xi32, #tpu.memory_space<vmem>> -> memref<1x128xi32, #tpu.memory_space<vmem>>
        %dma_start3A_287 = tpu.memref_squeeze %dma_start3A_286 : memref<1x128xi32, #tpu.memory_space<vmem>> -> memref<128xi32, #tpu.memory_space<vmem>>
        %dma_start3A_288 = arith.constant 0 : i32
        %dma_start3A_289 = arith.constant 0 : i32
        %dma_start3A_290 = tpu.memref_slice %arg3[%dma_start3A_288, %dma_start3A_289] : memref<10112x16xf32, #tpu.memory_space<hbm>> -> memref<10112x16xf32, #tpu.memory_space<hbm>>
        tpu.enqueue_indirect_dma source(%dma_start3A_290 : memref<10112x16xf32, #tpu.memory_space<hbm>>) target(%dma_start3A_284 : memref<128x16xf32, #tpu.memory_space<vmem>>) offsets(%dma_start3A_287 : memref<128xi32, #tpu.memory_space<vmem>>) semaphore(%arg17 : memref<!tpu.dma_semaphore, #tpu.memory_space<semaphore_mem>>)
      } else {
      }
    }
    %scan3A_74 = arith.constant 27 : i32
    %dma_wait3A = arith.constant 0 : i32
    %dma_wait3A_75 = arith.constant 78 : i32
    %dma_wait3A_76 = arith.constant 0 : i32
    %dma_wait3A_77 = arith.constant 0 : i32
    %dma_wait3A_78 = tpu.memref_slice %arg11[%dma_wait3A, %dma_wait3A_76, %dma_wait3A_77] : memref<3x128x80xf32, #tpu.memory_space<vmem>> -> memref<1x128x80xf32, #tpu.memory_space<vmem>>
    %dma_wait3A_79 = tpu.memref_squeeze %dma_wait3A_78 : memref<1x128x80xf32, #tpu.memory_space<vmem>> -> memref<128x80xf32, #tpu.memory_space<vmem>>
    %dma_wait3A_80 = arith.constant 0 : i32
    %dma_wait3A_81 = tpu.memref_slice %arg8[%dma_wait3A_75, %dma_wait3A_80] : memref<81x128xi32, #tpu.memory_space<vmem>> -> memref<1x128xi32, #tpu.memory_space<vmem>>
    %dma_wait3A_82 = tpu.memref_squeeze %dma_wait3A_81 : memref<1x128xi32, #tpu.memory_space<vmem>> -> memref<128xi32, #tpu.memory_space<vmem>>
    %dma_wait3A_83 = arith.constant 0 : i32
    %dma_wait3A_84 = arith.constant 0 : i32
    %dma_wait3A_85 = tpu.memref_slice %arg12[%dma_wait3A_83, %dma_wait3A_84] : memref<10112x80xf32, #tpu.memory_space<vmem_shared>> -> memref<10112x80xf32, #tpu.memory_space<vmem_shared>>
    tpu.wait_indirect_dma semaphore(%arg19 : memref<!tpu.dma_semaphore, #tpu.memory_space<semaphore_mem>>) src(%dma_wait3A_79 : memref<128x80xf32, #tpu.memory_space<vmem>>) dst(%dma_wait3A_85 : memref<10112x80xf32, #tpu.memory_space<vmem_shared>>)
    %dma_wait3A_86 = arith.constant 1 : i32
    %dma_wait3A_87 = arith.constant 79 : i32
    %dma_wait3A_88 = arith.constant 0 : i32
    %dma_wait3A_89 = arith.constant 0 : i32
    %dma_wait3A_90 = tpu.memref_slice %arg11[%dma_wait3A_86, %dma_wait3A_88, %dma_wait3A_89] : memref<3x128x80xf32, #tpu.memory_space<vmem>> -> memref<1x128x80xf32, #tpu.memory_space<vmem>>
    %dma_wait3A_91 = tpu.memref_squeeze %dma_wait3A_90 : memref<1x128x80xf32, #tpu.memory_space<vmem>> -> memref<128x80xf32, #tpu.memory_space<vmem>>
    %dma_wait3A_92 = arith.constant 0 : i32
    %dma_wait3A_93 = tpu.memref_slice %arg8[%dma_wait3A_87, %dma_wait3A_92] : memref<81x128xi32, #tpu.memory_space<vmem>> -> memref<1x128xi32, #tpu.memory_space<vmem>>
    %dma_wait3A_94 = tpu.memref_squeeze %dma_wait3A_93 : memref<1x128xi32, #tpu.memory_space<vmem>> -> memref<128xi32, #tpu.memory_space<vmem>>
    %dma_wait3A_95 = arith.constant 0 : i32
    %dma_wait3A_96 = arith.constant 0 : i32
    %dma_wait3A_97 = tpu.memref_slice %arg12[%dma_wait3A_95, %dma_wait3A_96] : memref<10112x80xf32, #tpu.memory_space<vmem_shared>> -> memref<10112x80xf32, #tpu.memory_space<vmem_shared>>
    tpu.wait_indirect_dma semaphore(%arg20 : memref<!tpu.dma_semaphore, #tpu.memory_space<semaphore_mem>>) src(%dma_wait3A_91 : memref<128x80xf32, #tpu.memory_space<vmem>>) dst(%dma_wait3A_97 : memref<10112x80xf32, #tpu.memory_space<vmem_shared>>)
    %dma_wait3A_98 = arith.constant 2 : i32
    %dma_wait3A_99 = arith.constant 80 : i32
    %dma_wait3A_100 = arith.constant 0 : i32
    %dma_wait3A_101 = arith.constant 0 : i32
    %dma_wait3A_102 = tpu.memref_slice %arg11[%dma_wait3A_98, %dma_wait3A_100, %dma_wait3A_101] : memref<3x128x80xf32, #tpu.memory_space<vmem>> -> memref<1x128x80xf32, #tpu.memory_space<vmem>>
    %dma_wait3A_103 = tpu.memref_squeeze %dma_wait3A_102 : memref<1x128x80xf32, #tpu.memory_space<vmem>> -> memref<128x80xf32, #tpu.memory_space<vmem>>
    %dma_wait3A_104 = arith.constant 0 : i32
    %dma_wait3A_105 = tpu.memref_slice %arg8[%dma_wait3A_99, %dma_wait3A_104] : memref<81x128xi32, #tpu.memory_space<vmem>> -> memref<1x128xi32, #tpu.memory_space<vmem>>
    %dma_wait3A_106 = tpu.memref_squeeze %dma_wait3A_105 : memref<1x128xi32, #tpu.memory_space<vmem>> -> memref<128xi32, #tpu.memory_space<vmem>>
    %dma_wait3A_107 = arith.constant 0 : i32
    %dma_wait3A_108 = arith.constant 0 : i32
    %dma_wait3A_109 = tpu.memref_slice %arg12[%dma_wait3A_107, %dma_wait3A_108] : memref<10112x80xf32, #tpu.memory_space<vmem_shared>> -> memref<10112x80xf32, #tpu.memory_space<vmem_shared>>
    tpu.wait_indirect_dma semaphore(%arg21 : memref<!tpu.dma_semaphore, #tpu.memory_space<semaphore_mem>>) src(%dma_wait3A_103 : memref<128x80xf32, #tpu.memory_space<vmem>>) dst(%dma_wait3A_109 : memref<10112x80xf32, #tpu.memory_space<vmem_shared>>)
    %barrier3A_110 = arith.constant 0 : index
    tpu.barrier barrier_id(%barrier3A_110)
    %add3A_111 = arith.constant 0 : i32
    %add3A_112 = arith.addi %mul3A_8, %add3A_111 : i32
    %add3A_113 = arith.constant 0 : i32
    %add3A_114 = arith.addi %mul3A_8, %add3A_113 : i32
    "tpu.region"() ({
      %run_scoped3A_131 = tpu.sem_alloc : memref<!tpu.dma_semaphore, #tpu.memory_space<semaphore_mem>>
      %dma_start3A_132 = arith.constant 0 : i32
      %dma_start3A_133 = tpu.memref_slice %arg6[%arg0, %add3A_114, %dma_start3A_132] : memref<2x10112x80xf32, #tpu.memory_space<hbm>> -> memref<1x128x80xf32, #tpu.memory_space<hbm>>
      %dma_start3A_134 = tpu.memref_squeeze %dma_start3A_133 : memref<1x128x80xf32, #tpu.memory_space<hbm>> -> memref<128x80xf32, #tpu.memory_space<hbm>>
      %dma_start3A_135 = arith.constant 0 : i32
      %dma_start3A_136 = tpu.memref_slice %arg12[%add3A_112, %dma_start3A_135] : memref<10112x80xf32, #tpu.memory_space<vmem_shared>> -> memref<128x80xf32, #tpu.memory_space<vmem_shared>>
      tpu.enqueue_dma source(%dma_start3A_136 : memref<128x80xf32, #tpu.memory_space<vmem_shared>>) target(%dma_start3A_134 : memref<128x80xf32, #tpu.memory_space<hbm>>) target_semaphore(%run_scoped3A_131 : memref<!tpu.dma_semaphore, #tpu.memory_space<semaphore_mem>>)
      %dma_wait3A_137 = arith.constant 0 : i32
      %dma_wait3A_138 = tpu.memref_slice %arg6[%arg0, %add3A_114, %dma_wait3A_137] : memref<2x10112x80xf32, #tpu.memory_space<hbm>> -> memref<1x128x80xf32, #tpu.memory_space<hbm>>
      %dma_wait3A_139 = tpu.memref_squeeze %dma_wait3A_138 : memref<1x128x80xf32, #tpu.memory_space<hbm>> -> memref<128x80xf32, #tpu.memory_space<hbm>>
      %dma_wait3A_140 = arith.constant 0 : i32
      %dma_wait3A_141 = tpu.memref_slice %arg12[%add3A_112, %dma_wait3A_140] : memref<10112x80xf32, #tpu.memory_space<vmem_shared>> -> memref<128x80xf32, #tpu.memory_space<vmem_shared>>
      tpu.wait_dma2 semaphore(%run_scoped3A_131 : memref<!tpu.dma_semaphore, #tpu.memory_space<semaphore_mem>>) src(%dma_wait3A_141 : memref<128x80xf32, #tpu.memory_space<vmem_shared>>) dst(%dma_wait3A_139 : memref<128x80xf32, #tpu.memory_space<hbm>>)
      tpu.yield
    }) : () -> ()
    %add3A_115 = arith.constant 128 : i32
    %add3A_116 = arith.addi %mul3A_8, %add3A_115 : i32
    %add3A_117 = arith.constant 128 : i32
    %add3A_118 = arith.addi %mul3A_8, %add3A_117 : i32
    "tpu.region"() ({
      %run_scoped3A_131 = tpu.sem_alloc : memref<!tpu.dma_semaphore, #tpu.memory_space<semaphore_mem>>
      %dma_start3A_132 = arith.constant 0 : i32
      %dma_start3A_133 = tpu.memref_slice %arg6[%arg0, %add3A_118, %dma_start3A_132] : memref<2x10112x80xf32, #tpu.memory_space<hbm>> -> memref<1x128x80xf32, #tpu.memory_space<hbm>>
      %dma_start3A_134 = tpu.memref_squeeze %dma_start3A_133 : memref<1x128x80xf32, #tpu.memory_space<hbm>> -> memref<128x80xf32, #tpu.memory_space<hbm>>
      %dma_start3A_135 = arith.constant 0 : i32
      %dma_start3A_136 = tpu.memref_slice %arg12[%add3A_116, %dma_start3A_135] : memref<10112x80xf32, #tpu.memory_space<vmem_shared>> -> memref<128x80xf32, #tpu.memory_space<vmem_shared>>
      tpu.enqueue_dma source(%dma_start3A_136 : memref<128x80xf32, #tpu.memory_space<vmem_shared>>) target(%dma_start3A_134 : memref<128x80xf32, #tpu.memory_space<hbm>>) target_semaphore(%run_scoped3A_131 : memref<!tpu.dma_semaphore, #tpu.memory_space<semaphore_mem>>)
      %dma_wait3A_137 = arith.constant 0 : i32
      %dma_wait3A_138 = tpu.memref_slice %arg6[%arg0, %add3A_118, %dma_wait3A_137] : memref<2x10112x80xf32, #tpu.memory_space<hbm>> -> memref<1x128x80xf32, #tpu.memory_space<hbm>>
      %dma_wait3A_139 = tpu.memref_squeeze %dma_wait3A_138 : memref<1x128x80xf32, #tpu.memory_space<hbm>> -> memref<128x80xf32, #tpu.memory_space<hbm>>
      %dma_wait3A_140 = arith.constant 0 : i32
      %dma_wait3A_141 = tpu.memref_slice %arg12[%add3A_116, %dma_wait3A_140] : memref<10112x80xf32, #tpu.memory_space<vmem_shared>> -> memref<128x80xf32, #tpu.memory_space<vmem_shared>>
      tpu.wait_dma2 semaphore(%run_scoped3A_131 : memref<!tpu.dma_semaphore, #tpu.memory_space<semaphore_mem>>) src(%dma_wait3A_141 : memref<128x80xf32, #tpu.memory_space<vmem_shared>>) dst(%dma_wait3A_139 : memref<128x80xf32, #tpu.memory_space<hbm>>)
      tpu.yield
    }) : () -> ()
    %add3A_119 = arith.constant 256 : i32
    %add3A_120 = arith.addi %mul3A_8, %add3A_119 : i32
    %add3A_121 = arith.constant 256 : i32
    %add3A_122 = arith.addi %mul3A_8, %add3A_121 : i32
    "tpu.region"() ({
      %run_scoped3A_131 = tpu.sem_alloc : memref<!tpu.dma_semaphore, #tpu.memory_space<semaphore_mem>>
      %dma_start3A_132 = arith.constant 0 : i32
      %dma_start3A_133 = tpu.memref_slice %arg6[%arg0, %add3A_122, %dma_start3A_132] : memref<2x10112x80xf32, #tpu.memory_space<hbm>> -> memref<1x128x80xf32, #tpu.memory_space<hbm>>
      %dma_start3A_134 = tpu.memref_squeeze %dma_start3A_133 : memref<1x128x80xf32, #tpu.memory_space<hbm>> -> memref<128x80xf32, #tpu.memory_space<hbm>>
      %dma_start3A_135 = arith.constant 0 : i32
      %dma_start3A_136 = tpu.memref_slice %arg12[%add3A_120, %dma_start3A_135] : memref<10112x80xf32, #tpu.memory_space<vmem_shared>> -> memref<128x80xf32, #tpu.memory_space<vmem_shared>>
      tpu.enqueue_dma source(%dma_start3A_136 : memref<128x80xf32, #tpu.memory_space<vmem_shared>>) target(%dma_start3A_134 : memref<128x80xf32, #tpu.memory_space<hbm>>) target_semaphore(%run_scoped3A_131 : memref<!tpu.dma_semaphore, #tpu.memory_space<semaphore_mem>>)
      %dma_wait3A_137 = arith.constant 0 : i32
      %dma_wait3A_138 = tpu.memref_slice %arg6[%arg0, %add3A_122, %dma_wait3A_137] : memref<2x10112x80xf32, #tpu.memory_space<hbm>> -> memref<1x128x80xf32, #tpu.memory_space<hbm>>
      %dma_wait3A_139 = tpu.memref_squeeze %dma_wait3A_138 : memref<1x128x80xf32, #tpu.memory_space<hbm>> -> memref<128x80xf32, #tpu.memory_space<hbm>>
      %dma_wait3A_140 = arith.constant 0 : i32
      %dma_wait3A_141 = tpu.memref_slice %arg12[%add3A_120, %dma_wait3A_140] : memref<10112x80xf32, #tpu.memory_space<vmem_shared>> -> memref<128x80xf32, #tpu.memory_space<vmem_shared>>
      tpu.wait_dma2 semaphore(%run_scoped3A_131 : memref<!tpu.dma_semaphore, #tpu.memory_space<semaphore_mem>>) src(%dma_wait3A_141 : memref<128x80xf32, #tpu.memory_space<vmem_shared>>) dst(%dma_wait3A_139 : memref<128x80xf32, #tpu.memory_space<hbm>>)
      tpu.yield
    }) : () -> ()
    %add3A_123 = arith.constant 384 : i32
    %add3A_124 = arith.addi %mul3A_8, %add3A_123 : i32
    %add3A_125 = arith.constant 384 : i32
    %add3A_126 = arith.addi %mul3A_8, %add3A_125 : i32
    "tpu.region"() ({
      %run_scoped3A_131 = tpu.sem_alloc : memref<!tpu.dma_semaphore, #tpu.memory_space<semaphore_mem>>
      %dma_start3A_132 = arith.constant 0 : i32
      %dma_start3A_133 = tpu.memref_slice %arg6[%arg0, %add3A_126, %dma_start3A_132] : memref<2x10112x80xf32, #tpu.memory_space<hbm>> -> memref<1x128x80xf32, #tpu.memory_space<hbm>>
      %dma_start3A_134 = tpu.memref_squeeze %dma_start3A_133 : memref<1x128x80xf32, #tpu.memory_space<hbm>> -> memref<128x80xf32, #tpu.memory_space<hbm>>
      %dma_start3A_135 = arith.constant 0 : i32
      %dma_start3A_136 = tpu.memref_slice %arg12[%add3A_124, %dma_start3A_135] : memref<10112x80xf32, #tpu.memory_space<vmem_shared>> -> memref<128x80xf32, #tpu.memory_space<vmem_shared>>
      tpu.enqueue_dma source(%dma_start3A_136 : memref<128x80xf32, #tpu.memory_space<vmem_shared>>) target(%dma_start3A_134 : memref<128x80xf32, #tpu.memory_space<hbm>>) target_semaphore(%run_scoped3A_131 : memref<!tpu.dma_semaphore, #tpu.memory_space<semaphore_mem>>)
      %dma_wait3A_137 = arith.constant 0 : i32
      %dma_wait3A_138 = tpu.memref_slice %arg6[%arg0, %add3A_126, %dma_wait3A_137] : memref<2x10112x80xf32, #tpu.memory_space<hbm>> -> memref<1x128x80xf32, #tpu.memory_space<hbm>>
      %dma_wait3A_139 = tpu.memref_squeeze %dma_wait3A_138 : memref<1x128x80xf32, #tpu.memory_space<hbm>> -> memref<128x80xf32, #tpu.memory_space<hbm>>
      %dma_wait3A_140 = arith.constant 0 : i32
      %dma_wait3A_141 = tpu.memref_slice %arg12[%add3A_124, %dma_wait3A_140] : memref<10112x80xf32, #tpu.memory_space<vmem_shared>> -> memref<128x80xf32, #tpu.memory_space<vmem_shared>>
      tpu.wait_dma2 semaphore(%run_scoped3A_131 : memref<!tpu.dma_semaphore, #tpu.memory_space<semaphore_mem>>) src(%dma_wait3A_141 : memref<128x80xf32, #tpu.memory_space<vmem_shared>>) dst(%dma_wait3A_139 : memref<128x80xf32, #tpu.memory_space<hbm>>)
      tpu.yield
    }) : () -> ()
    %add3A_127 = arith.constant 512 : i32
    %add3A_128 = arith.addi %mul3A_8, %add3A_127 : i32
    %add3A_129 = arith.constant 512 : i32
    %add3A_130 = arith.addi %mul3A_8, %add3A_129 : i32
    "tpu.region"() ({
      %run_scoped3A_131 = tpu.sem_alloc : memref<!tpu.dma_semaphore, #tpu.memory_space<semaphore_mem>>
      %dma_start3A_132 = arith.constant 0 : i32
      %dma_start3A_133 = tpu.memref_slice %arg6[%arg0, %add3A_130, %dma_start3A_132] : memref<2x10112x80xf32, #tpu.memory_space<hbm>> -> memref<1x120x80xf32, #tpu.memory_space<hbm>>
      %dma_start3A_134 = tpu.memref_squeeze %dma_start3A_133 : memref<1x120x80xf32, #tpu.memory_space<hbm>> -> memref<120x80xf32, #tpu.memory_space<hbm>>
      %dma_start3A_135 = arith.constant 0 : i32
      %dma_start3A_136 = tpu.memref_slice %arg12[%add3A_128, %dma_start3A_135] : memref<10112x80xf32, #tpu.memory_space<vmem_shared>> -> memref<120x80xf32, #tpu.memory_space<vmem_shared>>
      tpu.enqueue_dma source(%dma_start3A_136 : memref<120x80xf32, #tpu.memory_space<vmem_shared>>) target(%dma_start3A_134 : memref<120x80xf32, #tpu.memory_space<hbm>>) target_semaphore(%run_scoped3A_131 : memref<!tpu.dma_semaphore, #tpu.memory_space<semaphore_mem>>)
      %dma_wait3A_137 = arith.constant 0 : i32
      %dma_wait3A_138 = tpu.memref_slice %arg6[%arg0, %add3A_130, %dma_wait3A_137] : memref<2x10112x80xf32, #tpu.memory_space<hbm>> -> memref<1x120x80xf32, #tpu.memory_space<hbm>>
      %dma_wait3A_139 = tpu.memref_squeeze %dma_wait3A_138 : memref<1x120x80xf32, #tpu.memory_space<hbm>> -> memref<120x80xf32, #tpu.memory_space<hbm>>
      %dma_wait3A_140 = arith.constant 0 : i32
      %dma_wait3A_141 = tpu.memref_slice %arg12[%add3A_128, %dma_wait3A_140] : memref<10112x80xf32, #tpu.memory_space<vmem_shared>> -> memref<120x80xf32, #tpu.memory_space<vmem_shared>>
      tpu.wait_dma2 semaphore(%run_scoped3A_131 : memref<!tpu.dma_semaphore, #tpu.memory_space<semaphore_mem>>) src(%dma_wait3A_141 : memref<120x80xf32, #tpu.memory_space<vmem_shared>>) dst(%dma_wait3A_139 : memref<120x80xf32, #tpu.memory_space<hbm>>)
      tpu.yield
    }) : () -> ()
    return
  }
}

module attributes {stable_mosaic.version = 14 : i64} {
  func.func @body(%arg0: memref<10112x128xf32, #tpu.memory_space<vmem>>, %arg1: memref<128x64xf32, #tpu.memory_space<vmem>>, %arg2: memref<64x8xf32, #tpu.memory_space<vmem>>, %arg3: memref<64x8xf32, #tpu.memory_space<vmem>>, %arg4: memref<10112x48xf32, #tpu.memory_space<vmem>>, %arg5: memref<10112x16xf32, #tpu.memory_space<vmem>>) attributes {dimension_semantics = [], scalar_prefetch = 0 : i64, scratch_operands = 0 : i64, tpu.core_type = #tpu.core_type<tc>} {
    %get3A = arith.constant 0 : index
    %get3A_0 = arith.constant 0 : index
    %get3A_1 = vector.load %arg0[%get3A, %get3A_0] : memref<10112x128xf32, #tpu.memory_space<vmem>>, vector<10112x128xf32>
    %get3A_2 = arith.constant 0 : index
    %get3A_3 = arith.constant 0 : index
    %get3A_4 = vector.load %arg1[%get3A_2, %get3A_3] : memref<128x64xf32, #tpu.memory_space<vmem>>, vector<128x64xf32>
    %dot_general3A = arith.constant dense<0.000000e+00> : vector<10112x64xf32>
    %dot_general3A_5 = tpu.matmul %get3A_1, %get3A_4, %dot_general3A {dimension_numbers = #tpu.dot_dimension_numbers<[1], [0], [0], [1], [0, 0, 1, 1], [], []>, transpose_lhs_hint = false} : vector<10112x128xf32>, vector<128x64xf32>, vector<10112x64xf32> -> vector<10112x64xf32>
    %get3A_6 = arith.constant 0 : index
    %get3A_7 = arith.constant 0 : index
    %get3A_8 = vector.load %arg2[%get3A_6, %get3A_7] : memref<64x8xf32, #tpu.memory_space<vmem>>, vector<64x8xf32>
    %dot_general3A_9 = arith.constant dense<0.000000e+00> : vector<10112x8xf32>
    %dot_general3A_10 = tpu.matmul %dot_general3A_5, %get3A_8, %dot_general3A_9 {dimension_numbers = #tpu.dot_dimension_numbers<[1], [0], [0], [1], [0, 0, 1, 1], [], []>, transpose_lhs_hint = false} : vector<10112x64xf32>, vector<64x8xf32>, vector<10112x8xf32> -> vector<10112x8xf32>
    %get3A_11 = arith.constant 0 : index
    %get3A_12 = arith.constant 0 : index
    %get3A_13 = vector.load %arg3[%get3A_11, %get3A_12] : memref<64x8xf32, #tpu.memory_space<vmem>>, vector<64x8xf32>
    %dot_general3A_14 = arith.constant dense<0.000000e+00> : vector<10112x8xf32>
    %dot_general3A_15 = tpu.matmul %dot_general3A_5, %get3A_13, %dot_general3A_14 {dimension_numbers = #tpu.dot_dimension_numbers<[1], [0], [0], [1], [0, 0, 1, 1], [], []>, transpose_lhs_hint = false} : vector<10112x64xf32>, vector<64x8xf32>, vector<10112x8xf32> -> vector<10112x8xf32>
    %reduce_max3A = arith.constant dense<0xFF800000> : vector<8xf32>
    %reduce_max3A_16 = vector.multi_reduction <maximumf>, %dot_general3A_10, %reduce_max3A [0] : vector<10112x8xf32> to vector<8xf32>
    %broadcast_in_dim3A = vector.shape_cast %reduce_max3A_16 : vector<8xf32> to vector<1x8xf32>
    %add3A = vector.broadcast %broadcast_in_dim3A : vector<1x8xf32> to vector<10112x8xf32>
    %add3A_17 = arith.addf %add3A, %dot_general3A_15 : vector<10112x8xf32>
    %mul3A = arith.constant 2.000000e-01 : f32
    %mul3A_18 = vector.broadcast %mul3A : f32 to vector<10112x8xf32>
    %mul3A_19 = arith.mulf %mul3A_18, %add3A_17 : vector<10112x8xf32>
    %max3A = arith.maximumf %add3A_17, %mul3A_19 : vector<10112x8xf32>
    %convert_element_type3A = arith.truncf %dot_general3A_5 : vector<10112x64xf32> to vector<10112x64xbf16>
    %convert_element_type3A_20 = arith.extf %convert_element_type3A : vector<10112x64xbf16> to vector<10112x64xf32>
    %bitcast_convert_type3A = tpu.bitcast %convert_element_type3A_20 : vector<10112x64xf32> -> vector<10112x64xi32>
    %slice3A = vector.extract_strided_slice %bitcast_convert_type3A {offsets = [0, 0], sizes = [10112, 16], strides = [1, 1]} : vector<10112x64xi32> to vector<10112x16xi32>
    %slice3A_21 = vector.extract_strided_slice %bitcast_convert_type3A {offsets = [0, 16], sizes = [10112, 16], strides = [1, 1]} : vector<10112x64xi32> to vector<10112x16xi32>
    %shift_right_logical3A = arith.constant 16 : i32
    %shift_right_logical3A_22 = vector.broadcast %shift_right_logical3A : i32 to vector<10112x16xi32>
    %shift_right_logical3A_23 = arith.shrui %slice3A, %shift_right_logical3A_22 : vector<10112x16xi32>
    %or3A = arith.ori %slice3A_21, %shift_right_logical3A_23 : vector<10112x16xi32>
    %slice3A_24 = vector.extract_strided_slice %bitcast_convert_type3A {offsets = [0, 32], sizes = [10112, 16], strides = [1, 1]} : vector<10112x64xi32> to vector<10112x16xi32>
    %slice3A_25 = vector.extract_strided_slice %bitcast_convert_type3A {offsets = [0, 48], sizes = [10112, 16], strides = [1, 1]} : vector<10112x64xi32> to vector<10112x16xi32>
    %shift_right_logical3A_26 = arith.constant 16 : i32
    %shift_right_logical3A_27 = vector.broadcast %shift_right_logical3A_26 : i32 to vector<10112x16xi32>
    %shift_right_logical3A_28 = arith.shrui %slice3A_24, %shift_right_logical3A_27 : vector<10112x16xi32>
    %or3A_29 = arith.ori %slice3A_25, %shift_right_logical3A_28 : vector<10112x16xi32>
    %concatenate3A = tpu.concatenate %or3A, %or3A_29 in 1 : vector<10112x16xi32>, vector<10112x16xi32> -> vector<10112x32xi32>
    %bitcast_convert_type3A_30 = tpu.bitcast %concatenate3A : vector<10112x32xi32> -> vector<10112x32xf32>
    %broadcast_in_dim3A_31 = arith.constant 0.000000e+00 : f32
    %broadcast_in_dim3A_32 = vector.broadcast %broadcast_in_dim3A_31 : f32 to vector<10112x8xf32>
    %concatenate3A_33 = tpu.concatenate %bitcast_convert_type3A_30, %dot_general3A_10, %broadcast_in_dim3A_32 in 1 : vector<10112x32xf32>, vector<10112x8xf32>, vector<10112x8xf32> -> vector<10112x48xf32>
    %swap3A = arith.constant 0 : index
    %swap3A_34 = arith.constant 0 : index
    %swap3A_35 = vector.load %arg4[%swap3A, %swap3A_34] : memref<10112x48xf32, #tpu.memory_space<vmem>>, vector<10112x48xf32>
    tpu.vector_store %arg4[%swap3A, %swap3A_34], %concatenate3A_33 {strides = array<i32>} : memref<10112x48xf32, #tpu.memory_space<vmem>>, vector<10112x48xf32>,
    %concatenate3A_36 = tpu.concatenate %dot_general3A_15, %max3A in 1 : vector<10112x8xf32>, vector<10112x8xf32> -> vector<10112x16xf32>
    %swap3A_37 = arith.constant 0 : index
    %swap3A_38 = arith.constant 0 : index
    %swap3A_39 = vector.load %arg5[%swap3A_37, %swap3A_38] : memref<10112x16xf32, #tpu.memory_space<vmem>>, vector<10112x16xf32>
    tpu.vector_store %arg5[%swap3A_37, %swap3A_38], %concatenate3A_36 {strides = array<i32>} : memref<10112x16xf32, #tpu.memory_space<vmem>>, vector<10112x16xf32>,
    return
  }
}

module attributes {stable_mosaic.version = 14 : i64} {
  func.func @body(%arg0: memref<2x10112x80xf32, #tpu.memory_space<vmem>>, %arg1: memref<64x40xf32, #tpu.memory_space<vmem>>, %arg2: memref<40x1xf32, #tpu.memory_space<vmem>>, %arg3: memref<40x1xf32, #tpu.memory_space<vmem>>, %arg4: memref<10112x48xf32, #tpu.memory_space<vmem>>, %arg5: memref<10112x16xf32, #tpu.memory_space<vmem>>) attributes {dimension_semantics = [], scalar_prefetch = 0 : i64, scratch_operands = 0 : i64, tpu.core_type = #tpu.core_type<tc>} {
    %get3A = arith.constant 0 : index
    %get3A_0 = arith.constant 0 : index
    %get3A_1 = arith.constant 0 : index
    %get3A_2 = vector.load %arg0[%get3A, %get3A_0, %get3A_1] : memref<2x10112x80xf32, #tpu.memory_space<vmem>>, vector<1x10112x80xf32>
    %get3A_3 = vector.shape_cast %get3A_2 : vector<1x10112x80xf32> to vector<10112x80xf32>
    %get3A_4 = arith.constant 1 : index
    %get3A_5 = arith.constant 0 : index
    %get3A_6 = arith.constant 0 : index
    %get3A_7 = vector.load %arg0[%get3A_4, %get3A_5, %get3A_6] : memref<2x10112x80xf32, #tpu.memory_space<vmem>>, vector<1x10112x80xf32>
    %get3A_8 = vector.shape_cast %get3A_7 : vector<1x10112x80xf32> to vector<10112x80xf32>
    %add3A = arith.addf %get3A_3, %get3A_8 : vector<10112x80xf32>
    %slice3A = vector.extract_strided_slice %add3A {offsets = [0, 0], sizes = [10112, 64], strides = [1, 1]} : vector<10112x80xf32> to vector<10112x64xf32>
    %slice3A_9 = vector.extract_strided_slice %add3A {offsets = [0, 64], sizes = [10112, 8], strides = [1, 1]} : vector<10112x80xf32> to vector<10112x8xf32>
    %iota3A = tpu.iota {dimensions = array<i32: 1>} : vector<1x8xi32>
    %iota3A_10 = vector.shape_cast %iota3A : vector<1x8xi32> to vector<8xi32>
    %broadcast_in_dim3A = vector.shape_cast %iota3A_10 : vector<8xi32> to vector<8x1xi32>
    %iota3A_11 = tpu.iota {dimensions = array<i32: 1>} : vector<1x64xi32>
    %iota3A_12 = vector.shape_cast %iota3A_11 : vector<1x64xi32> to vector<64xi32>
    %broadcast_in_dim3A_13 = vector.shape_cast %iota3A_12 : vector<64xi32> to vector<1x64xi32>
    %jit3A = arith.constant 8 : i32
    %div3A = vector.broadcast %jit3A : i32 to vector<1x64xi32>
    %div3A_14 = arith.divsi %broadcast_in_dim3A_13, %div3A : vector<1x64xi32>
    %sign3A = arith.constant 0 : i32
    %sign3A_15 = vector.broadcast %sign3A : i32 to vector<1x64xi32>
    %sign3A_16 = arith.cmpi sgt, %broadcast_in_dim3A_13, %sign3A_15 : vector<1x64xi32>
    %sign3A_17 = arith.extui %sign3A_16 : vector<1x64xi1> to vector<1x64xi32>
    %sign3A_18 = arith.constant 0 : i32
    %sign3A_19 = vector.broadcast %sign3A_18 : i32 to vector<1x64xi32>
    %sign3A_20 = arith.cmpi slt, %broadcast_in_dim3A_13, %sign3A_19 : vector<1x64xi32>
    %sign3A_21 = arith.extui %sign3A_20 : vector<1x64xi1> to vector<1x64xi32>
    %sign3A_22 = arith.subi %sign3A_17, %sign3A_21 : vector<1x64xi32>
    %sign3A_23 = arith.constant 0 : i32
    %sign3A_24 = arith.cmpi sgt, %jit3A, %sign3A_23 : i32
    %sign3A_25 = arith.extui %sign3A_24 : i1 to i32
    %sign3A_26 = arith.constant 0 : i32
    %sign3A_27 = arith.cmpi slt, %jit3A, %sign3A_26 : i32
    %sign3A_28 = arith.extui %sign3A_27 : i1 to i32
    %sign3A_29 = arith.subi %sign3A_25, %sign3A_28 : i32
    %ne3A = vector.broadcast %sign3A_29 : i32 to vector<1x64xi32>
    %ne3A_30 = arith.cmpi ne, %sign3A_22, %ne3A : vector<1x64xi32>
    %rem3A = vector.broadcast %jit3A : i32 to vector<1x64xi32>
    %rem3A_31 = arith.remsi %broadcast_in_dim3A_13, %rem3A : vector<1x64xi32>
    %ne3A_32 = arith.constant 0 : i32
    %ne3A_33 = vector.broadcast %ne3A_32 : i32 to vector<1x64xi32>
    %ne3A_34 = arith.cmpi ne, %rem3A_31, %ne3A_33 : vector<1x64xi32>
    %and3A = arith.andi %ne3A_30, %ne3A_34 : vector<1x64xi1>
    %sub3A = arith.constant 1 : i32
    %sub3A_35 = vector.broadcast %sub3A : i32 to vector<1x64xi32>
    %sub3A_36 = arith.subi %div3A_14, %sub3A_35 : vector<1x64xi32>
    %select_n3A = arith.select %and3A, %sub3A_36, %div3A_14 : vector<1x64xi1>, vector<1x64xi32>
    %eq3A = vector.broadcast %broadcast_in_dim3A : vector<8x1xi32> to vector<8x64xi32>
    %eq3A_37 = vector.broadcast %select_n3A : vector<1x64xi32> to vector<8x64xi32>
    %eq3A_38 = arith.cmpi eq, %eq3A, %eq3A_37 : vector<8x64xi32>
    %convert_element_type3A = arith.extui %eq3A_38 : vector<8x64xi1> to vector<8x64xi32>
    %convert_element_type3A_39 = arith.sitofp %convert_element_type3A : vector<8x64xi32> to vector<8x64xf32>
    %dot_general3A = arith.constant dense<0.000000e+00> : vector<10112x64xf32>
    %dot_general3A_40 = tpu.matmul %slice3A_9, %convert_element_type3A_39, %dot_general3A {dimension_numbers = #tpu.dot_dimension_numbers<[1], [0], [0], [1], [0, 0, 1, 1], [], []>, transpose_lhs_hint = false} : vector<10112x8xf32>, vector<8x64xf32>, vector<10112x64xf32> -> vector<10112x64xf32>
    %add3A_41 = arith.constant 1.000000e-16 : f32
    %add3A_42 = vector.broadcast %add3A_41 : f32 to vector<10112x64xf32>
    %add3A_43 = arith.addf %dot_general3A_40, %add3A_42 : vector<10112x64xf32>
    %div3A_44 = arith.divf %slice3A, %add3A_43 : vector<10112x64xf32>
    %gt3A = arith.constant 0.000000e+00 : f32
    %gt3A_45 = vector.broadcast %gt3A : f32 to vector<10112x64xf32>
    %gt3A_46 = arith.cmpf ogt, %div3A_44, %gt3A_45 : vector<10112x64xf32>
    %min3A = arith.constant 0.000000e+00 : f32
    %min3A_47 = vector.broadcast %min3A : f32 to vector<10112x64xf32>
    %min3A_48 = arith.minimumf %div3A_44, %min3A_47 : vector<10112x64xf32>
    %exp3A = math.exp %min3A_48 : vector<10112x64xf32>
    %sub3A_49 = arith.constant 1.000000e+00 : f32
    %sub3A_50 = vector.broadcast %sub3A_49 : f32 to vector<10112x64xf32>
    %sub3A_51 = arith.subf %exp3A, %sub3A_50 : vector<10112x64xf32>
    %select_n3A_52 = arith.select %gt3A_46, %div3A_44, %sub3A_51 : vector<10112x64xi1>, vector<10112x64xf32>
    %get3A_53 = arith.constant 0 : index
    %get3A_54 = arith.constant 0 : index
    %get3A_55 = vector.load %arg1[%get3A_53, %get3A_54] : memref<64x40xf32, #tpu.memory_space<vmem>>, vector<64x40xf32>
    %dot_general3A_56 = arith.constant dense<0.000000e+00> : vector<10112x40xf32>
    %dot_general3A_57 = tpu.matmul %select_n3A_52, %get3A_55, %dot_general3A_56 {dimension_numbers = #tpu.dot_dimension_numbers<[1], [0], [0], [1], [0, 0, 1, 1], [], []>, transpose_lhs_hint = false} : vector<10112x64xf32>, vector<64x40xf32>, vector<10112x40xf32> -> vector<10112x40xf32>
    %get3A_58 = arith.constant 0 : index
    %get3A_59 = arith.constant 0 : index
    %get3A_60 = vector.load %arg2[%get3A_58, %get3A_59] : memref<40x1xf32, #tpu.memory_space<vmem>>, vector<40x1xf32>
    %dot_general3A_61 = arith.constant dense<0.000000e+00> : vector<10112x1xf32>
    %dot_general3A_62 = tpu.matmul %dot_general3A_57, %get3A_60, %dot_general3A_61 {dimension_numbers = #tpu.dot_dimension_numbers<[1], [0], [0], [1], [0, 0, 1, 1], [], []>, transpose_lhs_hint = false} : vector<10112x40xf32>, vector<40x1xf32>, vector<10112x1xf32> -> vector<10112x1xf32>
    %get3A_63 = arith.constant 0 : index
    %get3A_64 = arith.constant 0 : index
    %get3A_65 = vector.load %arg3[%get3A_63, %get3A_64] : memref<40x1xf32, #tpu.memory_space<vmem>>, vector<40x1xf32>
    %dot_general3A_66 = arith.constant dense<0.000000e+00> : vector<10112x1xf32>
    %dot_general3A_67 = tpu.matmul %dot_general3A_57, %get3A_65, %dot_general3A_66 {dimension_numbers = #tpu.dot_dimension_numbers<[1], [0], [0], [1], [0, 0, 1, 1], [], []>, transpose_lhs_hint = false} : vector<10112x40xf32>, vector<40x1xf32>, vector<10112x1xf32> -> vector<10112x1xf32>
    %reduce_max3A = vector.shape_cast %dot_general3A_62 : vector<10112x1xf32> to vector<1x10112x1xf32>
    %reduce_max3A_68 = arith.constant dense<0xFF800000> : vector<1xf32>
    %reduce_max3A_69 = vector.multi_reduction <maximumf>, %reduce_max3A, %reduce_max3A_68 [1, 2] : vector<1x10112x1xf32> to vector<1xf32>
    %reduce_max3A_70 = vector.shape_cast %reduce_max3A_69 : vector<1xf32> to vector<1x1x1xf32>
    %reduce_max3A_71 = vector.extract %reduce_max3A_70[0, 0, 0] : f32 from vector<1x1x1xf32>
    %add3A_72 = vector.broadcast %reduce_max3A_71 : f32 to vector<10112x1xf32>
    %add3A_73 = arith.addf %add3A_72, %dot_general3A_67 : vector<10112x1xf32>
    %mul3A = arith.constant 2.000000e-01 : f32
    %mul3A_74 = vector.broadcast %mul3A : f32 to vector<10112x1xf32>
    %mul3A_75 = arith.mulf %mul3A_74, %add3A_73 : vector<10112x1xf32>
    %max3A = arith.maximumf %add3A_73, %mul3A_75 : vector<10112x1xf32>
    %broadcast_in_dim3A_76 = arith.constant 0.000000e+00 : f32
    %broadcast_in_dim3A_77 = vector.broadcast %broadcast_in_dim3A_76 : f32 to vector<10112x7xf32>
    %concatenate3A = tpu.concatenate %dot_general3A_57, %dot_general3A_62, %broadcast_in_dim3A_77 in 1 : vector<10112x40xf32>, vector<10112x1xf32>, vector<10112x7xf32> -> vector<10112x48xf32>
    %swap3A = arith.constant 0 : index
    %swap3A_78 = arith.constant 0 : index
    %swap3A_79 = vector.load %arg4[%swap3A, %swap3A_78] : memref<10112x48xf32, #tpu.memory_space<vmem>>, vector<10112x48xf32>
    tpu.vector_store %arg4[%swap3A, %swap3A_78], %concatenate3A {strides = array<i32>} : memref<10112x48xf32, #tpu.memory_space<vmem>>, vector<10112x48xf32>,
    %broadcast_in_dim3A_80 = arith.constant 0.000000e+00 : f32
    %broadcast_in_dim3A_81 = vector.broadcast %broadcast_in_dim3A_80 : f32 to vector<10112x14xf32>
    %concatenate3A_82 = tpu.concatenate %dot_general3A_67, %max3A, %broadcast_in_dim3A_81 in 1 : vector<10112x1xf32>, vector<10112x1xf32>, vector<10112x14xf32> -> vector<10112x16xf32>
    %swap3A_83 = arith.constant 0 : index
    %swap3A_84 = arith.constant 0 : index
    %swap3A_85 = vector.load %arg5[%swap3A_83, %swap3A_84] : memref<10112x16xf32, #tpu.memory_space<vmem>>, vector<10112x16xf32>
    tpu.vector_store %arg5[%swap3A_83, %swap3A_84], %concatenate3A_82 {strides = array<i32>} : memref<10112x16xf32, #tpu.memory_space<vmem>>, vector<10112x16xf32>,
    return
  }
}

module attributes {stable_mosaic.version = 14 : i64} {
  func.func @body(%arg0: memref<2x10112x48xf32, #tpu.memory_space<vmem>>, %arg1: memref<10000x40xf32, #tpu.memory_space<vmem>>) attributes {dimension_semantics = [], scalar_prefetch = 0 : i64, scratch_operands = 0 : i64, tpu.core_type = #tpu.core_type<tc>} {
    %get3A = arith.constant 0 : index
    %get3A_0 = arith.constant 0 : index
    %get3A_1 = arith.constant 0 : index
    %get3A_2 = vector.load %arg0[%get3A, %get3A_0, %get3A_1] : memref<2x10112x48xf32, #tpu.memory_space<vmem>>, vector<1x10112x48xf32>
    %get3A_3 = vector.shape_cast %get3A_2 : vector<1x10112x48xf32> to vector<10112x48xf32>
    %get3A_4 = arith.constant 1 : index
    %get3A_5 = arith.constant 0 : index
    %get3A_6 = arith.constant 0 : index
    %get3A_7 = vector.load %arg0[%get3A_4, %get3A_5, %get3A_6] : memref<2x10112x48xf32, #tpu.memory_space<vmem>>, vector<1x10112x48xf32>
    %get3A_8 = vector.shape_cast %get3A_7 : vector<1x10112x48xf32> to vector<10112x48xf32>
    %add3A = arith.addf %get3A_3, %get3A_8 : vector<10112x48xf32>
    %slice3A = vector.extract_strided_slice %add3A {offsets = [0, 0], sizes = [10112, 40], strides = [1, 1]} : vector<10112x48xf32> to vector<10112x40xf32>
    %slice3A_9 = vector.extract_strided_slice %add3A {offsets = [0, 40], sizes = [10112, 1], strides = [1, 1]} : vector<10112x48xf32> to vector<10112x1xf32>
    %add3A_10 = arith.constant 1.000000e-16 : f32
    %add3A_11 = vector.broadcast %add3A_10 : f32 to vector<10112x1xf32>
    %add3A_12 = arith.addf %slice3A_9, %add3A_11 : vector<10112x1xf32>
    %div3A = vector.broadcast %add3A_12 : vector<10112x1xf32> to vector<10112x40xf32>
    %div3A_13 = arith.divf %slice3A, %div3A : vector<10112x40xf32>
    %reduce_max3A = arith.constant dense<0xFF800000> : vector<10112xf32>
    %reduce_max3A_14 = vector.multi_reduction <maximumf>, %div3A_13, %reduce_max3A [1] : vector<10112x40xf32> to vector<10112xf32>
    %broadcast_in_dim3A = vector.shape_cast %reduce_max3A_14 : vector<10112xf32> to vector<10112x1xf32>
    %sub3A = vector.broadcast %broadcast_in_dim3A : vector<10112x1xf32> to vector<10112x40xf32>
    %sub3A_15 = arith.subf %div3A_13, %sub3A : vector<10112x40xf32>
    %exp3A = math.exp %sub3A_15 : vector<10112x40xf32>
    %reduce_sum3A = arith.constant dense<0.000000e+00> : vector<10112xf32>
    %reduce_sum3A_16 = vector.multi_reduction <add>, %exp3A, %reduce_sum3A [1] : vector<10112x40xf32> to vector<10112xf32>
    %broadcast_in_dim3A_17 = vector.shape_cast %reduce_sum3A_16 : vector<10112xf32> to vector<10112x1xf32>
    %log3A = math.log %broadcast_in_dim3A_17 : vector<10112x1xf32>
    %add3A_18 = arith.addf %log3A, %broadcast_in_dim3A : vector<10112x1xf32>
    %sub3A_19 = vector.broadcast %add3A_18 : vector<10112x1xf32> to vector<10112x40xf32>
    %sub3A_20 = arith.subf %div3A_13, %sub3A_19 : vector<10112x40xf32>
    %slice3A_21 = vector.extract_strided_slice %sub3A_20 {offsets = [0, 0], sizes = [10000, 40], strides = [1, 1]} : vector<10112x40xf32> to vector<10000x40xf32>
    %swap3A = arith.constant 0 : index
    %swap3A_22 = arith.constant 0 : index
    %swap3A_23 = vector.load %arg1[%swap3A, %swap3A_22] : memref<10000x40xf32, #tpu.memory_space<vmem>>, vector<10000x40xf32>
    tpu.vector_store %arg1[%swap3A, %swap3A_22], %slice3A_21 {strides = array<i32>} : memref<10000x40xf32, #tpu.memory_space<vmem>>, vector<10000x40xf32>,
    return
  }
}

</mosaic_0001>

<sc_bundles>
// kernel: kernel.10.cloned.1.call-start
scs
__scs_entry_jumppad:
0x0: {  	(pc) =	sbr.rel $0x88, $3  }
0x1: {  	(tag) =	ssettag $0x0;
	lr =	simm.s32 $0x1  }
0x2: {  	[smem:$0x3F99] =	sst lr;
	_ =	strace $0xD0000000  }
0x3: {  	_ = 	snop  }
0x4: {  	_ = 	snop  }
0x5: {  	_ = 	snop  }
0x6: {  	_ = 	snop  }
0x7: {  	_ = 	snop  }
__scs_overlays_trampoline_lowered:
0x8: {  	[smem:$0x3FA8] =	sst s0  }
0x9: {  	[smem:$0x3FA9] =	sst s1  }
0xa: {  	[smem:$0x3FAA] =	sst s2  }
0xb: {  	[smem:$0x3FAB] =	sst s3  }
0xc: {  	[smem:$0x3FAC] =	sst s4  }
0xd: {  	[smem:$0x3FAD] =	sst s5  }
0xe: {  	[smem:$0x3FAE] =	sst s6  }
0xf: {  	[smem:$0x3FAF] =	sst s7  }
0x10: {  	[smem:$0x3FB0] =	sst s8  }
0x11: {  	[smem:$0x3FB1] =	sst s9;
	s0 =	simm.s32 @!p0 $0x0  }
0x12: {  	s1 =	sld [smem:$0x3F97];
	s0 =	simm.s32 @p0 $0x1  }
0x13: {  	[smem:$0x3FB2] =	sst s0;
	s0 =	simm.s32 @!p1 $0x0  }
0x14: {  	s2 =	sld [smem:$0x3F96];
	s0 =	simm.s32 @p1 $0x1  }
0x15: {  	[smem:$0x3FB3] =	sst s0;
	s0 =	simm.s32 @!p2 $0x0  }
0x16: {  	s3 =	sld [smem:$0x3FDB];
	s0 =	simm.s32 @p2 $0x1  }
0x17: {  	s4 =	simm.s32 $0x1BF5;
	[smem:$0x3FB5] =	sst s0  }
0x18: {  	s0 =	sld [smem:$0x3F98];
	_ =	swait.ge [sflag:s4], $0x0  }
0x19: {  	s7 =	sld [smem:$0x3F99]  }
0x1a: {  	s8 =	sadd.s32 $0xFFFFE003, lr  }
0x1b: {  	s9 =	sadd.s32 $0xFFFFFEF7, lr;
	s5 =	simm.s32 $0xFFFFFFFF;
	p2 =	slt.u32 s8, $0xFFFFF086  }
0x1c: {  	p1 =	slt.u32 s9, $0xF7A;
	s5 =	simm.s32 @!p2 $0x0  }
0x1d: {  	s5 =	simm.s32 @p1 $0x1;
	p0 =	seq.s32 s7, s2  }
0x1e: {  	s7 =	smul.u32 @!p0 $0xF7A, s2;
	p2 =	seq.s32 @!p0 s5, $0x0  }
0x1f: {  	s9 =	smul.u32 $0xF7A, s1;
	s8 =	simm.s32 @!p0 $0x1BF5;
	p2 =	por !p2, p0  }
0x20: {  	[sflag:s8] =	ssyncset.s32 @!p0 $0xFFFFF086;
	s6 =	sadd.s32 @!p0 s3, s7;
	s7 =	simm.s32 @!p0 $0x108  }
0x21: {  	s3 =	sadd.s32 s3, s9;
	s6 =	sadd.s32 @!p0 $0x88, s6;
	s7 =	simm.s32 @p2 $0x1082  }
0x22: {  	[simem:s7], [sflag:s8] =	dma.local @!p0 [hbm:s6], $0xF7A  }
0x23: {  	s9 =	sor.u32 $0xD0000000, s2;
	s6 =	simm.s32 $0x108;
	_ =	swait.ge @!p0 [sflag:s8], $0x0  }
0x24: {  	s3 =	sadd.s32 $0x88, s3;
	s6 =	simm.s32 @!p1 $0x1082;
	[sflag:s4] =	ssyncset.s32 $0xFFFFF086  }
0x25: {  	[simem:s6], [sflag:s4] =	dma.local [hbm:s3], $0xF7A  }
0x26: {  	[smem:$0x3F99] =	sst s1;
	(tag) =	ssettag s2;
	_ =	strace s9  }
0x27: {  	s1 =	sld [smem:$0x3FA9]  }
0x28: {  	s2 =	sld [smem:$0x3FAA]  }
0x29: {  	s4 =	sld [smem:$0x3FAC]  }
0x2a: {  	p0 =	seq.s32 s5, $0x0;
	s5 =	sld [smem:$0x3FAD]  }
0x2b: {  	s6 =	sld [smem:$0x3FAE]  }
0x2c: {  	s7 =	sld [smem:$0x3FAF]  }
0x2d: {  	s3 =	simm.s32 $0x108;
	s8 =	sld [smem:$0x3FB0]  }
0x2e: {  	s3 =	simm.s32 @!p0 $0x1082;
	s9 =	sld [smem:$0x3FB1]  }
0x2f: {  	lr =	sadd.s32 s0, s3;
	s0 =	sld [smem:$0x3FA8]  }
0x30: {  	s3 =	sld [smem:$0x3FAB]  }
0x31: {  	[smem:$0x3FB4] =	sst s10  }
0x32: {  	s10 =	sld [smem:$0x3FB2];
	_ =	sdelay $0x3  }
0x33: {  	p0 =	seq.s32 s10, $0x1;
	s10 =	sld [smem:$0x3FB4];
	_ =	sdelay $0x3  }
0x34: {  	[smem:$0x3FB4] =	sst s10  }
0x35: {  	s10 =	sld [smem:$0x3FB3];
	_ =	sdelay $0x3  }
0x36: {  	p1 =	seq.s32 s10, $0x1;
	s10 =	sld [smem:$0x3FB4];
	_ =	sdelay $0x3  }
0x37: {  	[smem:$0x3FB4] =	sst s10  }
0x38: {  	s10 =	sld [smem:$0x3FB5]  }
0x39: {  	_ = 	snop;
	(pc) =	sbr.ind lr, $3  }
0x3a: {  	_ = 	snop  }
0x3b: {  	_ = 	snop  }
0x3c: {  	p2 =	seq.s32 s10, $0x1;
	s10 =	sld [smem:$0x3FB4]  }
0x3d: {  	_ =	shalt  }
0x3e: {  	_ =	shalt  }
0x3f: {  	_ =	shalt  }
0x40: {  	_ =	shalt  }
0x41: {  	_ =	shalt  }
0x42: {  	_ =	shalt  }
0x43: {  	_ =	shalt  }
0x44: {  	_ =	shalt  }
0x45: {  	_ =	shalt  }
0x46: {  	_ =	shalt  }
0x47: {  	_ =	shalt  }
0x48: {  	_ =	shalt  }
0x49: {  	_ =	shalt  }
0x4a: {  	_ =	shalt  }
0x4b: {  	_ =	shalt  }
0x4c: {  	_ =	shalt  }
0x4d: {  	_ =	shalt  }
0x4e: {  	_ =	shalt  }
0x4f: {  	_ =	shalt  }
0x50: {  	_ =	shalt  }
0x51: {  	_ =	shalt  }
0x52: {  	_ =	shalt  }
0x53: {  	_ =	shalt  }
0x54: {  	_ =	shalt  }
0x55: {  	_ =	shalt  }
0x56: {  	_ =	shalt  }
0x57: {  	_ =	shalt  }
0x58: {  	_ =	shalt  }
0x59: {  	_ =	shalt  }
0x5a: {  	_ =	shalt  }
0x5b: {  	_ =	shalt  }
0x5c: {  	_ =	shalt  }
0x5d: {  	_ =	shalt  }
0x5e: {  	_ =	shalt  }
0x5f: {  	_ =	shalt  }
0x60: {  	_ =	shalt  }
0x61: {  	_ =	shalt  }
0x62: {  	_ =	shalt  }
0x63: {  	_ =	shalt  }
0x64: {  	_ =	shalt  }
0x65: {  	_ =	shalt  }
0x66: {  	_ =	shalt  }
0x67: {  	_ =	shalt  }
0x68: {  	_ =	shalt  }
0x69: {  	_ =	shalt  }
0x6a: {  	_ =	shalt  }
0x6b: {  	_ =	shalt  }
0x6c: {  	_ =	shalt  }
0x6d: {  	_ =	shalt  }
0x6e: {  	_ =	shalt  }
0x6f: {  	_ =	shalt  }
0x70: {  	_ =	shalt  }
0x71: {  	_ =	shalt  }
0x72: {  	_ =	shalt  }
0x73: {  	_ =	shalt  }
0x74: {  	_ =	shalt  }
0x75: {  	_ =	shalt  }
0x76: {  	_ =	shalt  }
0x77: {  	_ =	shalt  }
0x78: {  	_ =	shalt  }
0x79: {  	_ =	shalt  }
0x7a: {  	_ =	shalt  }
0x7b: {  	_ =	shalt  }
0x7c: {  	_ =	shalt  }
0x7d: {  	_ =	shalt  }
0x7e: {  	_ =	shalt  }
0x7f: {  	_ =	shalt  }
0x80: {  	_ =	shalt  }
0x81: {  	_ =	shalt  }
0x82: {  	_ =	shalt  }
0x83: {  	_ =	shalt  }
0x84: {  	_ =	shalt  }
0x85: {  	_ =	shalt  }
0x86: {  	_ =	shalt  }
0x87: {  	_ =	shalt  }
.Lfunc_end0:
.L_simem_size_0:
called_computation.1_lowered:
.L_overlay_start_0:
0x88: {  	s2 =	sld [smem:$0x3FD9]  }
0x89: {  	s3 =	sld [smem:$0x3FFE];
	_ =	sdelay $0x1  }
0x8a: {  	s1 =	srdreg.scid  }
0x8b: {  	s0 =	sand.u32 $0x1, s1  }
0x8c: {  	s17 =	sshll.u32 s0, $0xA;
	s2 =	sadd.s32 s3, s2  }
0x8d: {  	s2 =	sadd.s32 s2, s17  }
0x8e: {  	[smem:$0x3FC0] =	sst s2  }
0x8f: {  	_ = 	snop  }
0x90: {  	s2 =	sld [smem:$0x3FD0];
	(tm) =	ssettm $0x1  }
0x91: {  	s18 =	sld [smem:$0x3FFB];
	_ =	sdelay $0x3  }
0x92: {  	_ =	strace s18  }
0x93: {  	s3 =	sld [smem:$0x3FFC];
	_ =	sdelay $0x3  }
0x94: {  	_ =	strace s3  }
0x95: {  	s3 =	sld [smem:$0x3FFD];
	_ =	sdelay $0x3  }
0x96: {  	_ =	strace s3  }
0x97: {  	_ =	strace $0x8FFFFFFF  }
0x98: {  	s19 =	sld [smem:$0x3FDB];
	_ =	sdelay $0x1  }
0x99: {  	s4 =	simm.s32 $_scs_section_size  }
0x9a: {  	s5 =	simm.s32 $_size__tile_overlayer_lowered;
	s6 =	simm.s32 $_tile_overlayer_lowered  }
0x9b: {  	s22 =	simm.s32 $0x1BFF;
	s21 =	sshll.u32 s6, $0x1;
	s3 =	sadd.s32 s4, s19  }
0x9c: {  	s7 =	simm.s32 $0x0;
	s20 =	sshll.u32 s5, $0x1;
	s5 =	sadd.s32 s21, s3  }
0x9d: {  	[timem:s7], [sflag:s22] =	dma.local [hbm:s5], s20  }
0x9e: {  	_ =	swait.ge [sflag:s22], s20  }
0x9f: {  	s4 =	ssub.s32 $0x0, s20;
	[sflag:s22] =	ssyncset.done $0x0  }
0xa0: {  	[sflag:s22] =	ssyncadd.s32 s4;
	_ =	sdelay $0x1  }
0xa1: {  	s23 =	simm.s32 $0x1B8B  }
0xa2: {  	_ =	swait.ge [sflag:s23], $0x1  }
0xa3: {  	[sflag:s23] =	ssyncset.done $0x0  }
0xa4: {  	s25 =	simm.s32 $0x1B8E;
	s24 =	sld [smem:$0x3FFE];
	[sflag:s23] =	ssyncadd.s32 $0xFFFFFFFF  }
0xa5: {  	s26 =	simm.s32 $execute0_lowered;
	[smem:$0x3FD2] =	sst s25  }
0xa6: {  	s5 =	sshll.u32 s26, $0x1;
	_ =	strace $0x80000049;
	[dreg:$0x1] =	wrdreg $0xFFFFFFFF  }
0xa7: {  	s28 =	simm.s32 $_size_execute0_lowered;
	s3 =	sadd.s32 s3, s5;
	[dreg:$0x0] =	wrdreg $0x0  }
0xa8: {  	s5 =	sshll.u32 s28, $0x1;
	[dreg:$0x2] =	wrdreg s3  }
0xa9: {  	[dreg:$0x3] =	wrdreg s5  }
0xaa: {  	[dreg:$0x4] =	wrdreg $0xC0  }
0xab: {  	_ =	task [dreg:s7], $0x5FFFF  }
0xac: {  	[dreg:$0x1] =	wrdreg $0xFFFFFFFF  }
0xad: {  	[dreg:$0x0] =	wrdreg $0x60  }
0xae: {  	[dreg:$0x2] =	wrdreg s24  }
0xaf: {  	[dreg:$0x3] =	wrdreg s2  }
0xb0: {  	[dreg:$0x4] =	wrdreg $0xF9000  }
0xb1: {  	[dreg:$0x5] =	wrdreg $0x9  }
0xb2: {  	_ =	task.clear_ibuf [dreg:s7], $0x6FFFF;
	_ =	strace $0x90000049  }
0xb3: {  	s29 =	simm.s32 $0x9;
	_ =	strace $0x8000004B  }
0xb4: {  	_ =	swait.ge [sflag:s29], $0x1  }
0xb5: {  	[sflag:s29] =	ssyncadd.s32 $0xFFFFFFFF  }
0xb6: {  	_ =	strace $0x9000004B  }
0xb7: {  	_ =	sfence  }
0xb8: {  	s30 =	sld [smem:$0x0];
	_ =	sdelay $0x2  }
0xb9: {  	s31 =	sshll.u32 s1, $0xD;
	s1 =	sshrl.u32 s1, $0x2  }
0xba: {  	s3 =	sand.u32 $0x4000, s31;
	s1 =	sadd.s32 s1, s30  }
0xbb: {  	s0 =	sor.u32 s3, s0;
	s1 =	sshll.u32 s1, $0x11  }
0xbc: {  	s0 =	sor.u32 s1, s0  }
0xbd: {  	s0 =	sadd.s32 $0x8F2B, s0  }
0xbe: {  	[sflag:s0] =	ssyncadd.remote.s32 $0x1  }
0xbf: {  	_ =	sfence.sel $0xFFFF  }
0xc0: {  	[dreg:$0x0] =	wrdreg $0xFFFFFFFF;
	(pc) =	sbr.abs _section_cstart, $3  }
0xc1: {  	[dreg:$0x1] =	wrdreg $0xFFFFFFFF  }
0xc2: {  	_ =	task.clear_ibuf [dreg:s7], $0x2FFFF;
	_ =	strace $0x9FFFFFFF  }
0xc3: {  	(tm) =	ssettm $0x7FFFFFFF  }
tec
execute0_lowered:
.L_overlay_start_1:
0x0: {  	(tag) =	ssettag $0x1  }
0x1: {  	s0 =	rddreg [dreg:$0x0]  }
0x2: {  	s1 =	rddreg [dreg:$0x1]  }
0x3: {  	s2 =	rddreg [dreg:$0x2];
	s4 =	simm.s32 $0x0;
	s3 =	srdreg.scid  }
0x4: {  	s9 =	stileid.u32;
	s28 =	simm.s32 $0xA100;
	s29 =	simm.s32 $0x1  }
0x5: {  	s30 =	simm.s32 $0x4;
	s31 =	simm.s32 $0x8100;
	s14 =	simm.s32 $0x0  }
0x6: {  	[smem:$0x7FF] =	sst s4;
	s3 =	sand.u32 $0x1, s3;
	s17 =	sshll.u32 s9, $0x1  }
0x7: {  	s4 =	sadd.s32 $0xAC00, s0;
	s9 =	smul.u32 $0x7680, s9;
	_ =	strace $0x8000004A  }
0x8: {  	s5 =	sor.u32 s3, s17;
	s7 =	ssub.s32 $0x2, s3;
	s3 =	smul.u32 $0x76800, s3  }
0x9: {  	s6 =	smul.u32 $0x510, s5;
	s5 =	sadd.s32 $0x19A00, s0;
	s8 =	sshrl.u32 s7, $0x1  }
0xa: {  	s11 =	sadd.s32 s9, s2;
	s19 =	sadd.s32 $0x1800, s9;
	s20 =	sadd.s32 $0x3000, s9  }
0xb: {  	s21 =	sadd.s32 $0x4800, s9;
	s7 =	ssub.s32 s7, s8;
	s12 =	sadd.s32 s19, s2  }
0xc: {  	s13 =	sadd.s32 s20, s2;
	s15 =	sadd.s32 s21, s2;
	s22 =	sadd.s32 s9, s3  }
0xd: {  	s9 =	sadd.s32 $0x6000, s9;
	s23 =	sadd.s32 s3, s20;
	s24 =	sadd.s32 s3, s21  }
0xe: {  	s21 =	simm.s32 $0xB100;
	s20 =	simm.s32 $0xE100;
	[dreg:$0x6] =	wrdreg s11  }
0xf: {  	s10 =	sadd.s32 s6, s0;
	s0 =	sadd.s32 $0x1EA00, s0;
	[dreg:$0x7] =	wrdreg s12  }
0x10: {  	s1 =	sadd.s32 s1, s6;
	s16 =	sadd.s32 s9, s2;
	[dreg:$0x8] =	wrdreg s13  }
0x11: {  	s6 =	sshrl.u32 s24, $0x3;
	s26 =	smax.u32 s7, $0x1;
	[dreg:$0x9] =	wrdreg s15  }
0x12: {  	s24 =	simm.s32 $0x5;
	s7 =	simm.s32 $0x8;
	[dreg:$0x4] =	wrdreg s1  }
0x13: {  	s18 =	sadd.s32 $0xA00, s10;
	s1 =	sadd.s32 s3, s19;
	s10 =	sshrl.u32 s22, $0x3  }
0x14: {  	s3 =	sadd.s32 s3, s9;
	s25 =	sadd.s32 s0, s6;
	[dreg:$0x10] =	wrdreg s26  }
0x15: {  	s19 =	simm.s32 $0xA;
	s22 =	simm.s32 $0x80;
	[dreg:$0xa] =	wrdreg s16  }
0x16: {  	s26 =	simm.s32 $0xC900;
	[dreg:$0x5] =	wrdreg s18;
	s1 =	sshrl.u32 s1, $0x3  }
0x17: {  	s10 =	sadd.s32 s0, s10;
	s3 =	sshrl.u32 s3, $0x3;
	[dreg:$0xe] =	wrdreg s25  }
.Ltmp0:
0x18: {  	[dreg:$0xb] =	wrdreg s10;
	s1 =	sadd.s32 s0, s1;
	(pc) =	sbr.rel .LBB2_1-.Ltmp0, $4  }
0x19: {  	s25 =	simm.s32 $0x6900;
	[dreg:$0xc] =	wrdreg s1;
	s1 =	sshrl.u32 s23, $0x3  }
0x1a: {  	s10 =	simm.s32 $0x2880;
	s23 =	simm.s32 $0x2;
	s1 =	sadd.s32 s0, s1  }
0x1b: {  	v0 =	vimm.f32 $0.0e+00;
	v1 =	vimm.s32 $0x0;
	s0 =	sadd.s32 s0, s3;
	s3 =	simm.s32 $0x6;
	[dreg:$0xd] =	wrdreg s1  }
0x1c: {  	v2 =	vimm.s32 $0x1;
	v3 =	vimm.s32 $0x8;
	v4 =	vlaneseq.u32;
	[dreg:$0xf] =	wrdreg s0;
	s0 =	simm.s32 $0xA900;
	s1 =	simm.s32 $0x3  }
.LBB2_12:
0x1d: {  	s6 =	simm.s32 $0x7  }
0x1e: {  	_ =	swait.ge [sflag:s6], $0x1800  }
0x1f: {  	[sflag:s6] =	ssyncset.done $0x0  }
0x20: {  	[sflag:s6] =	ssyncadd.s32 $0xFFFFE800  }
0x21: {  	_ =	swait.ge [sflag:s7], $0x1800  }
0x22: {  	[sflag:s7] =	ssyncset.done $0x0  }
0x23: {  	s8 =	simm.s32 $0x9;
	[sflag:s7] =	ssyncadd.s32 $0xFFFFE800  }
0x24: {  	_ =	swait.ge [sflag:s8], $0x1800  }
0x25: {  	[sflag:s8] =	ssyncset.done $0x0  }
0x26: {  	[sflag:s8] =	ssyncadd.s32 $0xFFFFE800  }
0x27: {  	s9 =	stileid.u32;
	[bflag:$0x0] =	sbarrier.arrive $0xFFFF  }
0x28: {  	s6 =	sshll.u32 s9, $0x6;
	s11 =	rddreg [dreg:$0x6]  }
0x29: {  	s6 =	sor.u32 $0x1C0A, s6;
	s9 =	rddreg [dreg:$0xb];
	s8 =	sshrl.u32 s11, $0x3  }
0x2a: {  	[hbm:s9], [sflag:s6] =	dma.local [spmem:s8], $0x300  }
0x2b: {  	_ =	swait.ge [sflag:s19], $0x300  }
0x2c: {  	[sflag:s19] =	ssyncset.done $0x0;
	s12 =	rddreg [dreg:$0x7]  }
0x2d: {  	s13 =	rddreg [dreg:$0xc];
	[sflag:s19] =	ssyncadd.s32 $0xFFFFFD00;
	s10 =	sshrl.u32 s12, $0x3  }
0x2e: {  	[hbm:s13], [sflag:s6] =	dma.local [spmem:s10], $0x300  }
0x2f: {  	_ =	swait.ge [sflag:s19], $0x300  }
0x30: {  	[sflag:s19] =	ssyncset.done $0x0;
	s13 =	rddreg [dreg:$0x8]  }
0x31: {  	s16 =	rddreg [dreg:$0xd];
	[sflag:s19] =	ssyncadd.s32 $0xFFFFFD00;
	s15 =	sshrl.u32 s13, $0x3  }
0x32: {  	[hbm:s16], [sflag:s6] =	dma.local [spmem:s15], $0x300  }
0x33: {  	_ =	swait.ge [sflag:s19], $0x300  }
0x34: {  	[sflag:s19] =	ssyncset.done $0x0;
	s15 =	rddreg [dreg:$0x9]  }
0x35: {  	s18 =	rddreg [dreg:$0xe];
	[sflag:s19] =	ssyncadd.s32 $0xFFFFFD00;
	s17 =	sshrl.u32 s15, $0x3  }
0x36: {  	[hbm:s18], [sflag:s6] =	dma.local [spmem:s17], $0x300  }
0x37: {  	_ =	swait.ge [sflag:s19], $0x300  }
0x38: {  	[sflag:s19] =	ssyncset.done $0x0;
	s16 =	rddreg [dreg:$0xa]  }
0x39: {  	s17 =	rddreg [dreg:$0xf];
	[sflag:s19] =	ssyncadd.s32 $0xFFFFFD00;
	s10 =	sshrl.u32 s16, $0x3  }
0x3a: {  	[hbm:s17], [sflag:s6] =	dma.local [spmem:s10], $0x2D0  }
0x3b: {  	_ =	swait.ge [sflag:s19], $0x2D0  }
0x3c: {  	s14 =	sadd.s32 $0x1, s14;
	s18 =	rddreg [dreg:$0x10]  }
0x3d: {  	p0 =	sne.s32 s14, s18  }
.Ltmp1:
0x3e: {  	_ = 	snop;
	(pc) =	sbr.rel @!p0 .LBB2_13-.Ltmp1, $3  }
0x3f: {  	_ =	sdelay $0x1  }
0x40: {  	[sflag:s19] =	ssyncset.done $0x0  }
0x41: {  	s10 =	simm.s32 $0x2880;
	[sflag:s19] =	ssyncadd.s32 $0xFFFFFD30  }
.LBB2_1:
0x42: {  	s6 =	simm.s32 $0x0;
	s8 =	rddreg [dreg:$0x4]  }
0x43: {  	[tilespmem:s6], [sflag:$0xA] =	stream.linear.gather [hbm4b:s8+s6], $0x2880, $0x38;
	[tilespmem:$0x16F80] =	vst v63  }
0x44: {  	_ =	swait.ge [sflag:s19], $0x2880  }
0x45: {  	[sflag:s19] =	ssyncset.done $0x0  }
0x46: {  	s18 =	rddreg [dreg:$0x5];
	[sflag:s19] =	ssyncadd.s32 $0xFFFFD780  }
0x47: {  	[tilespmem:s10], [sflag:$0xA] =	stream.linear.gather [hbm4b:s18+s6], $0x2880, $0x38;
	[tilespmem:$0x16F80] =	vst v63  }
0x48: {  	_ =	swait.ge [sflag:s19], $0x2880  }
0x49: {  	[sflag:s19] =	ssyncset.done $0x0  }
0x4a: {  	s8 =	simm.s32 $0x0;
	s6 =	simm.s32 $0xC0;
	[sflag:s19] =	ssyncadd.s32 $0xFFFFD780  }
.LBB2_2:
0x4b: {  	p0 =	sne.s32 s6, $0x5F40;
	[tilespmem:s8+$0xB120] =	vst v0;
	s9 =	smov.u32 s6;
	s6 =	sadd.s32 $0xC0, s6  }
.Ltmp2:
0x4c: {  	[tilespmem:s8+$0xB100] =	vst v0;
	(pc) =	sbr.rel @p0 .LBB2_2-.Ltmp2, $2  }
0x4d: {  	[tilespmem:s8+$0xB110] =	vst v0;
	_ =	sdelay $0x2  }
0x4e: {  	s8 =	sshra.s32 s9, $0x2  }
0x4f: {  	[tilespmem:s8+$0xB120] =	vst v0  }
0x50: {  	[tilespmem:s8+$0xB100] =	vst v0  }
0x51: {  	[tilespmem:s8+$0xB110] =	vst v0  }
0x52: {  	[spmem:s11] =	stream.linear.scatter [tilespmem:s21], [sflag:$0xA], $0x1800, $0x38;
	[tilespmem:$0x16F80] =	vst v63  }
0x53: {  	_ =	swait.ge [sflag:s19], $0x1800  }
0x54: {  	[sflag:s19] =	ssyncset.done $0x0  }
0x55: {  	[sflag:s19] =	ssyncadd.s32 $0xFFFFE800  }
0x56: {  	[spmem:s12] =	stream.linear.scatter [tilespmem:s21], [sflag:$0xA], $0x1800, $0x38;
	[tilespmem:$0x16F80] =	vst v63  }
0x57: {  	_ =	swait.ge [sflag:s19], $0x1800  }
0x58: {  	[sflag:s19] =	ssyncset.done $0x0  }
0x59: {  	[sflag:s19] =	ssyncadd.s32 $0xFFFFE800  }
0x5a: {  	[spmem:s13] =	stream.linear.scatter [tilespmem:s21], [sflag:$0xA], $0x1800, $0x38;
	[tilespmem:$0x16F80] =	vst v63  }
0x5b: {  	_ =	swait.ge [sflag:s19], $0x1800  }
0x5c: {  	[sflag:s19] =	ssyncset.done $0x0  }
0x5d: {  	[sflag:s19] =	ssyncadd.s32 $0xFFFFE800  }
0x5e: {  	[spmem:s15] =	stream.linear.scatter [tilespmem:s21], [sflag:$0xA], $0x1800, $0x38;
	[tilespmem:$0x16F80] =	vst v63  }
0x5f: {  	_ =	swait.ge [sflag:s19], $0x1800  }
0x60: {  	[sflag:s19] =	ssyncset.done $0x0  }
0x61: {  	[sflag:s19] =	ssyncadd.s32 $0xFFFFE800  }
0x62: {  	[spmem:s16] =	stream.linear.scatter [tilespmem:s21], [sflag:$0xA], $0x1680, $0x38;
	[tilespmem:$0x16F80] =	vst v63  }
0x63: {  	_ =	swait.ge [sflag:s19], $0x1680  }
0x64: {  	[sflag:s19] =	ssyncset.done $0x0  }
0x65: {  	[sflag:s19] =	ssyncadd.s32 $0xFFFFE980  }
0x66: {  	s6 =	simm.s32 $0x5100;
	s15 =	simm.s32 $0x0;
	[bflag:$0x0] =	sbarrier.arrive $0xFFFF  }
0x67: {  	[tilespmem:s6], [sflag:$0x1] =	stream.indirect.gather [hbm4b:s4+s22], $0x30, s15, s22, $0xb8;
	[tilespmem:$0x16F80] =	vst v63  }
0x68: {  	s17 =	simm.s32 $0x9900  }
0x69: {  	[tilespmem:s17], [sflag:$0x4] =	stream.indirect.gather [hbm4b:s5+s22], $0x10, s10, s22, $0xb8;
	[tilespmem:$0x16F80] =	vst v63  }
0x6a: {  	_ = 	snop  }
0x6b: {  	[tilespmem:s25], [sflag:$0x2] =	stream.indirect.gather [hbm4b:s4+s22], $0x30, s22, s22, $0xb8;
	[tilespmem:$0x16F80] =	vst v63  }
0x6c: {  	s18 =	simm.s32 $0x2900  }
0x6d: {  	[tilespmem:s28], [sflag:$0x5] =	stream.indirect.gather [hbm4b:s5+s22], $0x10, s18, s22, $0xb8;
	[tilespmem:$0x16F80] =	vst v63  }
.LBB2_4:
0x6e: {  	_ =	swait.ge [sflag:s29], $0x1800  }
0x6f: {  	[sflag:s29] =	ssyncset.done $0x0  }
0x70: {  	[sflag:s29] =	ssyncadd.s32 $0xFFFFE800  }
0x71: {  	_ =	swait.ge [sflag:s30], $0x800  }
0x72: {  	[sflag:s30] =	ssyncset.done $0x0  }
0x73: {  	s17 =	simm.s32 $0x51C0;
	[sflag:s30] =	ssyncadd.s32 $0xFFFFF800  }
0x74: {  	s6 =	simm.s32 $0x9940;
	v7 =	vld [tilespmem:s17+$0xFFFFFFF0]  }
0x75: {  	v5 =	vld [tilespmem:s6+$0xFFFFFFF0]  }
0x76: {  	v8 =	vld [tilespmem:s6+$0x20]  }
0x77: {  	v13 =	vld [tilespmem:s17+$0xFFFFFFC0]  }
0x78: {  	v6 =	vld [tilespmem:s17+$0x80]  }
0x79: {  	v9 =	vld [tilespmem:s6+$0x10]  }
0x7a: {  	v22 =	vld [tilespmem:s17+$0x50]  }
0x7b: {  	v16 =	vld [tilespmem:s17+$0x20]  }
0x7c: {  	s18 =	simm.s32 $0x99C0;
	v12 =	vld [tilespmem:s6+$0x0]  }
0x7d: {  	v51 =	vld [tilespmem:s18+$0x0];
	v10 =	vperm.xlane v5, v1  }
0x7e: {  	v52 =	vld [tilespmem:s18+$0xFFFFFFF0];
	v11 =	vperm.xlane v7, v3;
	v15 =	vperm.xlane v6, v3  }
0x7f: {  	v35 =	vld [tilespmem:s18+$0x10];
	v17 =	vperm.xlane v8, v1;
	v5 =	vperm.xlane v5, v2  }
0x80: {  	v37 =	vld [tilespmem:s18+$0xFFFFFFE0];
	v14 =	vperm.xlane v22, v3;
	v19 =	vperm.xlane v9, v1;
	v10 =	vadd.f32 v11, v10  }
0x81: {  	v18 =	vld [tilespmem:s6+$0xFFFFFFE0];
	v23 =	vperm.xlane v8, v2;
	v8 =	vperm.xlane v13, v3  }
0x82: {  	v21 =	vperm.xlane v16, v3;
	v11 =	vmul.f32 $2.000000030e-01, v10  }
0x83: {  	v9 =	vperm.xlane v9, v2;
	v38 =	vperm.xlane v51, v2  }
0x84: {  	v40 =	vperm.xlane v52, v1;
	v57 =	vperm.xlane v35, v1;
	v10 =	vmax.f32 v10, v11  }
0x85: {  	v58 =	vperm.xlane v37, v2;
	v19 =	vadd.f32 v14, v19;
	v5 =	vsub.f32 v10, v5  }
0x86: {  	v20 =	vld [tilespmem:s6+$0xFFFFFFC0];
	v14 =	vperm.xlane v18, v1;
	v10 =	vperm.xlane v12, v1  }
0x87: {  	v25 =	vld [tilespmem:s6+$0xFFFFFFD0];
	v27 =	vadd.f32 v15, v17;
	v24 =	vmul.f32 $2.000000030e-01, v19;
	v5 =	vmul.f32 $1.442695020e+00, v5  }
0x88: {  	v15 =	vperm.xlane v18, v2;
	v8 =	vadd.f32 v8, v14;
	v11 =	vld [tilespmem:s17+$0xFFFFFF90];
	v10 =	vadd.f32 v21, v10  }
0x89: {  	v28 =	vmul.f32 $2.000000030e-01, v27;
	v19 =	vmax.f32 v19, v24;
	v24 =	vld [tilespmem:s6+$0x30];
	(erf) = vpow2.f32 v5  }
0x8a: {  	v14 =	vld [tilespmem:s17+$0xB0];
	v9 =	vsub.f32 v19, v9;
	v5 =	vmul.f32 $2.000000030e-01, v8;
	v26 =	vmul.f32 $2.000000030e-01, v10  }
0x8b: {  	vm1 =	veq.s32 v4, $0x8;
	v12 =	vperm.xlane v12, v2;
	v19 =	vld [tilespmem:s17+$0xFFFFFF60];
	v21 =	vperm.xlane v20, v1  }
0x8c: {  	v18 =	vmul.f32 $1.442695020e+00, v9;
	v5 =	vmax.f32 v8, v5;
	v8 =	vmax.f32 v10, v26  }
0x8d: {  	v9 =	vperm.xlane v11, v3;
	v8 =	vsub.f32 v8, v12;
	v12 =	vperm.xlane v25, v1  }
0x8e: {  	v7 =	vsel vm1, $0x3F800000, v7;
	v20 =	vperm.xlane v20, v2;
	v17 =	vperm.xlane v24, v1  }
0x8f: {  	v24 =	vperm.xlane v24, v2;
	v8 =	vmul.f32 $1.442695020e+00, v8;
	v29 =	vadd.f32 v9, v12  }
0x90: {  	s16 =	simm.s32 $0x5340;
	v30 =	vld [tilespmem:s18+$0x20];
	v32 =	vperm.xlane v19, v3;
	v26 =	vperm.xlane v14, v3;
	v15 =	vsub.f32 v5, v15  }
0x91: {  	v39 =	vsel vm1, $0x3F800000, v16;
	v5 =	vld [tilespmem:s16+$0x80];
	v31 =	vmul.f32 $2.000000030e-01, v29;
	(erf) = vpow2.f32 v8  }
0x92: {  	v10 =	vld [tilespmem:s18+$0xFFFFFFC0];
	v26 =	vadd.f32 v26, v17;
	v15 =	vmul.f32 $1.442695020e+00, v15;
	(erf) = vpow2.f32 v18;
	v12 =	vpop (erf)  }
0x93: {  	v17 =	vld [tilespmem:s16+$0xFFFFFFF0];
	v29 =	vmax.f32 v29, v31;
	v31 =	vmul.f32 v12, v7;
	v7 =	vadd.f32 v32, v21  }
0x94: {  	v53 =	vsel vm1, $0x3F800000, v13;
	v9 =	vld [tilespmem:s16+$0xFFFFFFC0];
	v33 =	vmul.f32 $2.000000030e-01, v26;
	(erf) = vpow2.f32 v15  }
0x95: {  	v27 =	vmax.f32 v27, v28;
	v25 =	vperm.xlane v25, v2;
	v21 =	vmul.f32 $2.000000030e-01, v7  }
0x96: {  	v8 =	vld [tilespmem:s16+$0x20];
	v34 =	vperm.xlane v5, v3;
	v18 =	vmax.f32 v26, v33;
	v26 =	vperm.xlane v30, v1  }
0x97: {  	v24 =	vsub.f32 v18, v24;
	v15 =	vperm.xlane v30, v2;
	v30 =	vmax.f32 v7, v21;
	v7 =	vld [tilespmem:s16+$0x50]  }
0x98: {  	v18 =	vperm.xlane v10, v1;
	v41 =	vperm.xlane v17, v3;
	v25 =	vsub.f32 v29, v25  }
0x99: {  	v29 =	vperm.xlane v9, v3;
	v32 =	vperm.xlane v51, v1;
	v20 =	vsub.f32 v30, v20  }
0x9a: {  	v23 =	vsub.f32 v27, v23;
	v56 =	vmul.f32 $1.442695020e+00, v24;
	v24 =	vperm.xlane v37, v1;
	v21 =	vpop (erf)  }
0x9b: {  	v16 =	vadd.f32 v34, v26;
	v36 =	vperm.xlane v8, v3;
	v30 =	vmul.f32 v21, v39  }
0x9c: {  	s13 =	simm.s32 $0xB1C0;
	v55 =	vadd.f32 v41, v40;
	v54 =	vmul.f32 $1.442695020e+00, v20;
	v13 =	vpop (erf);
	v28 =	vperm.xlane v7, v3  }
0x9d: {  	v20 =	vpop (erf);
	[tilespmem:s13+$0x20] =	vst v30;
	v30 =	vsel vm1, $0x3F800000, v22;
	v22 =	vadd.f32 v29, v24;
	v29 =	vmul.f32 $1.442695020e+00, v23  }
0x9e: {  	v24 =	vmul.f32 $2.000000030e-01, v55;
	v33 =	vmul.f32 v20, v53;
	v27 =	vadd.f32 v28, v57;
	v28 =	vld [tilespmem:s17+$0x0]  }
0x9f: {  	v26 =	vperm.xlane v52, v2;
	[tilespmem:s13+$0xFFFFFFF0] =	vst v31;
	v31 =	vadd.f32 v36, v32;
	(erf) = vpow2.f32 v29  }
0xa0: {  	v25 =	vmul.f32 $1.442695020e+00, v25;
	v23 =	vld [tilespmem:s17+$0xFFFFFFD0];
	v59 =	vmul.f32 $2.000000030e-01, v22;
	v24 =	vmax.f32 v55, v24;
	[tilespmem:s13+$0xFFFFFFC0] =	vst v33  }
0xa1: {  	v62 =	vmul.f32 $2.000000030e-01, v31;
	v24 =	vsub.f32 v24, v26;
	v60 =	vmul.f32 $2.000000030e-01, v27;
	v61 =	vld [tilespmem:s17+$0xFFFFFFA0]  }
0xa2: {  	v26 =	vperm.xlane v35, v2;
	(erf) = vpow2.f32 v25;
	v33 =	vmax.f32 v22, v59;
	v22 =	vld [tilespmem:s16+$0xFFFFFF90]  }
0xa3: {  	v29 =	vld [tilespmem:s18+$0xFFFFFFD0];
	(erf) = vpow2.f32 v54;
	v27 =	vmax.f32 v27, v60;
	v63 =	vmul.f32 v21, v28  }
0xa4: {  	s8 =	simm.s32 $0xB340;
	v25 =	vmax.f32 v31, v62;
	(erf) = vpow2.f32 v56;
	v36 =	vsub.f32 v27, v26;
	v26 =	vld [tilespmem:s16+$0xB0]  }
0xa5: {  	s10 =	simm.s32 $0x9A40;
	v31 =	vld [tilespmem:s18+$0x30];
	v27 =	vsub.f32 v33, v58;
	v33 =	vmul.f32 $1.442695020e+00, v24;
	v24 =	vmul.f32 $2.000000030e-01, v16;
	[tilespmem:s13+$0x0] =	vst v63  }
0xa6: {  	s9 =	simm.s32 $0x8;
	s11 =	simm.s32 $0x54C0;
	s6 =	simm.s32 $0xB340;
	v34 =	vsub.f32 v25, v38;
	v28 =	vmul.f32 $1.442695020e+00, v36;
	v25 =	vmul.f32 v20, v61;
	v32 =	vld [tilespmem:s17+$0x10]  }
.LBB2_5:
0xa7: {  	s9 =	sadd.s32 $0x8, s9;
	v35 =	vld [tilespmem:s16+$0xFFFFFF60];
	v36 =	vperm.xlane v22, v3;
	(erf) = vpow2.f32 v33  }
0xa8: {  	v38 =	vsel vm1, $0x3F800000, v19;
	v19 =	vmul.f32 v13, v30;
	v33 =	vld [tilespmem:s10+$0xFFFFFFC0];
	p0 =	slt.u32 s9, $0x78;
	v37 =	vperm.xlane v29, v1;
	[tilespmem:s13+$0xFFFFFFA0] =	vst v25;
	v25 =	vpop (erf)  }
0xa9: {  	v39 =	vmul.f32 $1.442695020e+00, v27;
	v27 =	vmul.f32 $1.442695020e+00, v34;
	v34 =	vsel vm1, $0x3F800000, v14;
	v30 =	vld [tilespmem:s10+$0x20];
	v14 =	vmovc v26  }
0xaa: {  	v40 =	vld [tilespmem:s11+$0xFFFFFFF0];
	v36 =	vadd.f32 v36, v37;
	v43 =	vperm.xlane v31, v1;
	v37 =	vperm.xlane v14, v3;
	[tilespmem:s13+$0x50] =	vst v19  }
0xab: {  	v31 =	vperm.xlane v31, v2;
	v47 =	vmul.f32 v21, v32;
	v21 =	vld [tilespmem:s17+$0x30];
	v32 =	vsel vm1, $0x3F800000, v6;
	v6 =	vmovc v5  }
0xac: {  	v41 =	vld [tilespmem:s11+$0xFFFFFFC0];
	v42 =	vmul.f32 $2.000000030e-01, v36;
	v37 =	vadd.f32 v37, v43;
	v32 =	vmul.f32 v25, v32;
	v26 =	vpop (erf)  }
0xad: {  	v23 =	vmul.f32 v12, v23;
	v43 =	vsel vm1, $0x3F800000, v11;
	v5 =	vld [tilespmem:s11+$0x80];
	(erf) = vpow2.f32 v27;
	[tilespmem:s13+$0x10] =	vst v47;
	v27 =	vpop (erf)  }
0xae: {  	v17 =	vsel vm1, $0x3F800000, v17;
	v44 =	vperm.xlane v35, v3;
	v19 =	vmovc v35;
	v11 =	vmovc v22;
	v45 =	vmul.f32 $2.000000030e-01, v37;
	v46 =	vld [tilespmem:s17+$0xFFFFFFB0];
	[tilespmem:s13+$0x80] =	vst v32  }
0xaf: {  	v29 =	vperm.xlane v29, v2;
	v35 =	vmul.f32 v26, v43;
	v32 =	vmax.f32 v36, v42;
	v22 =	vld [tilespmem:s10+$0x10];
	[tilespmem:s13+$0xFFFFFFD0] =	vst v23;
	v36 =	vpop (erf)  }
0xb0: {  	v23 =	vmax.f32 v37, v45;
	v37 =	vpop (erf);
	v42 =	vld [tilespmem:s17+$0xFFFFFFE0];
	v21 =	vmul.f32 v13, v21;
	v34 =	vmul.f32 v36, v34  }
0xb1: {  	v43 =	vmul.f32 v37, v17;
	v31 =	vsub.f32 v23, v31;
	(erf) = vpow2.f32 v28;
	v23 =	vld [tilespmem:s17+$0x60];
	v17 =	vmovc v40  }
0xb2: {  	v44 =	vadd.f32 v44, v18;
	v28 =	vld [tilespmem:s11+$0x20];
	v40 =	vperm.xlane v5, v3;
	(erf) = vpow2.f32 v39;
	[tilespmem:s13+$0xB0] =	vst v34  }
0xb3: {  	v18 =	vperm.xlane v30, v1;
	v29 =	vsub.f32 v32, v29;
	v34 =	vld [tilespmem:s10+$0x0];
	[tilespmem:s8+$0xFFFFFFF0] =	vst v43;
	v20 =	vmul.f32 v20, v46  }
0xb4: {  	v38 =	vmul.f32 v27, v38;
	v32 =	vmul.f32 $2.000000030e-01, v44;
	[tilespmem:s13+$0x30] =	vst v21;
	v39 =	vld [tilespmem:s17+$0x90]  }
0xb5: {  	v45 =	vperm.xlane v30, v2;
	v30 =	vadd.f32 v40, v18;
	v43 =	vld [tilespmem:s10+$0xFFFFFFF0];
	[tilespmem:s13+$0xFFFFFFB0] =	vst v20;
	v12 =	vmul.f32 v12, v42  }
0xb6: {  	v18 =	vperm.xlane v33, v1;
	v42 =	vsel vm1, $0x3F800000, v9;
	v40 =	vld [tilespmem:s11+$0x50];
	v21 =	vpop (erf);
	[tilespmem:s13+$0xFFFFFF60] =	vst v38;
	v38 =	vmul.f32 v25, v23  }
0xb7: {  	v46 =	vperm.xlane v41, v3;
	v20 =	vmax.f32 v44, v32;
	v47 =	vperm.xlane v28, v3;
	v32 =	vld [tilespmem:s17+$0xFFFFFF40];
	[tilespmem:s13+$0xFFFFFFE0] =	vst v12  }
0xb8: {  	v48 =	vperm.xlane v10, v2;
	v10 =	vmovc v33;
	v9 =	vmov v41;
	v44 =	vperm.xlane v34, v2;
	v23 =	vld [tilespmem:s16+$0xFFFFFFD0];
	[tilespmem:s13+$0xFFFFFF90] =	vst v35  }
0xb9: {  	v33 =	vmul.f32 $1.442695020e+00, v29;
	v29 =	vsel vm1, $0x3F800000, v8;
	v8 =	vmovc v28;
	v35 =	vld [tilespmem:s17+$0xFFFFFF70];
	v39 =	vmul.f32 v36, v39;
	v12 =	vmovc v37  }
0xba: {  	v41 =	vperm.xlane v17, v3;
	v48 =	vsub.f32 v20, v48;
	v28 =	vld [tilespmem:s10+$0xFFFFFFE0];
	v37 =	vperm.xlane v43, v1;
	v49 =	vpop (erf)  }
0xbb: {  	v29 =	vmul.f32 v21, v29;
	v43 =	vperm.xlane v43, v2;
	v20 =	vpop (erf);
	v50 =	vld [tilespmem:s17+$0x40];
	[tilespmem:s13+$0x60] =	vst v38  }
0xbc: {  	v34 =	vperm.xlane v34, v1;
	v37 =	vadd.f32 v41, v37;
	v32 =	vmul.f32 v27, v32;
	v38 =	vld [tilespmem:s17+$0x70];
	[tilespmem:s13+$0x90] =	vst v39  }
0xbd: {  	v24 =	vmax.f32 v16, v24;
	v16 =	vmovc v30;
	v39 =	vmul.f32 $1.442695020e+00, v48;
	v41 =	vmul.f32 $1.442695020e+00, v31;
	[tilespmem:s8+$0x20] =	vst v29;
	v29 =	vld [tilespmem:s17+$0xA0]  }
0xbe: {  	v24 =	vsub.f32 v24, v15;
	v31 =	vmul.f32 v20, v42;
	[tilespmem:s13+$0xFFFFFF40] =	vst v32;
	v32 =	vmul.f32 v26, v35  }
0xbf: {  	v15 =	vmovc v45;
	v30 =	vsel vm1, $0x3F800000, v7;
	v7 =	vmovc v40;
	v42 =	vperm.xlane v40, v3;
	v35 =	vperm.xlane v28, v1;
	v48 =	vld [tilespmem:s17+$0xFFFFFF50]  }
0xc0: {  	v34 =	vadd.f32 v47, v34;
	v40 =	vperm.xlane v22, v1;
	[tilespmem:s13+$0xFFFFFF70] =	vst v32;
	v32 =	vmul.f32 v13, v50  }
0xc1: {  	v24 =	vmul.f32 $1.442695020e+00, v24;
	v45 =	vmul.f32 $2.000000030e-01, v37;
	v13 =	vmovc v49;
	v35 =	vadd.f32 v46, v35;
	v46 =	vld [tilespmem:s17+$0xFFFFFF80];
	s17 =	smov.u32 s16;
	s16 =	smov.u32 s11  }
0xc2: {  	v40 =	vadd.f32 v42, v40;
	v28 =	vperm.xlane v28, v2;
	[tilespmem:s8+$0xFFFFFFC0] =	vst v31;
	v31 =	vld [tilespmem:s17+$0x0];
	v29 =	vmul.f32 v36, v29  }
0xc3: {  	v37 =	vmax.f32 v37, v45;
	s8 =	sadd.s32 $0x180, s8;
	v36 =	vmul.f32 $2.000000030e-01, v35;
	(erf) = vpow2.f32 v24;
	[tilespmem:s13+$0x40] =	vst v32  }
0xc4: {  	v25 =	vmul.f32 v25, v38;
	v24 =	vsub.f32 v37, v43;
	v32 =	vmul.f32 $2.000000030e-01, v40;
	[tilespmem:s13+$0xA0] =	vst v29  }
0xc5: {  	v27 =	vmul.f32 v27, v48;
	v35 =	vmax.f32 v35, v36;
	v36 =	vperm.xlane v22, v2;
	v37 =	vld [tilespmem:s17+$0xFFFFFFA0]  }
.Ltmp3:
0xc6: {  	v38 =	vmul.f32 $2.000000030e-01, v34;
	v32 =	vmax.f32 v40, v32;
	v22 =	vld [tilespmem:s11+$0xFFFFFF90];
	v40 =	vmul.f32 v26, v46;
	[tilespmem:s13+$0x70] =	vst v25;
	(pc) =	sbr.rel @p0 .LBB2_5-.Ltmp3, $4  }
0xc7: {  	v29 =	vld [tilespmem:s10+$0xFFFFFFD0];
	v25 =	vsub.f32 v32, v36;
	v32 =	vmul.f32 v21, v31;
	(erf) = vpow2.f32 v33;
	[tilespmem:s13+$0xFFFFFF50] =	vst v27  }
0xc8: {  	v27 =	vsub.f32 v35, v28;
	v33 =	vmul.f32 $1.442695020e+00, v24;
	v26 =	vld [tilespmem:s11+$0xB0];
	(erf) = vpow2.f32 v39;
	[tilespmem:s13+$0xFFFFFF80] =	vst v40;
	s13 =	smov.u32 s6;
	s6 =	smov.u32 s8  }
0xc9: {  	v34 =	vmax.f32 v34, v38;
	v24 =	vmul.f32 $2.000000030e-01, v16;
	v28 =	vmul.f32 $1.442695020e+00, v25;
	v31 =	vld [tilespmem:s10+$0x30];
	[tilespmem:s13+$0x0] =	vst v32  }
0xca: {  	v34 =	vsub.f32 v34, v44;
	s11 =	sadd.s32 $0x180, s11;
	s10 =	sadd.s32 $0x80, s10;
	v25 =	vmul.f32 v20, v37;
	v32 =	vld [tilespmem:s17+$0x10];
	(erf) = vpow2.f32 v41  }
0xcb: {  	v35 =	vperm.xlane v22, v3;
	(erf) = vpow2.f32 v33  }
0xcc: {  	v19 =	vsel vm1, $0x3F800000, v19;
	v30 =	vmul.f32 v13, v30;
	v27 =	vmul.f32 $1.442695020e+00, v27  }
0xcd: {  	v36 =	vld [tilespmem:s16+$0xFFFFFF60];
	v6 =	vsel vm1, $0x3F800000, v6;
	v23 =	vmul.f32 v12, v23;
	v10 =	vperm.xlane v10, v2  }
0xce: {  	v16 =	vmax.f32 v16, v24;
	v54 =	vperm.xlane v29, v1;
	v34 =	vmul.f32 $1.442695020e+00, v34;
	v37 =	vpop (erf)  }
0xcf: {  	v15 =	vsub.f32 v16, v15;
	v38 =	vperm.xlane v26, v3;
	v6 =	vmul.f32 v37, v6  }
0xd0: {  	v14 =	vsel vm1, $0x3F800000, v14;
	[tilespmem:s13+$0x50] =	vst v30;
	v55 =	vperm.xlane v31, v1;
	v30 =	vperm.xlane v31, v2  }
0xd1: {  	[tilespmem:s13+$0xFFFFFFA0] =	vst v25;
	v33 =	vadd.f32 v35, v54;
	(erf) = vpow2.f32 v34;
	v15 =	vmul.f32 $1.442695020e+00, v15  }
0xd2: {  	vm0 =	veq.s32 v4, $0x8;
	v41 =	vld [tilespmem:s17+$0xFFFFFFB0];
	v21 =	vmul.f32 v21, v32;
	v56 =	vpop (erf);
	v25 =	vperm.xlane v36, v3  }
0xd3: {  	v11 =	vsel vm1, $0x3F800000, v11;
	v31 =	vld [tilespmem:s17+$0x30];
	[tilespmem:s13+$0x80] =	vst v6;
	v6 =	vperm.xlane v29, v2;
	v39 =	vmul.f32 $2.000000030e-01, v33;
	v57 =	vpop (erf)  }
0xd4: {  	(erf) = vpow2.f32 v28;
	v18 =	vadd.f32 v25, v18;
	v19 =	vmul.f32 v57, v19;
	v58 =	vpop (erf)  }
0xd5: {  	v35 =	vadd.f32 v38, v55;
	v11 =	vmul.f32 v56, v11;
	[tilespmem:s13+$0x10] =	vst v21;
	v14 =	vmul.f32 v58, v14  }
0xd6: {  	v17 =	vsel vm0, $0x3F800000, v17;
	v60 =	vld [tilespmem:s17+$0x60];
	(erf) = vpow2.f32 v27;
	v21 =	vmul.f32 $2.000000030e-01, v18;
	[tilespmem:s13+$0xFFFFFF60] =	vst v19  }
0xd7: {  	v40 =	vmul.f32 $2.000000030e-01, v35;
	v29 =	vmax.f32 v33, v39;
	v16 =	vmul.f32 v20, v41;
	v19 =	vld [tilespmem:s17+$0xFFFFFF40];
	[tilespmem:s13+$0xB0] =	vst v14  }
0xd8: {  	v31 =	vmul.f32 v13, v31;
	v6 =	vsub.f32 v29, v6;
	v18 =	vmax.f32 v18, v21;
	v25 =	vld [tilespmem:s17+$0x90]  }
0xd9: {  	(erf) = vpow2.f32 v15;
	v59 =	vpop (erf);
	v14 =	vmax.f32 v35, v40;
	v10 =	vsub.f32 v18, v10  }
0xda: {  	[tilespmem:s13+$0xFFFFFF90] =	vst v11;
	v17 =	vmul.f32 v59, v17;
	v6 =	vmul.f32 $1.442695020e+00, v6;
	v14 =	vsub.f32 v14, v30  }
0xdb: {  	[tilespmem:s13+$0xFFFFFFD0] =	vst v23;
	v20 =	vld [tilespmem:s17+$0xFFFFFF70];
	v11 =	vmul.f32 v37, v60;
	v10 =	vmul.f32 $1.442695020e+00, v10  }
0xdc: {  	[tilespmem:s13+$0x30] =	vst v31;
	v18 =	vld [tilespmem:s17+$0xFFFFFFE0];
	(erf) = vpow2.f32 v6;
	v14 =	vmul.f32 $1.442695020e+00, v14  }
0xdd: {  	[tilespmem:s8+$0xFFFFFFF0] =	vst v17;
	v6 =	vld [tilespmem:s17+$0x40];
	v15 =	vmul.f32 v57, v19;
	v17 =	vmul.f32 v58, v25  }
0xde: {  	[tilespmem:s13+$0x60] =	vst v11  }
0xdf: {  	(erf) = vpow2.f32 v10;
	v10 =	vpop (erf);
	[tilespmem:s13+$0x90] =	vst v17;
	v17 =	vld [tilespmem:s17+$0x70]  }
0xe0: {  	[tilespmem:s13+$0xFFFFFFB0] =	vst v16;
	v16 =	vmul.f32 v56, v20;
	(erf) = vpow2.f32 v14;
	v14 =	vpop (erf);
	v11 =	vld [tilespmem:s17+$0xA0]  }
0xe1: {  	v9 =	vsel vm0, $0x3F800000, v9;
	v12 =	vmul.f32 v12, v18;
	[tilespmem:s13+$0xFFFFFF40] =	vst v15;
	v15 =	vpop (erf)  }
0xe2: {  	v8 =	vsel vm0, $0x3F800000, v8;
	[tilespmem:s13+$0xFFFFFF70] =	vst v16;
	v6 =	vmul.f32 v13, v6;
	v18 =	vld [tilespmem:s17+$0xFFFFFF50];
	v9 =	vmul.f32 v15, v9  }
0xe3: {  	v8 =	vmul.f32 v10, v8;
	[tilespmem:s13+$0xFFFFFFE0] =	vst v12  }
0xe4: {  	v12 =	vld [tilespmem:s17+$0xFFFFFF80];
	[tilespmem:s13+$0x40] =	vst v6;
	v6 =	vmul.f32 v37, v17  }
0xe5: {  	[tilespmem:s8+$0x20] =	vst v8;
	v8 =	vmul.f32 v58, v11  }
0xe6: {  	[tilespmem:s8+$0xFFFFFFC0] =	vst v9;
	v9 =	vpop (erf)  }
0xe7: {  	v7 =	vsel vm0, $0x3F800000, v7;
	v11 =	vpop (erf);
	[tilespmem:s13+$0xA0] =	vst v8;
	v8 =	vmul.f32 v57, v18  }
0xe8: {  	v7 =	vmul.f32 v14, v7;
	[tilespmem:s13+$0x70] =	vst v6;
	v6 =	vpop (erf)  }
0xe9: {  	v13 =	vld [tilespmem:s16+$0x0];
	v12 =	vmul.f32 v56, v12;
	[tilespmem:s13+$0xFFFFFF50] =	vst v8;
	v8 =	vsel vm0, $0x3F800000, v26;
	v16 =	vpop (erf)  }
0xea: {  	v5 =	vsel vm0, $0x3F800000, v5;
	[tilespmem:s6+$0x50] =	vst v7;
	v17 =	vld [tilespmem:s16+$0xFFFFFFA0];
	v8 =	vmul.f32 v16, v8  }
0xeb: {  	[tilespmem:s13+$0xFFFFFF80] =	vst v12;
	v12 =	vld [tilespmem:s16+$0xFFFFFFD0];
	v5 =	vmul.f32 v9, v5;
	v18 =	vsel vm0, $0x3F800000, v36  }
0xec: {  	v19 =	vsel vm0, $0x3F800000, v22;
	v7 =	vld [tilespmem:s16+$0x30];
	[tilespmem:s6+$0xB0] =	vst v8;
	v8 =	vmul.f32 v6, v18  }
0xed: {  	[tilespmem:s6+$0x80] =	vst v5;
	v5 =	vmul.f32 v11, v19;
	v18 =	vld [tilespmem:s16+$0x90]  }
0xee: {  	v13 =	vmul.f32 v10, v13;
	v19 =	vld [tilespmem:s16+$0x60];
	[tilespmem:s6+$0xFFFFFF60] =	vst v8  }
0xef: {  	[tilespmem:s6+$0xFFFFFF90] =	vst v5;
	v8 =	vmul.f32 v15, v17;
	v17 =	vld [tilespmem:s16+$0xFFFFFF40]  }
0xf0: {  	[tilespmem:s6+$0x0] =	vst v13;
	v5 =	vmul.f32 v59, v12;
	v12 =	vld [tilespmem:s16+$0xFFFFFF70]  }
0xf1: {  	v7 =	vmul.f32 v14, v7;
	v13 =	vld [tilespmem:s16+$0x10];
	[tilespmem:s6+$0xFFFFFFA0] =	vst v8  }
0xf2: {  	[tilespmem:s6+$0xFFFFFFD0] =	vst v5;
	v8 =	vld [tilespmem:s16+$0xFFFFFFB0];
	v5 =	vmul.f32 v16, v18  }
0xf3: {  	[tilespmem:s6+$0x30] =	vst v7;
	v7 =	vmul.f32 v9, v19;
	v18 =	vld [tilespmem:s16+$0xFFFFFFE0]  }
0xf4: {  	v19 =	vld [tilespmem:s16+$0x40];
	v17 =	vmul.f32 v6, v17;
	[tilespmem:s6+$0x90] =	vst v5  }
0xf5: {  	[tilespmem:s6+$0x60] =	vst v7;
	v7 =	vmul.f32 v11, v12;
	v5 =	vld [tilespmem:s16+$0xA0]  }
0xf6: {  	v10 =	vmul.f32 v10, v13;
	v12 =	vld [tilespmem:s16+$0x70];
	[tilespmem:s6+$0xFFFFFF40] =	vst v17  }
0xf7: {  	[tilespmem:s6+$0xFFFFFF70] =	vst v7;
	v8 =	vmul.f32 v15, v8;
	v13 =	vld [tilespmem:s16+$0xFFFFFF50]  }
0xf8: {  	[tilespmem:s6+$0x10] =	vst v10;
	v10 =	vld [tilespmem:s16+$0xFFFFFF80];
	v7 =	vmul.f32 v59, v18  }
0xf9: {  	[tilespmem:s6+$0xFFFFFFB0] =	vst v8;
	v8 =	vmul.f32 v14, v19  }
0xfa: {  	[tilespmem:s6+$0xFFFFFFE0] =	vst v7;
	v5 =	vmul.f32 v16, v5  }
0xfb: {  	v7 =	vmul.f32 v9, v12;
	[tilespmem:s6+$0x40] =	vst v8  }
0xfc: {  	s12 =	smul.u32 $0x600, s15;
	[tilespmem:s6+$0xA0] =	vst v5;
	v5 =	vmul.f32 v6, v13  }
0xfd: {  	[tilespmem:s6+$0x70] =	vst v7;
	v6 =	vmul.f32 v11, v10  }
0xfe: {  	p0 =	seq.s32 s15, $0x0;
	s17 =	sshra.s32 s12, $0x2;
	[tilespmem:s6+$0xFFFFFF50] =	vst v5  }
0xff: {  	s8 =	simm.s32 @!p0 $0x9;
	s13 =	sadd.s32 $0x2880, s17;
	s16 =	smul.u32 $0x3, s15;
	[tilespmem:s6+$0xFFFFFF80] =	vst v6  }
0x100: {  	[spmem:s2] =	stream.indirect.scatter.add.f32 [tilespmem:s21], [sflag:$0x7], $0x30, s13, s22, $0xb8;
	[tilespmem:$0x16F80] =	vst v63  }
0x101: {  	_ =	swait.ge @!p0 [sflag:s8], $0x1800  }
0x102: {  	s6 =	sadd.s32 $0x2, s16;
	[sflag:s8] =	ssyncset.done @!p0 $0x0  }
0x103: {  	s16 =	sshll.u32 s6, $0x7;
	[sflag:s8] =	ssyncadd.s32 @!p0 $0xFFFFE800  }
0x104: {  	[tilespmem:s31], [sflag:$0x3] =	stream.indirect.gather [hbm4b:s4+s22], $0x30, s16, s22, $0xb8;
	[tilespmem:$0x16F80] =	vst v63  }
0x105: {  	s6 =	sadd.s32 $0x2880, s16  }
0x106: {  	[tilespmem:s0], [sflag:$0x6] =	stream.indirect.gather [hbm4b:s5+s22], $0x10, s6, s22, $0xb8;
	[tilespmem:$0x16F80] =	vst v63  }
0x107: {  	_ =	swait.ge [sflag:s23], $0x1800  }
0x108: {  	[sflag:s23] =	ssyncset.done $0x0  }
0x109: {  	[sflag:s23] =	ssyncadd.s32 $0xFFFFE800  }
0x10a: {  	_ =	swait.ge [sflag:s24], $0x800  }
0x10b: {  	[sflag:s24] =	ssyncset.done $0x0  }
0x10c: {  	s6 =	simm.s32 $0x6A70;
	[sflag:s24] =	ssyncadd.s32 $0xFFFFF800  }
0x10d: {  	s18 =	simm.s32 $0xA170;
	v7 =	vld [tilespmem:s6+$0xFFFFFF40]  }
0x10e: {  	v5 =	vld [tilespmem:s18+$0xFFFFFFC0]  }
0x10f: {  	v8 =	vld [tilespmem:s18+$0xFFFFFFF0]  }
0x110: {  	v13 =	vld [tilespmem:s6+$0xFFFFFF10]  }
0x111: {  	v6 =	vld [tilespmem:s6+$0xFFFFFFD0]  }
0x112: {  	v9 =	vld [tilespmem:s18+$0xFFFFFFE0]  }
0x113: {  	v22 =	vld [tilespmem:s6+$0xFFFFFFA0]  }
0x114: {  	v16 =	vld [tilespmem:s6+$0xFFFFFF70]  }
0x115: {  	s11 =	simm.s32 $0xA1F0;
	v12 =	vld [tilespmem:s18+$0xFFFFFFD0];
	v10 =	vperm.xlane v5, v1  }
0x116: {  	v44 =	vld [tilespmem:s11+$0xFFFFFFD0];
	v11 =	vperm.xlane v7, v3;
	v15 =	vperm.xlane v6, v3  }
0x117: {  	v45 =	vld [tilespmem:s11+$0xFFFFFFC0];
	v17 =	vperm.xlane v8, v1;
	v5 =	vperm.xlane v5, v2  }
0x118: {  	v46 =	vld [tilespmem:s11+$0xFFFFFFE0];
	v14 =	vperm.xlane v22, v3;
	v19 =	vperm.xlane v9, v1;
	v10 =	vadd.f32 v11, v10  }
0x119: {  	v18 =	vld [tilespmem:s18+$0xFFFFFFB0];
	v23 =	vperm.xlane v8, v2;
	v8 =	vperm.xlane v13, v3  }
0x11a: {  	v21 =	vperm.xlane v16, v3;
	v11 =	vmul.f32 $2.000000030e-01, v10  }
0x11b: {  	v48 =	vld [tilespmem:s11+$0xFFFFFFB0];
	v9 =	vperm.xlane v9, v2;
	v49 =	vperm.xlane v44, v2  }
0x11c: {  	v51 =	vperm.xlane v45, v1;
	v32 =	vperm.xlane v44, v1;
	v10 =	vmax.f32 v10, v11  }
0x11d: {  	v57 =	vperm.xlane v46, v1;
	v19 =	vadd.f32 v14, v19;
	v5 =	vsub.f32 v10, v5  }
0x11e: {  	v20 =	vld [tilespmem:s18+$0xFFFFFF90];
	v14 =	vperm.xlane v18, v1;
	v10 =	vperm.xlane v12, v1  }
0x11f: {  	v25 =	vld [tilespmem:s18+$0xFFFFFFA0];
	v27 =	vadd.f32 v15, v17;
	v24 =	vmul.f32 $2.000000030e-01, v19;
	v5 =	vmul.f32 $1.442695020e+00, v5  }
0x120: {  	v58 =	vperm.xlane v48, v2;
	v8 =	vadd.f32 v8, v14;
	v11 =	vld [tilespmem:s6+$0xFFFFFEE0];
	v10 =	vadd.f32 v21, v10  }
0x121: {  	v15 =	vperm.xlane v18, v2;
	v14 =	vld [tilespmem:s6+$0x0];
	v19 =	vmax.f32 v19, v24;
	(erf) = vpow2.f32 v5  }
0x122: {  	v24 =	vld [tilespmem:s18+$0x0];
	v9 =	vsub.f32 v19, v9;
	v5 =	vmul.f32 $2.000000030e-01, v8;
	v26 =	vmul.f32 $2.000000030e-01, v10  }
0x123: {  	v28 =	vmul.f32 $2.000000030e-01, v27;
	v12 =	vperm.xlane v12, v2;
	v19 =	vld [tilespmem:s6+$0xFFFFFEB0]  }
0x124: {  	v18 =	vmul.f32 $1.442695020e+00, v9;
	v5 =	vmax.f32 v8, v5;
	v8 =	vmax.f32 v10, v26  }
0x125: {  	v9 =	vperm.xlane v11, v3;
	v8 =	vsub.f32 v8, v12;
	v12 =	vperm.xlane v25, v1  }
0x126: {  	v7 =	vsel vm0, $0x3F800000, v7;
	v21 =	vperm.xlane v20, v1;
	v20 =	vperm.xlane v20, v2  }
0x127: {  	v17 =	vperm.xlane v24, v1;
	v8 =	vmul.f32 $1.442695020e+00, v8;
	v29 =	vadd.f32 v9, v12  }
0x128: {  	v30 =	vld [tilespmem:s11+$0xFFFFFFF0];
	s18 =	simm.s32 $0x6BF0;
	v61 =	vperm.xlane v19, v3;
	v26 =	vperm.xlane v14, v3;
	v15 =	vsub.f32 v5, v15  }
0x129: {  	v50 =	vsel vm0, $0x3F800000, v16;
	v5 =	vld [tilespmem:s18+$0xFFFFFFD0];
	v31 =	vmul.f32 $2.000000030e-01, v29;
	(erf) = vpow2.f32 v8  }
0x12a: {  	v10 =	vld [tilespmem:s11+$0xFFFFFF90];
	v26 =	vadd.f32 v26, v17;
	v15 =	vmul.f32 $1.442695020e+00, v15;
	(erf) = vpow2.f32 v18;
	v12 =	vpop (erf)  }
0x12b: {  	v17 =	vld [tilespmem:s18+$0xFFFFFF40];
	v29 =	vmax.f32 v29, v31;
	v31 =	vmul.f32 v12, v7;
	v7 =	vadd.f32 v61, v21  }
0x12c: {  	v53 =	vsel vm0, $0x3F800000, v13;
	v9 =	vld [tilespmem:s18+$0xFFFFFF10];
	v62 =	vmul.f32 $2.000000030e-01, v26;
	(erf) = vpow2.f32 v15  }
0x12d: {  	v27 =	vmax.f32 v27, v28;
	v24 =	vperm.xlane v24, v2;
	v21 =	vmul.f32 $2.000000030e-01, v7  }
0x12e: {  	v25 =	vperm.xlane v25, v2;
	v8 =	vld [tilespmem:s18+$0xFFFFFF70];
	v63 =	vperm.xlane v5, v3;
	v18 =	vmax.f32 v26, v62  }
0x12f: {  	v26 =	vperm.xlane v30, v1;
	v15 =	vperm.xlane v30, v2;
	v30 =	vmax.f32 v7, v21;
	v7 =	vld [tilespmem:s18+$0xFFFFFFA0]  }
0x130: {  	v24 =	vsub.f32 v18, v24;
	v18 =	vperm.xlane v10, v1;
	v52 =	vperm.xlane v17, v3  }
0x131: {  	v25 =	vsub.f32 v29, v25;
	v29 =	vperm.xlane v9, v3;
	v20 =	vsub.f32 v30, v20  }
0x132: {  	v23 =	vsub.f32 v27, v23;
	v56 =	vmul.f32 $1.442695020e+00, v24;
	v24 =	vperm.xlane v48, v1;
	v21 =	vpop (erf)  }
0x133: {  	v16 =	vadd.f32 v63, v26;
	v47 =	vperm.xlane v8, v3;
	v30 =	vmul.f32 v21, v50  }
0x134: {  	s8 =	simm.s32 $0xCA70;
	v55 =	vadd.f32 v52, v51;
	v54 =	vmul.f32 $1.442695020e+00, v20;
	v13 =	vpop (erf);
	v28 =	vperm.xlane v7, v3  }
0x135: {  	v20 =	vpop (erf);
	[tilespmem:s8+$0xFFFFFF70] =	vst v30;
	v30 =	vsel vm0, $0x3F800000, v22;
	v22 =	vadd.f32 v29, v24;
	v29 =	vmul.f32 $1.442695020e+00, v23  }
0x136: {  	v24 =	vmul.f32 $2.000000030e-01, v55;
	v33 =	vmul.f32 v20, v53;
	v27 =	vadd.f32 v28, v57;
	v28 =	vld [tilespmem:s6+$0xFFFFFF50]  }
0x137: {  	v26 =	vperm.xlane v45, v2;
	[tilespmem:s8+$0xFFFFFF40] =	vst v31;
	v31 =	vadd.f32 v47, v32;
	(erf) = vpow2.f32 v29  }
0x138: {  	v25 =	vmul.f32 $1.442695020e+00, v25;
	v23 =	vld [tilespmem:s6+$0xFFFFFF20];
	v59 =	vmul.f32 $2.000000030e-01, v22;
	v24 =	vmax.f32 v55, v24;
	[tilespmem:s8+$0xFFFFFF10] =	vst v33  }
0x139: {  	v62 =	vmul.f32 $2.000000030e-01, v31;
	v24 =	vsub.f32 v24, v26;
	v60 =	vmul.f32 $2.000000030e-01, v27;
	v61 =	vld [tilespmem:s6+$0xFFFFFEF0]  }
0x13a: {  	v26 =	vperm.xlane v46, v2;
	(erf) = vpow2.f32 v25;
	v33 =	vmax.f32 v22, v59;
	v22 =	vld [tilespmem:s18+$0xFFFFFEE0]  }
0x13b: {  	v29 =	vld [tilespmem:s11+$0xFFFFFFA0];
	(erf) = vpow2.f32 v54;
	v27 =	vmax.f32 v27, v60;
	v63 =	vmul.f32 v21, v28  }
0x13c: {  	s9 =	simm.s32 $0xCBF0;
	s12 =	simm.s32 $0x6D70;
	v25 =	vmax.f32 v31, v62;
	(erf) = vpow2.f32 v56;
	v36 =	vsub.f32 v27, v26;
	v26 =	vld [tilespmem:s18+$0x0]  }
0x13d: {  	v31 =	vld [tilespmem:s11+$0x0];
	v27 =	vsub.f32 v33, v58;
	v33 =	vmul.f32 $1.442695020e+00, v24;
	v24 =	vmul.f32 $2.000000030e-01, v16;
	[tilespmem:s8+$0xFFFFFF50] =	vst v63  }
0x13e: {  	s10 =	simm.s32 $0x8;
	s13 =	simm.s32 $0xCBF0;
	s11 =	simm.s32 $0xA270;
	v34 =	vsub.f32 v25, v49;
	v28 =	vmul.f32 $1.442695020e+00, v36;
	v25 =	vmul.f32 v20, v61;
	v32 =	vld [tilespmem:s6+$0xFFFFFF60]  }
.LBB2_7:
0x13f: {  	s10 =	sadd.s32 $0x8, s10;
	v35 =	vld [tilespmem:s18+$0xFFFFFEB0];
	v36 =	vperm.xlane v22, v3;
	(erf) = vpow2.f32 v33  }
0x140: {  	v38 =	vsel vm0, $0x3F800000, v19;
	v19 =	vmul.f32 v13, v30;
	v33 =	vld [tilespmem:s11+$0xFFFFFF90];
	p0 =	slt.u32 s10, $0x78;
	v37 =	vperm.xlane v29, v1;
	[tilespmem:s8+$0xFFFFFEF0] =	vst v25;
	v25 =	vpop (erf)  }
0x141: {  	v39 =	vmul.f32 $1.442695020e+00, v27;
	v27 =	vmul.f32 $1.442695020e+00, v34;
	v34 =	vsel vm0, $0x3F800000, v14;
	v30 =	vld [tilespmem:s11+$0xFFFFFFF0];
	v14 =	vmovc v26  }
0x142: {  	v40 =	vld [tilespmem:s12+$0xFFFFFF40];
	v36 =	vadd.f32 v36, v37;
	v43 =	vperm.xlane v31, v1;
	v37 =	vperm.xlane v14, v3;
	[tilespmem:s8+$0xFFFFFFA0] =	vst v19  }
0x143: {  	v31 =	vperm.xlane v31, v2;
	v47 =	vmul.f32 v21, v32;
	v21 =	vld [tilespmem:s6+$0xFFFFFF80];
	v32 =	vsel vm0, $0x3F800000, v6;
	v6 =	vmovc v5  }
0x144: {  	v41 =	vld [tilespmem:s12+$0xFFFFFF10];
	v42 =	vmul.f32 $2.000000030e-01, v36;
	v37 =	vadd.f32 v37, v43;
	v32 =	vmul.f32 v25, v32;
	v26 =	vpop (erf)  }
0x145: {  	v23 =	vmul.f32 v12, v23;
	v43 =	vsel vm0, $0x3F800000, v11;
	v5 =	vld [tilespmem:s12+$0xFFFFFFD0];
	(erf) = vpow2.f32 v27;
	[tilespmem:s8+$0xFFFFFF60] =	vst v47;
	v27 =	vpop (erf)  }
0x146: {  	v17 =	vsel vm0, $0x3F800000, v17;
	v44 =	vperm.xlane v35, v3;
	v19 =	vmovc v35;
	v11 =	vmovc v22;
	v45 =	vmul.f32 $2.000000030e-01, v37;
	v46 =	vld [tilespmem:s6+$0xFFFFFF00];
	[tilespmem:s8+$0xFFFFFFD0] =	vst v32  }
0x147: {  	v29 =	vperm.xlane v29, v2;
	v35 =	vmul.f32 v26, v43;
	v32 =	vmax.f32 v36, v42;
	v22 =	vld [tilespmem:s11+$0xFFFFFFE0];
	[tilespmem:s8+$0xFFFFFF20] =	vst v23;
	v36 =	vpop (erf)  }
0x148: {  	v23 =	vmax.f32 v37, v45;
	v37 =	vpop (erf);
	v42 =	vld [tilespmem:s6+$0xFFFFFF30];
	v21 =	vmul.f32 v13, v21;
	v34 =	vmul.f32 v36, v34  }
0x149: {  	v43 =	vmul.f32 v37, v17;
	v31 =	vsub.f32 v23, v31;
	(erf) = vpow2.f32 v28;
	v23 =	vld [tilespmem:s6+$0xFFFFFFB0];
	v17 =	vmovc v40  }
0x14a: {  	v44 =	vadd.f32 v44, v18;
	v28 =	vld [tilespmem:s12+$0xFFFFFF70];
	v40 =	vperm.xlane v5, v3;
	(erf) = vpow2.f32 v39;
	[tilespmem:s8+$0x0] =	vst v34  }
0x14b: {  	v18 =	vperm.xlane v30, v1;
	v29 =	vsub.f32 v32, v29;
	v34 =	vld [tilespmem:s11+$0xFFFFFFD0];
	[tilespmem:s9+$0xFFFFFF40] =	vst v43;
	v20 =	vmul.f32 v20, v46  }
0x14c: {  	v38 =	vmul.f32 v27, v38;
	v32 =	vmul.f32 $2.000000030e-01, v44;
	[tilespmem:s8+$0xFFFFFF80] =	vst v21;
	v39 =	vld [tilespmem:s6+$0xFFFFFFE0]  }
0x14d: {  	v45 =	vperm.xlane v30, v2;
	v30 =	vadd.f32 v40, v18;
	v43 =	vld [tilespmem:s11+$0xFFFFFFC0];
	[tilespmem:s8+$0xFFFFFF00] =	vst v20;
	v12 =	vmul.f32 v12, v42  }
0x14e: {  	v18 =	vperm.xlane v33, v1;
	v42 =	vsel vm0, $0x3F800000, v9;
	v40 =	vld [tilespmem:s12+$0xFFFFFFA0];
	v21 =	vpop (erf);
	[tilespmem:s8+$0xFFFFFEB0] =	vst v38;
	v38 =	vmul.f32 v25, v23  }
0x14f: {  	v46 =	vperm.xlane v41, v3;
	v20 =	vmax.f32 v44, v32;
	v47 =	vperm.xlane v28, v3;
	v32 =	vld [tilespmem:s6+$0xFFFFFE90];
	[tilespmem:s8+$0xFFFFFF30] =	vst v12  }
0x150: {  	v48 =	vperm.xlane v10, v2;
	v10 =	vmovc v33;
	v9 =	vmov v41;
	v44 =	vperm.xlane v34, v2;
	v23 =	vld [tilespmem:s18+$0xFFFFFF20];
	[tilespmem:s8+$0xFFFFFEE0] =	vst v35  }
0x151: {  	v33 =	vmul.f32 $1.442695020e+00, v29;
	v29 =	vsel vm0, $0x3F800000, v8;
	v8 =	vmovc v28;
	v35 =	vld [tilespmem:s6+$0xFFFFFEC0];
	v39 =	vmul.f32 v36, v39;
	v12 =	vmovc v37  }
0x152: {  	v41 =	vperm.xlane v17, v3;
	v48 =	vsub.f32 v20, v48;
	v28 =	vld [tilespmem:s11+$0xFFFFFFB0];
	v37 =	vperm.xlane v43, v1;
	v49 =	vpop (erf)  }
0x153: {  	v29 =	vmul.f32 v21, v29;
	v43 =	vperm.xlane v43, v2;
	v20 =	vpop (erf);
	v50 =	vld [tilespmem:s6+$0xFFFFFF90];
	[tilespmem:s8+$0xFFFFFFB0] =	vst v38  }
0x154: {  	v34 =	vperm.xlane v34, v1;
	v37 =	vadd.f32 v41, v37;
	v32 =	vmul.f32 v27, v32;
	v38 =	vld [tilespmem:s6+$0xFFFFFFC0];
	[tilespmem:s8+$0xFFFFFFE0] =	vst v39  }
0x155: {  	v24 =	vmax.f32 v16, v24;
	v16 =	vmovc v30;
	v39 =	vmul.f32 $1.442695020e+00, v48;
	v41 =	vmul.f32 $1.442695020e+00, v31;
	[tilespmem:s9+$0xFFFFFF70] =	vst v29;
	v29 =	vld [tilespmem:s6+$0xFFFFFFF0]  }
0x156: {  	v24 =	vsub.f32 v24, v15;
	v31 =	vmul.f32 v20, v42;
	[tilespmem:s8+$0xFFFFFE90] =	vst v32;
	v32 =	vmul.f32 v26, v35  }
0x157: {  	v15 =	vmovc v45;
	v30 =	vsel vm0, $0x3F800000, v7;
	v7 =	vmovc v40;
	v42 =	vperm.xlane v40, v3;
	v35 =	vperm.xlane v28, v1;
	v48 =	vld [tilespmem:s6+$0xFFFFFEA0]  }
0x158: {  	v34 =	vadd.f32 v47, v34;
	v40 =	vperm.xlane v22, v1;
	[tilespmem:s8+$0xFFFFFEC0] =	vst v32;
	v32 =	vmul.f32 v13, v50  }
0x159: {  	v24 =	vmul.f32 $1.442695020e+00, v24;
	v45 =	vmul.f32 $2.000000030e-01, v37;
	v13 =	vmovc v49;
	v35 =	vadd.f32 v46, v35;
	v46 =	vld [tilespmem:s6+$0xFFFFFED0];
	s6 =	smov.u32 s18;
	s18 =	smov.u32 s12  }
0x15a: {  	v40 =	vadd.f32 v42, v40;
	v28 =	vperm.xlane v28, v2;
	[tilespmem:s9+$0xFFFFFF10] =	vst v31;
	v31 =	vld [tilespmem:s6+$0xFFFFFF50];
	v29 =	vmul.f32 v36, v29  }
0x15b: {  	v37 =	vmax.f32 v37, v45;
	s9 =	sadd.s32 $0x180, s9;
	v36 =	vmul.f32 $2.000000030e-01, v35;
	(erf) = vpow2.f32 v24;
	[tilespmem:s8+$0xFFFFFF90] =	vst v32  }
0x15c: {  	v25 =	vmul.f32 v25, v38;
	v24 =	vsub.f32 v37, v43;
	v32 =	vmul.f32 $2.000000030e-01, v40;
	[tilespmem:s8+$0xFFFFFFF0] =	vst v29  }
0x15d: {  	v27 =	vmul.f32 v27, v48;
	v35 =	vmax.f32 v35, v36;
	v36 =	vperm.xlane v22, v2;
	v37 =	vld [tilespmem:s6+$0xFFFFFEF0]  }
.Ltmp4:
0x15e: {  	v38 =	vmul.f32 $2.000000030e-01, v34;
	v32 =	vmax.f32 v40, v32;
	v22 =	vld [tilespmem:s12+$0xFFFFFEE0];
	v40 =	vmul.f32 v26, v46;
	[tilespmem:s8+$0xFFFFFFC0] =	vst v25;
	(pc) =	sbr.rel @p0 .LBB2_7-.Ltmp4, $4  }
0x15f: {  	v29 =	vld [tilespmem:s11+$0xFFFFFFA0];
	v25 =	vsub.f32 v32, v36;
	v32 =	vmul.f32 v21, v31;
	(erf) = vpow2.f32 v33;
	[tilespmem:s8+$0xFFFFFEA0] =	vst v27  }
0x160: {  	v27 =	vsub.f32 v35, v28;
	v33 =	vmul.f32 $1.442695020e+00, v24;
	v26 =	vld [tilespmem:s12+$0x0];
	(erf) = vpow2.f32 v39;
	[tilespmem:s8+$0xFFFFFED0] =	vst v40;
	s8 =	smov.u32 s13;
	s13 =	smov.u32 s9  }
0x161: {  	v34 =	vmax.f32 v34, v38;
	v24 =	vmul.f32 $2.000000030e-01, v16;
	v28 =	vmul.f32 $1.442695020e+00, v25;
	v31 =	vld [tilespmem:s11+$0x0];
	[tilespmem:s8+$0xFFFFFF50] =	vst v32  }
0x162: {  	v34 =	vsub.f32 v34, v44;
	s12 =	sadd.s32 $0x180, s12;
	s11 =	sadd.s32 $0x80, s11;
	v25 =	vmul.f32 v20, v37;
	v32 =	vld [tilespmem:s6+$0xFFFFFF60];
	(erf) = vpow2.f32 v41  }
0x163: {  	v35 =	vperm.xlane v22, v3;
	(erf) = vpow2.f32 v33  }
0x164: {  	v19 =	vsel vm0, $0x3F800000, v19;
	v30 =	vmul.f32 v13, v30;
	v27 =	vmul.f32 $1.442695020e+00, v27  }
0x165: {  	v36 =	vld [tilespmem:s18+$0xFFFFFEB0];
	v6 =	vsel vm0, $0x3F800000, v6;
	v23 =	vmul.f32 v12, v23;
	v10 =	vperm.xlane v10, v2  }
0x166: {  	v16 =	vmax.f32 v16, v24;
	v54 =	vperm.xlane v29, v1;
	v34 =	vmul.f32 $1.442695020e+00, v34;
	v37 =	vpop (erf)  }
0x167: {  	v15 =	vsub.f32 v16, v15;
	v38 =	vperm.xlane v26, v3;
	v6 =	vmul.f32 v37, v6  }
0x168: {  	v14 =	vsel vm0, $0x3F800000, v14;
	[tilespmem:s8+$0xFFFFFFA0] =	vst v30;
	v55 =	vperm.xlane v31, v1;
	v30 =	vperm.xlane v31, v2  }
0x169: {  	[tilespmem:s8+$0xFFFFFEF0] =	vst v25;
	v33 =	vadd.f32 v35, v54;
	(erf) = vpow2.f32 v34;
	v15 =	vmul.f32 $1.442695020e+00, v15  }
0x16a: {  	vm1 =	veq.s32 v4, $0x8;
	v41 =	vld [tilespmem:s6+$0xFFFFFF00];
	v21 =	vmul.f32 v21, v32;
	v56 =	vpop (erf);
	v25 =	vperm.xlane v36, v3  }
0x16b: {  	v11 =	vsel vm0, $0x3F800000, v11;
	v31 =	vld [tilespmem:s6+$0xFFFFFF80];
	[tilespmem:s8+$0xFFFFFFD0] =	vst v6;
	v6 =	vperm.xlane v29, v2;
	v39 =	vmul.f32 $2.000000030e-01, v33;
	v57 =	vpop (erf)  }
0x16c: {  	(erf) = vpow2.f32 v28;
	v18 =	vadd.f32 v25, v18;
	v19 =	vmul.f32 v57, v19;
	v58 =	vpop (erf)  }
0x16d: {  	v35 =	vadd.f32 v38, v55;
	v11 =	vmul.f32 v56, v11;
	[tilespmem:s8+$0xFFFFFF60] =	vst v21;
	v14 =	vmul.f32 v58, v14  }
0x16e: {  	v17 =	vsel vm1, $0x3F800000, v17;
	v60 =	vld [tilespmem:s6+$0xFFFFFFB0];
	(erf) = vpow2.f32 v27;
	v21 =	vmul.f32 $2.000000030e-01, v18;
	[tilespmem:s8+$0xFFFFFEB0] =	vst v19  }
0x16f: {  	v40 =	vmul.f32 $2.000000030e-01, v35;
	v29 =	vmax.f32 v33, v39;
	v16 =	vmul.f32 v20, v41;
	v19 =	vld [tilespmem:s6+$0xFFFFFE90];
	[tilespmem:s8+$0x0] =	vst v14  }
0x170: {  	v31 =	vmul.f32 v13, v31;
	v6 =	vsub.f32 v29, v6;
	v18 =	vmax.f32 v18, v21;
	v25 =	vld [tilespmem:s6+$0xFFFFFFE0]  }
0x171: {  	(erf) = vpow2.f32 v15;
	v59 =	vpop (erf);
	v14 =	vmax.f32 v35, v40;
	v10 =	vsub.f32 v18, v10  }
0x172: {  	[tilespmem:s8+$0xFFFFFEE0] =	vst v11;
	v17 =	vmul.f32 v59, v17;
	v6 =	vmul.f32 $1.442695020e+00, v6;
	v14 =	vsub.f32 v14, v30  }
0x173: {  	[tilespmem:s8+$0xFFFFFF20] =	vst v23;
	v20 =	vld [tilespmem:s6+$0xFFFFFEC0];
	v11 =	vmul.f32 v37, v60;
	v10 =	vmul.f32 $1.442695020e+00, v10  }
0x174: {  	[tilespmem:s8+$0xFFFFFF80] =	vst v31;
	v18 =	vld [tilespmem:s6+$0xFFFFFF30];
	(erf) = vpow2.f32 v6;
	v14 =	vmul.f32 $1.442695020e+00, v14  }
0x175: {  	[tilespmem:s9+$0xFFFFFF40] =	vst v17;
	v6 =	vld [tilespmem:s6+$0xFFFFFF90];
	v15 =	vmul.f32 v57, v19;
	v17 =	vmul.f32 v58, v25  }
0x176: {  	[tilespmem:s8+$0xFFFFFFB0] =	vst v11  }
0x177: {  	(erf) = vpow2.f32 v10;
	v10 =	vpop (erf);
	[tilespmem:s8+$0xFFFFFFE0] =	vst v17;
	v17 =	vld [tilespmem:s6+$0xFFFFFFC0]  }
0x178: {  	[tilespmem:s8+$0xFFFFFF00] =	vst v16;
	v16 =	vmul.f32 v56, v20;
	(erf) = vpow2.f32 v14;
	v14 =	vpop (erf);
	v11 =	vld [tilespmem:s6+$0xFFFFFFF0]  }
0x179: {  	v9 =	vsel vm1, $0x3F800000, v9;
	v12 =	vmul.f32 v12, v18;
	[tilespmem:s8+$0xFFFFFE90] =	vst v15;
	v15 =	vpop (erf)  }
0x17a: {  	v8 =	vsel vm1, $0x3F800000, v8;
	[tilespmem:s8+$0xFFFFFEC0] =	vst v16;
	v6 =	vmul.f32 v13, v6;
	v18 =	vld [tilespmem:s6+$0xFFFFFEA0];
	v9 =	vmul.f32 v15, v9  }
0x17b: {  	v8 =	vmul.f32 v10, v8;
	[tilespmem:s8+$0xFFFFFF30] =	vst v12  }
0x17c: {  	v12 =	vld [tilespmem:s6+$0xFFFFFED0];
	[tilespmem:s8+$0xFFFFFF90] =	vst v6;
	v6 =	vmul.f32 v37, v17  }
0x17d: {  	[tilespmem:s9+$0xFFFFFF70] =	vst v8;
	v8 =	vmul.f32 v58, v11  }
0x17e: {  	[tilespmem:s9+$0xFFFFFF10] =	vst v9;
	v9 =	vpop (erf)  }
0x17f: {  	v7 =	vsel vm1, $0x3F800000, v7;
	v11 =	vpop (erf);
	[tilespmem:s8+$0xFFFFFFF0] =	vst v8;
	v8 =	vmul.f32 v57, v18  }
0x180: {  	v7 =	vmul.f32 v14, v7;
	[tilespmem:s8+$0xFFFFFFC0] =	vst v6;
	v6 =	vpop (erf)  }
0x181: {  	v13 =	vld [tilespmem:s18+$0xFFFFFF50];
	v12 =	vmul.f32 v56, v12;
	[tilespmem:s8+$0xFFFFFEA0] =	vst v8;
	v8 =	vsel vm1, $0x3F800000, v26;
	v16 =	vpop (erf)  }
0x182: {  	v5 =	vsel vm1, $0x3F800000, v5;
	[tilespmem:s13+$0xFFFFFFA0] =	vst v7;
	v17 =	vld [tilespmem:s18+$0xFFFFFEF0];
	v8 =	vmul.f32 v16, v8  }
0x183: {  	[tilespmem:s8+$0xFFFFFED0] =	vst v12;
	v12 =	vld [tilespmem:s18+$0xFFFFFF20];
	v5 =	vmul.f32 v9, v5;
	v18 =	vsel vm1, $0x3F800000, v36  }
0x184: {  	v19 =	vsel vm1, $0x3F800000, v22;
	v7 =	vld [tilespmem:s18+$0xFFFFFF80];
	[tilespmem:s13+$0x0] =	vst v8;
	v8 =	vmul.f32 v6, v18  }
0x185: {  	[tilespmem:s13+$0xFFFFFFD0] =	vst v5;
	v5 =	vmul.f32 v11, v19;
	v18 =	vld [tilespmem:s18+$0xFFFFFFE0]  }
0x186: {  	v13 =	vmul.f32 v10, v13;
	v19 =	vld [tilespmem:s18+$0xFFFFFFB0];
	[tilespmem:s13+$0xFFFFFEB0] =	vst v8  }
0x187: {  	[tilespmem:s13+$0xFFFFFEE0] =	vst v5;
	v8 =	vmul.f32 v15, v17;
	v17 =	vld [tilespmem:s18+$0xFFFFFE90]  }
0x188: {  	[tilespmem:s13+$0xFFFFFF50] =	vst v13;
	v5 =	vmul.f32 v59, v12;
	v12 =	vld [tilespmem:s18+$0xFFFFFEC0]  }
0x189: {  	v7 =	vmul.f32 v14, v7;
	v13 =	vld [tilespmem:s18+$0xFFFFFF60];
	[tilespmem:s13+$0xFFFFFEF0] =	vst v8  }
0x18a: {  	[tilespmem:s13+$0xFFFFFF20] =	vst v5;
	v8 =	vld [tilespmem:s18+$0xFFFFFF00];
	v5 =	vmul.f32 v16, v18  }
0x18b: {  	[tilespmem:s13+$0xFFFFFF80] =	vst v7;
	v7 =	vmul.f32 v9, v19;
	v18 =	vld [tilespmem:s18+$0xFFFFFF30]  }
0x18c: {  	v19 =	vld [tilespmem:s18+$0xFFFFFF90];
	v17 =	vmul.f32 v6, v17;
	[tilespmem:s13+$0xFFFFFFE0] =	vst v5  }
0x18d: {  	[tilespmem:s13+$0xFFFFFFB0] =	vst v7;
	v7 =	vmul.f32 v11, v12;
	v5 =	vld [tilespmem:s18+$0xFFFFFFF0]  }
0x18e: {  	v10 =	vmul.f32 v10, v13;
	v12 =	vld [tilespmem:s18+$0xFFFFFFC0];
	[tilespmem:s13+$0xFFFFFE90] =	vst v17  }
0x18f: {  	[tilespmem:s13+$0xFFFFFEC0] =	vst v7;
	v8 =	vmul.f32 v15, v8;
	v13 =	vld [tilespmem:s18+$0xFFFFFEA0]  }
0x190: {  	[tilespmem:s13+$0xFFFFFF60] =	vst v10;
	v10 =	vld [tilespmem:s18+$0xFFFFFED0];
	v7 =	vmul.f32 v59, v18  }
0x191: {  	[tilespmem:s13+$0xFFFFFF00] =	vst v8;
	v8 =	vmul.f32 v14, v19  }
0x192: {  	[tilespmem:s13+$0xFFFFFF30] =	vst v7;
	v5 =	vmul.f32 v16, v5  }
0x193: {  	v7 =	vmul.f32 v9, v12;
	[tilespmem:s13+$0xFFFFFF90] =	vst v8  }
0x194: {  	[tilespmem:s13+$0xFFFFFFF0] =	vst v5;
	v5 =	vmul.f32 v6, v13  }
0x195: {  	[tilespmem:s13+$0xFFFFFFC0] =	vst v7;
	v6 =	vmul.f32 v11, v10  }
0x196: {  	p0 =	seq.s32 s15, $0x1A;
	[tilespmem:s13+$0xFFFFFEA0] =	vst v5  }
0x197: {  	s17 =	sadd.s32 $0x2900, s17;
	s6 =	simm.s32 @!p0 $0x7;
	[tilespmem:s13+$0xFFFFFED0] =	vst v6  }
0x198: {  	[spmem:s2] =	stream.indirect.scatter.add.f32 [tilespmem:s26], [sflag:$0x8], $0x30, s17, s22, $0xb8;
	[tilespmem:$0x16F80] =	vst v63  }
0x199: {  	s8 =	smul.u32 @!p0 $0x180, s15;
	_ =	swait.ge @!p0 [sflag:s6], $0x1800  }
0x19a: {  	s10 =	simm.s32 @!p0 $0x5100;
	[sflag:s6] =	ssyncset.done @!p0 $0x0  }
0x19b: {  	s9 =	simm.s32 @!p0 $0x80;
	[sflag:s6] =	ssyncadd.s32 @!p0 $0xFFFFE800;
	s6 =	sadd.s32 @!p0 $0x180, s8  }
0x19c: {  	[tilespmem:s10], [sflag:$0x1] =	stream.indirect.gather @!p0 [hbm4b:s4+s9], $0x30, s6, s9, $0xb8;
	[tilespmem:$0x16F80] =	vst v63  }
0x19d: {  	s6 =	sadd.s32 @!p0 $0x2A00, s8;
	s8 =	simm.s32 @!p0 $0x9900  }
0x19e: {  	[tilespmem:s8], [sflag:$0x4] =	stream.indirect.gather @!p0 [hbm4b:s5+s9], $0x10, s6, s9, $0xb8;
	[tilespmem:$0x16F80] =	vst v63  }
0x19f: {  	_ =	swait.ge [sflag:s1], $0x1800  }
0x1a0: {  	[sflag:s1] =	ssyncset.done $0x0  }
0x1a1: {  	[sflag:s1] =	ssyncadd.s32 $0xFFFFE800  }
0x1a2: {  	_ =	swait.ge [sflag:s3], $0x800  }
0x1a3: {  	[sflag:s3] =	ssyncset.done $0x0  }
0x1a4: {  	s6 =	simm.s32 $0x8270;
	[sflag:s3] =	ssyncadd.s32 $0xFFFFF800  }
0x1a5: {  	s18 =	simm.s32 $0xA970;
	v7 =	vld [tilespmem:s6+$0xFFFFFF40]  }
0x1a6: {  	v5 =	vld [tilespmem:s18+$0xFFFFFFC0]  }
0x1a7: {  	v8 =	vld [tilespmem:s18+$0xFFFFFFF0]  }
0x1a8: {  	v13 =	vld [tilespmem:s6+$0xFFFFFF10]  }
0x1a9: {  	v6 =	vld [tilespmem:s6+$0xFFFFFFD0]  }
0x1aa: {  	v9 =	vld [tilespmem:s18+$0xFFFFFFE0]  }
0x1ab: {  	v22 =	vld [tilespmem:s6+$0xFFFFFFA0]  }
0x1ac: {  	v16 =	vld [tilespmem:s6+$0xFFFFFF70]  }
0x1ad: {  	s11 =	simm.s32 $0xA9F0;
	v12 =	vld [tilespmem:s18+$0xFFFFFFD0];
	v10 =	vperm.xlane v5, v1;
	v11 =	vperm.xlane v7, v3  }
0x1ae: {  	v44 =	vld [tilespmem:s11+$0xFFFFFFD0];
	v15 =	vperm.xlane v6, v3  }
0x1af: {  	v45 =	vld [tilespmem:s11+$0xFFFFFFC0];
	v17 =	vperm.xlane v8, v1;
	v5 =	vperm.xlane v5, v2;
	v10 =	vadd.f32 v11, v10  }
0x1b0: {  	v18 =	vld [tilespmem:s18+$0xFFFFFFB0];
	v14 =	vperm.xlane v22, v3;
	v19 =	vperm.xlane v9, v1  }
0x1b1: {  	v23 =	vperm.xlane v8, v2;
	v11 =	vmul.f32 $2.000000030e-01, v10  }
0x1b2: {  	v8 =	vperm.xlane v13, v3;
	v21 =	vperm.xlane v16, v3  }
0x1b3: {  	v46 =	vld [tilespmem:s11+$0xFFFFFFE0];
	v9 =	vperm.xlane v9, v2;
	v49 =	vperm.xlane v44, v2;
	v10 =	vmax.f32 v10, v11  }
0x1b4: {  	v51 =	vperm.xlane v45, v1;
	v19 =	vadd.f32 v14, v19;
	v5 =	vsub.f32 v10, v5  }
0x1b5: {  	v20 =	vld [tilespmem:s18+$0xFFFFFF90];
	v14 =	vperm.xlane v18, v1;
	v10 =	vperm.xlane v12, v1  }
0x1b6: {  	v25 =	vld [tilespmem:s18+$0xFFFFFFA0];
	v24 =	vmul.f32 $2.000000030e-01, v19;
	v5 =	vmul.f32 $1.442695020e+00, v5  }
0x1b7: {  	v32 =	vperm.xlane v44, v1;
	v8 =	vadd.f32 v8, v14;
	v11 =	vld [tilespmem:s6+$0xFFFFFEE0];
	v10 =	vadd.f32 v21, v10  }
0x1b8: {  	v48 =	vld [tilespmem:s11+$0xFFFFFFB0];
	v57 =	vperm.xlane v46, v1;
	v19 =	vmax.f32 v19, v24;
	(erf) = vpow2.f32 v5  }
0x1b9: {  	v24 =	vld [tilespmem:s18+$0x0];
	v9 =	vsub.f32 v19, v9;
	v5 =	vmul.f32 $2.000000030e-01, v8;
	v26 =	vmul.f32 $2.000000030e-01, v10  }
0x1ba: {  	v27 =	vadd.f32 v15, v17;
	v15 =	vperm.xlane v18, v2;
	v14 =	vld [tilespmem:s6+$0x0];
	v12 =	vperm.xlane v12, v2  }
0x1bb: {  	v19 =	vld [tilespmem:s6+$0xFFFFFEB0];
	v18 =	vmul.f32 $1.442695020e+00, v9;
	v5 =	vmax.f32 v8, v5;
	v8 =	vmax.f32 v10, v26  }
0x1bc: {  	v9 =	vperm.xlane v11, v3;
	v8 =	vsub.f32 v8, v12;
	v12 =	vperm.xlane v25, v1  }
0x1bd: {  	v58 =	vperm.xlane v48, v2;
	v28 =	vmul.f32 $2.000000030e-01, v27  }
0x1be: {  	v21 =	vperm.xlane v20, v1;
	v17 =	vperm.xlane v24, v1;
	v29 =	vadd.f32 v9, v12  }
0x1bf: {  	v26 =	vperm.xlane v14, v3;
	v15 =	vsub.f32 v5, v15;
	v8 =	vmul.f32 $1.442695020e+00, v8  }
0x1c0: {  	v30 =	vld [tilespmem:s11+$0xFFFFFFF0];
	v7 =	vsel vm1, $0x3F800000, v7;
	v61 =	vperm.xlane v19, v3;
	v31 =	vmul.f32 $2.000000030e-01, v29  }
0x1c1: {  	s17 =	simm.s32 $0x83F0;
	v10 =	vld [tilespmem:s11+$0xFFFFFF90];
	v26 =	vadd.f32 v26, v17;
	v15 =	vmul.f32 $1.442695020e+00, v15;
	(erf) = vpow2.f32 v8;
	v12 =	vpop (erf)  }
0x1c2: {  	v5 =	vld [tilespmem:s17+$0xFFFFFFD0];
	v29 =	vmax.f32 v29, v31;
	v31 =	vmul.f32 v12, v7;
	v7 =	vadd.f32 v61, v21  }
0x1c3: {  	v50 =	vsel vm1, $0x3F800000, v16;
	v17 =	vld [tilespmem:s17+$0xFFFFFF40];
	v62 =	vmul.f32 $2.000000030e-01, v26;
	(erf) = vpow2.f32 v18  }
0x1c4: {  	v53 =	vsel vm1, $0x3F800000, v13;
	v9 =	vld [tilespmem:s17+$0xFFFFFF10];
	(erf) = vpow2.f32 v15;
	v21 =	vmul.f32 $2.000000030e-01, v7  }
0x1c5: {  	v20 =	vperm.xlane v20, v2;
	v24 =	vperm.xlane v24, v2;
	v18 =	vmax.f32 v26, v62  }
0x1c6: {  	v26 =	vperm.xlane v30, v1;
	v15 =	vperm.xlane v30, v2;
	v30 =	vmax.f32 v7, v21;
	v7 =	vld [tilespmem:s17+$0xFFFFFFA0]  }
0x1c7: {  	v27 =	vmax.f32 v27, v28;
	v25 =	vperm.xlane v25, v2;
	v8 =	vld [tilespmem:s17+$0xFFFFFF70];
	v63 =	vperm.xlane v5, v3  }
0x1c8: {  	v24 =	vsub.f32 v18, v24;
	v18 =	vperm.xlane v10, v1;
	v52 =	vperm.xlane v17, v3  }
0x1c9: {  	v25 =	vsub.f32 v29, v25;
	v29 =	vperm.xlane v9, v3;
	v20 =	vsub.f32 v30, v20  }
0x1ca: {  	v23 =	vsub.f32 v27, v23;
	v56 =	vmul.f32 $1.442695020e+00, v24;
	v24 =	vperm.xlane v48, v1;
	v21 =	vpop (erf)  }
0x1cb: {  	v16 =	vadd.f32 v63, v26;
	v30 =	vmul.f32 v21, v50;
	v28 =	vperm.xlane v7, v3  }
0x1cc: {  	s8 =	simm.s32 $0xE270;
	v55 =	vadd.f32 v52, v51;
	v47 =	vperm.xlane v8, v3;
	v54 =	vmul.f32 $1.442695020e+00, v20;
	v13 =	vpop (erf)  }
0x1cd: {  	v20 =	vpop (erf);
	[tilespmem:s8+$0xFFFFFF70] =	vst v30;
	v30 =	vsel vm1, $0x3F800000, v22;
	v27 =	vadd.f32 v28, v57;
	v28 =	vmul.f32 $1.442695020e+00, v23  }
0x1ce: {  	v22 =	vadd.f32 v29, v24;
	v24 =	vmul.f32 $2.000000030e-01, v55;
	v33 =	vmul.f32 v20, v53;
	v29 =	vld [tilespmem:s6+$0xFFFFFF50]  }
0x1cf: {  	v26 =	vperm.xlane v45, v2;
	[tilespmem:s8+$0xFFFFFF40] =	vst v31;
	v31 =	vadd.f32 v47, v32;
	(erf) = vpow2.f32 v28  }
0x1d0: {  	v25 =	vmul.f32 $1.442695020e+00, v25;
	v23 =	vld [tilespmem:s6+$0xFFFFFF20];
	v59 =	vmul.f32 $2.000000030e-01, v22;
	v24 =	vmax.f32 v55, v24;
	[tilespmem:s8+$0xFFFFFF10] =	vst v33  }
0x1d1: {  	v62 =	vmul.f32 $2.000000030e-01, v31;
	v24 =	vsub.f32 v24, v26;
	v60 =	vmul.f32 $2.000000030e-01, v27;
	v61 =	vld [tilespmem:s6+$0xFFFFFEF0]  }
0x1d2: {  	v26 =	vperm.xlane v46, v2;
	v33 =	vmax.f32 v22, v59;
	v22 =	vld [tilespmem:s17+$0xFFFFFEE0];
	(erf) = vpow2.f32 v25  }
0x1d3: {  	v28 =	vld [tilespmem:s11+$0xFFFFFFA0];
	v27 =	vmax.f32 v27, v60;
	v63 =	vmul.f32 v21, v29;
	(erf) = vpow2.f32 v54  }
0x1d4: {  	v36 =	vsub.f32 v27, v26;
	v27 =	vsub.f32 v33, v58;
	v33 =	vmul.f32 $1.442695020e+00, v24;
	v26 =	vld [tilespmem:s17+$0x0]  }
0x1d5: {  	s12 =	simm.s32 $0x8570;
	s10 =	simm.s32 $0x8;
	v25 =	vmax.f32 v31, v62;
	v31 =	vld [tilespmem:s11+$0x0];
	v24 =	vmul.f32 $2.000000030e-01, v16;
	(erf) = vpow2.f32 v56;
	[tilespmem:s8+$0xFFFFFF50] =	vst v63  }
0x1d6: {  	s9 =	simm.s32 $0xE3F0;
	s18 =	simm.s32 $0xE3F0;
	s11 =	simm.s32 $0xAA70;
	v34 =	vsub.f32 v25, v49;
	v29 =	vmul.f32 $1.442695020e+00, v36;
	v25 =	vmul.f32 v20, v61;
	v32 =	vld [tilespmem:s6+$0xFFFFFF60]  }
.LBB2_9:
0x1d7: {  	s10 =	sadd.s32 $0x8, s10;
	v35 =	vld [tilespmem:s17+$0xFFFFFEB0];
	v36 =	vperm.xlane v22, v3;
	(erf) = vpow2.f32 v33  }
0x1d8: {  	v38 =	vsel vm1, $0x3F800000, v19;
	v19 =	vmul.f32 v13, v30;
	v33 =	vld [tilespmem:s11+$0xFFFFFF90];
	p1 =	slt.u32 s10, $0x78;
	v37 =	vperm.xlane v28, v1;
	[tilespmem:s8+$0xFFFFFEF0] =	vst v25;
	v25 =	vpop (erf)  }
0x1d9: {  	v39 =	vmul.f32 $1.442695020e+00, v27;
	v27 =	vmul.f32 $1.442695020e+00, v34;
	v34 =	vsel vm1, $0x3F800000, v14;
	v30 =	vld [tilespmem:s11+$0xFFFFFFF0];
	v14 =	vmovc v26  }
0x1da: {  	v40 =	vld [tilespmem:s12+$0xFFFFFF40];
	v36 =	vadd.f32 v36, v37;
	v43 =	vperm.xlane v31, v1;
	v37 =	vperm.xlane v14, v3;
	[tilespmem:s8+$0xFFFFFFA0] =	vst v19  }
0x1db: {  	v31 =	vperm.xlane v31, v2;
	v47 =	vmul.f32 v21, v32;
	v21 =	vld [tilespmem:s6+$0xFFFFFF80];
	v32 =	vsel vm1, $0x3F800000, v6;
	v6 =	vmovc v5  }
0x1dc: {  	v41 =	vld [tilespmem:s12+$0xFFFFFF10];
	v42 =	vmul.f32 $2.000000030e-01, v36;
	v37 =	vadd.f32 v37, v43;
	v32 =	vmul.f32 v25, v32;
	v26 =	vpop (erf)  }
0x1dd: {  	v23 =	vmul.f32 v12, v23;
	v43 =	vsel vm1, $0x3F800000, v11;
	v5 =	vld [tilespmem:s12+$0xFFFFFFD0];
	(erf) = vpow2.f32 v27;
	[tilespmem:s8+$0xFFFFFF60] =	vst v47;
	v27 =	vpop (erf)  }
0x1de: {  	v17 =	vsel vm1, $0x3F800000, v17;
	v44 =	vperm.xlane v35, v3;
	v19 =	vmovc v35;
	v11 =	vmovc v22;
	v45 =	vmul.f32 $2.000000030e-01, v37;
	v46 =	vld [tilespmem:s6+$0xFFFFFF00];
	[tilespmem:s8+$0xFFFFFFD0] =	vst v32  }
0x1df: {  	v28 =	vperm.xlane v28, v2;
	v35 =	vmul.f32 v26, v43;
	v32 =	vmax.f32 v36, v42;
	v22 =	vld [tilespmem:s11+$0xFFFFFFE0];
	[tilespmem:s8+$0xFFFFFF20] =	vst v23;
	v36 =	vpop (erf)  }
0x1e0: {  	v23 =	vmax.f32 v37, v45;
	v37 =	vpop (erf);
	v42 =	vld [tilespmem:s6+$0xFFFFFF30];
	v21 =	vmul.f32 v13, v21;
	v34 =	vmul.f32 v36, v34  }
0x1e1: {  	v43 =	vmul.f32 v37, v17;
	v31 =	vsub.f32 v23, v31;
	(erf) = vpow2.f32 v29;
	v23 =	vld [tilespmem:s6+$0xFFFFFFB0];
	v17 =	vmovc v40  }
0x1e2: {  	v44 =	vadd.f32 v44, v18;
	v29 =	vld [tilespmem:s12+$0xFFFFFF70];
	v40 =	vperm.xlane v5, v3;
	(erf) = vpow2.f32 v39;
	[tilespmem:s8+$0x0] =	vst v34  }
0x1e3: {  	v18 =	vperm.xlane v30, v1;
	v28 =	vsub.f32 v32, v28;
	v34 =	vld [tilespmem:s11+$0xFFFFFFD0];
	[tilespmem:s9+$0xFFFFFF40] =	vst v43;
	v20 =	vmul.f32 v20, v46  }
0x1e4: {  	v38 =	vmul.f32 v27, v38;
	v32 =	vmul.f32 $2.000000030e-01, v44;
	[tilespmem:s8+$0xFFFFFF80] =	vst v21;
	v39 =	vld [tilespmem:s6+$0xFFFFFFE0]  }
0x1e5: {  	v45 =	vperm.xlane v30, v2;
	v30 =	vadd.f32 v40, v18;
	v43 =	vld [tilespmem:s11+$0xFFFFFFC0];
	[tilespmem:s8+$0xFFFFFF00] =	vst v20;
	v12 =	vmul.f32 v12, v42  }
0x1e6: {  	v18 =	vperm.xlane v33, v1;
	v42 =	vsel vm1, $0x3F800000, v9;
	v40 =	vld [tilespmem:s12+$0xFFFFFFA0];
	v21 =	vpop (erf);
	[tilespmem:s8+$0xFFFFFEB0] =	vst v38;
	v38 =	vmul.f32 v25, v23  }
0x1e7: {  	v46 =	vperm.xlane v41, v3;
	v20 =	vmax.f32 v44, v32;
	v47 =	vperm.xlane v29, v3;
	v32 =	vld [tilespmem:s6+$0xFFFFFE90];
	[tilespmem:s8+$0xFFFFFF30] =	vst v12  }
0x1e8: {  	v48 =	vperm.xlane v10, v2;
	v10 =	vmovc v33;
	v9 =	vmov v41;
	v44 =	vperm.xlane v34, v2;
	v23 =	vld [tilespmem:s17+$0xFFFFFF20];
	[tilespmem:s8+$0xFFFFFEE0] =	vst v35  }
0x1e9: {  	v33 =	vmul.f32 $1.442695020e+00, v28;
	v28 =	vsel vm1, $0x3F800000, v8;
	v8 =	vmovc v29;
	v35 =	vld [tilespmem:s6+$0xFFFFFEC0];
	v39 =	vmul.f32 v36, v39;
	v12 =	vmovc v37  }
0x1ea: {  	v41 =	vperm.xlane v17, v3;
	v48 =	vsub.f32 v20, v48;
	v29 =	vld [tilespmem:s11+$0xFFFFFFB0];
	v37 =	vperm.xlane v43, v1;
	v49 =	vpop (erf)  }
0x1eb: {  	v28 =	vmul.f32 v21, v28;
	v43 =	vperm.xlane v43, v2;
	v20 =	vpop (erf);
	v50 =	vld [tilespmem:s6+$0xFFFFFF90];
	[tilespmem:s8+$0xFFFFFFB0] =	vst v38  }
0x1ec: {  	v34 =	vperm.xlane v34, v1;
	v37 =	vadd.f32 v41, v37;
	v32 =	vmul.f32 v27, v32;
	v38 =	vld [tilespmem:s6+$0xFFFFFFC0];
	[tilespmem:s8+$0xFFFFFFE0] =	vst v39  }
0x1ed: {  	v24 =	vmax.f32 v16, v24;
	v16 =	vmovc v30;
	v39 =	vmul.f32 $1.442695020e+00, v48;
	v41 =	vmul.f32 $1.442695020e+00, v31;
	[tilespmem:s9+$0xFFFFFF70] =	vst v28;
	v28 =	vld [tilespmem:s6+$0xFFFFFFF0]  }
0x1ee: {  	v24 =	vsub.f32 v24, v15;
	v31 =	vmul.f32 v20, v42;
	[tilespmem:s8+$0xFFFFFE90] =	vst v32;
	v32 =	vmul.f32 v26, v35  }
0x1ef: {  	v15 =	vmovc v45;
	v30 =	vsel vm1, $0x3F800000, v7;
	v7 =	vmovc v40;
	v42 =	vperm.xlane v40, v3;
	v35 =	vperm.xlane v29, v1;
	v48 =	vld [tilespmem:s6+$0xFFFFFEA0]  }
0x1f0: {  	v34 =	vadd.f32 v47, v34;
	v40 =	vperm.xlane v22, v1;
	[tilespmem:s8+$0xFFFFFEC0] =	vst v32;
	v32 =	vmul.f32 v13, v50  }
0x1f1: {  	v24 =	vmul.f32 $1.442695020e+00, v24;
	v45 =	vmul.f32 $2.000000030e-01, v37;
	v13 =	vmovc v49;
	v35 =	vadd.f32 v46, v35;
	v46 =	vld [tilespmem:s6+$0xFFFFFED0];
	s6 =	smov.u32 s17;
	s17 =	smov.u32 s12  }
0x1f2: {  	v40 =	vadd.f32 v42, v40;
	v29 =	vperm.xlane v29, v2;
	[tilespmem:s9+$0xFFFFFF10] =	vst v31;
	v31 =	vld [tilespmem:s6+$0xFFFFFF50];
	v28 =	vmul.f32 v36, v28  }
0x1f3: {  	v37 =	vmax.f32 v37, v45;
	s9 =	sadd.s32 $0x180, s9;
	v36 =	vmul.f32 $2.000000030e-01, v35;
	(erf) = vpow2.f32 v24;
	[tilespmem:s8+$0xFFFFFF90] =	vst v32  }
0x1f4: {  	v25 =	vmul.f32 v25, v38;
	v24 =	vsub.f32 v37, v43;
	v32 =	vmul.f32 $2.000000030e-01, v40;
	[tilespmem:s8+$0xFFFFFFF0] =	vst v28  }
0x1f5: {  	v27 =	vmul.f32 v27, v48;
	v35 =	vmax.f32 v35, v36;
	v36 =	vperm.xlane v22, v2;
	v37 =	vld [tilespmem:s6+$0xFFFFFEF0]  }
.Ltmp5:
0x1f6: {  	v38 =	vmul.f32 $2.000000030e-01, v34;
	v32 =	vmax.f32 v40, v32;
	v22 =	vld [tilespmem:s12+$0xFFFFFEE0];
	v40 =	vmul.f32 v26, v46;
	[tilespmem:s8+$0xFFFFFFC0] =	vst v25;
	(pc) =	sbr.rel @p1 .LBB2_9-.Ltmp5, $4  }
0x1f7: {  	v28 =	vld [tilespmem:s11+$0xFFFFFFA0];
	v25 =	vsub.f32 v32, v36;
	v32 =	vmul.f32 v21, v31;
	(erf) = vpow2.f32 v33;
	[tilespmem:s8+$0xFFFFFEA0] =	vst v27  }
0x1f8: {  	v27 =	vsub.f32 v35, v29;
	v33 =	vmul.f32 $1.442695020e+00, v24;
	v26 =	vld [tilespmem:s12+$0x0];
	(erf) = vpow2.f32 v39;
	[tilespmem:s8+$0xFFFFFED0] =	vst v40;
	s8 =	smov.u32 s18;
	s18 =	smov.u32 s9  }
0x1f9: {  	v34 =	vmax.f32 v34, v38;
	v24 =	vmul.f32 $2.000000030e-01, v16;
	v29 =	vmul.f32 $1.442695020e+00, v25;
	v31 =	vld [tilespmem:s11+$0x0];
	[tilespmem:s8+$0xFFFFFF50] =	vst v32  }
0x1fa: {  	v34 =	vsub.f32 v34, v44;
	s12 =	sadd.s32 $0x180, s12;
	s11 =	sadd.s32 $0x80, s11;
	v25 =	vmul.f32 v20, v37;
	v32 =	vld [tilespmem:s6+$0xFFFFFF60];
	(erf) = vpow2.f32 v41  }
0x1fb: {  	v35 =	vperm.xlane v22, v3;
	(erf) = vpow2.f32 v33  }
0x1fc: {  	v19 =	vsel vm1, $0x3F800000, v19;
	v30 =	vmul.f32 v13, v30;
	v27 =	vmul.f32 $1.442695020e+00, v27  }
0x1fd: {  	v14 =	vsel vm1, $0x3F800000, v14;
	v23 =	vmul.f32 v12, v23;
	v10 =	vperm.xlane v10, v2  }
0x1fe: {  	v36 =	vld [tilespmem:s17+$0xFFFFFEB0];
	v6 =	vsel vm1, $0x3F800000, v6;
	v45 =	vperm.xlane v28, v1;
	v34 =	vmul.f32 $1.442695020e+00, v34  }
0x1ff: {  	v16 =	vmax.f32 v16, v24;
	v37 =	vpop (erf);
	v54 =	vperm.xlane v28, v2;
	v38 =	vperm.xlane v26, v3  }
0x200: {  	[tilespmem:s8+$0xFFFFFEF0] =	vst v25;
	v15 =	vsub.f32 v16, v15;
	v6 =	vmul.f32 v37, v6;
	v46 =	vperm.xlane v31, v1  }
0x201: {  	[tilespmem:s8+$0xFFFFFFA0] =	vst v30;
	v53 =	vld [tilespmem:s6+$0xFFFFFF00];
	v33 =	vadd.f32 v35, v45;
	v47 =	vperm.xlane v31, v2;
	(erf) = vpow2.f32 v34  }
0x202: {  	v11 =	vsel vm1, $0x3F800000, v11;
	[tilespmem:s8+$0xFFFFFF20] =	vst v23;
	v48 =	vld [tilespmem:s6+$0xFFFFFF80];
	v15 =	vmul.f32 $1.442695020e+00, v15;
	v21 =	vmul.f32 v21, v32  }
0x203: {  	v63 =	vld [tilespmem:s6+$0xFFFFFF30];
	v49 =	vpop (erf);
	v39 =	vmul.f32 $2.000000030e-01, v33;
	v35 =	vadd.f32 v38, v46;
	v52 =	vperm.xlane v36, v3  }
0x204: {  	vm0 =	veq.s32 v4, $0x8;
	[tilespmem:s8+$0xFFFFFFD0] =	vst v6;
	(erf) = vpow2.f32 v29;
	v11 =	vmul.f32 v49, v11  }
0x205: {  	v55 =	vld [tilespmem:s6+$0xFFFFFFB0];
	v50 =	vpop (erf);
	(erf) = vpow2.f32 v27;
	v6 =	vmul.f32 $2.000000030e-01, v35;
	v18 =	vadd.f32 v52, v18  }
0x206: {  	v17 =	vsel vm0, $0x3F800000, v17;
	[tilespmem:s8+$0xFFFFFF60] =	vst v21;
	v19 =	vmul.f32 v50, v19;
	v59 =	vmul.f32 v20, v53  }
0x207: {  	v33 =	vmax.f32 v33, v39;
	v31 =	vmul.f32 v13, v48;
	[tilespmem:s8+$0xFFFFFEE0] =	vst v11;
	v57 =	vmul.f32 $2.000000030e-01, v18  }
0x208: {  	v51 =	vpop (erf);
	v58 =	vsub.f32 v33, v54;
	(erf) = vpow2.f32 v15;
	v29 =	vmul.f32 v12, v63;
	[tilespmem:s8+$0xFFFFFEB0] =	vst v19  }
0x209: {  	v14 =	vmul.f32 v51, v14;
	v6 =	vmax.f32 v35, v6;
	v62 =	vld [tilespmem:s6+$0xFFFFFEC0];
	[tilespmem:s8+$0xFFFFFF00] =	vst v59;
	v18 =	vmax.f32 v18, v57  }
0x20a: {  	v25 =	vpop (erf);
	v60 =	vld [tilespmem:s6+$0xFFFFFE90];
	v61 =	vmul.f32 v37, v55;
	v6 =	vsub.f32 v6, v47;
	[tilespmem:s8+$0xFFFFFF80] =	vst v31;
	v10 =	vsub.f32 v18, v10  }
0x20b: {  	v17 =	vmul.f32 v25, v17;
	v16 =	vmul.f32 $1.442695020e+00, v58;
	[tilespmem:s8+$0x0] =	vst v14;
	v23 =	vld [tilespmem:s6+$0xFFFFFF90]  }
0x20c: {  	v8 =	vsel vm0, $0x3F800000, v8;
	v56 =	vld [tilespmem:s6+$0xFFFFFFE0];
	v6 =	vmul.f32 $1.442695020e+00, v6;
	v27 =	vpop (erf);
	[tilespmem:s8+$0xFFFFFFB0] =	vst v61;
	v10 =	vmul.f32 $1.442695020e+00, v10  }
0x20d: {  	[tilespmem:s8+$0xFFFFFF30] =	vst v29;
	(erf) = vpow2.f32 v16;
	v30 =	vld [tilespmem:s6+$0xFFFFFFC0];
	v8 =	vmul.f32 v27, v8  }
0x20e: {  	[tilespmem:s9+$0xFFFFFF40] =	vst v17;
	v14 =	vmul.f32 v49, v62;
	(erf) = vpow2.f32 v10  }
0x20f: {  	v24 =	vmul.f32 v50, v60;
	[tilespmem:s9+$0xFFFFFF70] =	vst v8;
	(erf) = vpow2.f32 v6  }
0x210: {  	[tilespmem:s8+$0xFFFFFEC0] =	vst v14;
	v39 =	vmul.f32 v13, v23  }
0x211: {  	v46 =	vld [tilespmem:s17+$0xFFFFFF50];
	v21 =	vmul.f32 v51, v56;
	[tilespmem:s8+$0xFFFFFE90] =	vst v24  }
0x212: {  	v7 =	vsel vm0, $0x3F800000, v7;
	v6 =	vpop (erf);
	v35 =	vld [tilespmem:s6+$0xFFFFFED0];
	[tilespmem:s8+$0xFFFFFF90] =	vst v39;
	v41 =	vmul.f32 v37, v30  }
0x213: {  	v9 =	vsel vm0, $0x3F800000, v9;
	v31 =	vpop (erf);
	v7 =	vmul.f32 v6, v7;
	[tilespmem:s8+$0xFFFFFFE0] =	vst v21  }
0x214: {  	v5 =	vsel vm0, $0x3F800000, v5;
	v33 =	vld [tilespmem:s6+$0xFFFFFEA0];
	v9 =	vmul.f32 v31, v9;
	v42 =	vpop (erf);
	[tilespmem:s8+$0xFFFFFFC0] =	vst v41  }
0x215: {  	v28 =	vld [tilespmem:s6+$0xFFFFFFF0];
	[tilespmem:s18+$0xFFFFFFA0] =	vst v7;
	v5 =	vmul.f32 v42, v5  }
0x216: {  	[tilespmem:s9+$0xFFFFFF10] =	vst v9;
	v44 =	vpop (erf);
	v14 =	vmul.f32 v27, v46  }
0x217: {  	v52 =	vsel vm0, $0x3F800000, v22;
	v12 =	vmul.f32 v49, v35;
	[tilespmem:s18+$0xFFFFFFD0] =	vst v5;
	v45 =	vpop (erf)  }
0x218: {  	v47 =	vsel vm0, $0x3F800000, v26;
	v7 =	vld [tilespmem:s17+$0xFFFFFF80];
	v5 =	vmul.f32 v44, v52;
	[tilespmem:s18+$0xFFFFFF50] =	vst v14;
	v48 =	vpop (erf)  }
0x219: {  	v49 =	vld [tilespmem:s17+$0xFFFFFEF0];
	[tilespmem:s8+$0xFFFFFED0] =	vst v12;
	v9 =	vmul.f32 v48, v47  }
0x21a: {  	v43 =	vmul.f32 v50, v33;
	v50 =	vld [tilespmem:s17+$0xFFFFFF20];
	[tilespmem:s18+$0xFFFFFEE0] =	vst v5;
	v40 =	vmul.f32 v51, v28;
	v51 =	vsel vm0, $0x3F800000, v36  }
0x21b: {  	v55 =	vld [tilespmem:s17+$0xFFFFFFB0];
	v53 =	vmul.f32 v45, v51;
	[tilespmem:s18+$0x0] =	vst v9  }
0x21c: {  	[tilespmem:s8+$0xFFFFFEA0] =	vst v43;
	v54 =	vld [tilespmem:s17+$0xFFFFFFE0]  }
0x21d: {  	v58 =	vld [tilespmem:s17+$0xFFFFFEC0];
	v7 =	vmul.f32 v6, v7;
	[tilespmem:s18+$0xFFFFFEB0] =	vst v53  }
0x21e: {  	[tilespmem:s8+$0xFFFFFFF0] =	vst v40;
	v56 =	vmul.f32 v31, v49;
	v57 =	vld [tilespmem:s17+$0xFFFFFE90]  }
0x21f: {  	v14 =	vld [tilespmem:s17+$0xFFFFFF60];
	v5 =	vmul.f32 v25, v50;
	[tilespmem:s18+$0xFFFFFF80] =	vst v7  }
0x220: {  	v7 =	vmul.f32 v42, v55;
	[tilespmem:s18+$0xFFFFFEF0] =	vst v56;
	v60 =	vld [tilespmem:s17+$0xFFFFFF90]  }
0x221: {  	v9 =	vld [tilespmem:s17+$0xFFFFFF00];
	[tilespmem:s18+$0xFFFFFF20] =	vst v5;
	v5 =	vmul.f32 v48, v54  }
0x222: {  	[tilespmem:s18+$0xFFFFFFB0] =	vst v7;
	v7 =	vmul.f32 v44, v58;
	v59 =	vld [tilespmem:s17+$0xFFFFFF30]  }
0x223: {  	v61 =	vld [tilespmem:s17+$0xFFFFFFC0];
	v17 =	vmul.f32 v45, v57;
	[tilespmem:s18+$0xFFFFFFE0] =	vst v5  }
0x224: {  	v10 =	vmul.f32 v27, v14;
	[tilespmem:s18+$0xFFFFFEC0] =	vst v7;
	v5 =	vld [tilespmem:s17+$0xFFFFFFF0]  }
0x225: {  	v63 =	vld [tilespmem:s17+$0xFFFFFED0];
	v6 =	vmul.f32 v6, v60;
	[tilespmem:s18+$0xFFFFFE90] =	vst v17  }
0x226: {  	[tilespmem:s18+$0xFFFFFF60] =	vst v10;
	v9 =	vmul.f32 v31, v9;
	v62 =	vld [tilespmem:s17+$0xFFFFFEA0]  }
0x227: {  	v7 =	vmul.f32 v25, v59;
	[tilespmem:s18+$0xFFFFFF90] =	vst v6  }
0x228: {  	v6 =	vmul.f32 v42, v61;
	[tilespmem:s18+$0xFFFFFF00] =	vst v9  }
0x229: {  	[tilespmem:s18+$0xFFFFFF30] =	vst v7;
	v5 =	vmul.f32 v48, v5  }
.Ltmp6:
0x22a: {  	v7 =	vmul.f32 v44, v63;
	[tilespmem:s18+$0xFFFFFFC0] =	vst v6;
	(pc) =	sbr.rel @p0 .LBB2_12-.Ltmp6, $4  }
0x22b: {  	[tilespmem:s18+$0xFFFFFFF0] =	vst v5;
	v5 =	vmul.f32 v45, v62  }
0x22c: {  	s17 =	sand.u32 $0x3FFFFF80, s16;
	[tilespmem:s18+$0xFFFFFED0] =	vst v7  }
0x22d: {  	s6 =	sadd.s32 $0x2880, s17;
	[tilespmem:s18+$0xFFFFFEA0] =	vst v5  }
0x22e: {  	[spmem:s2] =	stream.indirect.scatter.add.f32 [tilespmem:s20], [sflag:$0x9], $0x30, s6, s22, $0xb8;
	[tilespmem:$0x16F80] =	vst v63  }
0x22f: {  	_ =	swait.ge [sflag:s7], $0x1800;
	s6 =	smul.u32 $0x180, s15  }
.Ltmp7:
0x230: {  	[sflag:s7] =	ssyncset.done $0x0;
	(pc) =	sbr.rel .LBB2_4-.Ltmp7, $4  }
0x231: {  	[sflag:s7] =	ssyncadd.s32 $0xFFFFE800;
	s8 =	sadd.s32 $0x200, s6  }
0x232: {  	[tilespmem:s25], [sflag:$0x2] =	stream.indirect.gather [hbm4b:s4+s22], $0x30, s8, s22, $0xb8;
	[tilespmem:$0x16F80] =	vst v63  }
0x233: {  	s15 =	sadd.s32 $0x1, s15;
	s6 =	sadd.s32 $0x2A80, s6  }
0x234: {  	[tilespmem:s28], [sflag:$0x5] =	stream.indirect.gather [hbm4b:s5+s22], $0x10, s6, s22, $0xb8;
	[tilespmem:$0x16F80] =	vst v63  }
.LBB2_13:
0x235: {  	_ =	sfence.sel $0x180000  }
0x236: {  	[bflag:$0x0] =	sbarrier.arrive $0xFFFF  }
0x237: {  	_ =	strace $0x9000004A  }
0x238: {  	s0 =	stileid.u32;
	[bflag:$0x2] =	sbarrier.arrive $0xFFFF  }
0x239: {  	p0 =	sne.s32 s0, $0x0;
	s0 =	rddreg [dreg:$0x3]  }
0x23a: {  	s0 =	sadd.s32 @!p0 $0x100000, s0  }
0x23b: {  	[sflag:s0] =	ssyncadd.tile.s32 @!p0 $0x1;
	_ =	shalt  }
.Lfunc_end2:
_tile_overlayer_lowered:
.L_overlay_start_2:
0x23c: {  	(tag) =	ssettag $0x2  }
0x23d: {  	s0 =	rddreg [dreg:$0x0];
	s2 =	stileid.u32  }
0x23e: {  	s1 =	rddreg [dreg:$0x1];
	p0 =	sne.s32 s2, $0x0  }
0x23f: {  	s3 =	rddreg [dreg:$0x2];
	[bflag:$0x3] =	sbarrier.arrive $0xFFFF;
	s2 =	simm.s32 @!p0 $0x1C0A  }
0x240: {  	[timem:s3], [sflag:s2] =	dma.local @!p0 [hbm:s0], s1  }
0x241: {  	s0 =	simm.s32 @!p0 $0xA  }
0x242: {  	_ =	swait.ge @!p0 [sflag:s0], s1  }
0x243: {  	s1 =	ssub.s32 @!p0 $0x0, s1;
	[sflag:s0] =	ssyncset.done @!p0 $0x0  }
0x244: {  	[sflag:s0] =	ssyncadd.s32 @!p0 s1  }
0x245: {  	[bflag:$0x3] =	sbarrier.arrive $0xFFFF  }
0x246: {  	_ =	shalt  }

// kernel: kernel.7.cloned.1.call-start
scs
__scs_entry_jumppad:
0x0: {  	(pc) =	sbr.rel $0x88, $3  }
0x1: {  	(tag) =	ssettag $0x0;
	lr =	simm.s32 $0x1  }
0x2: {  	[smem:$0x3F99] =	sst lr;
	_ =	strace $0xD0000000  }
0x3: {  	_ = 	snop  }
0x4: {  	_ = 	snop  }
0x5: {  	_ = 	snop  }
0x6: {  	_ = 	snop  }
0x7: {  	_ = 	snop  }
__scs_overlays_trampoline_lowered:
0x8: {  	[smem:$0x3FA8] =	sst s0  }
0x9: {  	[smem:$0x3FA9] =	sst s1  }
0xa: {  	[smem:$0x3FAA] =	sst s2  }
0xb: {  	[smem:$0x3FAB] =	sst s3  }
0xc: {  	[smem:$0x3FAC] =	sst s4  }
0xd: {  	[smem:$0x3FAD] =	sst s5  }
0xe: {  	[smem:$0x3FAE] =	sst s6  }
0xf: {  	[smem:$0x3FAF] =	sst s7  }
0x10: {  	[smem:$0x3FB0] =	sst s8  }
0x11: {  	[smem:$0x3FB1] =	sst s9;
	s0 =	simm.s32 @!p0 $0x0  }
0x12: {  	s1 =	sld [smem:$0x3F97];
	s0 =	simm.s32 @p0 $0x1  }
0x13: {  	[smem:$0x3FB2] =	sst s0;
	s0 =	simm.s32 @!p1 $0x0  }
0x14: {  	s2 =	sld [smem:$0x3F96];
	s0 =	simm.s32 @p1 $0x1  }
0x15: {  	[smem:$0x3FB3] =	sst s0;
	s0 =	simm.s32 @!p2 $0x0  }
0x16: {  	s3 =	sld [smem:$0x3FDB];
	s0 =	simm.s32 @p2 $0x1  }
0x17: {  	s4 =	simm.s32 $0x1BF5;
	[smem:$0x3FB5] =	sst s0  }
0x18: {  	s0 =	sld [smem:$0x3F98];
	_ =	swait.ge [sflag:s4], $0x0  }
0x19: {  	s7 =	sld [smem:$0x3F99]  }
0x1a: {  	s8 =	sadd.s32 $0xFFFFE003, lr  }
0x1b: {  	s9 =	sadd.s32 $0xFFFFFEF7, lr;
	s5 =	simm.s32 $0xFFFFFFFF;
	p2 =	slt.u32 s8, $0xFFFFF086  }
0x1c: {  	p1 =	slt.u32 s9, $0xF7A;
	s5 =	simm.s32 @!p2 $0x0  }
0x1d: {  	s5 =	simm.s32 @p1 $0x1;
	p0 =	seq.s32 s7, s2  }
0x1e: {  	s7 =	smul.u32 @!p0 $0xF7A, s2;
	p2 =	seq.s32 @!p0 s5, $0x0  }
0x1f: {  	s9 =	smul.u32 $0xF7A, s1;
	s8 =	simm.s32 @!p0 $0x1BF5;
	p2 =	por !p2, p0  }
0x20: {  	[sflag:s8] =	ssyncset.s32 @!p0 $0xFFFFF086;
	s6 =	sadd.s32 @!p0 s3, s7;
	s7 =	simm.s32 @!p0 $0x108  }
0x21: {  	s3 =	sadd.s32 s3, s9;
	s6 =	sadd.s32 @!p0 $0x88, s6;
	s7 =	simm.s32 @p2 $0x1082  }
0x22: {  	[simem:s7], [sflag:s8] =	dma.local @!p0 [hbm:s6], $0xF7A  }
0x23: {  	s9 =	sor.u32 $0xD0000000, s2;
	s6 =	simm.s32 $0x108;
	_ =	swait.ge @!p0 [sflag:s8], $0x0  }
0x24: {  	s3 =	sadd.s32 $0x88, s3;
	s6 =	simm.s32 @!p1 $0x1082;
	[sflag:s4] =	ssyncset.s32 $0xFFFFF086  }
0x25: {  	[simem:s6], [sflag:s4] =	dma.local [hbm:s3], $0xF7A  }
0x26: {  	[smem:$0x3F99] =	sst s1;
	(tag) =	ssettag s2;
	_ =	strace s9  }
0x27: {  	s1 =	sld [smem:$0x3FA9]  }
0x28: {  	s2 =	sld [smem:$0x3FAA]  }
0x29: {  	s4 =	sld [smem:$0x3FAC]  }
0x2a: {  	p0 =	seq.s32 s5, $0x0;
	s5 =	sld [smem:$0x3FAD]  }
0x2b: {  	s6 =	sld [smem:$0x3FAE]  }
0x2c: {  	s7 =	sld [smem:$0x3FAF]  }
0x2d: {  	s3 =	simm.s32 $0x108;
	s8 =	sld [smem:$0x3FB0]  }
0x2e: {  	s3 =	simm.s32 @!p0 $0x1082;
	s9 =	sld [smem:$0x3FB1]  }
0x2f: {  	lr =	sadd.s32 s0, s3;
	s0 =	sld [smem:$0x3FA8]  }
0x30: {  	s3 =	sld [smem:$0x3FAB]  }
0x31: {  	[smem:$0x3FB4] =	sst s10  }
0x32: {  	s10 =	sld [smem:$0x3FB2];
	_ =	sdelay $0x3  }
0x33: {  	p0 =	seq.s32 s10, $0x1;
	s10 =	sld [smem:$0x3FB4];
	_ =	sdelay $0x3  }
0x34: {  	[smem:$0x3FB4] =	sst s10  }
0x35: {  	s10 =	sld [smem:$0x3FB3];
	_ =	sdelay $0x3  }
0x36: {  	p1 =	seq.s32 s10, $0x1;
	s10 =	sld [smem:$0x3FB4];
	_ =	sdelay $0x3  }
0x37: {  	[smem:$0x3FB4] =	sst s10  }
0x38: {  	s10 =	sld [smem:$0x3FB5]  }
0x39: {  	_ = 	snop;
	(pc) =	sbr.ind lr, $3  }
0x3a: {  	_ = 	snop  }
0x3b: {  	_ = 	snop  }
0x3c: {  	p2 =	seq.s32 s10, $0x1;
	s10 =	sld [smem:$0x3FB4]  }
0x3d: {  	_ =	shalt  }
0x3e: {  	_ =	shalt  }
0x3f: {  	_ =	shalt  }
0x40: {  	_ =	shalt  }
0x41: {  	_ =	shalt  }
0x42: {  	_ =	shalt  }
0x43: {  	_ =	shalt  }
0x44: {  	_ =	shalt  }
0x45: {  	_ =	shalt  }
0x46: {  	_ =	shalt  }
0x47: {  	_ =	shalt  }
0x48: {  	_ =	shalt  }
0x49: {  	_ =	shalt  }
0x4a: {  	_ =	shalt  }
0x4b: {  	_ =	shalt  }
0x4c: {  	_ =	shalt  }
0x4d: {  	_ =	shalt  }
0x4e: {  	_ =	shalt  }
0x4f: {  	_ =	shalt  }
0x50: {  	_ =	shalt  }
0x51: {  	_ =	shalt  }
0x52: {  	_ =	shalt  }
0x53: {  	_ =	shalt  }
0x54: {  	_ =	shalt  }
0x55: {  	_ =	shalt  }
0x56: {  	_ =	shalt  }
0x57: {  	_ =	shalt  }
0x58: {  	_ =	shalt  }
0x59: {  	_ =	shalt  }
0x5a: {  	_ =	shalt  }
0x5b: {  	_ =	shalt  }
0x5c: {  	_ =	shalt  }
0x5d: {  	_ =	shalt  }
0x5e: {  	_ =	shalt  }
0x5f: {  	_ =	shalt  }
0x60: {  	_ =	shalt  }
0x61: {  	_ =	shalt  }
0x62: {  	_ =	shalt  }
0x63: {  	_ =	shalt  }
0x64: {  	_ =	shalt  }
0x65: {  	_ =	shalt  }
0x66: {  	_ =	shalt  }
0x67: {  	_ =	shalt  }
0x68: {  	_ =	shalt  }
0x69: {  	_ =	shalt  }
0x6a: {  	_ =	shalt  }
0x6b: {  	_ =	shalt  }
0x6c: {  	_ =	shalt  }
0x6d: {  	_ =	shalt  }
0x6e: {  	_ =	shalt  }
0x6f: {  	_ =	shalt  }
0x70: {  	_ =	shalt  }
0x71: {  	_ =	shalt  }
0x72: {  	_ =	shalt  }
0x73: {  	_ =	shalt  }
0x74: {  	_ =	shalt  }
0x75: {  	_ =	shalt  }
0x76: {  	_ =	shalt  }
0x77: {  	_ =	shalt  }
0x78: {  	_ =	shalt  }
0x79: {  	_ =	shalt  }
0x7a: {  	_ =	shalt  }
0x7b: {  	_ =	shalt  }
0x7c: {  	_ =	shalt  }
0x7d: {  	_ =	shalt  }
0x7e: {  	_ =	shalt  }
0x7f: {  	_ =	shalt  }
0x80: {  	_ =	shalt  }
0x81: {  	_ =	shalt  }
0x82: {  	_ =	shalt  }
0x83: {  	_ =	shalt  }
0x84: {  	_ =	shalt  }
0x85: {  	_ =	shalt  }
0x86: {  	_ =	shalt  }
0x87: {  	_ =	shalt  }
.Lfunc_end0:
.L_simem_size_0:
called_computation_lowered:
.L_overlay_start_0:
0x88: {  	s2 =	sld [smem:$0x3FD9]  }
0x89: {  	s3 =	sld [smem:$0x3FFE];
	_ =	sdelay $0x1  }
0x8a: {  	s1 =	srdreg.scid  }
0x8b: {  	s0 =	sand.u32 $0x1, s1  }
0x8c: {  	s17 =	sshll.u32 s0, $0xA;
	s2 =	sadd.s32 s3, s2  }
0x8d: {  	s2 =	sadd.s32 s2, s17  }
0x8e: {  	[smem:$0x3FC0] =	sst s2  }
0x8f: {  	_ = 	snop  }
0x90: {  	s2 =	sld [smem:$0x3FD0];
	(tm) =	ssettm $0x1  }
0x91: {  	s18 =	sld [smem:$0x3FFB];
	_ =	sdelay $0x3  }
0x92: {  	_ =	strace s18  }
0x93: {  	s3 =	sld [smem:$0x3FFC];
	_ =	sdelay $0x3  }
0x94: {  	_ =	strace s3  }
0x95: {  	s3 =	sld [smem:$0x3FFD];
	_ =	sdelay $0x3  }
0x96: {  	_ =	strace s3  }
0x97: {  	_ =	strace $0x8FFFFFFF  }
0x98: {  	s19 =	sld [smem:$0x3FDB];
	_ =	sdelay $0x1  }
0x99: {  	s4 =	simm.s32 $_scs_section_size  }
0x9a: {  	s5 =	simm.s32 $_size__tile_overlayer_lowered;
	s6 =	simm.s32 $_tile_overlayer_lowered  }
0x9b: {  	s22 =	simm.s32 $0x1BFF;
	s21 =	sshll.u32 s6, $0x1;
	s3 =	sadd.s32 s4, s19  }
0x9c: {  	s7 =	simm.s32 $0x0;
	s20 =	sshll.u32 s5, $0x1;
	s5 =	sadd.s32 s21, s3  }
0x9d: {  	[timem:s7], [sflag:s22] =	dma.local [hbm:s5], s20  }
0x9e: {  	_ =	swait.ge [sflag:s22], s20  }
0x9f: {  	s4 =	ssub.s32 $0x0, s20;
	[sflag:s22] =	ssyncset.done $0x0  }
0xa0: {  	[sflag:s22] =	ssyncadd.s32 s4;
	_ =	sdelay $0x1  }
0xa1: {  	s23 =	simm.s32 $0x1B8B  }
0xa2: {  	_ =	swait.ge [sflag:s23], $0x1  }
0xa3: {  	[sflag:s23] =	ssyncset.done $0x0  }
0xa4: {  	s25 =	simm.s32 $0x1B8E;
	s24 =	sld [smem:$0x3FFE];
	[sflag:s23] =	ssyncadd.s32 $0xFFFFFFFF  }
0xa5: {  	s26 =	simm.s32 $execute0_lowered;
	[smem:$0x3FD2] =	sst s25  }
0xa6: {  	s5 =	sshll.u32 s26, $0x1;
	_ =	strace $0x80000046;
	[dreg:$0x1] =	wrdreg $0xFFFFFFFF  }
0xa7: {  	s28 =	simm.s32 $_size_execute0_lowered;
	s3 =	sadd.s32 s3, s5;
	[dreg:$0x0] =	wrdreg $0x0  }
0xa8: {  	s5 =	sshll.u32 s28, $0x1;
	[dreg:$0x2] =	wrdreg s3  }
0xa9: {  	[dreg:$0x3] =	wrdreg s5  }
0xaa: {  	[dreg:$0x4] =	wrdreg $0xC0  }
0xab: {  	_ =	task [dreg:s7], $0x5FFFF  }
0xac: {  	[dreg:$0x1] =	wrdreg $0xFFFFFFFF  }
0xad: {  	[dreg:$0x0] =	wrdreg $0x60  }
0xae: {  	[dreg:$0x2] =	wrdreg s24  }
0xaf: {  	[dreg:$0x3] =	wrdreg s2  }
0xb0: {  	[dreg:$0x4] =	wrdreg $0x129000  }
0xb1: {  	[dreg:$0x5] =	wrdreg $0x9  }
0xb2: {  	_ =	task.clear_ibuf [dreg:s7], $0x6FFFF;
	_ =	strace $0x90000046  }
0xb3: {  	s29 =	simm.s32 $0x9;
	_ =	strace $0x80000048  }
0xb4: {  	_ =	swait.ge [sflag:s29], $0x1  }
0xb5: {  	[sflag:s29] =	ssyncadd.s32 $0xFFFFFFFF  }
0xb6: {  	_ =	strace $0x90000048  }
0xb7: {  	_ =	sfence  }
0xb8: {  	s30 =	sld [smem:$0x0];
	_ =	sdelay $0x2  }
0xb9: {  	s31 =	sshll.u32 s1, $0xD;
	s1 =	sshrl.u32 s1, $0x2  }
0xba: {  	s3 =	sand.u32 $0x4000, s31;
	s1 =	sadd.s32 s1, s30  }
0xbb: {  	s0 =	sor.u32 s3, s0;
	s1 =	sshll.u32 s1, $0x11  }
0xbc: {  	s0 =	sor.u32 s1, s0  }
0xbd: {  	s0 =	sadd.s32 $0x8F2B, s0  }
0xbe: {  	[sflag:s0] =	ssyncadd.remote.s32 $0x1  }
0xbf: {  	_ =	sfence.sel $0xFFFF  }
0xc0: {  	[dreg:$0x0] =	wrdreg $0xFFFFFFFF;
	(pc) =	sbr.abs _section_cstart, $3  }
0xc1: {  	[dreg:$0x1] =	wrdreg $0xFFFFFFFF  }
0xc2: {  	_ =	task.clear_ibuf [dreg:s7], $0x2FFFF;
	_ =	strace $0x9FFFFFFF  }
0xc3: {  	(tm) =	ssettm $0x7FFFFFFF  }
tec
execute0_lowered:
.L_overlay_start_1:
0x0: {  	(tag) =	ssettag $0x1  }
0x1: {  	s0 =	rddreg [dreg:$0x0]  }
0x2: {  	s1 =	rddreg [dreg:$0x1]  }
0x3: {  	s2 =	rddreg [dreg:$0x2];
	s4 =	simm.s32 $0x0;
	s3 =	srdreg.scid  }
0x4: {  	s9 =	stileid.u32;
	s28 =	simm.s32 $0xA100;
	s29 =	simm.s32 $0x1  }
0x5: {  	s30 =	simm.s32 $0x4;
	s31 =	simm.s32 $0x8100;
	s14 =	simm.s32 $0x0  }
0x6: {  	[smem:$0x7FF] =	sst s4;
	s3 =	sand.u32 $0x1, s3;
	s17 =	sshll.u32 s9, $0x1  }
0x7: {  	s4 =	sadd.s32 $0xAC00, s0;
	s9 =	smul.u32 $0xC580, s9;
	_ =	strace $0x80000047  }
0x8: {  	s5 =	sor.u32 s3, s17;
	s7 =	ssub.s32 $0x2, s3;
	s3 =	smul.u32 $0xC5800, s3  }
0x9: {  	s6 =	smul.u32 $0x510, s5;
	s5 =	sadd.s32 $0x19A00, s0;
	s8 =	sshrl.u32 s7, $0x1  }
0xa: {  	s13 =	sadd.s32 s9, s2;
	s19 =	sadd.s32 $0x2800, s9;
	s20 =	sadd.s32 $0x5000, s9  }
0xb: {  	s21 =	sadd.s32 $0x7800, s9;
	s7 =	ssub.s32 s7, s8;
	s15 =	sadd.s32 s19, s2  }
0xc: {  	s16 =	sadd.s32 s20, s2;
	s17 =	sadd.s32 s21, s2;
	s22 =	sadd.s32 s9, s3  }
0xd: {  	s9 =	sadd.s32 $0xA000, s9;
	s23 =	sadd.s32 s3, s20;
	s24 =	sadd.s32 s3, s21  }
0xe: {  	s21 =	simm.s32 $0xB100;
	s20 =	simm.s32 $0x10100;
	s10 =	sadd.s32 s6, s0  }
0xf: {  	s0 =	sadd.s32 $0x1EA00, s0;
	s1 =	sadd.s32 s1, s6;
	s11 =	sadd.s32 s9, s2  }
0x10: {  	s6 =	sshrl.u32 s24, $0x3;
	s26 =	smax.u32 s7, $0x1;
	[dreg:$0x6] =	wrdreg s16  }
0x11: {  	s24 =	simm.s32 $0x5;
	s7 =	simm.s32 $0x8;
	[dreg:$0x7] =	wrdreg s17  }
0x12: {  	[dreg:$0x4] =	wrdreg s1;
	s18 =	sadd.s32 $0xA00, s10;
	s1 =	sadd.s32 s3, s19  }
0x13: {  	s10 =	sshrl.u32 s22, $0x3;
	[dreg:$0x8] =	wrdreg s11;
	s3 =	sadd.s32 s3, s9  }
0x14: {  	s25 =	sadd.s32 s0, s6;
	[dreg:$0xe] =	wrdreg s26;
	s19 =	simm.s32 $0xA  }
0x15: {  	s22 =	simm.s32 $0x80;
	s26 =	simm.s32 $0xD900;
	[dreg:$0x5] =	wrdreg s18  }
0x16: {  	s1 =	sshrl.u32 s1, $0x3;
	s10 =	sadd.s32 s0, s10;
	s3 =	sshrl.u32 s3, $0x3  }
.Ltmp0:
0x17: {  	[dreg:$0xc] =	wrdreg s25;
	s1 =	sadd.s32 s0, s1;
	(pc) =	sbr.rel .LBB2_1-.Ltmp0, $4  }
0x18: {  	s25 =	simm.s32 $0x6900;
	[dreg:$0xa] =	wrdreg s1;
	s1 =	sshrl.u32 s23, $0x3  }
0x19: {  	v0 =	vimm.f32 $0.0e+00;
	v2 =	vlaneseq.u32;
	[dreg:$0x9] =	wrdreg s10;
	s23 =	simm.s32 $0x2;
	s1 =	sadd.s32 s0, s1  }
0x1a: {  	vm0 =	vmmov $0xff;
	v1 =	vor.u32 $0x8, v2;
	v2 =	vshrl.u32 v2, $0x3;
	s0 =	sadd.s32 s0, s3;
	s3 =	simm.s32 $0x6;
	[dreg:$0xb] =	wrdreg s1  }
0x1b: {  	v3 =	vor.u32 $0x2, v2;
	v4 =	vor.u32 $0x4, v2;
	v5 =	vor.u32 $0x6, v2;
	[dreg:$0xd] =	wrdreg s0;
	s0 =	simm.s32 $0xA900;
	s1 =	simm.s32 $0x3  }
.LBB2_12:
0x1c: {  	s6 =	simm.s32 $0x7  }
0x1d: {  	_ =	swait.ge [sflag:s6], $0x2800  }
0x1e: {  	[sflag:s6] =	ssyncset.done $0x0  }
0x1f: {  	[sflag:s6] =	ssyncadd.s32 $0xFFFFD800  }
0x20: {  	_ =	swait.ge [sflag:s7], $0x2800  }
0x21: {  	[sflag:s7] =	ssyncset.done $0x0  }
0x22: {  	s9 =	simm.s32 $0x9;
	[sflag:s7] =	ssyncadd.s32 $0xFFFFD800  }
0x23: {  	_ =	swait.ge [sflag:s9], $0x2800  }
0x24: {  	[sflag:s9] =	ssyncset.done $0x0  }
0x25: {  	s10 =	stileid.u32;
	[sflag:s9] =	ssyncadd.s32 $0xFFFFD800  }
0x26: {  	s6 =	sshll.u32 s10, $0x6;
	[bflag:$0x0] =	sbarrier.arrive $0xFFFF  }
0x27: {  	s8 =	sshrl.u32 s11, $0x3;
	s6 =	sor.u32 $0x1C0A, s6;
	s9 =	rddreg [dreg:$0x9]  }
0x28: {  	[hbm:s9], [sflag:s6] =	dma.local [spmem:s8], $0x500  }
0x29: {  	_ =	swait.ge [sflag:s19], $0x500  }
0x2a: {  	s15 =	smov.u32 s12;
	[sflag:s19] =	ssyncset.done $0x0  }
0x2b: {  	s12 =	sshrl.u32 s12, $0x3;
	s16 =	rddreg [dreg:$0xa];
	[sflag:s19] =	ssyncadd.s32 $0xFFFFFB00  }
0x2c: {  	[hbm:s16], [sflag:s6] =	dma.local [spmem:s12], $0x500  }
0x2d: {  	_ =	swait.ge [sflag:s19], $0x500  }
0x2e: {  	[sflag:s19] =	ssyncset.done $0x0;
	s16 =	rddreg [dreg:$0x6]  }
0x2f: {  	s18 =	rddreg [dreg:$0xb];
	[sflag:s19] =	ssyncadd.s32 $0xFFFFFB00;
	s17 =	sshrl.u32 s16, $0x3  }
0x30: {  	[hbm:s18], [sflag:s6] =	dma.local [spmem:s17], $0x500  }
0x31: {  	_ =	swait.ge [sflag:s19], $0x500  }
0x32: {  	[sflag:s19] =	ssyncset.done $0x0;
	s17 =	rddreg [dreg:$0x7]  }
0x33: {  	s10 =	rddreg [dreg:$0xc];
	[sflag:s19] =	ssyncadd.s32 $0xFFFFFB00;
	s9 =	sshrl.u32 s17, $0x3  }
0x34: {  	[hbm:s10], [sflag:s6] =	dma.local [spmem:s9], $0x500  }
0x35: {  	_ =	swait.ge [sflag:s19], $0x500  }
0x36: {  	s13 =	smov.u32 s11;
	[sflag:s19] =	ssyncset.done $0x0;
	s11 =	rddreg [dreg:$0x8]  }
0x37: {  	s12 =	rddreg [dreg:$0xd];
	[sflag:s19] =	ssyncadd.s32 $0xFFFFFB00;
	s8 =	sshrl.u32 s11, $0x3  }
0x38: {  	[hbm:s12], [sflag:s6] =	dma.local [spmem:s8], $0x4B0  }
0x39: {  	_ =	swait.ge [sflag:s19], $0x4B0  }
0x3a: {  	s14 =	sadd.s32 $0x1, s14;
	s18 =	rddreg [dreg:$0xe]  }
0x3b: {  	p0 =	sne.s32 s14, s18  }
.Ltmp1:
0x3c: {  	_ = 	snop;
	(pc) =	sbr.rel @!p0 .LBB2_13-.Ltmp1, $3  }
0x3d: {  	_ =	sdelay $0x1  }
0x3e: {  	[sflag:s19] =	ssyncset.done $0x0  }
0x3f: {  	[sflag:s19] =	ssyncadd.s32 $0xFFFFFB50  }
.LBB2_1:
0x40: {  	s6 =	simm.s32 $0x0;
	s8 =	rddreg [dreg:$0x4]  }
0x41: {  	[tilespmem:s6], [sflag:$0xA] =	stream.linear.gather [hbm4b:s8+s6], $0x2880, $0x38;
	[tilespmem:$0x1EE80] =	vst v63  }
0x42: {  	_ =	swait.ge [sflag:s19], $0x2880  }
0x43: {  	[sflag:s19] =	ssyncset.done $0x0  }
0x44: {  	s9 =	simm.s32 $0x2880;
	s18 =	rddreg [dreg:$0x5];
	[sflag:s19] =	ssyncadd.s32 $0xFFFFD780  }
0x45: {  	[tilespmem:s9], [sflag:$0xA] =	stream.linear.gather [hbm4b:s18+s6], $0x2880, $0x38;
	[tilespmem:$0x1EE80] =	vst v63  }
0x46: {  	_ =	swait.ge [sflag:s19], $0x2880  }
0x47: {  	[sflag:s19] =	ssyncset.done $0x0  }
0x48: {  	s8 =	simm.s32 $0x140;
	s6 =	simm.s32 $0x0;
	[sflag:s19] =	ssyncadd.s32 $0xFFFFD780  }
.LBB2_2:
0x49: {  	p0 =	sne.s32 s8, $0x9EC0;
	[tilespmem:s6+$0xB140] =	vst v0;
	s9 =	smov.u32 s8;
	s8 =	sadd.s32 $0x140, s8  }
.Ltmp2:
0x4a: {  	[tilespmem:s6+$0xB130] =	vst v0;
	(pc) =	sbr.rel @p0 .LBB2_2-.Ltmp2, $4  }
0x4b: {  	[tilespmem:s6+$0xB120] =	vst v0  }
0x4c: {  	[tilespmem:s6+$0xB100] =	vst v0  }
0x4d: {  	[tilespmem:s6+$0xB110] =	vst v0  }
0x4e: {  	s6 =	sshra.s32 s9, $0x2  }
0x4f: {  	[tilespmem:s6+$0xB140] =	vst v0  }
0x50: {  	[tilespmem:s6+$0xB130] =	vst v0  }
0x51: {  	[tilespmem:s6+$0xB120] =	vst v0  }
0x52: {  	[tilespmem:s6+$0xB100] =	vst v0  }
0x53: {  	[tilespmem:s6+$0xB110] =	vst v0  }
0x54: {  	[spmem:s13] =	stream.linear.scatter [tilespmem:s21], [sflag:$0xA], $0x2800, $0x38;
	[tilespmem:$0x1EE80] =	vst v63  }
0x55: {  	_ =	swait.ge [sflag:s19], $0x2800  }
0x56: {  	[sflag:s19] =	ssyncset.done $0x0  }
0x57: {  	[sflag:s19] =	ssyncadd.s32 $0xFFFFD800  }
0x58: {  	[spmem:s15] =	stream.linear.scatter [tilespmem:s21], [sflag:$0xA], $0x2800, $0x38;
	[tilespmem:$0x1EE80] =	vst v63  }
0x59: {  	_ =	swait.ge [sflag:s19], $0x2800  }
0x5a: {  	[sflag:s19] =	ssyncset.done $0x0  }
0x5b: {  	[sflag:s19] =	ssyncadd.s32 $0xFFFFD800  }
0x5c: {  	[spmem:s16] =	stream.linear.scatter [tilespmem:s21], [sflag:$0xA], $0x2800, $0x38;
	[tilespmem:$0x1EE80] =	vst v63  }
0x5d: {  	_ =	swait.ge [sflag:s19], $0x2800  }
0x5e: {  	[sflag:s19] =	ssyncset.done $0x0  }
0x5f: {  	[sflag:s19] =	ssyncadd.s32 $0xFFFFD800  }
0x60: {  	[spmem:s17] =	stream.linear.scatter [tilespmem:s21], [sflag:$0xA], $0x2800, $0x38;
	[tilespmem:$0x1EE80] =	vst v63  }
0x61: {  	_ =	swait.ge [sflag:s19], $0x2800  }
0x62: {  	[sflag:s19] =	ssyncset.done $0x0  }
0x63: {  	s12 =	smov.u32 s15;
	s15 =	rddreg [dreg:$0x8];
	[sflag:s19] =	ssyncadd.s32 $0xFFFFD800  }
0x64: {  	[spmem:s15] =	stream.linear.scatter [tilespmem:s21], [sflag:$0xA], $0x2580, $0x38;
	[tilespmem:$0x1EE80] =	vst v63  }
0x65: {  	_ =	swait.ge [sflag:s19], $0x2580  }
0x66: {  	[sflag:s19] =	ssyncset.done $0x0  }
0x67: {  	[sflag:s19] =	ssyncadd.s32 $0xFFFFDA80  }
0x68: {  	s16 =	simm.s32 $0x5100;
	s15 =	simm.s32 $0x0;
	[bflag:$0x0] =	sbarrier.arrive $0xFFFF  }
0x69: {  	[tilespmem:s16], [sflag:$0x1] =	stream.indirect.gather [hbm4b:s4+s22], $0x30, s15, s22, $0xb8;
	[tilespmem:$0x1EE80] =	vst v63  }
0x6a: {  	s8 =	simm.s32 $0x9900;
	s17 =	simm.s32 $0x2880  }
0x6b: {  	[tilespmem:s8], [sflag:$0x4] =	stream.indirect.gather [hbm4b:s5+s22], $0x10, s17, s22, $0xb8;
	[tilespmem:$0x1EE80] =	vst v63  }
0x6c: {  	_ = 	snop  }
0x6d: {  	[tilespmem:s25], [sflag:$0x2] =	stream.indirect.gather [hbm4b:s4+s22], $0x30, s22, s22, $0xb8;
	[tilespmem:$0x1EE80] =	vst v63  }
0x6e: {  	s11 =	smov.u32 s13;
	s18 =	simm.s32 $0x2900  }
0x6f: {  	[tilespmem:s28], [sflag:$0x5] =	stream.indirect.gather [hbm4b:s5+s22], $0x10, s18, s22, $0xb8;
	[tilespmem:$0x1EE80] =	vst v63  }
.LBB2_4:
0x70: {  	_ =	swait.ge [sflag:s29], $0x1800  }
0x71: {  	[sflag:s29] =	ssyncset.done $0x0  }
0x72: {  	[sflag:s29] =	ssyncadd.s32 $0xFFFFE800  }
0x73: {  	_ =	swait.ge [sflag:s30], $0x800  }
0x74: {  	[sflag:s30] =	ssyncset.done $0x0  }
0x75: {  	s6 =	simm.s32 $0x9940;
	[sflag:s30] =	ssyncadd.s32 $0xFFFFF800  }
0x76: {  	s16 =	simm.s32 $0x51C0;
	v6 =	vld [tilespmem:s6+$0x30]  }
0x77: {  	v7 =	vld [tilespmem:s16+$0xB0];
	_ =	sdelay $0x1  }
0x78: {  	v8 =	vld [tilespmem:s16+$0xFFFFFF60]  }
0x79: {  	v9 =	vld [tilespmem:s6+$0xFFFFFFD0]  }
0x7a: {  	v10 =	vld [tilespmem:s16+$0xFFFFFF90]  }
0x7b: {  	v11 =	vld [tilespmem:s6+$0xFFFFFFE0];
	v7 =	vadd.f32 v7, v6  }
0x7c: {  	v12 =	vld [tilespmem:s16+$0xFFFFFFC0]  }
0x7d: {  	v13 =	vld [tilespmem:s6+$0xFFFFFFF0];
	v14 =	vmul.f32 $2.000000030e-01, v7  }
0x7e: {  	v15 =	vld [tilespmem:s16+$0xFFFFFFF0];
	v6 =	vperm.xlane v6, v1  }
0x7f: {  	v16 =	vld [tilespmem:s6+$0x0];
	v7 =	vmax.f32 v7, v14  }
0x80: {  	v20 =	vld [tilespmem:s6+$0xFFFFFFC0];
	v6 =	vsub.f32 v7, v6  }
0x81: {  	v14 =	vld [tilespmem:s16+$0x20]  }
0x82: {  	v7 =	vperm.xlane v9, v1;
	v9 =	vadd.f32 v10, v9;
	v10 =	vld [tilespmem:s6+$0x10];
	v6 =	vmul.f32 $1.442695020e+00, v6  }
0x83: {  	v18 =	vld [tilespmem:s16+$0x50];
	v17 =	vperm.xlane v11, v1;
	v11 =	vadd.f32 v12, v11  }
0x84: {  	v12 =	vadd.f32 v15, v13;
	v19 =	vmul.f32 $2.000000030e-01, v9;
	(erf) = vpow2.f32 v6  }
0x85: {  	v13 =	vperm.xlane v13, v1;
	v8 =	vadd.f32 v8, v20  }
0x86: {  	v15 =	vld [tilespmem:s6+$0x20];
	v21 =	vmul.f32 $2.000000030e-01, v12;
	v6 =	vmul.f32 $2.000000030e-01, v11;
	v9 =	vmax.f32 v9, v19  }
0x87: {  	v19 =	vld [tilespmem:s16+$0x80];
	v14 =	vadd.f32 v14, v16;
	v7 =	vsub.f32 v9, v7;
	v9 =	vperm.xlane v10, v1  }
0x88: {  	v10 =	vadd.f32 v18, v10;
	v6 =	vmax.f32 v11, v6;
	v11 =	vmax.f32 v12, v21  }
0x89: {  	v12 =	vmul.f32 $2.000000030e-01, v14;
	v6 =	vsub.f32 v6, v17;
	v17 =	vmul.f32 $2.000000030e-01, v8  }
0x8a: {  	v22 =	vperm.xlane v16, v1;
	v16 =	vperm.xlane v20, v1;
	v11 =	vsub.f32 v11, v13  }
0x8b: {  	v13 =	vperm.xlane v15, v1;
	v12 =	vmax.f32 v14, v12;
	v14 =	vmul.f32 $2.000000030e-01, v10  }
0x8c: {  	v7 =	vmul.f32 $1.442695020e+00, v7;
	v15 =	vadd.f32 v19, v15;
	v12 =	vsub.f32 v12, v22  }
0x8d: {  	v6 =	vmul.f32 $1.442695020e+00, v6;
	v8 =	vmax.f32 v8, v17;
	v10 =	vmax.f32 v10, v14;
	v17 =	vpop (erf)  }
0x8e: {  	s17 =	simm.s32 $0xB240;
	v8 =	vsub.f32 v8, v16;
	v14 =	vmul.f32 $2.000000030e-01, v15;
	v16 =	vnsel vm0, $0x0, v17  }
0x8f: {  	v11 =	vmul.f32 $1.442695020e+00, v11;
	(erf) = vpow2.f32 v7;
	v7 =	vsub.f32 v10, v9;
	[tilespmem:s17+$0x130] =	vst v16  }
0x90: {  	v9 =	vmul.f32 $1.442695020e+00, v12;
	(erf) = vpow2.f32 v6;
	v6 =	vmax.f32 v15, v14;
	v10 =	vld [tilespmem:s16+$0x90]  }
0x91: {  	v8 =	vmul.f32 $1.442695020e+00, v8;
	(erf) = vpow2.f32 v11;
	v6 =	vsub.f32 v6, v13  }
0x92: {  	v7 =	vmul.f32 $1.442695020e+00, v7;
	(erf) = vpow2.f32 v9  }
0x93: {  	(erf) = vpow2.f32 v8;
	v6 =	vmul.f32 $1.442695020e+00, v6  }
0x94: {  	(erf) = vpow2.f32 v7;
	v7 =	vperm.xlane v17, v2  }
0x95: {  	v8 =	vperm.xlane v17, v3;
	(erf) = vpow2.f32 v6;
	v6 =	vunpack.i.l.bf16.f32 v10  }
0x96: {  	v9 =	vunpack.i.u.bf16.f32 v10;
	v7 =	vmul.f32 v7, v6  }
0x97: {  	v8 =	vmul.f32 v8, v9  }
0x98: {  	v15 =	vpop (erf);
	[tilespmem:s17+$0xF0] =	vst v7  }
0x99: {  	v7 =	vnsel vm0, $0x0, v15;
	[tilespmem:s17+$0x100] =	vst v8  }
0x9a: {  	v6 =	vperm.xlane v17, v4;
	v17 =	vperm.xlane v17, v5;
	v24 =	vpop (erf);
	v18 =	vld [tilespmem:s16+$0xA0]  }
0x9b: {  	v11 =	vperm.xlane v15, v2;
	v13 =	vperm.xlane v15, v3;
	[tilespmem:s17+$0xFFFFFF50] =	vst v7;
	v8 =	vpop (erf)  }
0x9c: {  	v9 =	vnsel vm0, $0x0, v24;
	v14 =	vperm.xlane v24, v2;
	v16 =	vperm.xlane v24, v3;
	v21 =	vld [tilespmem:s16+$0xFFFFFF70];
	v7 =	vpop (erf)  }
0x9d: {  	[tilespmem:s17+$0xFFFFFFA0] =	vst v9;
	v12 =	vnsel vm0, $0x0, v8;
	v19 =	vperm.xlane v8, v2;
	v20 =	vperm.xlane v8, v3;
	v22 =	vpop (erf)  }
0x9e: {  	v23 =	vperm.xlane v7, v2;
	v26 =	vnsel vm0, $0x0, v7;
	[tilespmem:s17+$0xFFFFFFF0] =	vst v12;
	v9 =	vnsel vm0, $0x0, v22  }
0x9f: {  	v29 =	vld [tilespmem:s16+$0xFFFFFFA0];
	v25 =	vperm.xlane v7, v3;
	v27 =	vperm.xlane v22, v2;
	v10 =	vpop (erf);
	[tilespmem:s17+$0x40] =	vst v26;
	v34 =	vunpack.i.u.bf16.f32 v18  }
0xa0: {  	v28 =	vperm.xlane v22, v3;
	v32 =	vld [tilespmem:s16+$0xFFFFFFD0];
	[tilespmem:s17+$0xFFFFFF00] =	vst v9;
	v12 =	vnsel vm0, $0x0, v10;
	v17 =	vmul.f32 v17, v34  }
0xa1: {  	v30 =	vperm.xlane v10, v2;
	v33 =	vperm.xlane v10, v3;
	v31 =	vld [tilespmem:s16+$0xFFFFFF40];
	[tilespmem:s17+$0x90] =	vst v12;
	v37 =	vunpack.i.l.bf16.f32 v21;
	v9 =	vpop (erf)  }
0xa2: {  	v21 =	vunpack.i.u.bf16.f32 v21;
	v11 =	vmul.f32 v11, v37;
	v26 =	vnsel vm0, $0x0, v9;
	[tilespmem:s17+$0x120] =	vst v17  }
0xa3: {  	v36 =	vld [tilespmem:s16+$0x0];
	v12 =	vperm.xlane v22, v4;
	v13 =	vmul.f32 v13, v21;
	[tilespmem:s17+$0xE0] =	vst v26  }
0xa4: {  	v62 =	vld [tilespmem:s16+$0x30];
	v35 =	vperm.xlane v9, v2;
	v63 =	vperm.xlane v9, v3;
	v26 =	vunpack.i.l.bf16.f32 v29;
	[tilespmem:s17+$0xFFFFFF10] =	vst v11  }
0xa5: {  	v17 =	vunpack.i.u.bf16.f32 v29;
	[tilespmem:s17+$0xFFFFFF20] =	vst v13;
	v13 =	vunpack.i.l.bf16.f32 v32;
	v11 =	vmul.f32 v14, v26  }
0xa6: {  	v16 =	vmul.f32 v16, v17;
	v19 =	vmul.f32 v19, v13;
	v29 =	vunpack.i.l.bf16.f32 v31  }
0xa7: {  	v21 =	vld [tilespmem:s16+$0x60];
	v14 =	vunpack.i.u.bf16.f32 v32;
	v26 =	vunpack.i.u.bf16.f32 v31;
	v27 =	vmul.f32 v27, v29;
	[tilespmem:s17+$0xFFFFFF60] =	vst v11  }
0xa8: {  	v14 =	vmul.f32 v20, v14;
	v26 =	vmul.f32 v28, v26;
	[tilespmem:s17+$0xFFFFFFB0] =	vst v19  }
0xa9: {  	v29 =	vunpack.i.u.bf16.f32 v36;
	v11 =	vunpack.i.l.bf16.f32 v36;
	v31 =	vunpack.i.u.bf16.f32 v62;
	[tilespmem:s17+$0xFFFFFEC0] =	vst v27  }
0xaa: {  	v28 =	vld [tilespmem:s16+$0xFFFFFF80];
	v17 =	vunpack.i.l.bf16.f32 v62;
	v19 =	vperm.xlane v24, v4;
	v23 =	vmul.f32 v23, v11;
	[tilespmem:s17+$0xFFFFFED0] =	vst v26  }
0xab: {  	v29 =	vmul.f32 v25, v29;
	v30 =	vmul.f32 v30, v17;
	v11 =	vunpack.i.l.bf16.f32 v18;
	v13 =	vld [tilespmem:s16+$0xFFFFFF50]  }
0xac: {  	[tilespmem:s17+$0xFFFFFF70] =	vst v16;
	v18 =	vperm.xlane v22, v5;
	v22 =	vperm.xlane v15, v5;
	v16 =	vunpack.i.l.bf16.f32 v21  }
0xad: {  	[tilespmem:s17+$0xFFFFFFC0] =	vst v14;
	v17 =	vperm.xlane v24, v5;
	v20 =	vunpack.i.u.bf16.f32 v21;
	v26 =	vmul.f32 v35, v16;
	v16 =	vld [tilespmem:s16+$0xFFFFFFB0]  }
0xae: {  	v27 =	vmul.f32 v33, v31;
	[tilespmem:s17+$0x0] =	vst v23;
	v25 =	vmul.f32 v63, v20  }
0xaf: {  	s8 =	simm.s32 $0x0;
	v21 =	vld [tilespmem:s16+$0xFFFFFFE0];
	[tilespmem:s17+$0x10] =	vst v29;
	v20 =	vperm.xlane v15, v4;
	v15 =	vperm.xlane v8, v4  }
0xb0: {  	s9 =	simm.s32 $0x99C0;
	s13 =	simm.s32 $0x51C0;
	s6 =	simm.s32 $0xB240;
	[tilespmem:s17+$0x50] =	vst v30;
	v24 =	vld [tilespmem:s16+$0x10];
	v14 =	vunpack.i.u.bf16.f32 v28;
	v23 =	vunpack.i.l.bf16.f32 v28;
	v28 =	vunpack.i.u.bf16.f32 v13  }
.LBB2_5:
0xb1: {  	v29 =	vld [tilespmem:s9+$0x30];
	v30 =	vunpack.i.l.bf16.f32 v13;
	v31 =	vperm.xlane v8, v5;
	v32 =	vperm.xlane v7, v4;
	[tilespmem:s17+$0x60] =	vst v27;
	s16 =	sadd.s32 $0x180, s16  }
0xb2: {  	v33 =	vunpack.i.u.bf16.f32 v16;
	v34 =	vperm.xlane v7, v5;
	v13 =	vperm.xlane v10, v4;
	v27 =	vld [tilespmem:s16+$0xB0];
	[tilespmem:s17+$0xA0] =	vst v26  }
0xb3: {  	s8 =	sadd.s32 $0x8, s8;
	v16 =	vunpack.i.l.bf16.f32 v16;
	v10 =	vperm.xlane v10, v5;
	v7 =	vperm.xlane v9, v4;
	v26 =	vld [tilespmem:s16+$0xFFFFFF60];
	[tilespmem:s17+$0xB0] =	vst v25  }
0xb4: {  	v8 =	vperm.xlane v9, v5;
	p0 =	slt.u32 s8, $0x78;
	v35 =	vunpack.i.u.bf16.f32 v21;
	v21 =	vunpack.i.l.bf16.f32 v21;
	v25 =	vld [tilespmem:s9+$0xFFFFFFD0]  }
0xb5: {  	v12 =	vmul.f32 v12, v30;
	v9 =	vld [tilespmem:s16+$0xFFFFFF90];
	v30 =	vunpack.i.u.bf16.f32 v24;
	v24 =	vunpack.i.l.bf16.f32 v24  }
0xb6: {  	v18 =	vmul.f32 v18, v28;
	v20 =	vmul.f32 v20, v23;
	v36 =	vld [tilespmem:s9+$0xFFFFFFE0]  }
0xb7: {  	v23 =	vld [tilespmem:s16+$0xFFFFFFC0];
	v27 =	vadd.f32 v27, v29;
	[tilespmem:s17+$0xFFFFFEE0] =	vst v12;
	v12 =	vmul.f32 v22, v14;
	v14 =	vmul.f32 v19, v16  }
0xb8: {  	v17 =	vmul.f32 v17, v33;
	v15 =	vmul.f32 v15, v21;
	v16 =	vld [tilespmem:s9+$0xFFFFFFF0];
	[tilespmem:s17+$0xFFFFFEF0] =	vst v18  }
0xb9: {  	v18 =	vperm.xlane v25, v1;
	v19 =	vld [tilespmem:s16+$0xFFFFFFF0];
	v21 =	vmul.f32 $2.000000030e-01, v27;
	[tilespmem:s17+$0xFFFFFF30] =	vst v20  }
0xba: {  	v22 =	vperm.xlane v29, v1;
	v9 =	vadd.f32 v9, v25;
	v20 =	vld [tilespmem:s9+$0x0];
	[tilespmem:s17+$0xFFFFFF40] =	vst v12;
	v12 =	vmul.f32 v31, v35  }
0xbb: {  	v25 =	vperm.xlane v36, v1;
	v28 =	vld [tilespmem:s16+$0x20];
	v21 =	vmax.f32 v27, v21;
	[tilespmem:s17+$0xFFFFFF80] =	vst v14;
	v14 =	vmul.f32 v32, v24  }
0xbc: {  	v24 =	vmul.f32 $2.000000030e-01, v9;
	v23 =	vadd.f32 v23, v36;
	v27 =	vld [tilespmem:s9+$0x10];
	v21 =	vsub.f32 v21, v22;
	[tilespmem:s17+$0xFFFFFF90] =	vst v17  }
0xbd: {  	v17 =	vperm.xlane v16, v1;
	v22 =	vld [tilespmem:s16+$0x50];
	[tilespmem:s17+$0xFFFFFFD0] =	vst v15;
	v15 =	vmul.f32 v34, v30  }
0xbe: {  	v29 =	vmul.f32 $2.000000030e-01, v23;
	v16 =	vadd.f32 v19, v16;
	v19 =	vld [tilespmem:s9+$0x20];
	v21 =	vmul.f32 $1.442695020e+00, v21;
	[tilespmem:s17+$0xFFFFFFE0] =	vst v12  }
0xbf: {  	v6 =	vmul.f32 v6, v11;
	v9 =	vmax.f32 v9, v24;
	v12 =	vperm.xlane v20, v1;
	v24 =	vld [tilespmem:s16+$0x80];
	[tilespmem:s17+$0x20] =	vst v14  }
0xc0: {  	v11 =	vld [tilespmem:s9+$0xFFFFFFC0];
	v14 =	vmul.f32 $2.000000030e-01, v16;
	v20 =	vadd.f32 v28, v20;
	(erf) = vpow2.f32 v21;
	[tilespmem:s17+$0x30] =	vst v15  }
0xc1: {  	v9 =	vsub.f32 v9, v18;
	v15 =	vmax.f32 v23, v29;
	v18 =	vperm.xlane v27, v1;
	v21 =	vld [tilespmem:s13+$0x40];
	[tilespmem:s17+$0x110] =	vst v6  }
0xc2: {  	v6 =	vmax.f32 v16, v14;
	v14 =	vmul.f32 $2.000000030e-01, v20;
	v16 =	vadd.f32 v22, v27;
	v22 =	vld [tilespmem:s13+$0x70];
	s13 =	smov.u32 s16  }
0xc3: {  	v15 =	vsub.f32 v15, v25;
	v6 =	vsub.f32 v6, v17;
	v17 =	vperm.xlane v19, v1  }
0xc4: {  	v14 =	vmax.f32 v20, v14;
	v20 =	vmul.f32 $2.000000030e-01, v16;
	v19 =	vadd.f32 v24, v19  }
0xc5: {  	v23 =	vadd.f32 v26, v11;
	v11 =	vperm.xlane v11, v1;
	v12 =	vsub.f32 v14, v12  }
0xc6: {  	v9 =	vmul.f32 $1.442695020e+00, v9;
	v14 =	vmax.f32 v16, v20;
	v16 =	vmul.f32 $2.000000030e-01, v19  }
0xc7: {  	v15 =	vmul.f32 $1.442695020e+00, v15;
	v20 =	vmul.f32 $2.000000030e-01, v23;
	v14 =	vsub.f32 v14, v18  }
0xc8: {  	v6 =	vmul.f32 $1.442695020e+00, v6;
	v12 =	vmul.f32 $1.442695020e+00, v12;
	v16 =	vmax.f32 v19, v16  }
0xc9: {  	v18 =	vmax.f32 v23, v20;
	v14 =	vmul.f32 $1.442695020e+00, v14;
	v16 =	vsub.f32 v16, v17;
	v17 =	vpop (erf)  }
0xca: {  	s17 =	sadd.s32 $0x280, s17;
	v11 =	vsub.f32 v18, v11;
	v18 =	vnsel vm0, $0x0, v17;
	(erf) = vpow2.f32 v9  }
0xcb: {  	v9 =	vmul.f32 $1.442695020e+00, v16;
	[tilespmem:s17+$0x130] =	vst v18;
	(erf) = vpow2.f32 v15;
	v15 =	vunpack.i.u.bf16.f32 v21  }
0xcc: {  	v18 =	vunpack.i.l.bf16.f32 v21;
	v11 =	vmul.f32 $1.442695020e+00, v11;
	v16 =	vld [tilespmem:s16+$0x90];
	(erf) = vpow2.f32 v6  }
0xcd: {  	v6 =	vperm.xlane v17, v4;
	(erf) = vpow2.f32 v12;
	v12 =	vunpack.i.u.bf16.f32 v22  }
0xce: {  	(erf) = vpow2.f32 v11;
	v11 =	vmul.f32 v13, v18;
	v13 =	vunpack.i.l.bf16.f32 v22  }
0xcf: {  	v10 =	vmul.f32 v10, v15;
	(erf) = vpow2.f32 v14  }
0xd0: {  	v14 =	vperm.xlane v17, v2;
	(erf) = vpow2.f32 v9;
	[tilespmem:s6+$0x70] =	vst v11  }
0xd1: {  	v7 =	vmul.f32 v7, v13;
	v11 =	vperm.xlane v17, v3;
	v9 =	vunpack.i.l.bf16.f32 v16;
	[tilespmem:s6+$0x80] =	vst v10  }
0xd2: {  	v13 =	vmul.f32 v8, v12;
	v10 =	vunpack.i.u.bf16.f32 v16;
	v9 =	vmul.f32 v14, v9  }
0xd3: {  	v10 =	vmul.f32 v11, v10;
	v15 =	vpop (erf);
	[tilespmem:s6+$0xC0] =	vst v7  }
0xd4: {  	v12 =	vnsel vm0, $0x0, v15;
	v11 =	vperm.xlane v15, v2;
	v14 =	vperm.xlane v15, v3;
	[tilespmem:s17+$0xF0] =	vst v9;
	v24 =	vpop (erf)  }
0xd5: {  	v9 =	vnsel vm0, $0x0, v24;
	v16 =	vperm.xlane v24, v2;
	v18 =	vperm.xlane v24, v3;
	[tilespmem:s17+$0x100] =	vst v10;
	v8 =	vpop (erf)  }
0xd6: {  	[tilespmem:s17+$0xFFFFFF50] =	vst v12;
	v30 =	vnsel vm0, $0x0, v8;
	v19 =	vperm.xlane v8, v2;
	v20 =	vperm.xlane v8, v3;
	v21 =	vld [tilespmem:s16+$0xA0];
	v7 =	vpop (erf)  }
0xd7: {  	v22 =	vld [tilespmem:s16+$0xFFFFFF70];
	[tilespmem:s17+$0xFFFFFFA0] =	vst v9;
	v12 =	vnsel vm0, $0x0, v7;
	v23 =	vperm.xlane v7, v2;
	v25 =	vperm.xlane v7, v3;
	v28 =	vpop (erf)  }
0xd8: {  	v34 =	vnsel vm0, $0x0, v28;
	v26 =	vperm.xlane v28, v2;
	v27 =	vperm.xlane v28, v3;
	v29 =	vld [tilespmem:s16+$0xFFFFFFA0];
	[tilespmem:s17+$0xFFFFFFF0] =	vst v30;
	v10 =	vpop (erf)  }
0xd9: {  	[tilespmem:s17+$0xFFFFFF00] =	vst v34;
	v30 =	vld [tilespmem:s16+$0xFFFFFFD0];
	v31 =	vnsel vm0, $0x0, v10;
	v32 =	vperm.xlane v10, v2;
	v33 =	vperm.xlane v10, v3;
	v9 =	vpop (erf)  }
0xda: {  	v17 =	vperm.xlane v17, v5;
	v34 =	vld [tilespmem:s16+$0xFFFFFF40];
	[tilespmem:s17+$0x40] =	vst v12;
	v35 =	vnsel vm0, $0x0, v9;
	v36 =	vperm.xlane v9, v2  }
0xdb: {  	v12 =	vperm.xlane v28, v4;
	v37 =	vld [tilespmem:s16+$0x0];
	[tilespmem:s17+$0x90] =	vst v31;
	v31 =	vperm.xlane v9, v3;
	v38 =	vunpack.i.u.bf16.f32 v21  }
0xdc: {  	v39 =	vunpack.i.u.bf16.f32 v22;
	v22 =	vunpack.i.l.bf16.f32 v22;
	v40 =	vld [tilespmem:s16+$0x30];
	[tilespmem:s17+$0xE0] =	vst v35;
	v17 =	vmul.f32 v17, v38  }
0xdd: {  	v11 =	vmul.f32 v11, v22;
	v22 =	vunpack.i.u.bf16.f32 v29;
	v29 =	vunpack.i.l.bf16.f32 v29;
	v35 =	vld [tilespmem:s16+$0x60];
	[tilespmem:s6+$0xD0] =	vst v13;
	s6 =	smov.u32 s17  }
0xde: {  	v13 =	vmul.f32 v14, v39;
	v14 =	vunpack.i.u.bf16.f32 v30;
	v30 =	vunpack.i.l.bf16.f32 v30;
	[tilespmem:s17+$0x120] =	vst v17  }
0xdf: {  	v17 =	vunpack.i.u.bf16.f32 v34;
	v34 =	vunpack.i.l.bf16.f32 v34;
	[tilespmem:s17+$0xFFFFFF10] =	vst v11;
	v11 =	vmul.f32 v16, v29  }
0xe0: {  	v16 =	vmul.f32 v26, v34;
	[tilespmem:s17+$0xFFFFFF20] =	vst v13;
	v26 =	vunpack.i.u.bf16.f32 v37;
	v29 =	vunpack.i.l.bf16.f32 v37  }
0xe1: {  	v13 =	vmul.f32 v27, v17;
	v17 =	vld [tilespmem:s16+$0xFFFFFF80];
	[tilespmem:s17+$0xFFFFFF60] =	vst v11;
	v27 =	vunpack.i.u.bf16.f32 v40;
	v34 =	vunpack.i.l.bf16.f32 v40  }
0xe2: {  	[tilespmem:s17+$0xFFFFFEC0] =	vst v16;
	v16 =	vmul.f32 v18, v22;
	v18 =	vunpack.i.u.bf16.f32 v35;
	v22 =	vunpack.i.l.bf16.f32 v35  }
0xe3: {  	v19 =	vmul.f32 v19, v30;
	v20 =	vmul.f32 v20, v14;
	v11 =	vunpack.i.l.bf16.f32 v21;
	[tilespmem:s17+$0xFFFFFED0] =	vst v13  }
0xe4: {  	v29 =	vmul.f32 v23, v29;
	v30 =	vmul.f32 v25, v26;
	v13 =	vld [tilespmem:s16+$0xFFFFFF50];
	[tilespmem:s17+$0xFFFFFF70] =	vst v16  }
.Ltmp3:
0xe5: {  	v32 =	vmul.f32 v32, v34;
	v27 =	vmul.f32 v33, v27;
	v16 =	vld [tilespmem:s16+$0xFFFFFFB0];
	[tilespmem:s17+$0xFFFFFFB0] =	vst v19;
	(pc) =	sbr.rel @p0 .LBB2_5-.Ltmp3, $4  }
0xe6: {  	v26 =	vmul.f32 v36, v22;
	v25 =	vmul.f32 v31, v18;
	v14 =	vunpack.i.u.bf16.f32 v17;
	[tilespmem:s17+$0xFFFFFFC0] =	vst v20  }
0xe7: {  	v18 =	vperm.xlane v28, v5;
	v23 =	vunpack.i.l.bf16.f32 v17;
	v20 =	vperm.xlane v15, v4;
	v21 =	vld [tilespmem:s16+$0xFFFFFFE0];
	[tilespmem:s17+$0x0] =	vst v29  }
0xe8: {  	v22 =	vperm.xlane v15, v5;
	v19 =	vperm.xlane v24, v4;
	[tilespmem:s17+$0x10] =	vst v30  }
0xe9: {  	s9 =	sadd.s32 $0x80, s9;
	v17 =	vperm.xlane v24, v5;
	v15 =	vperm.xlane v8, v4;
	v28 =	vunpack.i.u.bf16.f32 v13;
	v24 =	vld [tilespmem:s16+$0x10];
	[tilespmem:s17+$0x50] =	vst v32  }
0xea: {  	[tilespmem:s17+$0x60] =	vst v27  }
0xeb: {  	[tilespmem:s17+$0xA0] =	vst v26;
	v14 =	vmul.f32 v22, v14  }
0xec: {  	v13 =	vunpack.i.l.bf16.f32 v13;
	[tilespmem:s17+$0xB0] =	vst v25;
	v6 =	vmul.f32 v6, v11  }
0xed: {  	v12 =	vmul.f32 v12, v13;
	v13 =	vmul.f32 v18, v28;
	[tilespmem:s17+$0xFFFFFF40] =	vst v14  }
0xee: {  	[tilespmem:s17+$0x110] =	vst v6  }
0xef: {  	v18 =	vmul.f32 v20, v23;
	[tilespmem:s17+$0xFFFFFEF0] =	vst v13;
	v13 =	vunpack.i.u.bf16.f32 v16  }
0xf0: {  	v8 =	vperm.xlane v8, v5;
	v14 =	vld [tilespmem:s13+$0x40];
	[tilespmem:s17+$0xFFFFFEE0] =	vst v12;
	v12 =	vunpack.i.l.bf16.f32 v16;
	v13 =	vmul.f32 v17, v13  }
0xf1: {  	[tilespmem:s17+$0xFFFFFF30] =	vst v18;
	v16 =	vunpack.i.l.bf16.f32 v21;
	v12 =	vmul.f32 v19, v12;
	v17 =	vperm.xlane v7, v4  }
0xf2: {  	v18 =	vunpack.i.u.bf16.f32 v21;
	v15 =	vmul.f32 v15, v16;
	v7 =	vperm.xlane v7, v5;
	[tilespmem:s17+$0xFFFFFF90] =	vst v13;
	v13 =	vld [tilespmem:s13+$0x70]  }
0xf3: {  	v8 =	vmul.f32 v8, v18;
	v16 =	vunpack.i.u.bf16.f32 v24;
	[tilespmem:s17+$0xFFFFFF80] =	vst v12  }
0xf4: {  	v12 =	vunpack.i.l.bf16.f32 v24;
	[tilespmem:s17+$0xFFFFFFD0] =	vst v15;
	v15 =	vperm.xlane v10, v4;
	v7 =	vmul.f32 v7, v16  }
0xf5: {  	[tilespmem:s17+$0xFFFFFFE0] =	vst v8;
	v8 =	vperm.xlane v10, v5;
	v12 =	vmul.f32 v17, v12;
	v10 =	vunpack.i.l.bf16.f32 v14  }
0xf6: {  	v11 =	vperm.xlane v9, v4;
	[tilespmem:s17+$0x30] =	vst v7;
	v7 =	vunpack.i.u.bf16.f32 v14;
	v10 =	vmul.f32 v15, v10  }
0xf7: {  	v9 =	vperm.xlane v9, v5;
	[tilespmem:s17+$0x20] =	vst v12;
	v7 =	vmul.f32 v8, v7;
	v6 =	vunpack.i.l.bf16.f32 v13  }
0xf8: {  	s8 =	smul.u32 $0x600, s15;
	[tilespmem:s6+$0x70] =	vst v10;
	v8 =	vunpack.i.u.bf16.f32 v13;
	v6 =	vmul.f32 v11, v6  }
0xf9: {  	[tilespmem:s6+$0x80] =	vst v7;
	v7 =	vmul.f32 v9, v8  }
0xfa: {  	p0 =	seq.s32 s15, $0x0;
	s17 =	sshra.s32 s8, $0x2;
	[tilespmem:s6+$0xC0] =	vst v6  }
0xfb: {  	s10 =	smul.u32 $0x3, s15;
	s8 =	simm.s32 @!p0 $0x9;
	s9 =	sadd.s32 $0x2880, s17;
	[tilespmem:s6+$0xD0] =	vst v7  }
0xfc: {  	[spmem:s2] =	stream.indirect.scatter.add.f32 [tilespmem:s21], [sflag:$0x7], $0x50, s9, s22, $0xb8;
	[tilespmem:$0x1EE80] =	vst v63  }
0xfd: {  	_ =	swait.ge @!p0 [sflag:s8], $0x2800  }
0xfe: {  	s6 =	sadd.s32 $0x2, s10;
	[sflag:s8] =	ssyncset.done @!p0 $0x0  }
0xff: {  	s16 =	sshll.u32 s6, $0x7;
	[sflag:s8] =	ssyncadd.s32 @!p0 $0xFFFFD800  }
0x100: {  	[tilespmem:s31], [sflag:$0x3] =	stream.indirect.gather [hbm4b:s4+s22], $0x30, s16, s22, $0xb8;
	[tilespmem:$0x1EE80] =	vst v63  }
0x101: {  	s6 =	sadd.s32 $0x2880, s16  }
0x102: {  	[tilespmem:s0], [sflag:$0x6] =	stream.indirect.gather [hbm4b:s5+s22], $0x10, s6, s22, $0xb8;
	[tilespmem:$0x1EE80] =	vst v63  }
0x103: {  	_ =	swait.ge [sflag:s23], $0x1800  }
0x104: {  	[sflag:s23] =	ssyncset.done $0x0  }
0x105: {  	[sflag:s23] =	ssyncadd.s32 $0xFFFFE800  }
0x106: {  	_ =	swait.ge [sflag:s24], $0x800  }
0x107: {  	[sflag:s24] =	ssyncset.done $0x0  }
0x108: {  	s13 =	simm.s32 $0xA170;
	[sflag:s24] =	ssyncadd.s32 $0xFFFFF800  }
0x109: {  	s18 =	simm.s32 $0x6A70;
	v6 =	vld [tilespmem:s13+$0x0]  }
0x10a: {  	v7 =	vld [tilespmem:s18+$0x0];
	_ =	sdelay $0x1  }
0x10b: {  	v8 =	vld [tilespmem:s18+$0xFFFFFEB0]  }
0x10c: {  	v9 =	vld [tilespmem:s13+$0xFFFFFFA0]  }
0x10d: {  	v10 =	vld [tilespmem:s18+$0xFFFFFEE0]  }
0x10e: {  	v11 =	vld [tilespmem:s13+$0xFFFFFFB0];
	v7 =	vadd.f32 v7, v6  }
0x10f: {  	v12 =	vld [tilespmem:s18+$0xFFFFFF10]  }
0x110: {  	v13 =	vld [tilespmem:s13+$0xFFFFFFC0];
	v14 =	vmul.f32 $2.000000030e-01, v7  }
0x111: {  	v15 =	vld [tilespmem:s18+$0xFFFFFF40];
	v6 =	vperm.xlane v6, v1  }
0x112: {  	v16 =	vld [tilespmem:s13+$0xFFFFFFD0];
	v7 =	vmax.f32 v7, v14  }
0x113: {  	v20 =	vld [tilespmem:s13+$0xFFFFFF90];
	v6 =	vsub.f32 v7, v6  }
0x114: {  	v14 =	vld [tilespmem:s18+$0xFFFFFF70]  }
0x115: {  	v7 =	vperm.xlane v9, v1;
	v9 =	vadd.f32 v10, v9;
	v10 =	vld [tilespmem:s13+$0xFFFFFFE0];
	v6 =	vmul.f32 $1.442695020e+00, v6  }
0x116: {  	v18 =	vld [tilespmem:s18+$0xFFFFFFA0];
	v17 =	vperm.xlane v11, v1;
	v11 =	vadd.f32 v12, v11  }
0x117: {  	v12 =	vadd.f32 v15, v13;
	v19 =	vmul.f32 $2.000000030e-01, v9;
	(erf) = vpow2.f32 v6  }
0x118: {  	v13 =	vperm.xlane v13, v1;
	v8 =	vadd.f32 v8, v20  }
0x119: {  	v15 =	vld [tilespmem:s13+$0xFFFFFFF0];
	v21 =	vmul.f32 $2.000000030e-01, v12;
	v6 =	vmul.f32 $2.000000030e-01, v11;
	v9 =	vmax.f32 v9, v19  }
0x11a: {  	v19 =	vld [tilespmem:s18+$0xFFFFFFD0];
	v14 =	vadd.f32 v14, v16;
	v7 =	vsub.f32 v9, v7;
	v9 =	vperm.xlane v10, v1  }
0x11b: {  	v10 =	vadd.f32 v18, v10;
	v6 =	vmax.f32 v11, v6;
	v11 =	vmax.f32 v12, v21  }
0x11c: {  	v12 =	vmul.f32 $2.000000030e-01, v14;
	v6 =	vsub.f32 v6, v17;
	v17 =	vmul.f32 $2.000000030e-01, v8  }
0x11d: {  	v22 =	vperm.xlane v16, v1;
	v16 =	vperm.xlane v20, v1;
	v11 =	vsub.f32 v11, v13  }
0x11e: {  	v13 =	vperm.xlane v15, v1;
	v12 =	vmax.f32 v14, v12;
	v14 =	vmul.f32 $2.000000030e-01, v10  }
0x11f: {  	v7 =	vmul.f32 $1.442695020e+00, v7;
	v15 =	vadd.f32 v19, v15;
	v12 =	vsub.f32 v12, v22  }
0x120: {  	v6 =	vmul.f32 $1.442695020e+00, v6;
	v8 =	vmax.f32 v8, v17;
	v10 =	vmax.f32 v10, v14;
	v17 =	vpop (erf)  }
0x121: {  	s6 =	simm.s32 $0xDB70;
	v8 =	vsub.f32 v8, v16;
	v14 =	vmul.f32 $2.000000030e-01, v15;
	v16 =	vnsel vm0, $0x0, v17  }
0x122: {  	v11 =	vmul.f32 $1.442695020e+00, v11;
	(erf) = vpow2.f32 v7;
	v7 =	vsub.f32 v10, v9;
	[tilespmem:s6+$0x0] =	vst v16  }
0x123: {  	v9 =	vmul.f32 $1.442695020e+00, v12;
	(erf) = vpow2.f32 v6;
	v6 =	vmax.f32 v15, v14;
	v10 =	vld [tilespmem:s18+$0xFFFFFFE0]  }
0x124: {  	v8 =	vmul.f32 $1.442695020e+00, v8;
	(erf) = vpow2.f32 v11;
	v6 =	vsub.f32 v6, v13  }
0x125: {  	v7 =	vmul.f32 $1.442695020e+00, v7;
	(erf) = vpow2.f32 v9  }
0x126: {  	(erf) = vpow2.f32 v8;
	v6 =	vmul.f32 $1.442695020e+00, v6  }
0x127: {  	(erf) = vpow2.f32 v7;
	v7 =	vperm.xlane v17, v2  }
0x128: {  	v8 =	vperm.xlane v17, v3;
	(erf) = vpow2.f32 v6;
	v6 =	vunpack.i.l.bf16.f32 v10  }
0x129: {  	v9 =	vunpack.i.u.bf16.f32 v10;
	v7 =	vmul.f32 v7, v6  }
0x12a: {  	v8 =	vmul.f32 v8, v9  }
0x12b: {  	v15 =	vpop (erf);
	[tilespmem:s6+$0xFFFFFFC0] =	vst v7  }
0x12c: {  	v7 =	vnsel vm0, $0x0, v15;
	[tilespmem:s6+$0xFFFFFFD0] =	vst v8  }
0x12d: {  	v6 =	vperm.xlane v17, v4;
	v17 =	vperm.xlane v17, v5;
	v24 =	vpop (erf);
	v18 =	vld [tilespmem:s18+$0xFFFFFFF0]  }
0x12e: {  	v11 =	vperm.xlane v15, v2;
	v13 =	vperm.xlane v15, v3;
	[tilespmem:s6+$0xFFFFFE20] =	vst v7;
	v8 =	vpop (erf)  }
0x12f: {  	v9 =	vnsel vm0, $0x0, v24;
	v14 =	vperm.xlane v24, v2;
	v16 =	vperm.xlane v24, v3;
	v21 =	vld [tilespmem:s18+$0xFFFFFEC0];
	v7 =	vpop (erf)  }
0x130: {  	[tilespmem:s6+$0xFFFFFE70] =	vst v9;
	v12 =	vnsel vm0, $0x0, v8;
	v19 =	vperm.xlane v8, v2;
	v20 =	vperm.xlane v8, v3;
	v22 =	vpop (erf)  }
0x131: {  	v23 =	vperm.xlane v7, v2;
	v26 =	vnsel vm0, $0x0, v7;
	[tilespmem:s6+$0xFFFFFEC0] =	vst v12;
	v9 =	vnsel vm0, $0x0, v22  }
0x132: {  	v29 =	vld [tilespmem:s18+$0xFFFFFEF0];
	v25 =	vperm.xlane v7, v3;
	v27 =	vperm.xlane v22, v2;
	v10 =	vpop (erf);
	[tilespmem:s6+$0xFFFFFF10] =	vst v26;
	v34 =	vunpack.i.u.bf16.f32 v18  }
0x133: {  	v28 =	vperm.xlane v22, v3;
	v32 =	vld [tilespmem:s18+$0xFFFFFF20];
	[tilespmem:s6+$0xFFFFFDD0] =	vst v9;
	v12 =	vnsel vm0, $0x0, v10;
	v17 =	vmul.f32 v17, v34  }
0x134: {  	v30 =	vperm.xlane v10, v2;
	v33 =	vperm.xlane v10, v3;
	v31 =	vld [tilespmem:s18+$0xFFFFFE90];
	[tilespmem:s6+$0xFFFFFF60] =	vst v12;
	v37 =	vunpack.i.l.bf16.f32 v21;
	v9 =	vpop (erf)  }
0x135: {  	v21 =	vunpack.i.u.bf16.f32 v21;
	v11 =	vmul.f32 v11, v37;
	v26 =	vnsel vm0, $0x0, v9;
	[tilespmem:s6+$0xFFFFFFF0] =	vst v17  }
0x136: {  	v36 =	vld [tilespmem:s18+$0xFFFFFF50];
	v12 =	vperm.xlane v22, v4;
	v13 =	vmul.f32 v13, v21;
	[tilespmem:s6+$0xFFFFFFB0] =	vst v26  }
0x137: {  	v62 =	vld [tilespmem:s18+$0xFFFFFF80];
	v35 =	vperm.xlane v9, v2;
	v63 =	vperm.xlane v9, v3;
	v26 =	vunpack.i.l.bf16.f32 v29;
	[tilespmem:s6+$0xFFFFFDE0] =	vst v11  }
0x138: {  	v17 =	vunpack.i.u.bf16.f32 v29;
	[tilespmem:s6+$0xFFFFFDF0] =	vst v13;
	v13 =	vunpack.i.l.bf16.f32 v32;
	v11 =	vmul.f32 v14, v26  }
0x139: {  	v16 =	vmul.f32 v16, v17;
	v19 =	vmul.f32 v19, v13;
	v29 =	vunpack.i.l.bf16.f32 v31  }
0x13a: {  	v21 =	vld [tilespmem:s18+$0xFFFFFFB0];
	v14 =	vunpack.i.u.bf16.f32 v32;
	v26 =	vunpack.i.u.bf16.f32 v31;
	v27 =	vmul.f32 v27, v29;
	[tilespmem:s6+$0xFFFFFE30] =	vst v11  }
0x13b: {  	v14 =	vmul.f32 v20, v14;
	v26 =	vmul.f32 v28, v26;
	[tilespmem:s6+$0xFFFFFE80] =	vst v19  }
0x13c: {  	v29 =	vunpack.i.u.bf16.f32 v36;
	v11 =	vunpack.i.l.bf16.f32 v36;
	v31 =	vunpack.i.u.bf16.f32 v62;
	[tilespmem:s6+$0xFFFFFD90] =	vst v27  }
0x13d: {  	v28 =	vld [tilespmem:s18+$0xFFFFFED0];
	v17 =	vunpack.i.l.bf16.f32 v62;
	v19 =	vperm.xlane v24, v4;
	v23 =	vmul.f32 v23, v11;
	[tilespmem:s6+$0xFFFFFDA0] =	vst v26  }
0x13e: {  	v29 =	vmul.f32 v25, v29;
	v30 =	vmul.f32 v30, v17;
	v11 =	vunpack.i.l.bf16.f32 v18;
	v13 =	vld [tilespmem:s18+$0xFFFFFEA0]  }
0x13f: {  	[tilespmem:s6+$0xFFFFFE40] =	vst v16;
	v18 =	vperm.xlane v22, v5;
	v22 =	vperm.xlane v15, v5;
	v16 =	vunpack.i.l.bf16.f32 v21  }
0x140: {  	[tilespmem:s6+$0xFFFFFE90] =	vst v14;
	v17 =	vperm.xlane v24, v5;
	v20 =	vunpack.i.u.bf16.f32 v21;
	v26 =	vmul.f32 v35, v16;
	v16 =	vld [tilespmem:s18+$0xFFFFFF00]  }
0x141: {  	v27 =	vmul.f32 v33, v31;
	[tilespmem:s6+$0xFFFFFED0] =	vst v23;
	v25 =	vmul.f32 v63, v20  }
0x142: {  	s10 =	simm.s32 $0xA1F0;
	v21 =	vld [tilespmem:s18+$0xFFFFFF30];
	[tilespmem:s6+$0xFFFFFEE0] =	vst v29;
	v20 =	vperm.xlane v15, v4;
	v15 =	vperm.xlane v8, v4  }
0x143: {  	s9 =	simm.s32 $0x0;
	s8 =	simm.s32 $0x6A70;
	s13 =	simm.s32 $0xDB70;
	[tilespmem:s6+$0xFFFFFF20] =	vst v30;
	v24 =	vld [tilespmem:s18+$0xFFFFFF60];
	v14 =	vunpack.i.u.bf16.f32 v28;
	v23 =	vunpack.i.l.bf16.f32 v28;
	v28 =	vunpack.i.u.bf16.f32 v13  }
.LBB2_7:
0x144: {  	v29 =	vld [tilespmem:s10+$0x0];
	v30 =	vunpack.i.l.bf16.f32 v13;
	v31 =	vperm.xlane v8, v5;
	v32 =	vperm.xlane v7, v4;
	[tilespmem:s6+$0xFFFFFF30] =	vst v27;
	s18 =	sadd.s32 $0x180, s18  }
0x145: {  	v33 =	vunpack.i.u.bf16.f32 v16;
	v34 =	vperm.xlane v7, v5;
	v13 =	vperm.xlane v10, v4;
	v27 =	vld [tilespmem:s18+$0x0];
	[tilespmem:s6+$0xFFFFFF70] =	vst v26  }
0x146: {  	s9 =	sadd.s32 $0x8, s9;
	v16 =	vunpack.i.l.bf16.f32 v16;
	v10 =	vperm.xlane v10, v5;
	v7 =	vperm.xlane v9, v4;
	v26 =	vld [tilespmem:s18+$0xFFFFFEB0];
	[tilespmem:s6+$0xFFFFFF80] =	vst v25  }
0x147: {  	v8 =	vperm.xlane v9, v5;
	p0 =	slt.u32 s9, $0x78;
	v35 =	vunpack.i.u.bf16.f32 v21;
	v21 =	vunpack.i.l.bf16.f32 v21;
	v25 =	vld [tilespmem:s10+$0xFFFFFFA0]  }
0x148: {  	v12 =	vmul.f32 v12, v30;
	v9 =	vld [tilespmem:s18+$0xFFFFFEE0];
	v30 =	vunpack.i.u.bf16.f32 v24;
	v24 =	vunpack.i.l.bf16.f32 v24  }
0x149: {  	v18 =	vmul.f32 v18, v28;
	v20 =	vmul.f32 v20, v23;
	v36 =	vld [tilespmem:s10+$0xFFFFFFB0]  }
0x14a: {  	v23 =	vld [tilespmem:s18+$0xFFFFFF10];
	v27 =	vadd.f32 v27, v29;
	[tilespmem:s6+$0xFFFFFDB0] =	vst v12;
	v12 =	vmul.f32 v22, v14;
	v14 =	vmul.f32 v19, v16  }
0x14b: {  	v17 =	vmul.f32 v17, v33;
	v15 =	vmul.f32 v15, v21;
	v16 =	vld [tilespmem:s10+$0xFFFFFFC0];
	[tilespmem:s6+$0xFFFFFDC0] =	vst v18  }
0x14c: {  	v18 =	vperm.xlane v25, v1;
	v19 =	vld [tilespmem:s18+$0xFFFFFF40];
	v21 =	vmul.f32 $2.000000030e-01, v27;
	[tilespmem:s6+$0xFFFFFE00] =	vst v20  }
0x14d: {  	v22 =	vperm.xlane v29, v1;
	v9 =	vadd.f32 v9, v25;
	v20 =	vld [tilespmem:s10+$0xFFFFFFD0];
	[tilespmem:s6+$0xFFFFFE10] =	vst v12;
	v12 =	vmul.f32 v31, v35  }
0x14e: {  	v25 =	vperm.xlane v36, v1;
	v28 =	vld [tilespmem:s18+$0xFFFFFF70];
	v21 =	vmax.f32 v27, v21;
	[tilespmem:s6+$0xFFFFFE50] =	vst v14;
	v14 =	vmul.f32 v32, v24  }
0x14f: {  	v24 =	vmul.f32 $2.000000030e-01, v9;
	v23 =	vadd.f32 v23, v36;
	v27 =	vld [tilespmem:s10+$0xFFFFFFE0];
	v21 =	vsub.f32 v21, v22;
	[tilespmem:s6+$0xFFFFFE60] =	vst v17  }
0x150: {  	v17 =	vperm.xlane v16, v1;
	v22 =	vld [tilespmem:s18+$0xFFFFFFA0];
	[tilespmem:s6+$0xFFFFFEA0] =	vst v15;
	v15 =	vmul.f32 v34, v30  }
0x151: {  	v29 =	vmul.f32 $2.000000030e-01, v23;
	v16 =	vadd.f32 v19, v16;
	v19 =	vld [tilespmem:s10+$0xFFFFFFF0];
	v21 =	vmul.f32 $1.442695020e+00, v21;
	[tilespmem:s6+$0xFFFFFEB0] =	vst v12  }
0x152: {  	v6 =	vmul.f32 v6, v11;
	v9 =	vmax.f32 v9, v24;
	v12 =	vperm.xlane v20, v1;
	v24 =	vld [tilespmem:s18+$0xFFFFFFD0];
	[tilespmem:s6+$0xFFFFFEF0] =	vst v14  }
0x153: {  	v11 =	vld [tilespmem:s10+$0xFFFFFF90];
	v14 =	vmul.f32 $2.000000030e-01, v16;
	v20 =	vadd.f32 v28, v20;
	(erf) = vpow2.f32 v21;
	[tilespmem:s6+$0xFFFFFF00] =	vst v15  }
0x154: {  	v9 =	vsub.f32 v9, v18;
	v15 =	vmax.f32 v23, v29;
	v18 =	vperm.xlane v27, v1;
	v21 =	vld [tilespmem:s8+$0xFFFFFF90];
	[tilespmem:s6+$0xFFFFFFE0] =	vst v6  }
0x155: {  	v6 =	vmax.f32 v16, v14;
	v14 =	vmul.f32 $2.000000030e-01, v20;
	v16 =	vadd.f32 v22, v27;
	v22 =	vld [tilespmem:s8+$0xFFFFFFC0];
	s8 =	smov.u32 s18  }
0x156: {  	v15 =	vsub.f32 v15, v25;
	v6 =	vsub.f32 v6, v17;
	v17 =	vperm.xlane v19, v1  }
0x157: {  	v14 =	vmax.f32 v20, v14;
	v20 =	vmul.f32 $2.000000030e-01, v16;
	v19 =	vadd.f32 v24, v19  }
0x158: {  	v23 =	vadd.f32 v26, v11;
	v11 =	vperm.xlane v11, v1;
	v12 =	vsub.f32 v14, v12  }
0x159: {  	v9 =	vmul.f32 $1.442695020e+00, v9;
	v14 =	vmax.f32 v16, v20;
	v16 =	vmul.f32 $2.000000030e-01, v19  }
0x15a: {  	v15 =	vmul.f32 $1.442695020e+00, v15;
	v20 =	vmul.f32 $2.000000030e-01, v23;
	v14 =	vsub.f32 v14, v18  }
0x15b: {  	v6 =	vmul.f32 $1.442695020e+00, v6;
	v12 =	vmul.f32 $1.442695020e+00, v12;
	v16 =	vmax.f32 v19, v16  }
0x15c: {  	v18 =	vmax.f32 v23, v20;
	v14 =	vmul.f32 $1.442695020e+00, v14;
	v16 =	vsub.f32 v16, v17;
	v17 =	vpop (erf)  }
0x15d: {  	s6 =	sadd.s32 $0x280, s6;
	v11 =	vsub.f32 v18, v11;
	v18 =	vnsel vm0, $0x0, v17;
	(erf) = vpow2.f32 v9  }
0x15e: {  	v9 =	vmul.f32 $1.442695020e+00, v16;
	[tilespmem:s6+$0x0] =	vst v18;
	(erf) = vpow2.f32 v15;
	v15 =	vunpack.i.u.bf16.f32 v21  }
0x15f: {  	v18 =	vunpack.i.l.bf16.f32 v21;
	v11 =	vmul.f32 $1.442695020e+00, v11;
	v16 =	vld [tilespmem:s18+$0xFFFFFFE0];
	(erf) = vpow2.f32 v6  }
0x160: {  	v6 =	vperm.xlane v17, v4;
	(erf) = vpow2.f32 v12;
	v12 =	vunpack.i.u.bf16.f32 v22  }
0x161: {  	(erf) = vpow2.f32 v11;
	v11 =	vmul.f32 v13, v18;
	v13 =	vunpack.i.l.bf16.f32 v22  }
0x162: {  	v10 =	vmul.f32 v10, v15;
	(erf) = vpow2.f32 v14  }
0x163: {  	v14 =	vperm.xlane v17, v2;
	(erf) = vpow2.f32 v9;
	[tilespmem:s13+$0xFFFFFF40] =	vst v11  }
0x164: {  	v7 =	vmul.f32 v7, v13;
	v11 =	vperm.xlane v17, v3;
	v9 =	vunpack.i.l.bf16.f32 v16;
	[tilespmem:s13+$0xFFFFFF50] =	vst v10  }
0x165: {  	v13 =	vmul.f32 v8, v12;
	v10 =	vunpack.i.u.bf16.f32 v16;
	v9 =	vmul.f32 v14, v9  }
0x166: {  	v10 =	vmul.f32 v11, v10;
	v15 =	vpop (erf);
	[tilespmem:s13+$0xFFFFFF90] =	vst v7  }
0x167: {  	v12 =	vnsel vm0, $0x0, v15;
	v11 =	vperm.xlane v15, v2;
	v14 =	vperm.xlane v15, v3;
	[tilespmem:s6+$0xFFFFFFC0] =	vst v9;
	v24 =	vpop (erf)  }
0x168: {  	v9 =	vnsel vm0, $0x0, v24;
	v16 =	vperm.xlane v24, v2;
	v18 =	vperm.xlane v24, v3;
	[tilespmem:s6+$0xFFFFFFD0] =	vst v10;
	v8 =	vpop (erf)  }
0x169: {  	[tilespmem:s6+$0xFFFFFE20] =	vst v12;
	v30 =	vnsel vm0, $0x0, v8;
	v19 =	vperm.xlane v8, v2;
	v20 =	vperm.xlane v8, v3;
	v21 =	vld [tilespmem:s18+$0xFFFFFFF0];
	v7 =	vpop (erf)  }
0x16a: {  	v22 =	vld [tilespmem:s18+$0xFFFFFEC0];
	[tilespmem:s6+$0xFFFFFE70] =	vst v9;
	v12 =	vnsel vm0, $0x0, v7;
	v23 =	vperm.xlane v7, v2;
	v25 =	vperm.xlane v7, v3;
	v28 =	vpop (erf)  }
0x16b: {  	v34 =	vnsel vm0, $0x0, v28;
	v26 =	vperm.xlane v28, v2;
	v27 =	vperm.xlane v28, v3;
	v29 =	vld [tilespmem:s18+$0xFFFFFEF0];
	[tilespmem:s6+$0xFFFFFEC0] =	vst v30;
	v10 =	vpop (erf)  }
0x16c: {  	[tilespmem:s6+$0xFFFFFDD0] =	vst v34;
	v30 =	vld [tilespmem:s18+$0xFFFFFF20];
	v31 =	vnsel vm0, $0x0, v10;
	v32 =	vperm.xlane v10, v2;
	v33 =	vperm.xlane v10, v3;
	v9 =	vpop (erf)  }
0x16d: {  	v17 =	vperm.xlane v17, v5;
	v34 =	vld [tilespmem:s18+$0xFFFFFE90];
	[tilespmem:s6+$0xFFFFFF10] =	vst v12;
	v35 =	vnsel vm0, $0x0, v9;
	v36 =	vperm.xlane v9, v2  }
0x16e: {  	v12 =	vperm.xlane v28, v4;
	v37 =	vld [tilespmem:s18+$0xFFFFFF50];
	[tilespmem:s6+$0xFFFFFF60] =	vst v31;
	v31 =	vperm.xlane v9, v3;
	v38 =	vunpack.i.u.bf16.f32 v21  }
0x16f: {  	v39 =	vunpack.i.u.bf16.f32 v22;
	v22 =	vunpack.i.l.bf16.f32 v22;
	v40 =	vld [tilespmem:s18+$0xFFFFFF80];
	[tilespmem:s6+$0xFFFFFFB0] =	vst v35;
	v17 =	vmul.f32 v17, v38  }
0x170: {  	v11 =	vmul.f32 v11, v22;
	v22 =	vunpack.i.u.bf16.f32 v29;
	v29 =	vunpack.i.l.bf16.f32 v29;
	v35 =	vld [tilespmem:s18+$0xFFFFFFB0];
	[tilespmem:s13+$0xFFFFFFA0] =	vst v13;
	s13 =	smov.u32 s6  }
0x171: {  	v13 =	vmul.f32 v14, v39;
	v14 =	vunpack.i.u.bf16.f32 v30;
	v30 =	vunpack.i.l.bf16.f32 v30;
	[tilespmem:s6+$0xFFFFFFF0] =	vst v17  }
0x172: {  	v17 =	vunpack.i.u.bf16.f32 v34;
	v34 =	vunpack.i.l.bf16.f32 v34;
	[tilespmem:s6+$0xFFFFFDE0] =	vst v11;
	v11 =	vmul.f32 v16, v29  }
0x173: {  	v16 =	vmul.f32 v26, v34;
	[tilespmem:s6+$0xFFFFFDF0] =	vst v13;
	v26 =	vunpack.i.u.bf16.f32 v37;
	v29 =	vunpack.i.l.bf16.f32 v37  }
0x174: {  	v13 =	vmul.f32 v27, v17;
	v17 =	vld [tilespmem:s18+$0xFFFFFED0];
	[tilespmem:s6+$0xFFFFFE30] =	vst v11;
	v27 =	vunpack.i.u.bf16.f32 v40;
	v34 =	vunpack.i.l.bf16.f32 v40  }
0x175: {  	[tilespmem:s6+$0xFFFFFD90] =	vst v16;
	v16 =	vmul.f32 v18, v22;
	v18 =	vunpack.i.u.bf16.f32 v35;
	v22 =	vunpack.i.l.bf16.f32 v35  }
0x176: {  	v19 =	vmul.f32 v19, v30;
	v20 =	vmul.f32 v20, v14;
	v11 =	vunpack.i.l.bf16.f32 v21;
	[tilespmem:s6+$0xFFFFFDA0] =	vst v13  }
0x177: {  	v29 =	vmul.f32 v23, v29;
	v30 =	vmul.f32 v25, v26;
	v13 =	vld [tilespmem:s18+$0xFFFFFEA0];
	[tilespmem:s6+$0xFFFFFE40] =	vst v16  }
.Ltmp4:
0x178: {  	v32 =	vmul.f32 v32, v34;
	v27 =	vmul.f32 v33, v27;
	v16 =	vld [tilespmem:s18+$0xFFFFFF00];
	[tilespmem:s6+$0xFFFFFE80] =	vst v19;
	(pc) =	sbr.rel @p0 .LBB2_7-.Ltmp4, $4  }
0x179: {  	v26 =	vmul.f32 v36, v22;
	v25 =	vmul.f32 v31, v18;
	v14 =	vunpack.i.u.bf16.f32 v17;
	[tilespmem:s6+$0xFFFFFE90] =	vst v20  }
0x17a: {  	v18 =	vperm.xlane v28, v5;
	v23 =	vunpack.i.l.bf16.f32 v17;
	v20 =	vperm.xlane v15, v4;
	v21 =	vld [tilespmem:s18+$0xFFFFFF30];
	[tilespmem:s6+$0xFFFFFED0] =	vst v29  }
0x17b: {  	v22 =	vperm.xlane v15, v5;
	v19 =	vperm.xlane v24, v4;
	[tilespmem:s6+$0xFFFFFEE0] =	vst v30  }
0x17c: {  	s10 =	sadd.s32 $0x80, s10;
	v17 =	vperm.xlane v24, v5;
	v15 =	vperm.xlane v8, v4;
	v28 =	vunpack.i.u.bf16.f32 v13;
	v24 =	vld [tilespmem:s18+$0xFFFFFF60];
	[tilespmem:s6+$0xFFFFFF20] =	vst v32  }
0x17d: {  	[tilespmem:s6+$0xFFFFFF30] =	vst v27  }
0x17e: {  	[tilespmem:s6+$0xFFFFFF70] =	vst v26;
	v14 =	vmul.f32 v22, v14  }
0x17f: {  	v13 =	vunpack.i.l.bf16.f32 v13;
	[tilespmem:s6+$0xFFFFFF80] =	vst v25;
	v6 =	vmul.f32 v6, v11  }
0x180: {  	v12 =	vmul.f32 v12, v13;
	v13 =	vmul.f32 v18, v28;
	[tilespmem:s6+$0xFFFFFE10] =	vst v14  }
0x181: {  	[tilespmem:s6+$0xFFFFFFE0] =	vst v6  }
0x182: {  	v18 =	vmul.f32 v20, v23;
	[tilespmem:s6+$0xFFFFFDC0] =	vst v13;
	v13 =	vunpack.i.u.bf16.f32 v16  }
0x183: {  	v8 =	vperm.xlane v8, v5;
	v14 =	vld [tilespmem:s8+$0xFFFFFF90];
	[tilespmem:s6+$0xFFFFFDB0] =	vst v12;
	v12 =	vunpack.i.l.bf16.f32 v16;
	v13 =	vmul.f32 v17, v13  }
0x184: {  	[tilespmem:s6+$0xFFFFFE00] =	vst v18;
	v16 =	vunpack.i.l.bf16.f32 v21;
	v12 =	vmul.f32 v19, v12;
	v17 =	vperm.xlane v7, v4  }
0x185: {  	v18 =	vunpack.i.u.bf16.f32 v21;
	v15 =	vmul.f32 v15, v16;
	v7 =	vperm.xlane v7, v5;
	[tilespmem:s6+$0xFFFFFE60] =	vst v13;
	v13 =	vld [tilespmem:s8+$0xFFFFFFC0]  }
0x186: {  	v8 =	vmul.f32 v8, v18;
	v16 =	vunpack.i.u.bf16.f32 v24;
	[tilespmem:s6+$0xFFFFFE50] =	vst v12  }
0x187: {  	v12 =	vunpack.i.l.bf16.f32 v24;
	[tilespmem:s6+$0xFFFFFEA0] =	vst v15;
	v15 =	vperm.xlane v10, v4;
	v7 =	vmul.f32 v7, v16  }
0x188: {  	[tilespmem:s6+$0xFFFFFEB0] =	vst v8;
	v8 =	vperm.xlane v10, v5;
	v12 =	vmul.f32 v17, v12;
	v10 =	vunpack.i.l.bf16.f32 v14  }
0x189: {  	v11 =	vperm.xlane v9, v4;
	[tilespmem:s6+$0xFFFFFF00] =	vst v7;
	v7 =	vunpack.i.u.bf16.f32 v14;
	v10 =	vmul.f32 v15, v10  }
0x18a: {  	v9 =	vperm.xlane v9, v5;
	[tilespmem:s6+$0xFFFFFEF0] =	vst v12;
	v7 =	vmul.f32 v8, v7;
	v6 =	vunpack.i.l.bf16.f32 v13  }
0x18b: {  	[tilespmem:s13+$0xFFFFFF40] =	vst v10;
	v8 =	vunpack.i.u.bf16.f32 v13;
	v6 =	vmul.f32 v11, v6  }
0x18c: {  	[tilespmem:s13+$0xFFFFFF50] =	vst v7;
	v7 =	vmul.f32 v9, v8  }
0x18d: {  	p0 =	seq.s32 s15, $0x1A;
	[tilespmem:s13+$0xFFFFFF90] =	vst v6  }
0x18e: {  	s17 =	sadd.s32 $0x2900, s17;
	s6 =	simm.s32 @!p0 $0x7;
	[tilespmem:s13+$0xFFFFFFA0] =	vst v7  }
0x18f: {  	[spmem:s2] =	stream.indirect.scatter.add.f32 [tilespmem:s26], [sflag:$0x8], $0x50, s17, s22, $0xb8;
	[tilespmem:$0x1EE80] =	vst v63  }
0x190: {  	s8 =	smul.u32 @!p0 $0x180, s15;
	_ =	swait.ge @!p0 [sflag:s6], $0x2800  }
0x191: {  	s9 =	simm.s32 @!p0 $0x80;
	[sflag:s6] =	ssyncset.done @!p0 $0x0  }
0x192: {  	s10 =	simm.s32 @!p0 $0x5100;
	[sflag:s6] =	ssyncadd.s32 @!p0 $0xFFFFD800;
	s6 =	sadd.s32 @!p0 $0x180, s8  }
0x193: {  	[tilespmem:s10], [sflag:$0x1] =	stream.indirect.gather @!p0 [hbm4b:s4+s9], $0x30, s6, s9, $0xb8;
	[tilespmem:$0x1EE80] =	vst v63  }
0x194: {  	s6 =	sadd.s32 @!p0 $0x2A00, s8;
	s8 =	simm.s32 @!p0 $0x9900  }
0x195: {  	[tilespmem:s8], [sflag:$0x4] =	stream.indirect.gather @!p0 [hbm4b:s5+s9], $0x10, s6, s9, $0xb8;
	[tilespmem:$0x1EE80] =	vst v63  }
0x196: {  	_ =	swait.ge [sflag:s1], $0x1800  }
0x197: {  	[sflag:s1] =	ssyncset.done $0x0  }
0x198: {  	[sflag:s1] =	ssyncadd.s32 $0xFFFFE800  }
0x199: {  	_ =	swait.ge [sflag:s3], $0x800  }
0x19a: {  	[sflag:s3] =	ssyncset.done $0x0  }
0x19b: {  	s18 =	simm.s32 $0xA970;
	[sflag:s3] =	ssyncadd.s32 $0xFFFFF800  }
0x19c: {  	s17 =	simm.s32 $0x8270;
	v6 =	vld [tilespmem:s18+$0x0]  }
0x19d: {  	v7 =	vld [tilespmem:s17+$0x0];
	_ =	sdelay $0x1  }
0x19e: {  	v8 =	vld [tilespmem:s17+$0xFFFFFEB0]  }
0x19f: {  	v9 =	vld [tilespmem:s18+$0xFFFFFFA0]  }
0x1a0: {  	v10 =	vld [tilespmem:s17+$0xFFFFFEE0]  }
0x1a1: {  	v11 =	vld [tilespmem:s18+$0xFFFFFFB0];
	v7 =	vadd.f32 v7, v6  }
0x1a2: {  	v12 =	vld [tilespmem:s17+$0xFFFFFF10]  }
0x1a3: {  	v13 =	vld [tilespmem:s18+$0xFFFFFFC0];
	v14 =	vmul.f32 $2.000000030e-01, v7  }
0x1a4: {  	v15 =	vld [tilespmem:s17+$0xFFFFFF40];
	v6 =	vperm.xlane v6, v1  }
0x1a5: {  	v16 =	vld [tilespmem:s18+$0xFFFFFFD0];
	v7 =	vmax.f32 v7, v14  }
0x1a6: {  	v20 =	vld [tilespmem:s18+$0xFFFFFF90];
	v6 =	vsub.f32 v7, v6  }
0x1a7: {  	v14 =	vld [tilespmem:s17+$0xFFFFFF70]  }
0x1a8: {  	v7 =	vperm.xlane v9, v1;
	v9 =	vadd.f32 v10, v9;
	v10 =	vld [tilespmem:s18+$0xFFFFFFE0];
	v6 =	vmul.f32 $1.442695020e+00, v6  }
0x1a9: {  	v18 =	vld [tilespmem:s17+$0xFFFFFFA0];
	v17 =	vperm.xlane v11, v1;
	v11 =	vadd.f32 v12, v11  }
0x1aa: {  	v12 =	vadd.f32 v15, v13;
	v19 =	vmul.f32 $2.000000030e-01, v9;
	(erf) = vpow2.f32 v6  }
0x1ab: {  	v13 =	vperm.xlane v13, v1;
	v8 =	vadd.f32 v8, v20  }
0x1ac: {  	v15 =	vld [tilespmem:s18+$0xFFFFFFF0];
	v21 =	vmul.f32 $2.000000030e-01, v12;
	v6 =	vmul.f32 $2.000000030e-01, v11;
	v9 =	vmax.f32 v9, v19  }
0x1ad: {  	v19 =	vld [tilespmem:s17+$0xFFFFFFD0];
	v14 =	vadd.f32 v14, v16;
	v7 =	vsub.f32 v9, v7;
	v9 =	vperm.xlane v10, v1  }
0x1ae: {  	v10 =	vadd.f32 v18, v10;
	v6 =	vmax.f32 v11, v6;
	v11 =	vmax.f32 v12, v21  }
0x1af: {  	v12 =	vmul.f32 $2.000000030e-01, v14;
	v6 =	vsub.f32 v6, v17;
	v17 =	vmul.f32 $2.000000030e-01, v8  }
0x1b0: {  	v22 =	vperm.xlane v16, v1;
	v16 =	vperm.xlane v20, v1;
	v11 =	vsub.f32 v11, v13  }
0x1b1: {  	v13 =	vperm.xlane v15, v1;
	v12 =	vmax.f32 v14, v12;
	v14 =	vmul.f32 $2.000000030e-01, v10  }
0x1b2: {  	v7 =	vmul.f32 $1.442695020e+00, v7;
	v15 =	vadd.f32 v19, v15;
	v12 =	vsub.f32 v12, v22  }
0x1b3: {  	v6 =	vmul.f32 $1.442695020e+00, v6;
	v8 =	vmax.f32 v8, v17;
	v10 =	vmax.f32 v10, v14;
	v17 =	vpop (erf)  }
0x1b4: {  	s6 =	simm.s32 $0x10370;
	v8 =	vsub.f32 v8, v16;
	v14 =	vmul.f32 $2.000000030e-01, v15;
	v16 =	vnsel vm0, $0x0, v17  }
0x1b5: {  	v11 =	vmul.f32 $1.442695020e+00, v11;
	(erf) = vpow2.f32 v7;
	v7 =	vsub.f32 v10, v9;
	[tilespmem:s6+$0x0] =	vst v16  }
0x1b6: {  	v9 =	vmul.f32 $1.442695020e+00, v12;
	(erf) = vpow2.f32 v6;
	v6 =	vmax.f32 v15, v14;
	v10 =	vld [tilespmem:s17+$0xFFFFFFE0]  }
0x1b7: {  	v8 =	vmul.f32 $1.442695020e+00, v8;
	(erf) = vpow2.f32 v11;
	v6 =	vsub.f32 v6, v13  }
0x1b8: {  	v7 =	vmul.f32 $1.442695020e+00, v7;
	(erf) = vpow2.f32 v9  }
0x1b9: {  	(erf) = vpow2.f32 v8;
	v6 =	vmul.f32 $1.442695020e+00, v6  }
0x1ba: {  	(erf) = vpow2.f32 v7;
	v7 =	vperm.xlane v17, v2  }
0x1bb: {  	v8 =	vperm.xlane v17, v3;
	(erf) = vpow2.f32 v6;
	v6 =	vunpack.i.l.bf16.f32 v10  }
0x1bc: {  	v9 =	vunpack.i.u.bf16.f32 v10;
	v7 =	vmul.f32 v7, v6  }
0x1bd: {  	v8 =	vmul.f32 v8, v9  }
0x1be: {  	v15 =	vpop (erf);
	[tilespmem:s6+$0xFFFFFFC0] =	vst v7  }
0x1bf: {  	v7 =	vnsel vm0, $0x0, v15;
	[tilespmem:s6+$0xFFFFFFD0] =	vst v8  }
0x1c0: {  	v6 =	vperm.xlane v17, v4;
	v17 =	vperm.xlane v17, v5;
	v24 =	vpop (erf);
	v18 =	vld [tilespmem:s17+$0xFFFFFFF0]  }
0x1c1: {  	v11 =	vperm.xlane v15, v2;
	v13 =	vperm.xlane v15, v3;
	[tilespmem:s6+$0xFFFFFE20] =	vst v7;
	v8 =	vpop (erf)  }
0x1c2: {  	v9 =	vnsel vm0, $0x0, v24;
	v14 =	vperm.xlane v24, v2;
	v16 =	vperm.xlane v24, v3;
	v21 =	vld [tilespmem:s17+$0xFFFFFEC0];
	v7 =	vpop (erf)  }
0x1c3: {  	[tilespmem:s6+$0xFFFFFE70] =	vst v9;
	v12 =	vnsel vm0, $0x0, v8;
	v19 =	vperm.xlane v8, v2;
	v20 =	vperm.xlane v8, v3;
	v22 =	vpop (erf)  }
0x1c4: {  	v23 =	vperm.xlane v7, v2;
	v26 =	vnsel vm0, $0x0, v7;
	[tilespmem:s6+$0xFFFFFEC0] =	vst v12;
	v9 =	vnsel vm0, $0x0, v22  }
0x1c5: {  	v29 =	vld [tilespmem:s17+$0xFFFFFEF0];
	v25 =	vperm.xlane v7, v3;
	v27 =	vperm.xlane v22, v2;
	v10 =	vpop (erf);
	[tilespmem:s6+$0xFFFFFF10] =	vst v26;
	v34 =	vunpack.i.u.bf16.f32 v18  }
0x1c6: {  	v28 =	vperm.xlane v22, v3;
	v32 =	vld [tilespmem:s17+$0xFFFFFF20];
	[tilespmem:s6+$0xFFFFFDD0] =	vst v9;
	v12 =	vnsel vm0, $0x0, v10;
	v17 =	vmul.f32 v17, v34  }
0x1c7: {  	v30 =	vperm.xlane v10, v2;
	v33 =	vperm.xlane v10, v3;
	v31 =	vld [tilespmem:s17+$0xFFFFFE90];
	[tilespmem:s6+$0xFFFFFF60] =	vst v12;
	v37 =	vunpack.i.l.bf16.f32 v21;
	v9 =	vpop (erf)  }
0x1c8: {  	v21 =	vunpack.i.u.bf16.f32 v21;
	v11 =	vmul.f32 v11, v37;
	v26 =	vnsel vm0, $0x0, v9;
	[tilespmem:s6+$0xFFFFFFF0] =	vst v17  }
0x1c9: {  	v36 =	vld [tilespmem:s17+$0xFFFFFF50];
	v12 =	vperm.xlane v22, v4;
	v13 =	vmul.f32 v13, v21;
	[tilespmem:s6+$0xFFFFFFB0] =	vst v26  }
0x1ca: {  	v62 =	vld [tilespmem:s17+$0xFFFFFF80];
	v35 =	vperm.xlane v9, v2;
	v63 =	vperm.xlane v9, v3;
	v26 =	vunpack.i.l.bf16.f32 v29;
	[tilespmem:s6+$0xFFFFFDE0] =	vst v11  }
0x1cb: {  	v17 =	vunpack.i.u.bf16.f32 v29;
	[tilespmem:s6+$0xFFFFFDF0] =	vst v13;
	v13 =	vunpack.i.l.bf16.f32 v32;
	v11 =	vmul.f32 v14, v26  }
0x1cc: {  	v16 =	vmul.f32 v16, v17;
	v19 =	vmul.f32 v19, v13;
	v29 =	vunpack.i.l.bf16.f32 v31  }
0x1cd: {  	v21 =	vld [tilespmem:s17+$0xFFFFFFB0];
	v14 =	vunpack.i.u.bf16.f32 v32;
	v26 =	vunpack.i.u.bf16.f32 v31;
	v27 =	vmul.f32 v27, v29;
	[tilespmem:s6+$0xFFFFFE30] =	vst v11  }
0x1ce: {  	v14 =	vmul.f32 v20, v14;
	v26 =	vmul.f32 v28, v26;
	[tilespmem:s6+$0xFFFFFE80] =	vst v19  }
0x1cf: {  	v29 =	vunpack.i.u.bf16.f32 v36;
	v11 =	vunpack.i.l.bf16.f32 v36;
	v31 =	vunpack.i.u.bf16.f32 v62;
	[tilespmem:s6+$0xFFFFFD90] =	vst v27  }
0x1d0: {  	v28 =	vld [tilespmem:s17+$0xFFFFFED0];
	v17 =	vunpack.i.l.bf16.f32 v62;
	v19 =	vperm.xlane v24, v4;
	v23 =	vmul.f32 v23, v11;
	[tilespmem:s6+$0xFFFFFDA0] =	vst v26  }
0x1d1: {  	v29 =	vmul.f32 v25, v29;
	v30 =	vmul.f32 v30, v17;
	v11 =	vunpack.i.l.bf16.f32 v18;
	v13 =	vld [tilespmem:s17+$0xFFFFFEA0]  }
0x1d2: {  	[tilespmem:s6+$0xFFFFFE40] =	vst v16;
	v18 =	vperm.xlane v22, v5;
	v22 =	vperm.xlane v15, v5;
	v16 =	vunpack.i.l.bf16.f32 v21  }
0x1d3: {  	[tilespmem:s6+$0xFFFFFE90] =	vst v14;
	v17 =	vperm.xlane v24, v5;
	v20 =	vunpack.i.u.bf16.f32 v21;
	v26 =	vmul.f32 v35, v16;
	v16 =	vld [tilespmem:s17+$0xFFFFFF00]  }
0x1d4: {  	v27 =	vmul.f32 v33, v31;
	[tilespmem:s6+$0xFFFFFED0] =	vst v23;
	v25 =	vmul.f32 v63, v20  }
0x1d5: {  	s10 =	simm.s32 $0xA9F0;
	v21 =	vld [tilespmem:s17+$0xFFFFFF30];
	[tilespmem:s6+$0xFFFFFEE0] =	vst v29;
	v20 =	vperm.xlane v15, v4;
	v15 =	vperm.xlane v8, v4  }
0x1d6: {  	s9 =	simm.s32 $0x0;
	s8 =	simm.s32 $0x8270;
	s18 =	simm.s32 $0x10370;
	[tilespmem:s6+$0xFFFFFF20] =	vst v30;
	v24 =	vld [tilespmem:s17+$0xFFFFFF60];
	v14 =	vunpack.i.u.bf16.f32 v28;
	v23 =	vunpack.i.l.bf16.f32 v28;
	v28 =	vunpack.i.u.bf16.f32 v13  }
.LBB2_9:
0x1d7: {  	v29 =	vld [tilespmem:s10+$0x0];
	v30 =	vunpack.i.l.bf16.f32 v13;
	v31 =	vperm.xlane v8, v5;
	v32 =	vperm.xlane v7, v4;
	[tilespmem:s6+$0xFFFFFF30] =	vst v27;
	s17 =	sadd.s32 $0x180, s17  }
0x1d8: {  	v33 =	vunpack.i.u.bf16.f32 v16;
	v34 =	vperm.xlane v7, v5;
	v13 =	vperm.xlane v10, v4;
	v27 =	vld [tilespmem:s17+$0x0];
	[tilespmem:s6+$0xFFFFFF70] =	vst v26  }
0x1d9: {  	s9 =	sadd.s32 $0x8, s9;
	v16 =	vunpack.i.l.bf16.f32 v16;
	v10 =	vperm.xlane v10, v5;
	v7 =	vperm.xlane v9, v4;
	v26 =	vld [tilespmem:s17+$0xFFFFFEB0];
	[tilespmem:s6+$0xFFFFFF80] =	vst v25  }
0x1da: {  	v8 =	vperm.xlane v9, v5;
	p1 =	slt.u32 s9, $0x78;
	v35 =	vunpack.i.u.bf16.f32 v21;
	v21 =	vunpack.i.l.bf16.f32 v21;
	v25 =	vld [tilespmem:s10+$0xFFFFFFA0]  }
0x1db: {  	v12 =	vmul.f32 v12, v30;
	v9 =	vld [tilespmem:s17+$0xFFFFFEE0];
	v30 =	vunpack.i.u.bf16.f32 v24;
	v24 =	vunpack.i.l.bf16.f32 v24  }
0x1dc: {  	v18 =	vmul.f32 v18, v28;
	v20 =	vmul.f32 v20, v23;
	v36 =	vld [tilespmem:s10+$0xFFFFFFB0]  }
0x1dd: {  	v23 =	vld [tilespmem:s17+$0xFFFFFF10];
	v27 =	vadd.f32 v27, v29;
	[tilespmem:s6+$0xFFFFFDB0] =	vst v12;
	v12 =	vmul.f32 v22, v14;
	v14 =	vmul.f32 v19, v16  }
0x1de: {  	v17 =	vmul.f32 v17, v33;
	v15 =	vmul.f32 v15, v21;
	v16 =	vld [tilespmem:s10+$0xFFFFFFC0];
	[tilespmem:s6+$0xFFFFFDC0] =	vst v18  }
0x1df: {  	v18 =	vperm.xlane v25, v1;
	v19 =	vld [tilespmem:s17+$0xFFFFFF40];
	v21 =	vmul.f32 $2.000000030e-01, v27;
	[tilespmem:s6+$0xFFFFFE00] =	vst v20  }
0x1e0: {  	v22 =	vperm.xlane v29, v1;
	v9 =	vadd.f32 v9, v25;
	v20 =	vld [tilespmem:s10+$0xFFFFFFD0];
	[tilespmem:s6+$0xFFFFFE10] =	vst v12;
	v12 =	vmul.f32 v31, v35  }
0x1e1: {  	v25 =	vperm.xlane v36, v1;
	v28 =	vld [tilespmem:s17+$0xFFFFFF70];
	v21 =	vmax.f32 v27, v21;
	[tilespmem:s6+$0xFFFFFE50] =	vst v14;
	v14 =	vmul.f32 v32, v24  }
0x1e2: {  	v24 =	vmul.f32 $2.000000030e-01, v9;
	v23 =	vadd.f32 v23, v36;
	v27 =	vld [tilespmem:s10+$0xFFFFFFE0];
	v21 =	vsub.f32 v21, v22;
	[tilespmem:s6+$0xFFFFFE60] =	vst v17  }
0x1e3: {  	v17 =	vperm.xlane v16, v1;
	v22 =	vld [tilespmem:s17+$0xFFFFFFA0];
	[tilespmem:s6+$0xFFFFFEA0] =	vst v15;
	v15 =	vmul.f32 v34, v30  }
0x1e4: {  	v29 =	vmul.f32 $2.000000030e-01, v23;
	v16 =	vadd.f32 v19, v16;
	v19 =	vld [tilespmem:s10+$0xFFFFFFF0];
	v21 =	vmul.f32 $1.442695020e+00, v21;
	[tilespmem:s6+$0xFFFFFEB0] =	vst v12  }
0x1e5: {  	v6 =	vmul.f32 v6, v11;
	v9 =	vmax.f32 v9, v24;
	v12 =	vperm.xlane v20, v1;
	v24 =	vld [tilespmem:s17+$0xFFFFFFD0];
	[tilespmem:s6+$0xFFFFFEF0] =	vst v14  }
0x1e6: {  	v11 =	vld [tilespmem:s10+$0xFFFFFF90];
	v14 =	vmul.f32 $2.000000030e-01, v16;
	v20 =	vadd.f32 v28, v20;
	(erf) = vpow2.f32 v21;
	[tilespmem:s6+$0xFFFFFF00] =	vst v15  }
0x1e7: {  	v9 =	vsub.f32 v9, v18;
	v15 =	vmax.f32 v23, v29;
	v18 =	vperm.xlane v27, v1;
	v21 =	vld [tilespmem:s8+$0xFFFFFF90];
	[tilespmem:s6+$0xFFFFFFE0] =	vst v6  }
0x1e8: {  	v6 =	vmax.f32 v16, v14;
	v14 =	vmul.f32 $2.000000030e-01, v20;
	v16 =	vadd.f32 v22, v27;
	v22 =	vld [tilespmem:s8+$0xFFFFFFC0];
	s8 =	smov.u32 s17  }
0x1e9: {  	v15 =	vsub.f32 v15, v25;
	v6 =	vsub.f32 v6, v17;
	v17 =	vperm.xlane v19, v1  }
0x1ea: {  	v14 =	vmax.f32 v20, v14;
	v20 =	vmul.f32 $2.000000030e-01, v16;
	v19 =	vadd.f32 v24, v19  }
0x1eb: {  	v23 =	vadd.f32 v26, v11;
	v11 =	vperm.xlane v11, v1;
	v12 =	vsub.f32 v14, v12  }
0x1ec: {  	v9 =	vmul.f32 $1.442695020e+00, v9;
	v14 =	vmax.f32 v16, v20;
	v16 =	vmul.f32 $2.000000030e-01, v19  }
0x1ed: {  	v15 =	vmul.f32 $1.442695020e+00, v15;
	v20 =	vmul.f32 $2.000000030e-01, v23;
	v14 =	vsub.f32 v14, v18  }
0x1ee: {  	v6 =	vmul.f32 $1.442695020e+00, v6;
	v12 =	vmul.f32 $1.442695020e+00, v12;
	v16 =	vmax.f32 v19, v16  }
0x1ef: {  	v18 =	vmax.f32 v23, v20;
	v14 =	vmul.f32 $1.442695020e+00, v14;
	v16 =	vsub.f32 v16, v17;
	v17 =	vpop (erf)  }
0x1f0: {  	s6 =	sadd.s32 $0x280, s6;
	v11 =	vsub.f32 v18, v11;
	v18 =	vnsel vm0, $0x0, v17;
	(erf) = vpow2.f32 v9  }
0x1f1: {  	v9 =	vmul.f32 $1.442695020e+00, v16;
	[tilespmem:s6+$0x0] =	vst v18;
	(erf) = vpow2.f32 v15;
	v15 =	vunpack.i.u.bf16.f32 v21  }
0x1f2: {  	v18 =	vunpack.i.l.bf16.f32 v21;
	v11 =	vmul.f32 $1.442695020e+00, v11;
	v16 =	vld [tilespmem:s17+$0xFFFFFFE0];
	(erf) = vpow2.f32 v6  }
0x1f3: {  	v6 =	vperm.xlane v17, v4;
	(erf) = vpow2.f32 v12;
	v12 =	vunpack.i.u.bf16.f32 v22  }
0x1f4: {  	(erf) = vpow2.f32 v11;
	v11 =	vmul.f32 v13, v18;
	v13 =	vunpack.i.l.bf16.f32 v22  }
0x1f5: {  	v10 =	vmul.f32 v10, v15;
	(erf) = vpow2.f32 v14  }
0x1f6: {  	v14 =	vperm.xlane v17, v2;
	(erf) = vpow2.f32 v9;
	[tilespmem:s18+$0xFFFFFF40] =	vst v11  }
0x1f7: {  	v7 =	vmul.f32 v7, v13;
	v11 =	vperm.xlane v17, v3;
	v9 =	vunpack.i.l.bf16.f32 v16;
	[tilespmem:s18+$0xFFFFFF50] =	vst v10  }
0x1f8: {  	v13 =	vmul.f32 v8, v12;
	v10 =	vunpack.i.u.bf16.f32 v16;
	v9 =	vmul.f32 v14, v9  }
0x1f9: {  	v10 =	vmul.f32 v11, v10;
	v15 =	vpop (erf);
	[tilespmem:s18+$0xFFFFFF90] =	vst v7  }
0x1fa: {  	v12 =	vnsel vm0, $0x0, v15;
	v11 =	vperm.xlane v15, v2;
	v14 =	vperm.xlane v15, v3;
	[tilespmem:s6+$0xFFFFFFC0] =	vst v9;
	v24 =	vpop (erf)  }
0x1fb: {  	v9 =	vnsel vm0, $0x0, v24;
	v16 =	vperm.xlane v24, v2;
	v18 =	vperm.xlane v24, v3;
	[tilespmem:s6+$0xFFFFFFD0] =	vst v10;
	v8 =	vpop (erf)  }
0x1fc: {  	[tilespmem:s6+$0xFFFFFE20] =	vst v12;
	v30 =	vnsel vm0, $0x0, v8;
	v19 =	vperm.xlane v8, v2;
	v20 =	vperm.xlane v8, v3;
	v21 =	vld [tilespmem:s17+$0xFFFFFFF0];
	v7 =	vpop (erf)  }
0x1fd: {  	v22 =	vld [tilespmem:s17+$0xFFFFFEC0];
	[tilespmem:s6+$0xFFFFFE70] =	vst v9;
	v12 =	vnsel vm0, $0x0, v7;
	v23 =	vperm.xlane v7, v2;
	v25 =	vperm.xlane v7, v3;
	v28 =	vpop (erf)  }
0x1fe: {  	v34 =	vnsel vm0, $0x0, v28;
	v26 =	vperm.xlane v28, v2;
	v27 =	vperm.xlane v28, v3;
	v29 =	vld [tilespmem:s17+$0xFFFFFEF0];
	[tilespmem:s6+$0xFFFFFEC0] =	vst v30;
	v10 =	vpop (erf)  }
0x1ff: {  	[tilespmem:s6+$0xFFFFFDD0] =	vst v34;
	v30 =	vld [tilespmem:s17+$0xFFFFFF20];
	v31 =	vnsel vm0, $0x0, v10;
	v32 =	vperm.xlane v10, v2;
	v33 =	vperm.xlane v10, v3;
	v9 =	vpop (erf)  }
0x200: {  	v17 =	vperm.xlane v17, v5;
	v34 =	vld [tilespmem:s17+$0xFFFFFE90];
	[tilespmem:s6+$0xFFFFFF10] =	vst v12;
	v35 =	vnsel vm0, $0x0, v9;
	v36 =	vperm.xlane v9, v2  }
0x201: {  	v12 =	vperm.xlane v28, v4;
	v37 =	vld [tilespmem:s17+$0xFFFFFF50];
	[tilespmem:s6+$0xFFFFFF60] =	vst v31;
	v31 =	vperm.xlane v9, v3;
	v38 =	vunpack.i.u.bf16.f32 v21  }
0x202: {  	v39 =	vunpack.i.u.bf16.f32 v22;
	v22 =	vunpack.i.l.bf16.f32 v22;
	v40 =	vld [tilespmem:s17+$0xFFFFFF80];
	[tilespmem:s6+$0xFFFFFFB0] =	vst v35;
	v17 =	vmul.f32 v17, v38  }
0x203: {  	v11 =	vmul.f32 v11, v22;
	v22 =	vunpack.i.u.bf16.f32 v29;
	v29 =	vunpack.i.l.bf16.f32 v29;
	v35 =	vld [tilespmem:s17+$0xFFFFFFB0];
	[tilespmem:s18+$0xFFFFFFA0] =	vst v13;
	s18 =	smov.u32 s6  }
0x204: {  	v13 =	vmul.f32 v14, v39;
	v14 =	vunpack.i.u.bf16.f32 v30;
	v30 =	vunpack.i.l.bf16.f32 v30;
	[tilespmem:s6+$0xFFFFFFF0] =	vst v17  }
0x205: {  	v17 =	vunpack.i.u.bf16.f32 v34;
	v34 =	vunpack.i.l.bf16.f32 v34;
	[tilespmem:s6+$0xFFFFFDE0] =	vst v11;
	v11 =	vmul.f32 v16, v29  }
0x206: {  	v16 =	vmul.f32 v26, v34;
	[tilespmem:s6+$0xFFFFFDF0] =	vst v13;
	v26 =	vunpack.i.u.bf16.f32 v37;
	v29 =	vunpack.i.l.bf16.f32 v37  }
0x207: {  	v13 =	vmul.f32 v27, v17;
	v17 =	vld [tilespmem:s17+$0xFFFFFED0];
	[tilespmem:s6+$0xFFFFFE30] =	vst v11;
	v27 =	vunpack.i.u.bf16.f32 v40;
	v34 =	vunpack.i.l.bf16.f32 v40  }
0x208: {  	[tilespmem:s6+$0xFFFFFD90] =	vst v16;
	v16 =	vmul.f32 v18, v22;
	v18 =	vunpack.i.u.bf16.f32 v35;
	v22 =	vunpack.i.l.bf16.f32 v35  }
0x209: {  	v19 =	vmul.f32 v19, v30;
	v20 =	vmul.f32 v20, v14;
	v11 =	vunpack.i.l.bf16.f32 v21;
	[tilespmem:s6+$0xFFFFFDA0] =	vst v13  }
0x20a: {  	v29 =	vmul.f32 v23, v29;
	v30 =	vmul.f32 v25, v26;
	v13 =	vld [tilespmem:s17+$0xFFFFFEA0];
	[tilespmem:s6+$0xFFFFFE40] =	vst v16  }
.Ltmp5:
0x20b: {  	v32 =	vmul.f32 v32, v34;
	v27 =	vmul.f32 v33, v27;
	v16 =	vld [tilespmem:s17+$0xFFFFFF00];
	[tilespmem:s6+$0xFFFFFE80] =	vst v19;
	(pc) =	sbr.rel @p1 .LBB2_9-.Ltmp5, $4  }
0x20c: {  	v26 =	vmul.f32 v36, v22;
	v25 =	vmul.f32 v31, v18;
	v14 =	vunpack.i.u.bf16.f32 v17;
	[tilespmem:s6+$0xFFFFFE90] =	vst v20  }
0x20d: {  	v18 =	vperm.xlane v28, v5;
	v23 =	vunpack.i.l.bf16.f32 v17;
	v20 =	vperm.xlane v15, v4;
	v21 =	vld [tilespmem:s17+$0xFFFFFF30];
	[tilespmem:s6+$0xFFFFFED0] =	vst v29  }
0x20e: {  	v22 =	vperm.xlane v15, v5;
	v19 =	vperm.xlane v24, v4;
	[tilespmem:s6+$0xFFFFFEE0] =	vst v30  }
0x20f: {  	s10 =	sadd.s32 $0x80, s10;
	v17 =	vperm.xlane v24, v5;
	v15 =	vperm.xlane v8, v4;
	v28 =	vunpack.i.u.bf16.f32 v13;
	v24 =	vld [tilespmem:s17+$0xFFFFFF60];
	[tilespmem:s6+$0xFFFFFF20] =	vst v32  }
0x210: {  	[tilespmem:s6+$0xFFFFFF30] =	vst v27  }
0x211: {  	[tilespmem:s6+$0xFFFFFF70] =	vst v26;
	v47 =	vmul.f32 v18, v28  }
0x212: {  	[tilespmem:s6+$0xFFFFFF80] =	vst v25;
	v48 =	vmul.f32 v20, v23  }
0x213: {  	v14 =	vmul.f32 v22, v14;
	[tilespmem:s6+$0xFFFFFDC0] =	vst v47  }
0x214: {  	v13 =	vunpack.i.l.bf16.f32 v13;
	v6 =	vmul.f32 v6, v11;
	[tilespmem:s6+$0xFFFFFE00] =	vst v48  }
0x215: {  	v50 =	vunpack.i.u.bf16.f32 v16;
	v12 =	vmul.f32 v12, v13;
	[tilespmem:s6+$0xFFFFFE10] =	vst v14  }
0x216: {  	v49 =	vunpack.i.l.bf16.f32 v16;
	v8 =	vperm.xlane v8, v5;
	v13 =	vmul.f32 v17, v50;
	v52 =	vld [tilespmem:s8+$0xFFFFFF90];
	[tilespmem:s6+$0xFFFFFFE0] =	vst v6  }
0x217: {  	v53 =	vperm.xlane v7, v4;
	v51 =	vunpack.i.l.bf16.f32 v21;
	[tilespmem:s6+$0xFFFFFDB0] =	vst v12;
	v12 =	vmul.f32 v19, v49  }
0x218: {  	v7 =	vperm.xlane v7, v5;
	v56 =	vld [tilespmem:s8+$0xFFFFFFC0];
	v54 =	vunpack.i.u.bf16.f32 v21;
	v15 =	vmul.f32 v15, v51;
	[tilespmem:s6+$0xFFFFFE60] =	vst v13  }
0x219: {  	v8 =	vmul.f32 v8, v54;
	v57 =	vunpack.i.u.bf16.f32 v24;
	[tilespmem:s6+$0xFFFFFE50] =	vst v12  }
0x21a: {  	v58 =	vperm.xlane v10, v4;
	v55 =	vunpack.i.l.bf16.f32 v24;
	[tilespmem:s6+$0xFFFFFEA0] =	vst v15;
	v7 =	vmul.f32 v7, v57  }
0x21b: {  	v59 =	vperm.xlane v10, v5;
	v12 =	vmul.f32 v53, v55;
	[tilespmem:s6+$0xFFFFFEB0] =	vst v8;
	v60 =	vunpack.i.l.bf16.f32 v52  }
0x21c: {  	v61 =	vperm.xlane v9, v4;
	[tilespmem:s6+$0xFFFFFF00] =	vst v7;
	v7 =	vunpack.i.u.bf16.f32 v52;
	v10 =	vmul.f32 v58, v60  }
0x21d: {  	v62 =	vperm.xlane v9, v5;
	v6 =	vunpack.i.l.bf16.f32 v56;
	[tilespmem:s6+$0xFFFFFEF0] =	vst v12;
	v7 =	vmul.f32 v59, v7  }
.Ltmp6:
0x21e: {  	v63 =	vunpack.i.u.bf16.f32 v56;
	v6 =	vmul.f32 v61, v6;
	[tilespmem:s18+$0xFFFFFF40] =	vst v10;
	(pc) =	sbr.rel @p0 .LBB2_12-.Ltmp6, $4  }
0x21f: {  	[tilespmem:s18+$0xFFFFFF50] =	vst v7;
	v7 =	vmul.f32 v62, v63  }
0x220: {  	s17 =	sand.u32 $0x3FFFFF80, s16;
	[tilespmem:s18+$0xFFFFFF90] =	vst v6  }
0x221: {  	s6 =	sadd.s32 $0x2880, s17;
	[tilespmem:s18+$0xFFFFFFA0] =	vst v7  }
0x222: {  	[spmem:s2] =	stream.indirect.scatter.add.f32 [tilespmem:s20], [sflag:$0x9], $0x50, s6, s22, $0xb8;
	[tilespmem:$0x1EE80] =	vst v63  }
0x223: {  	_ =	swait.ge [sflag:s7], $0x2800;
	s6 =	smul.u32 $0x180, s15  }
.Ltmp7:
0x224: {  	[sflag:s7] =	ssyncset.done $0x0;
	(pc) =	sbr.rel .LBB2_4-.Ltmp7, $4  }
0x225: {  	[sflag:s7] =	ssyncadd.s32 $0xFFFFD800;
	s8 =	sadd.s32 $0x200, s6  }
0x226: {  	[tilespmem:s25], [sflag:$0x2] =	stream.indirect.gather [hbm4b:s4+s22], $0x30, s8, s22, $0xb8;
	[tilespmem:$0x1EE80] =	vst v63  }
0x227: {  	s15 =	sadd.s32 $0x1, s15;
	s6 =	sadd.s32 $0x2A80, s6  }
0x228: {  	[tilespmem:s28], [sflag:$0x5] =	stream.indirect.gather [hbm4b:s5+s22], $0x10, s6, s22, $0xb8;
	[tilespmem:$0x1EE80] =	vst v63  }
.LBB2_13:
0x229: {  	_ =	sfence.sel $0x180000  }
0x22a: {  	[bflag:$0x0] =	sbarrier.arrive $0xFFFF  }
0x22b: {  	_ =	strace $0x90000047  }
0x22c: {  	s0 =	stileid.u32;
	[bflag:$0x2] =	sbarrier.arrive $0xFFFF  }
0x22d: {  	p0 =	sne.s32 s0, $0x0;
	s0 =	rddreg [dreg:$0x3]  }
0x22e: {  	s0 =	sadd.s32 @!p0 $0x100000, s0  }
0x22f: {  	[sflag:s0] =	ssyncadd.tile.s32 @!p0 $0x1;
	_ =	shalt  }
.Lfunc_end2:
_tile_overlayer_lowered:
.L_overlay_start_2:
0x230: {  	(tag) =	ssettag $0x2  }
0x231: {  	s0 =	rddreg [dreg:$0x0];
	s2 =	stileid.u32  }
0x232: {  	s1 =	rddreg [dreg:$0x1];
	p0 =	sne.s32 s2, $0x0  }
0x233: {  	s3 =	rddreg [dreg:$0x2];
	[bflag:$0x3] =	sbarrier.arrive $0xFFFF;
	s2 =	simm.s32 @!p0 $0x1C0A  }
0x234: {  	[timem:s3], [sflag:s2] =	dma.local @!p0 [hbm:s0], s1  }
0x235: {  	s0 =	simm.s32 @!p0 $0xA  }
0x236: {  	_ =	swait.ge @!p0 [sflag:s0], s1  }
0x237: {  	s1 =	ssub.s32 @!p0 $0x0, s1;
	[sflag:s0] =	ssyncset.done @!p0 $0x0  }
0x238: {  	[sflag:s0] =	ssyncadd.s32 @!p0 s1  }
0x239: {  	[bflag:$0x3] =	sbarrier.arrive $0xFFFF  }
0x23a: {  	_ =	shalt  }

</sc_bundles>
